<compile_context>
chip_gen: v7x
topology: tpu7x:2x2x1
jax: 0.10.2.dev20260603
libtpu: 0.0.44.dev20260713+nightly
codegen_flags: <defaults>
</compile_context>

<pallas_src>
import jax
import jax.numpy as jnp
from jax import lax
from jax.experimental import pallas as pl
from jax.experimental.pallas import tpu as pltpu
from jax.experimental.pallas import tpu_sc as plsc

D = 128
N0, N1, N2 = 5, 6, 2
N_COMBO = N0 * N1 * N2
NC, NS = 2, 16
NW = NC * NS
GROUP = 80
SUPER = 5
CHUNK = SUPER * GROUP


def _body(x0_hbm, x1_hbm, x2_hbm, e0_hbm, e1_hbm, e2_hbm, out_hbm,
          e0b, e1b, e2b, tbuf, t_sp,
          xa0, xa1, xa2, xb0, xb1, xb2, idxa, idxb, rowsa, rowsb,
          xsa, xsb, gsa, gsb, osa, osb):
    xr = ((xa0, xa1, xa2), (xb0, xb1, xb2))
    idxr = (idxa, idxb)
    rows = (rowsa, rowsb)
    xsem = (xsa, xsb)
    gsem = (gsa, gsb)
    osem = (osa, osb)
    cid = lax.axis_index("c")
    sid = lax.axis_index("s")
    wid = cid * NS + sid
    n_rounds = x0_hbm.shape[0] // (NW * CHUNK)
    per_w = n_rounds * CHUNK

    def fire_x(r, p):
        base = wid * per_w + r * CHUNK
        pltpu.async_copy(x0_hbm.at[pl.ds(base, CHUNK)], xr[p][0], xsem[p])
        pltpu.async_copy(x1_hbm.at[pl.ds(base, CHUNK)], xr[p][1], xsem[p])
        pltpu.async_copy(x2_hbm.at[pl.ds(base, CHUNK)], xr[p][2], xsem[p])

    def wait_x(p):
        for c in range(3):
            pltpu.make_async_copy(
                x0_hbm.at[pl.ds(0, CHUNK)], xr[p][c], xsem[p]).wait()

    def idx_round(p):
        x0b, x1b, x2b = xr[p]
        for s in range(SUPER):
            for v in range(GROUP // 16):
                sl = pl.ds(s * GROUP + v * 16, 16)
                idxr[p][s, pl.ds(v * 16, 16)] = (
                    (x0b[sl] * N1 + x1b[sl]) * N2 + x2b[sl])

    def fire_gathers(p):
        for s in range(SUPER):
            pltpu.async_copy(
                t_sp.at[idxr[p].at[s]],
                rows[p].at[pl.ds(s * GROUP, GROUP)], gsem[p])

    def wait_gathers(p):
        for s in range(SUPER):
            pltpu.make_async_copy(
                t_sp.at[idxr[p].at[0]],
                rows[p].at[pl.ds(0, GROUP)], gsem[p]).wait()

    def fire_out(r, p):
        pltpu.async_copy(
            rows[p], out_hbm.at[pl.ds(wid * per_w + r * CHUNK, CHUNK)],
            osem[p])

    def wait_out(p):
        pltpu.make_async_copy(
            rows[p], out_hbm.at[pl.ds(wid * per_w, CHUNK)], osem[p]).wait()

    fire_x(0, 0)
    fire_x(1, 1)

    @pl.when(sid == 0)
    def _build():
        pltpu.sync_copy(e0_hbm, e0b)
        pltpu.sync_copy(e1_hbm, e1b)
        pltpu.sync_copy(e2_hbm, e2b)

        def build_row(r, carry):
            i = r // (N1 * N2)
            j = (r // N2) % N1
            k = r % N2
            for v in range(D // 16):
                sl = pl.ds(v * 16, 16)
                tbuf[r, sl] = e0b[i, sl] + e1b[j, sl] + e2b[k, sl]
            return carry

        lax.fori_loop(0, N_COMBO, build_row, 0)
        pltpu.sync_copy(tbuf, t_sp)

    wait_x(0)
    idx_round(0)
    plsc.subcore_barrier()
    fire_gathers(0)

    wait_gathers(0)
    fire_out(0, 0)
    fire_x(2, 0)
    wait_x(1)
    idx_round(1)
    fire_gathers(1)

    def half_round(r, p):
        q = 1 - p
        wait_gathers(p)
        fire_out(r, p)
        fire_x(r + 2, p)
        wait_x(q)
        idx_round(q)
        wait_out(q)
        fire_gathers(q)

    def double_round(h, carry):
        half_round(2 * h + 1, 1)
        half_round(2 * h + 2, 0)
        return carry

    lax.fori_loop(0, (n_rounds - 3) // 2, double_round, 0)

    wait_gathers(1)
    fire_out(n_rounds - 2, 1)
    wait_x(0)
    idx_round(0)
    wait_out(0)
    fire_gathers(0)

    wait_gathers(0)
    fire_out(n_rounds - 1, 0)
    wait_out(1)
    wait_out(0)


def kernel(x, batch, emb0, emb1, emb2):
    E = x.shape[0]
    assert E % (NW * CHUNK) == 0
    n_rounds = E // (NW * CHUNK)
    xi = x.astype(jnp.int32)
    x0 = xi[:, 0]
    x1 = xi[:, 1]
    x2 = xi[:, 2]

    mesh = plsc.VectorSubcoreMesh(
        core_axis_name="c", subcore_axis_name="s",
        num_cores=NC, num_subcores=NS)
    f = pl.kernel(
        _body,
        out_type=jax.ShapeDtypeStruct((E, D), jnp.float32),
        mesh=mesh,
        scratch_types=[
            pltpu.VMEM((N0, D), jnp.float32),
            pltpu.VMEM((N1, D), jnp.float32),
            pltpu.VMEM((N2, D), jnp.float32),
            pltpu.VMEM((N_COMBO, D), jnp.float32),
            pltpu.VMEM_SHARED((N_COMBO, D), jnp.float32),
        ] + [pltpu.VMEM((CHUNK,), jnp.int32)] * 6
          + [pltpu.VMEM((SUPER, GROUP), jnp.int32)] * 2
          + [pltpu.VMEM((CHUNK, D), jnp.float32)] * 2
          + [pltpu.SemaphoreType.DMA] * 6,
    )
    return f(x0, x1, x2, emb0, emb1, emb2)

# --- scband reference (transcript-rebuilt; emitter-appended) ---
"""Pipeline reference for scband-simple-bond-encoder-43301860278898 (READ-ONLY COPY).

The authoritative reference and input builder live on the scoring server;
editing this copy changes nothing except your own understanding.
"""

import jax, jax.numpy as jnp
import numpy as np

# OGB BondEncoder: per-bond-feature embedding tables summed together.
# Bond feature dims (from ogb.utils.features.get_bond_feature_dims()): [5, 6, 2]
BOND_FEATURE_DIMS = [5, 6, 2]
EMB_DIM = 128
E = 320000

def setup_inputs(seed: int = 0) -> dict:
    key = jax.random.key(seed)
    k1, k2, k3, k4 = jax.random.split(key, 4)
    # x: bond features, values must be in-range for all tables (min dim = 2)
    x = jax.random.randint(k1, (E, 3), 0, 2).astype(jnp.int64)
    batch = jnp.sort(jax.random.randint(k2, (E,), 0, 10000)).astype(jnp.int64)
    # Embedding tables (xavier_uniform-like init as in OGB)
    emb0 = jax.random.normal(k3, (BOND_FEATURE_DIMS[0], EMB_DIM), dtype=jnp.float32) * 0.1
    emb1 = jax.random.normal(k4, (BOND_FEATURE_DIMS[1], EMB_DIM), dtype=jnp.float32) * 0.1
    emb2 = jax.random.normal(jax.random.fold_in(key, 5), (BOND_FEATURE_DIMS[2], EMB_DIM), dtype=jnp.float32) * 0.1
    return {"x": x, "batch": batch, "emb0": emb0, "emb1": emb1, "emb2": emb2}

def reference(x, batch, emb0, emb1, emb2):
    # x is cast to long in the torch module; already integer here.
    # BondEncoder: sum of per-feature embedding lookups. `batch` is unused.
    out = jnp.take(emb0, x[:, 0], axis=0)
    out = out + jnp.take(emb1, x[:, 1], axis=0)
    out = out + jnp.take(emb2, x[:, 2], axis=0)
    return out

if __name__ == "__main__":
    import jax
    _d = setup_inputs()
    print(jax.jit(kernel)(*tuple(_d.values())))

</pallas_src>

<mosaic_0001>
#map = affine_map<(d0, d1) -> (0)>
#map1 = affine_map<(d0, d1) -> (0, 0)>
module attributes {stable_mosaic.version = 14 : i64} {
  func.func @_body(%arg0: i32, %arg1: i32, %arg2: memref<320000xi32, #tpu.memory_space<hbm>>, %arg3: memref<320000xi32, #tpu.memory_space<hbm>>, %arg4: memref<320000xi32, #tpu.memory_space<hbm>>, %arg5: memref<5x128xf32, #tpu.memory_space<hbm>>, %arg6: memref<6x128xf32, #tpu.memory_space<hbm>>, %arg7: memref<2x128xf32, #tpu.memory_space<hbm>>, %arg8: memref<320000x128xf32, #tpu.memory_space<hbm>>, %arg9: memref<5x128xf32, #tpu.memory_space<vmem>>, %arg10: memref<6x128xf32, #tpu.memory_space<vmem>>, %arg11: memref<2x128xf32, #tpu.memory_space<vmem>>, %arg12: memref<60x128xf32, #tpu.memory_space<vmem>>, %arg13: memref<60x128xf32, #tpu.memory_space<vmem_shared>>, %arg14: memref<400xi32, #tpu.memory_space<vmem>>, %arg15: memref<400xi32, #tpu.memory_space<vmem>>, %arg16: memref<400xi32, #tpu.memory_space<vmem>>, %arg17: memref<400xi32, #tpu.memory_space<vmem>>, %arg18: memref<400xi32, #tpu.memory_space<vmem>>, %arg19: memref<400xi32, #tpu.memory_space<vmem>>, %arg20: memref<5x80xi32, #tpu.memory_space<vmem>>, %arg21: memref<5x80xi32, #tpu.memory_space<vmem>>, %arg22: memref<400x128xf32, #tpu.memory_space<vmem>>, %arg23: memref<400x128xf32, #tpu.memory_space<vmem>>, %arg24: memref<!tpu.dma_semaphore, #tpu.memory_space<semaphore_mem>>, %arg25: memref<!tpu.dma_semaphore, #tpu.memory_space<semaphore_mem>>, %arg26: memref<!tpu.dma_semaphore, #tpu.memory_space<semaphore_mem>>, %arg27: memref<!tpu.dma_semaphore, #tpu.memory_space<semaphore_mem>>, %arg28: memref<!tpu.dma_semaphore, #tpu.memory_space<semaphore_mem>>, %arg29: memref<!tpu.dma_semaphore, #tpu.memory_space<semaphore_mem>>) attributes {dimension_semantics = [#tpu.dimension_semantics<core_parallel>, #tpu.dimension_semantics<subcore_parallel>], iteration_bounds = array<i64: 2, 16>, scalar_prefetch = 0 : i64, scratch_operands = 21 : i64, tpu.core_type = #tpu.core_type<sc_vector_subcore>, window_params = [{transform_indices = #map}, {transform_indices = #map}, {transform_indices = #map}, {transform_indices = #map1}, {transform_indices = #map1}, {transform_indices = #map1}, {transform_indices = #map1}]} {
    %mul3A = arith.constant 16 : i32
    %mul3A_0 = arith.muli %arg0, %mul3A : i32
    %add3A = arith.addi %mul3A_0, %arg1 : i32
    %mul3A_1 = arith.constant 10000 : i32
    %mul3A_2 = arith.muli %add3A, %mul3A_1 : i32
    %add3A_3 = arith.constant 0 : i32
    %add3A_4 = arith.addi %mul3A_2, %add3A_3 : i32
    %dma_start3A = tpu.memref_slice %arg2[%add3A_4] : memref<320000xi32, #tpu.memory_space<hbm>> -> memref<400xi32, #tpu.memory_space<hbm>>
    %dma_start3A_5 = tpu.memref_slice %arg2[%add3A_4] : memref<320000xi32, #tpu.memory_space<hbm>> -> memref<400xi32, #tpu.memory_space<hbm>>
    tpu.enqueue_dma source(%dma_start3A_5 : memref<400xi32, #tpu.memory_space<hbm>>) target(%arg14 : memref<400xi32, #tpu.memory_space<vmem>>) target_semaphore(%arg24 : memref<!tpu.dma_semaphore, #tpu.memory_space<semaphore_mem>>)
    %dma_start3A_6 = tpu.memref_slice %arg3[%add3A_4] : memref<320000xi32, #tpu.memory_space<hbm>> -> memref<400xi32, #tpu.memory_space<hbm>>
    %dma_start3A_7 = tpu.memref_slice %arg3[%add3A_4] : memref<320000xi32, #tpu.memory_space<hbm>> -> memref<400xi32, #tpu.memory_space<hbm>>
    tpu.enqueue_dma source(%dma_start3A_7 : memref<400xi32, #tpu.memory_space<hbm>>) target(%arg15 : memref<400xi32, #tpu.memory_space<vmem>>) target_semaphore(%arg24 : memref<!tpu.dma_semaphore, #tpu.memory_space<semaphore_mem>>)
    %dma_start3A_8 = tpu.memref_slice %arg4[%add3A_4] : memref<320000xi32, #tpu.memory_space<hbm>> -> memref<400xi32, #tpu.memory_space<hbm>>
    %dma_start3A_9 = tpu.memref_slice %arg4[%add3A_4] : memref<320000xi32, #tpu.memory_space<hbm>> -> memref<400xi32, #tpu.memory_space<hbm>>
    tpu.enqueue_dma source(%dma_start3A_9 : memref<400xi32, #tpu.memory_space<hbm>>) target(%arg16 : memref<400xi32, #tpu.memory_space<vmem>>) target_semaphore(%arg24 : memref<!tpu.dma_semaphore, #tpu.memory_space<semaphore_mem>>)
    %mul3A_10 = arith.constant 10000 : i32
    %mul3A_11 = arith.muli %add3A, %mul3A_10 : i32
    %add3A_12 = arith.constant 400 : i32
    %add3A_13 = arith.addi %mul3A_11, %add3A_12 : i32
    %dma_start3A_14 = tpu.memref_slice %arg2[%add3A_13] : memref<320000xi32, #tpu.memory_space<hbm>> -> memref<400xi32, #tpu.memory_space<hbm>>
    %dma_start3A_15 = tpu.memref_slice %arg2[%add3A_13] : memref<320000xi32, #tpu.memory_space<hbm>> -> memref<400xi32, #tpu.memory_space<hbm>>
    tpu.enqueue_dma source(%dma_start3A_15 : memref<400xi32, #tpu.memory_space<hbm>>) target(%arg17 : memref<400xi32, #tpu.memory_space<vmem>>) target_semaphore(%arg25 : memref<!tpu.dma_semaphore, #tpu.memory_space<semaphore_mem>>)
    %dma_start3A_16 = tpu.memref_slice %arg3[%add3A_13] : memref<320000xi32, #tpu.memory_space<hbm>> -> memref<400xi32, #tpu.memory_space<hbm>>
    %dma_start3A_17 = tpu.memref_slice %arg3[%add3A_13] : memref<320000xi32, #tpu.memory_space<hbm>> -> memref<400xi32, #tpu.memory_space<hbm>>
    tpu.enqueue_dma source(%dma_start3A_17 : memref<400xi32, #tpu.memory_space<hbm>>) target(%arg18 : memref<400xi32, #tpu.memory_space<vmem>>) target_semaphore(%arg25 : memref<!tpu.dma_semaphore, #tpu.memory_space<semaphore_mem>>)
    %dma_start3A_18 = tpu.memref_slice %arg4[%add3A_13] : memref<320000xi32, #tpu.memory_space<hbm>> -> memref<400xi32, #tpu.memory_space<hbm>>
    %dma_start3A_19 = tpu.memref_slice %arg4[%add3A_13] : memref<320000xi32, #tpu.memory_space<hbm>> -> memref<400xi32, #tpu.memory_space<hbm>>
    tpu.enqueue_dma source(%dma_start3A_19 : memref<400xi32, #tpu.memory_space<hbm>>) target(%arg19 : memref<400xi32, #tpu.memory_space<vmem>>) target_semaphore(%arg25 : memref<!tpu.dma_semaphore, #tpu.memory_space<semaphore_mem>>)
    %eq3A = arith.constant 0 : i32
    %eq3A_20 = arith.cmpi eq, %arg1, %eq3A : i32
    %convert_element_type3A = arith.extui %eq3A_20 : i1 to i32
    %cond3A = arith.constant 0 : i32
    %cond3A_21 = arith.cmpi ne, %convert_element_type3A, %cond3A : i32
    scf.if %cond3A_21 {
      "tpu.region"() ({
        %run_scoped3A = tpu.sem_alloc : memref<!tpu.dma_semaphore, #tpu.memory_space<semaphore_mem>>
        tpu.enqueue_dma source(%arg5 : memref<5x128xf32, #tpu.memory_space<hbm>>) target(%arg9 : memref<5x128xf32, #tpu.memory_space<vmem>>) target_semaphore(%run_scoped3A : memref<!tpu.dma_semaphore, #tpu.memory_space<semaphore_mem>>)
        tpu.wait_dma2 semaphore(%run_scoped3A : memref<!tpu.dma_semaphore, #tpu.memory_space<semaphore_mem>>) src(%arg5 : memref<5x128xf32, #tpu.memory_space<hbm>>) dst(%arg9 : memref<5x128xf32, #tpu.memory_space<vmem>>)
        tpu.yield
      }) : () -> ()
      "tpu.region"() ({
        %run_scoped3A = tpu.sem_alloc : memref<!tpu.dma_semaphore, #tpu.memory_space<semaphore_mem>>
        tpu.enqueue_dma source(%arg6 : memref<6x128xf32, #tpu.memory_space<hbm>>) target(%arg10 : memref<6x128xf32, #tpu.memory_space<vmem>>) target_semaphore(%run_scoped3A : memref<!tpu.dma_semaphore, #tpu.memory_space<semaphore_mem>>)
        tpu.wait_dma2 semaphore(%run_scoped3A : memref<!tpu.dma_semaphore, #tpu.memory_space<semaphore_mem>>) src(%arg6 : memref<6x128xf32, #tpu.memory_space<hbm>>) dst(%arg10 : memref<6x128xf32, #tpu.memory_space<vmem>>)
        tpu.yield
      }) : () -> ()
      "tpu.region"() ({
        %run_scoped3A = tpu.sem_alloc : memref<!tpu.dma_semaphore, #tpu.memory_space<semaphore_mem>>
        tpu.enqueue_dma source(%arg7 : memref<2x128xf32, #tpu.memory_space<hbm>>) target(%arg11 : memref<2x128xf32, #tpu.memory_space<vmem>>) target_semaphore(%run_scoped3A : memref<!tpu.dma_semaphore, #tpu.memory_space<semaphore_mem>>)
        tpu.wait_dma2 semaphore(%run_scoped3A : memref<!tpu.dma_semaphore, #tpu.memory_space<semaphore_mem>>) src(%arg7 : memref<2x128xf32, #tpu.memory_space<hbm>>) dst(%arg11 : memref<2x128xf32, #tpu.memory_space<vmem>>)
        tpu.yield
      }) : () -> ()
      %scan3A_2137 = arith.constant 0 : i32
      %scan3A_2138 = arith.constant 0 : i32
      %scan3A_2139 = arith.constant 60 : i32
      %scan3A_2140 = arith.addi %scan3A_2138, %scan3A_2139 : i32
      %scan3A_2141 = arith.constant 1 : i32
      scf.for %scan3A_2143 = %scan3A_2138 to %scan3A_2140 step %scan3A_2141  : i32 {
        %jit3A = arith.constant 12 : i32
        %div3A = arith.divsi %scan3A_2143, %jit3A : i32
        %sign3A = arith.constant 0 : i32
        %sign3A_2144 = arith.cmpi sgt, %scan3A_2143, %sign3A : i32
        %sign3A_2145 = arith.extui %sign3A_2144 : i1 to i32
        %sign3A_2146 = arith.constant 0 : i32
        %sign3A_2147 = arith.cmpi slt, %scan3A_2143, %sign3A_2146 : i32
        %sign3A_2148 = arith.extui %sign3A_2147 : i1 to i32
        %sign3A_2149 = arith.subi %sign3A_2145, %sign3A_2148 : i32
        %sign3A_2150 = arith.constant 0 : i32
        %sign3A_2151 = arith.cmpi sgt, %jit3A, %sign3A_2150 : i32
        %sign3A_2152 = arith.extui %sign3A_2151 : i1 to i32
        %sign3A_2153 = arith.constant 0 : i32
        %sign3A_2154 = arith.cmpi slt, %jit3A, %sign3A_2153 : i32
        %sign3A_2155 = arith.extui %sign3A_2154 : i1 to i32
        %sign3A_2156 = arith.subi %sign3A_2152, %sign3A_2155 : i32
        %ne3A = arith.cmpi ne, %sign3A_2149, %sign3A_2156 : i32
        %rem3A = arith.remsi %scan3A_2143, %jit3A : i32
        %ne3A_2157 = arith.constant 0 : i32
        %ne3A_2158 = arith.cmpi ne, %rem3A, %ne3A_2157 : i32
        %and3A = arith.andi %ne3A, %ne3A_2158 : i1
        %sub3A = arith.constant 1 : i32
        %sub3A_2159 = arith.subi %div3A, %sub3A : i32
        %select_n3A = arith.select %and3A, %sub3A_2159, %div3A : i32
        %jit3A_2160 = arith.constant 2 : i32
        %div3A_2161 = arith.divsi %scan3A_2143, %jit3A_2160 : i32
        %sign3A_2162 = arith.constant 0 : i32
        %sign3A_2163 = arith.cmpi sgt, %scan3A_2143, %sign3A_2162 : i32
        %sign3A_2164 = arith.extui %sign3A_2163 : i1 to i32
        %sign3A_2165 = arith.constant 0 : i32
        %sign3A_2166 = arith.cmpi slt, %scan3A_2143, %sign3A_2165 : i32
        %sign3A_2167 = arith.extui %sign3A_2166 : i1 to i32
        %sign3A_2168 = arith.subi %sign3A_2164, %sign3A_2167 : i32
        %sign3A_2169 = arith.constant 0 : i32
        %sign3A_2170 = arith.cmpi sgt, %jit3A_2160, %sign3A_2169 : i32
        %sign3A_2171 = arith.extui %sign3A_2170 : i1 to i32
        %sign3A_2172 = arith.constant 0 : i32
        %sign3A_2173 = arith.cmpi slt, %jit3A_2160, %sign3A_2172 : i32
        %sign3A_2174 = arith.extui %sign3A_2173 : i1 to i32
        %sign3A_2175 = arith.subi %sign3A_2171, %sign3A_2174 : i32
        %ne3A_2176 = arith.cmpi ne, %sign3A_2168, %sign3A_2175 : i32
        %rem3A_2177 = arith.remsi %scan3A_2143, %jit3A_2160 : i32
        %ne3A_2178 = arith.constant 0 : i32
        %ne3A_2179 = arith.cmpi ne, %rem3A_2177, %ne3A_2178 : i32
        %and3A_2180 = arith.andi %ne3A_2176, %ne3A_2179 : i1
        %sub3A_2181 = arith.constant 1 : i32
        %sub3A_2182 = arith.subi %div3A_2161, %sub3A_2181 : i32
        %select_n3A_2183 = arith.select %and3A_2180, %sub3A_2182, %div3A_2161 : i32
        %jit3A_2184 = arith.constant 6 : i32
        %eq3A_2185 = arith.constant 0 : i32
        %eq3A_2186 = arith.cmpi eq, %jit3A_2184, %eq3A_2185 : i32
        %jit3A_2187 = arith.constant 1 : i32
        %select_n3A_2188 = arith.select %eq3A_2186, %jit3A_2187, %jit3A_2184 : i32
        %rem3A_2189 = arith.remsi %select_n3A_2183, %select_n3A_2188 : i32
        %ne3A_2190 = arith.constant 0 : i32
        %ne3A_2191 = arith.cmpi ne, %rem3A_2189, %ne3A_2190 : i32
        %lt3A = arith.constant 0 : i32
        %lt3A_2192 = arith.cmpi slt, %rem3A_2189, %lt3A : i32
        %lt3A_2193 = arith.constant 0 : i32
        %lt3A_2194 = arith.cmpi slt, %select_n3A_2188, %lt3A_2193 : i32
        %ne3A_2195 = arith.xori %lt3A_2192, %lt3A_2194 : i1
        %and3A_2196 = arith.andi %ne3A_2195, %ne3A_2191 : i1
        %add3A_2197 = arith.addi %rem3A_2189, %select_n3A_2188 : i32
        %select_n3A_2198 = arith.select %and3A_2196, %add3A_2197, %rem3A_2189 : i32
        %jit3A_2199 = arith.constant 2 : i32
        %eq3A_2200 = arith.constant 0 : i32
        %eq3A_2201 = arith.cmpi eq, %jit3A_2199, %eq3A_2200 : i32
        %jit3A_2202 = arith.constant 1 : i32
        %select_n3A_2203 = arith.select %eq3A_2201, %jit3A_2202, %jit3A_2199 : i32
        %rem3A_2204 = arith.remsi %scan3A_2143, %select_n3A_2203 : i32
        %ne3A_2205 = arith.constant 0 : i32
        %ne3A_2206 = arith.cmpi ne, %rem3A_2204, %ne3A_2205 : i32
        %lt3A_2207 = arith.constant 0 : i32
        %lt3A_2208 = arith.cmpi slt, %rem3A_2204, %lt3A_2207 : i32
        %lt3A_2209 = arith.constant 0 : i32
        %lt3A_2210 = arith.cmpi slt, %select_n3A_2203, %lt3A_2209 : i32
        %ne3A_2211 = arith.xori %lt3A_2208, %lt3A_2210 : i1
        %and3A_2212 = arith.andi %ne3A_2211, %ne3A_2206 : i1
        %add3A_2213 = arith.addi %rem3A_2204, %select_n3A_2203 : i32
        %select_n3A_2214 = arith.select %and3A_2212, %add3A_2213, %rem3A_2204 : i32
        %get3A_2215 = arith.index_cast %select_n3A : i32 to index
        %get3A_2216 = arith.constant 0 : index
        %get3A_2217 = tpu.vector_load %arg9[%get3A_2215, %get3A_2216] {strides = array<i32>} : memref<5x128xf32, #tpu.memory_space<vmem>>, vector<1x16xf32>,
        %get3A_2218 = vector.shape_cast %get3A_2217 : vector<1x16xf32> to vector<16xf32>
        %get3A_2219 = arith.index_cast %select_n3A_2198 : i32 to index
        %get3A_2220 = arith.constant 0 : index
        %get3A_2221 = tpu.vector_load %arg10[%get3A_2219, %get3A_2220] {strides = array<i32>} : memref<6x128xf32, #tpu.memory_space<vmem>>, vector<1x16xf32>,
        %get3A_2222 = vector.shape_cast %get3A_2221 : vector<1x16xf32> to vector<16xf32>
        %add3A_2223 = arith.addf %get3A_2218, %get3A_2222 : vector<16xf32>
        %get3A_2224 = arith.index_cast %select_n3A_2214 : i32 to index
        %get3A_2225 = arith.constant 0 : index
        %get3A_2226 = tpu.vector_load %arg11[%get3A_2224, %get3A_2225] {strides = array<i32>} : memref<2x128xf32, #tpu.memory_space<vmem>>, vector<1x16xf32>,
        %get3A_2227 = vector.shape_cast %get3A_2226 : vector<1x16xf32> to vector<16xf32>
        %add3A_2228 = arith.addf %add3A_2223, %get3A_2227 : vector<16xf32>
        %swap3A_2229 = arith.index_cast %scan3A_2143 : i32 to index
        %swap3A_2230 = arith.constant 0 : index
        %swap3A_2231 = tpu.vector_load %arg12[%swap3A_2229, %swap3A_2230] {strides = array<i32>} : memref<60x128xf32, #tpu.memory_space<vmem>>, vector<1x16xf32>,
        %swap3A_2232 = vector.shape_cast %swap3A_2231 : vector<1x16xf32> to vector<16xf32>
        %swap3A_2233 = vector.shape_cast %add3A_2228 : vector<16xf32> to vector<1x16xf32>
        tpu.vector_store %arg12[%swap3A_2229, %swap3A_2230], %swap3A_2233 {strides = array<i32>} : memref<60x128xf32, #tpu.memory_space<vmem>>, vector<1x16xf32>,
        %get3A_2234 = arith.index_cast %select_n3A : i32 to index
        %get3A_2235 = arith.constant 16 : index
        %get3A_2236 = tpu.vector_load %arg9[%get3A_2234, %get3A_2235] {strides = array<i32>} : memref<5x128xf32, #tpu.memory_space<vmem>>, vector<1x16xf32>,
        %get3A_2237 = vector.shape_cast %get3A_2236 : vector<1x16xf32> to vector<16xf32>
        %get3A_2238 = arith.index_cast %select_n3A_2198 : i32 to index
        %get3A_2239 = arith.constant 16 : index
        %get3A_2240 = tpu.vector_load %arg10[%get3A_2238, %get3A_2239] {strides = array<i32>} : memref<6x128xf32, #tpu.memory_space<vmem>>, vector<1x16xf32>,
        %get3A_2241 = vector.shape_cast %get3A_2240 : vector<1x16xf32> to vector<16xf32>
        %add3A_2242 = arith.addf %get3A_2237, %get3A_2241 : vector<16xf32>
        %get3A_2243 = arith.index_cast %select_n3A_2214 : i32 to index
        %get3A_2244 = arith.constant 16 : index
        %get3A_2245 = tpu.vector_load %arg11[%get3A_2243, %get3A_2244] {strides = array<i32>} : memref<2x128xf32, #tpu.memory_space<vmem>>, vector<1x16xf32>,
        %get3A_2246 = vector.shape_cast %get3A_2245 : vector<1x16xf32> to vector<16xf32>
        %add3A_2247 = arith.addf %add3A_2242, %get3A_2246 : vector<16xf32>
        %swap3A_2248 = arith.index_cast %scan3A_2143 : i32 to index
        %swap3A_2249 = arith.constant 16 : index
        %swap3A_2250 = tpu.vector_load %arg12[%swap3A_2248, %swap3A_2249] {strides = array<i32>} : memref<60x128xf32, #tpu.memory_space<vmem>>, vector<1x16xf32>,
        %swap3A_2251 = vector.shape_cast %swap3A_2250 : vector<1x16xf32> to vector<16xf32>
        %swap3A_2252 = vector.shape_cast %add3A_2247 : vector<16xf32> to vector<1x16xf32>
        tpu.vector_store %arg12[%swap3A_2248, %swap3A_2249], %swap3A_2252 {strides = array<i32>} : memref<60x128xf32, #tpu.memory_space<vmem>>, vector<1x16xf32>,
        %get3A_2253 = arith.index_cast %select_n3A : i32 to index
        %get3A_2254 = arith.constant 32 : index
        %get3A_2255 = tpu.vector_load %arg9[%get3A_2253, %get3A_2254] {strides = array<i32>} : memref<5x128xf32, #tpu.memory_space<vmem>>, vector<1x16xf32>,
        %get3A_2256 = vector.shape_cast %get3A_2255 : vector<1x16xf32> to vector<16xf32>
        %get3A_2257 = arith.index_cast %select_n3A_2198 : i32 to index
        %get3A_2258 = arith.constant 32 : index
        %get3A_2259 = tpu.vector_load %arg10[%get3A_2257, %get3A_2258] {strides = array<i32>} : memref<6x128xf32, #tpu.memory_space<vmem>>, vector<1x16xf32>,
        %get3A_2260 = vector.shape_cast %get3A_2259 : vector<1x16xf32> to vector<16xf32>
        %add3A_2261 = arith.addf %get3A_2256, %get3A_2260 : vector<16xf32>
        %get3A_2262 = arith.index_cast %select_n3A_2214 : i32 to index
        %get3A_2263 = arith.constant 32 : index
        %get3A_2264 = tpu.vector_load %arg11[%get3A_2262, %get3A_2263] {strides = array<i32>} : memref<2x128xf32, #tpu.memory_space<vmem>>, vector<1x16xf32>,
        %get3A_2265 = vector.shape_cast %get3A_2264 : vector<1x16xf32> to vector<16xf32>
        %add3A_2266 = arith.addf %add3A_2261, %get3A_2265 : vector<16xf32>
        %swap3A_2267 = arith.index_cast %scan3A_2143 : i32 to index
        %swap3A_2268 = arith.constant 32 : index
        %swap3A_2269 = tpu.vector_load %arg12[%swap3A_2267, %swap3A_2268] {strides = array<i32>} : memref<60x128xf32, #tpu.memory_space<vmem>>, vector<1x16xf32>,
        %swap3A_2270 = vector.shape_cast %swap3A_2269 : vector<1x16xf32> to vector<16xf32>
        %swap3A_2271 = vector.shape_cast %add3A_2266 : vector<16xf32> to vector<1x16xf32>
        tpu.vector_store %arg12[%swap3A_2267, %swap3A_2268], %swap3A_2271 {strides = array<i32>} : memref<60x128xf32, #tpu.memory_space<vmem>>, vector<1x16xf32>,
        %get3A_2272 = arith.index_cast %select_n3A : i32 to index
        %get3A_2273 = arith.constant 48 : index
        %get3A_2274 = tpu.vector_load %arg9[%get3A_2272, %get3A_2273] {strides = array<i32>} : memref<5x128xf32, #tpu.memory_space<vmem>>, vector<1x16xf32>,
        %get3A_2275 = vector.shape_cast %get3A_2274 : vector<1x16xf32> to vector<16xf32>
        %get3A_2276 = arith.index_cast %select_n3A_2198 : i32 to index
        %get3A_2277 = arith.constant 48 : index
        %get3A_2278 = tpu.vector_load %arg10[%get3A_2276, %get3A_2277] {strides = array<i32>} : memref<6x128xf32, #tpu.memory_space<vmem>>, vector<1x16xf32>,
        %get3A_2279 = vector.shape_cast %get3A_2278 : vector<1x16xf32> to vector<16xf32>
        %add3A_2280 = arith.addf %get3A_2275, %get3A_2279 : vector<16xf32>
        %get3A_2281 = arith.index_cast %select_n3A_2214 : i32 to index
        %get3A_2282 = arith.constant 48 : index
        %get3A_2283 = tpu.vector_load %arg11[%get3A_2281, %get3A_2282] {strides = array<i32>} : memref<2x128xf32, #tpu.memory_space<vmem>>, vector<1x16xf32>,
        %get3A_2284 = vector.shape_cast %get3A_2283 : vector<1x16xf32> to vector<16xf32>
        %add3A_2285 = arith.addf %add3A_2280, %get3A_2284 : vector<16xf32>
        %swap3A_2286 = arith.index_cast %scan3A_2143 : i32 to index
        %swap3A_2287 = arith.constant 48 : index
        %swap3A_2288 = tpu.vector_load %arg12[%swap3A_2286, %swap3A_2287] {strides = array<i32>} : memref<60x128xf32, #tpu.memory_space<vmem>>, vector<1x16xf32>,
        %swap3A_2289 = vector.shape_cast %swap3A_2288 : vector<1x16xf32> to vector<16xf32>
        %swap3A_2290 = vector.shape_cast %add3A_2285 : vector<16xf32> to vector<1x16xf32>
        tpu.vector_store %arg12[%swap3A_2286, %swap3A_2287], %swap3A_2290 {strides = array<i32>} : memref<60x128xf32, #tpu.memory_space<vmem>>, vector<1x16xf32>,
        %get3A_2291 = arith.index_cast %select_n3A : i32 to index
        %get3A_2292 = arith.constant 64 : index
        %get3A_2293 = tpu.vector_load %arg9[%get3A_2291, %get3A_2292] {strides = array<i32>} : memref<5x128xf32, #tpu.memory_space<vmem>>, vector<1x16xf32>,
        %get3A_2294 = vector.shape_cast %get3A_2293 : vector<1x16xf32> to vector<16xf32>
        %get3A_2295 = arith.index_cast %select_n3A_2198 : i32 to index
        %get3A_2296 = arith.constant 64 : index
        %get3A_2297 = tpu.vector_load %arg10[%get3A_2295, %get3A_2296] {strides = array<i32>} : memref<6x128xf32, #tpu.memory_space<vmem>>, vector<1x16xf32>,
        %get3A_2298 = vector.shape_cast %get3A_2297 : vector<1x16xf32> to vector<16xf32>
        %add3A_2299 = arith.addf %get3A_2294, %get3A_2298 : vector<16xf32>
        %get3A_2300 = arith.index_cast %select_n3A_2214 : i32 to index
        %get3A_2301 = arith.constant 64 : index
        %get3A_2302 = tpu.vector_load %arg11[%get3A_2300, %get3A_2301] {strides = array<i32>} : memref<2x128xf32, #tpu.memory_space<vmem>>, vector<1x16xf32>,
        %get3A_2303 = vector.shape_cast %get3A_2302 : vector<1x16xf32> to vector<16xf32>
        %add3A_2304 = arith.addf %add3A_2299, %get3A_2303 : vector<16xf32>
        %swap3A_2305 = arith.index_cast %scan3A_2143 : i32 to index
        %swap3A_2306 = arith.constant 64 : index
        %swap3A_2307 = tpu.vector_load %arg12[%swap3A_2305, %swap3A_2306] {strides = array<i32>} : memref<60x128xf32, #tpu.memory_space<vmem>>, vector<1x16xf32>,
        %swap3A_2308 = vector.shape_cast %swap3A_2307 : vector<1x16xf32> to vector<16xf32>
        %swap3A_2309 = vector.shape_cast %add3A_2304 : vector<16xf32> to vector<1x16xf32>
        tpu.vector_store %arg12[%swap3A_2305, %swap3A_2306], %swap3A_2309 {strides = array<i32>} : memref<60x128xf32, #tpu.memory_space<vmem>>, vector<1x16xf32>,
        %get3A_2310 = arith.index_cast %select_n3A : i32 to index
        %get3A_2311 = arith.constant 80 : index
        %get3A_2312 = tpu.vector_load %arg9[%get3A_2310, %get3A_2311] {strides = array<i32>} : memref<5x128xf32, #tpu.memory_space<vmem>>, vector<1x16xf32>,
        %get3A_2313 = vector.shape_cast %get3A_2312 : vector<1x16xf32> to vector<16xf32>
        %get3A_2314 = arith.index_cast %select_n3A_2198 : i32 to index
        %get3A_2315 = arith.constant 80 : index
        %get3A_2316 = tpu.vector_load %arg10[%get3A_2314, %get3A_2315] {strides = array<i32>} : memref<6x128xf32, #tpu.memory_space<vmem>>, vector<1x16xf32>,
        %get3A_2317 = vector.shape_cast %get3A_2316 : vector<1x16xf32> to vector<16xf32>
        %add3A_2318 = arith.addf %get3A_2313, %get3A_2317 : vector<16xf32>
        %get3A_2319 = arith.index_cast %select_n3A_2214 : i32 to index
        %get3A_2320 = arith.constant 80 : index
        %get3A_2321 = tpu.vector_load %arg11[%get3A_2319, %get3A_2320] {strides = array<i32>} : memref<2x128xf32, #tpu.memory_space<vmem>>, vector<1x16xf32>,
        %get3A_2322 = vector.shape_cast %get3A_2321 : vector<1x16xf32> to vector<16xf32>
        %add3A_2323 = arith.addf %add3A_2318, %get3A_2322 : vector<16xf32>
        %swap3A_2324 = arith.index_cast %scan3A_2143 : i32 to index
        %swap3A_2325 = arith.constant 80 : index
        %swap3A_2326 = tpu.vector_load %arg12[%swap3A_2324, %swap3A_2325] {strides = array<i32>} : memref<60x128xf32, #tpu.memory_space<vmem>>, vector<1x16xf32>,
        %swap3A_2327 = vector.shape_cast %swap3A_2326 : vector<1x16xf32> to vector<16xf32>
        %swap3A_2328 = vector.shape_cast %add3A_2323 : vector<16xf32> to vector<1x16xf32>
        tpu.vector_store %arg12[%swap3A_2324, %swap3A_2325], %swap3A_2328 {strides = array<i32>} : memref<60x128xf32, #tpu.memory_space<vmem>>, vector<1x16xf32>,
        %get3A_2329 = arith.index_cast %select_n3A : i32 to index
        %get3A_2330 = arith.constant 96 : index
        %get3A_2331 = tpu.vector_load %arg9[%get3A_2329, %get3A_2330] {strides = array<i32>} : memref<5x128xf32, #tpu.memory_space<vmem>>, vector<1x16xf32>,
        %get3A_2332 = vector.shape_cast %get3A_2331 : vector<1x16xf32> to vector<16xf32>
        %get3A_2333 = arith.index_cast %select_n3A_2198 : i32 to index
        %get3A_2334 = arith.constant 96 : index
        %get3A_2335 = tpu.vector_load %arg10[%get3A_2333, %get3A_2334] {strides = array<i32>} : memref<6x128xf32, #tpu.memory_space<vmem>>, vector<1x16xf32>,
        %get3A_2336 = vector.shape_cast %get3A_2335 : vector<1x16xf32> to vector<16xf32>
        %add3A_2337 = arith.addf %get3A_2332, %get3A_2336 : vector<16xf32>
        %get3A_2338 = arith.index_cast %select_n3A_2214 : i32 to index
        %get3A_2339 = arith.constant 96 : index
        %get3A_2340 = tpu.vector_load %arg11[%get3A_2338, %get3A_2339] {strides = array<i32>} : memref<2x128xf32, #tpu.memory_space<vmem>>, vector<1x16xf32>,
        %get3A_2341 = vector.shape_cast %get3A_2340 : vector<1x16xf32> to vector<16xf32>
        %add3A_2342 = arith.addf %add3A_2337, %get3A_2341 : vector<16xf32>
        %swap3A_2343 = arith.index_cast %scan3A_2143 : i32 to index
        %swap3A_2344 = arith.constant 96 : index
        %swap3A_2345 = tpu.vector_load %arg12[%swap3A_2343, %swap3A_2344] {strides = array<i32>} : memref<60x128xf32, #tpu.memory_space<vmem>>, vector<1x16xf32>,
        %swap3A_2346 = vector.shape_cast %swap3A_2345 : vector<1x16xf32> to vector<16xf32>
        %swap3A_2347 = vector.shape_cast %add3A_2342 : vector<16xf32> to vector<1x16xf32>
        tpu.vector_store %arg12[%swap3A_2343, %swap3A_2344], %swap3A_2347 {strides = array<i32>} : memref<60x128xf32, #tpu.memory_space<vmem>>, vector<1x16xf32>,
        %get3A_2348 = arith.index_cast %select_n3A : i32 to index
        %get3A_2349 = arith.constant 112 : index
        %get3A_2350 = tpu.vector_load %arg9[%get3A_2348, %get3A_2349] {strides = array<i32>} : memref<5x128xf32, #tpu.memory_space<vmem>>, vector<1x16xf32>,
        %get3A_2351 = vector.shape_cast %get3A_2350 : vector<1x16xf32> to vector<16xf32>
        %get3A_2352 = arith.index_cast %select_n3A_2198 : i32 to index
        %get3A_2353 = arith.constant 112 : index
        %get3A_2354 = tpu.vector_load %arg10[%get3A_2352, %get3A_2353] {strides = array<i32>} : memref<6x128xf32, #tpu.memory_space<vmem>>, vector<1x16xf32>,
        %get3A_2355 = vector.shape_cast %get3A_2354 : vector<1x16xf32> to vector<16xf32>
        %add3A_2356 = arith.addf %get3A_2351, %get3A_2355 : vector<16xf32>
        %get3A_2357 = arith.index_cast %select_n3A_2214 : i32 to index
        %get3A_2358 = arith.constant 112 : index
        %get3A_2359 = tpu.vector_load %arg11[%get3A_2357, %get3A_2358] {strides = array<i32>} : memref<2x128xf32, #tpu.memory_space<vmem>>, vector<1x16xf32>,
        %get3A_2360 = vector.shape_cast %get3A_2359 : vector<1x16xf32> to vector<16xf32>
        %add3A_2361 = arith.addf %add3A_2356, %get3A_2360 : vector<16xf32>
        %swap3A_2362 = arith.index_cast %scan3A_2143 : i32 to index
        %swap3A_2363 = arith.constant 112 : index
        %swap3A_2364 = tpu.vector_load %arg12[%swap3A_2362, %swap3A_2363] {strides = array<i32>} : memref<60x128xf32, #tpu.memory_space<vmem>>, vector<1x16xf32>,
        %swap3A_2365 = vector.shape_cast %swap3A_2364 : vector<1x16xf32> to vector<16xf32>
        %swap3A_2366 = vector.shape_cast %add3A_2361 : vector<16xf32> to vector<1x16xf32>
        tpu.vector_store %arg12[%swap3A_2362, %swap3A_2363], %swap3A_2366 {strides = array<i32>} : memref<60x128xf32, #tpu.memory_space<vmem>>, vector<1x16xf32>,
      }
      %scan3A_2142 = arith.constant 60 : i32
      "tpu.region"() ({
        %run_scoped3A = tpu.sem_alloc : memref<!tpu.dma_semaphore, #tpu.memory_space<semaphore_mem>>
        tpu.enqueue_dma source(%arg12 : memref<60x128xf32, #tpu.memory_space<vmem>>) target(%arg13 : memref<60x128xf32, #tpu.memory_space<vmem_shared>>) target_semaphore(%run_scoped3A : memref<!tpu.dma_semaphore, #tpu.memory_space<semaphore_mem>>)
        tpu.wait_dma2 semaphore(%run_scoped3A : memref<!tpu.dma_semaphore, #tpu.memory_space<semaphore_mem>>) src(%arg12 : memref<60x128xf32, #tpu.memory_space<vmem>>) dst(%arg13 : memref<60x128xf32, #tpu.memory_space<vmem_shared>>)
        tpu.yield
      }) : () -> ()
    } else {
    }
    %dma_wait3A = arith.constant 0 : i32
    %dma_wait3A_22 = tpu.memref_slice %arg2[%dma_wait3A] : memref<320000xi32, #tpu.memory_space<hbm>> -> memref<400xi32, #tpu.memory_space<hbm>>
    %dma_wait3A_23 = arith.constant 0 : i32
    %dma_wait3A_24 = tpu.memref_slice %arg2[%dma_wait3A_23] : memref<320000xi32, #tpu.memory_space<hbm>> -> memref<400xi32, #tpu.memory_space<hbm>>
    tpu.wait_dma2 semaphore(%arg24 : memref<!tpu.dma_semaphore, #tpu.memory_space<semaphore_mem>>) src(%dma_wait3A_24 : memref<400xi32, #tpu.memory_space<hbm>>) dst(%arg14 : memref<400xi32, #tpu.memory_space<vmem>>)
    %dma_wait3A_25 = arith.constant 0 : i32
    %dma_wait3A_26 = tpu.memref_slice %arg2[%dma_wait3A_25] : memref<320000xi32, #tpu.memory_space<hbm>> -> memref<400xi32, #tpu.memory_space<hbm>>
    %dma_wait3A_27 = arith.constant 0 : i32
    %dma_wait3A_28 = tpu.memref_slice %arg2[%dma_wait3A_27] : memref<320000xi32, #tpu.memory_space<hbm>> -> memref<400xi32, #tpu.memory_space<hbm>>
    tpu.wait_dma2 semaphore(%arg24 : memref<!tpu.dma_semaphore, #tpu.memory_space<semaphore_mem>>) src(%dma_wait3A_28 : memref<400xi32, #tpu.memory_space<hbm>>) dst(%arg15 : memref<400xi32, #tpu.memory_space<vmem>>)
    %dma_wait3A_29 = arith.constant 0 : i32
    %dma_wait3A_30 = tpu.memref_slice %arg2[%dma_wait3A_29] : memref<320000xi32, #tpu.memory_space<hbm>> -> memref<400xi32, #tpu.memory_space<hbm>>
    %dma_wait3A_31 = arith.constant 0 : i32
    %dma_wait3A_32 = tpu.memref_slice %arg2[%dma_wait3A_31] : memref<320000xi32, #tpu.memory_space<hbm>> -> memref<400xi32, #tpu.memory_space<hbm>>
    tpu.wait_dma2 semaphore(%arg24 : memref<!tpu.dma_semaphore, #tpu.memory_space<semaphore_mem>>) src(%dma_wait3A_32 : memref<400xi32, #tpu.memory_space<hbm>>) dst(%arg16 : memref<400xi32, #tpu.memory_space<vmem>>)
    %get3A = arith.constant 0 : index
    %get3A_33 = tpu.vector_load %arg14[%get3A] {strides = array<i32>} : memref<400xi32, #tpu.memory_space<vmem>>, vector<16xi32>,
    %get3A_34 = vector.shape_cast %get3A_33 : vector<16xi32> to vector<16xi32>
    %mul3A_35 = arith.constant 6 : i32
    %mul3A_36 = vector.broadcast %mul3A_35 : i32 to vector<16xi32>
    %mul3A_37 = arith.muli %get3A_34, %mul3A_36 : vector<16xi32>
    %get3A_38 = arith.constant 0 : index
    %get3A_39 = tpu.vector_load %arg15[%get3A_38] {strides = array<i32>} : memref<400xi32, #tpu.memory_space<vmem>>, vector<16xi32>,
    %get3A_40 = vector.shape_cast %get3A_39 : vector<16xi32> to vector<16xi32>
    %add3A_41 = arith.addi %mul3A_37, %get3A_40 : vector<16xi32>
    %mul3A_42 = arith.constant 2 : i32
    %mul3A_43 = vector.broadcast %mul3A_42 : i32 to vector<16xi32>
    %mul3A_44 = arith.muli %add3A_41, %mul3A_43 : vector<16xi32>
    %get3A_45 = arith.constant 0 : index
    %get3A_46 = tpu.vector_load %arg16[%get3A_45] {strides = array<i32>} : memref<400xi32, #tpu.memory_space<vmem>>, vector<16xi32>,
    %get3A_47 = vector.shape_cast %get3A_46 : vector<16xi32> to vector<16xi32>
    %add3A_48 = arith.addi %mul3A_44, %get3A_47 : vector<16xi32>
    %swap3A = arith.constant 0 : i32
    %swap3A_49 = arith.index_cast %swap3A : i32 to index
    %swap3A_50 = arith.constant 0 : index
    %swap3A_51 = tpu.vector_load %arg20[%swap3A_49, %swap3A_50] {strides = array<i32>} : memref<5x80xi32, #tpu.memory_space<vmem>>, vector<1x16xi32>,
    %swap3A_52 = vector.shape_cast %swap3A_51 : vector<1x16xi32> to vector<16xi32>
    %swap3A_53 = vector.shape_cast %add3A_48 : vector<16xi32> to vector<1x16xi32>
    tpu.vector_store %arg20[%swap3A_49, %swap3A_50], %swap3A_53 {strides = array<i32>} : memref<5x80xi32, #tpu.memory_space<vmem>>, vector<1x16xi32>,
    %get3A_54 = arith.constant 16 : index
    %get3A_55 = tpu.vector_load %arg14[%get3A_54] {strides = array<i32>} : memref<400xi32, #tpu.memory_space<vmem>>, vector<16xi32>,
    %get3A_56 = vector.shape_cast %get3A_55 : vector<16xi32> to vector<16xi32>
    %mul3A_57 = arith.constant 6 : i32
    %mul3A_58 = vector.broadcast %mul3A_57 : i32 to vector<16xi32>
    %mul3A_59 = arith.muli %get3A_56, %mul3A_58 : vector<16xi32>
    %get3A_60 = arith.constant 16 : index
    %get3A_61 = tpu.vector_load %arg15[%get3A_60] {strides = array<i32>} : memref<400xi32, #tpu.memory_space<vmem>>, vector<16xi32>,
    %get3A_62 = vector.shape_cast %get3A_61 : vector<16xi32> to vector<16xi32>
    %add3A_63 = arith.addi %mul3A_59, %get3A_62 : vector<16xi32>
    %mul3A_64 = arith.constant 2 : i32
    %mul3A_65 = vector.broadcast %mul3A_64 : i32 to vector<16xi32>
    %mul3A_66 = arith.muli %add3A_63, %mul3A_65 : vector<16xi32>
    %get3A_67 = arith.constant 16 : index
    %get3A_68 = tpu.vector_load %arg16[%get3A_67] {strides = array<i32>} : memref<400xi32, #tpu.memory_space<vmem>>, vector<16xi32>,
    %get3A_69 = vector.shape_cast %get3A_68 : vector<16xi32> to vector<16xi32>
    %add3A_70 = arith.addi %mul3A_66, %get3A_69 : vector<16xi32>
    %swap3A_71 = arith.constant 0 : i32
    %swap3A_72 = arith.index_cast %swap3A_71 : i32 to index
    %swap3A_73 = arith.constant 16 : index
    %swap3A_74 = tpu.vector_load %arg20[%swap3A_72, %swap3A_73] {strides = array<i32>} : memref<5x80xi32, #tpu.memory_space<vmem>>, vector<1x16xi32>,
    %swap3A_75 = vector.shape_cast %swap3A_74 : vector<1x16xi32> to vector<16xi32>
    %swap3A_76 = vector.shape_cast %add3A_70 : vector<16xi32> to vector<1x16xi32>
    tpu.vector_store %arg20[%swap3A_72, %swap3A_73], %swap3A_76 {strides = array<i32>} : memref<5x80xi32, #tpu.memory_space<vmem>>, vector<1x16xi32>,
    %get3A_77 = arith.constant 32 : index
    %get3A_78 = tpu.vector_load %arg14[%get3A_77] {strides = array<i32>} : memref<400xi32, #tpu.memory_space<vmem>>, vector<16xi32>,
    %get3A_79 = vector.shape_cast %get3A_78 : vector<16xi32> to vector<16xi32>
    %mul3A_80 = arith.constant 6 : i32
    %mul3A_81 = vector.broadcast %mul3A_80 : i32 to vector<16xi32>
    %mul3A_82 = arith.muli %get3A_79, %mul3A_81 : vector<16xi32>
    %get3A_83 = arith.constant 32 : index
    %get3A_84 = tpu.vector_load %arg15[%get3A_83] {strides = array<i32>} : memref<400xi32, #tpu.memory_space<vmem>>, vector<16xi32>,
    %get3A_85 = vector.shape_cast %get3A_84 : vector<16xi32> to vector<16xi32>
    %add3A_86 = arith.addi %mul3A_82, %get3A_85 : vector<16xi32>
    %mul3A_87 = arith.constant 2 : i32
    %mul3A_88 = vector.broadcast %mul3A_87 : i32 to vector<16xi32>
    %mul3A_89 = arith.muli %add3A_86, %mul3A_88 : vector<16xi32>
    %get3A_90 = arith.constant 32 : index
    %get3A_91 = tpu.vector_load %arg16[%get3A_90] {strides = array<i32>} : memref<400xi32, #tpu.memory_space<vmem>>, vector<16xi32>,
    %get3A_92 = vector.shape_cast %get3A_91 : vector<16xi32> to vector<16xi32>
    %add3A_93 = arith.addi %mul3A_89, %get3A_92 : vector<16xi32>
    %swap3A_94 = arith.constant 0 : i32
    %swap3A_95 = arith.index_cast %swap3A_94 : i32 to index
    %swap3A_96 = arith.constant 32 : index
    %swap3A_97 = tpu.vector_load %arg20[%swap3A_95, %swap3A_96] {strides = array<i32>} : memref<5x80xi32, #tpu.memory_space<vmem>>, vector<1x16xi32>,
    %swap3A_98 = vector.shape_cast %swap3A_97 : vector<1x16xi32> to vector<16xi32>
    %swap3A_99 = vector.shape_cast %add3A_93 : vector<16xi32> to vector<1x16xi32>
    tpu.vector_store %arg20[%swap3A_95, %swap3A_96], %swap3A_99 {strides = array<i32>} : memref<5x80xi32, #tpu.memory_space<vmem>>, vector<1x16xi32>,
    %get3A_100 = arith.constant 48 : index
    %get3A_101 = tpu.vector_load %arg14[%get3A_100] {strides = array<i32>} : memref<400xi32, #tpu.memory_space<vmem>>, vector<16xi32>,
    %get3A_102 = vector.shape_cast %get3A_101 : vector<16xi32> to vector<16xi32>
    %mul3A_103 = arith.constant 6 : i32
    %mul3A_104 = vector.broadcast %mul3A_103 : i32 to vector<16xi32>
    %mul3A_105 = arith.muli %get3A_102, %mul3A_104 : vector<16xi32>
    %get3A_106 = arith.constant 48 : index
    %get3A_107 = tpu.vector_load %arg15[%get3A_106] {strides = array<i32>} : memref<400xi32, #tpu.memory_space<vmem>>, vector<16xi32>,
    %get3A_108 = vector.shape_cast %get3A_107 : vector<16xi32> to vector<16xi32>
    %add3A_109 = arith.addi %mul3A_105, %get3A_108 : vector<16xi32>
    %mul3A_110 = arith.constant 2 : i32
    %mul3A_111 = vector.broadcast %mul3A_110 : i32 to vector<16xi32>
    %mul3A_112 = arith.muli %add3A_109, %mul3A_111 : vector<16xi32>
    %get3A_113 = arith.constant 48 : index
    %get3A_114 = tpu.vector_load %arg16[%get3A_113] {strides = array<i32>} : memref<400xi32, #tpu.memory_space<vmem>>, vector<16xi32>,
    %get3A_115 = vector.shape_cast %get3A_114 : vector<16xi32> to vector<16xi32>
    %add3A_116 = arith.addi %mul3A_112, %get3A_115 : vector<16xi32>
    %swap3A_117 = arith.constant 0 : i32
    %swap3A_118 = arith.index_cast %swap3A_117 : i32 to index
    %swap3A_119 = arith.constant 48 : index
    %swap3A_120 = tpu.vector_load %arg20[%swap3A_118, %swap3A_119] {strides = array<i32>} : memref<5x80xi32, #tpu.memory_space<vmem>>, vector<1x16xi32>,
    %swap3A_121 = vector.shape_cast %swap3A_120 : vector<1x16xi32> to vector<16xi32>
    %swap3A_122 = vector.shape_cast %add3A_116 : vector<16xi32> to vector<1x16xi32>
    tpu.vector_store %arg20[%swap3A_118, %swap3A_119], %swap3A_122 {strides = array<i32>} : memref<5x80xi32, #tpu.memory_space<vmem>>, vector<1x16xi32>,
    %get3A_123 = arith.constant 64 : index
    %get3A_124 = tpu.vector_load %arg14[%get3A_123] {strides = array<i32>} : memref<400xi32, #tpu.memory_space<vmem>>, vector<16xi32>,
    %get3A_125 = vector.shape_cast %get3A_124 : vector<16xi32> to vector<16xi32>
    %mul3A_126 = arith.constant 6 : i32
    %mul3A_127 = vector.broadcast %mul3A_126 : i32 to vector<16xi32>
    %mul3A_128 = arith.muli %get3A_125, %mul3A_127 : vector<16xi32>
    %get3A_129 = arith.constant 64 : index
    %get3A_130 = tpu.vector_load %arg15[%get3A_129] {strides = array<i32>} : memref<400xi32, #tpu.memory_space<vmem>>, vector<16xi32>,
    %get3A_131 = vector.shape_cast %get3A_130 : vector<16xi32> to vector<16xi32>
    %add3A_132 = arith.addi %mul3A_128, %get3A_131 : vector<16xi32>
    %mul3A_133 = arith.constant 2 : i32
    %mul3A_134 = vector.broadcast %mul3A_133 : i32 to vector<16xi32>
    %mul3A_135 = arith.muli %add3A_132, %mul3A_134 : vector<16xi32>
    %get3A_136 = arith.constant 64 : index
    %get3A_137 = tpu.vector_load %arg16[%get3A_136] {strides = array<i32>} : memref<400xi32, #tpu.memory_space<vmem>>, vector<16xi32>,
    %get3A_138 = vector.shape_cast %get3A_137 : vector<16xi32> to vector<16xi32>
    %add3A_139 = arith.addi %mul3A_135, %get3A_138 : vector<16xi32>
    %swap3A_140 = arith.constant 0 : i32
    %swap3A_141 = arith.index_cast %swap3A_140 : i32 to index
    %swap3A_142 = arith.constant 64 : index
    %swap3A_143 = tpu.vector_load %arg20[%swap3A_141, %swap3A_142] {strides = array<i32>} : memref<5x80xi32, #tpu.memory_space<vmem>>, vector<1x16xi32>,
    %swap3A_144 = vector.shape_cast %swap3A_143 : vector<1x16xi32> to vector<16xi32>
    %swap3A_145 = vector.shape_cast %add3A_139 : vector<16xi32> to vector<1x16xi32>
    tpu.vector_store %arg20[%swap3A_141, %swap3A_142], %swap3A_145 {strides = array<i32>} : memref<5x80xi32, #tpu.memory_space<vmem>>, vector<1x16xi32>,
    %get3A_146 = arith.constant 80 : index
    %get3A_147 = tpu.vector_load %arg14[%get3A_146] {strides = array<i32>} : memref<400xi32, #tpu.memory_space<vmem>>, vector<16xi32>,
    %get3A_148 = vector.shape_cast %get3A_147 : vector<16xi32> to vector<16xi32>
    %mul3A_149 = arith.constant 6 : i32
    %mul3A_150 = vector.broadcast %mul3A_149 : i32 to vector<16xi32>
    %mul3A_151 = arith.muli %get3A_148, %mul3A_150 : vector<16xi32>
    %get3A_152 = arith.constant 80 : index
    %get3A_153 = tpu.vector_load %arg15[%get3A_152] {strides = array<i32>} : memref<400xi32, #tpu.memory_space<vmem>>, vector<16xi32>,
    %get3A_154 = vector.shape_cast %get3A_153 : vector<16xi32> to vector<16xi32>
    %add3A_155 = arith.addi %mul3A_151, %get3A_154 : vector<16xi32>
    %mul3A_156 = arith.constant 2 : i32
    %mul3A_157 = vector.broadcast %mul3A_156 : i32 to vector<16xi32>
    %mul3A_158 = arith.muli %add3A_155, %mul3A_157 : vector<16xi32>
    %get3A_159 = arith.constant 80 : index
    %get3A_160 = tpu.vector_load %arg16[%get3A_159] {strides = array<i32>} : memref<400xi32, #tpu.memory_space<vmem>>, vector<16xi32>,
    %get3A_161 = vector.shape_cast %get3A_160 : vector<16xi32> to vector<16xi32>
    %add3A_162 = arith.addi %mul3A_158, %get3A_161 : vector<16xi32>
    %swap3A_163 = arith.constant 1 : i32
    %swap3A_164 = arith.index_cast %swap3A_163 : i32 to index
    %swap3A_165 = arith.constant 0 : index
    %swap3A_166 = tpu.vector_load %arg20[%swap3A_164, %swap3A_165] {strides = array<i32>} : memref<5x80xi32, #tpu.memory_space<vmem>>, vector<1x16xi32>,
    %swap3A_167 = vector.shape_cast %swap3A_166 : vector<1x16xi32> to vector<16xi32>
    %swap3A_168 = vector.shape_cast %add3A_162 : vector<16xi32> to vector<1x16xi32>
    tpu.vector_store %arg20[%swap3A_164, %swap3A_165], %swap3A_168 {strides = array<i32>} : memref<5x80xi32, #tpu.memory_space<vmem>>, vector<1x16xi32>,
    %get3A_169 = arith.constant 96 : index
    %get3A_170 = tpu.vector_load %arg14[%get3A_169] {strides = array<i32>} : memref<400xi32, #tpu.memory_space<vmem>>, vector<16xi32>,
    %get3A_171 = vector.shape_cast %get3A_170 : vector<16xi32> to vector<16xi32>
    %mul3A_172 = arith.constant 6 : i32
    %mul3A_173 = vector.broadcast %mul3A_172 : i32 to vector<16xi32>
    %mul3A_174 = arith.muli %get3A_171, %mul3A_173 : vector<16xi32>
    %get3A_175 = arith.constant 96 : index
    %get3A_176 = tpu.vector_load %arg15[%get3A_175] {strides = array<i32>} : memref<400xi32, #tpu.memory_space<vmem>>, vector<16xi32>,
    %get3A_177 = vector.shape_cast %get3A_176 : vector<16xi32> to vector<16xi32>
    %add3A_178 = arith.addi %mul3A_174, %get3A_177 : vector<16xi32>
    %mul3A_179 = arith.constant 2 : i32
    %mul3A_180 = vector.broadcast %mul3A_179 : i32 to vector<16xi32>
    %mul3A_181 = arith.muli %add3A_178, %mul3A_180 : vector<16xi32>
    %get3A_182 = arith.constant 96 : index
    %get3A_183 = tpu.vector_load %arg16[%get3A_182] {strides = array<i32>} : memref<400xi32, #tpu.memory_space<vmem>>, vector<16xi32>,
    %get3A_184 = vector.shape_cast %get3A_183 : vector<16xi32> to vector<16xi32>
    %add3A_185 = arith.addi %mul3A_181, %get3A_184 : vector<16xi32>
    %swap3A_186 = arith.constant 1 : i32
    %swap3A_187 = arith.index_cast %swap3A_186 : i32 to index
    %swap3A_188 = arith.constant 16 : index
    %swap3A_189 = tpu.vector_load %arg20[%swap3A_187, %swap3A_188] {strides = array<i32>} : memref<5x80xi32, #tpu.memory_space<vmem>>, vector<1x16xi32>,
    %swap3A_190 = vector.shape_cast %swap3A_189 : vector<1x16xi32> to vector<16xi32>
    %swap3A_191 = vector.shape_cast %add3A_185 : vector<16xi32> to vector<1x16xi32>
    tpu.vector_store %arg20[%swap3A_187, %swap3A_188], %swap3A_191 {strides = array<i32>} : memref<5x80xi32, #tpu.memory_space<vmem>>, vector<1x16xi32>,
    %get3A_192 = arith.constant 112 : index
    %get3A_193 = tpu.vector_load %arg14[%get3A_192] {strides = array<i32>} : memref<400xi32, #tpu.memory_space<vmem>>, vector<16xi32>,
    %get3A_194 = vector.shape_cast %get3A_193 : vector<16xi32> to vector<16xi32>
    %mul3A_195 = arith.constant 6 : i32
    %mul3A_196 = vector.broadcast %mul3A_195 : i32 to vector<16xi32>
    %mul3A_197 = arith.muli %get3A_194, %mul3A_196 : vector<16xi32>
    %get3A_198 = arith.constant 112 : index
    %get3A_199 = tpu.vector_load %arg15[%get3A_198] {strides = array<i32>} : memref<400xi32, #tpu.memory_space<vmem>>, vector<16xi32>,
    %get3A_200 = vector.shape_cast %get3A_199 : vector<16xi32> to vector<16xi32>
    %add3A_201 = arith.addi %mul3A_197, %get3A_200 : vector<16xi32>
    %mul3A_202 = arith.constant 2 : i32
    %mul3A_203 = vector.broadcast %mul3A_202 : i32 to vector<16xi32>
    %mul3A_204 = arith.muli %add3A_201, %mul3A_203 : vector<16xi32>
    %get3A_205 = arith.constant 112 : index
    %get3A_206 = tpu.vector_load %arg16[%get3A_205] {strides = array<i32>} : memref<400xi32, #tpu.memory_space<vmem>>, vector<16xi32>,
    %get3A_207 = vector.shape_cast %get3A_206 : vector<16xi32> to vector<16xi32>
    %add3A_208 = arith.addi %mul3A_204, %get3A_207 : vector<16xi32>
    %swap3A_209 = arith.constant 1 : i32
    %swap3A_210 = arith.index_cast %swap3A_209 : i32 to index
    %swap3A_211 = arith.constant 32 : index
    %swap3A_212 = tpu.vector_load %arg20[%swap3A_210, %swap3A_211] {strides = array<i32>} : memref<5x80xi32, #tpu.memory_space<vmem>>, vector<1x16xi32>,
    %swap3A_213 = vector.shape_cast %swap3A_212 : vector<1x16xi32> to vector<16xi32>
    %swap3A_214 = vector.shape_cast %add3A_208 : vector<16xi32> to vector<1x16xi32>
    tpu.vector_store %arg20[%swap3A_210, %swap3A_211], %swap3A_214 {strides = array<i32>} : memref<5x80xi32, #tpu.memory_space<vmem>>, vector<1x16xi32>,
    %get3A_215 = arith.constant 128 : index
    %get3A_216 = tpu.vector_load %arg14[%get3A_215] {strides = array<i32>} : memref<400xi32, #tpu.memory_space<vmem>>, vector<16xi32>,
    %get3A_217 = vector.shape_cast %get3A_216 : vector<16xi32> to vector<16xi32>
    %mul3A_218 = arith.constant 6 : i32
    %mul3A_219 = vector.broadcast %mul3A_218 : i32 to vector<16xi32>
    %mul3A_220 = arith.muli %get3A_217, %mul3A_219 : vector<16xi32>
    %get3A_221 = arith.constant 128 : index
    %get3A_222 = tpu.vector_load %arg15[%get3A_221] {strides = array<i32>} : memref<400xi32, #tpu.memory_space<vmem>>, vector<16xi32>,
    %get3A_223 = vector.shape_cast %get3A_222 : vector<16xi32> to vector<16xi32>
    %add3A_224 = arith.addi %mul3A_220, %get3A_223 : vector<16xi32>
    %mul3A_225 = arith.constant 2 : i32
    %mul3A_226 = vector.broadcast %mul3A_225 : i32 to vector<16xi32>
    %mul3A_227 = arith.muli %add3A_224, %mul3A_226 : vector<16xi32>
    %get3A_228 = arith.constant 128 : index
    %get3A_229 = tpu.vector_load %arg16[%get3A_228] {strides = array<i32>} : memref<400xi32, #tpu.memory_space<vmem>>, vector<16xi32>,
    %get3A_230 = vector.shape_cast %get3A_229 : vector<16xi32> to vector<16xi32>
    %add3A_231 = arith.addi %mul3A_227, %get3A_230 : vector<16xi32>
    %swap3A_232 = arith.constant 1 : i32
    %swap3A_233 = arith.index_cast %swap3A_232 : i32 to index
    %swap3A_234 = arith.constant 48 : index
    %swap3A_235 = tpu.vector_load %arg20[%swap3A_233, %swap3A_234] {strides = array<i32>} : memref<5x80xi32, #tpu.memory_space<vmem>>, vector<1x16xi32>,
    %swap3A_236 = vector.shape_cast %swap3A_235 : vector<1x16xi32> to vector<16xi32>
    %swap3A_237 = vector.shape_cast %add3A_231 : vector<16xi32> to vector<1x16xi32>
    tpu.vector_store %arg20[%swap3A_233, %swap3A_234], %swap3A_237 {strides = array<i32>} : memref<5x80xi32, #tpu.memory_space<vmem>>, vector<1x16xi32>,
    %get3A_238 = arith.constant 144 : index
    %get3A_239 = tpu.vector_load %arg14[%get3A_238] {strides = array<i32>} : memref<400xi32, #tpu.memory_space<vmem>>, vector<16xi32>,
    %get3A_240 = vector.shape_cast %get3A_239 : vector<16xi32> to vector<16xi32>
    %mul3A_241 = arith.constant 6 : i32
    %mul3A_242 = vector.broadcast %mul3A_241 : i32 to vector<16xi32>
    %mul3A_243 = arith.muli %get3A_240, %mul3A_242 : vector<16xi32>
    %get3A_244 = arith.constant 144 : index
    %get3A_245 = tpu.vector_load %arg15[%get3A_244] {strides = array<i32>} : memref<400xi32, #tpu.memory_space<vmem>>, vector<16xi32>,
    %get3A_246 = vector.shape_cast %get3A_245 : vector<16xi32> to vector<16xi32>
    %add3A_247 = arith.addi %mul3A_243, %get3A_246 : vector<16xi32>
    %mul3A_248 = arith.constant 2 : i32
    %mul3A_249 = vector.broadcast %mul3A_248 : i32 to vector<16xi32>
    %mul3A_250 = arith.muli %add3A_247, %mul3A_249 : vector<16xi32>
    %get3A_251 = arith.constant 144 : index
    %get3A_252 = tpu.vector_load %arg16[%get3A_251] {strides = array<i32>} : memref<400xi32, #tpu.memory_space<vmem>>, vector<16xi32>,
    %get3A_253 = vector.shape_cast %get3A_252 : vector<16xi32> to vector<16xi32>
    %add3A_254 = arith.addi %mul3A_250, %get3A_253 : vector<16xi32>
    %swap3A_255 = arith.constant 1 : i32
    %swap3A_256 = arith.index_cast %swap3A_255 : i32 to index
    %swap3A_257 = arith.constant 64 : index
    %swap3A_258 = tpu.vector_load %arg20[%swap3A_256, %swap3A_257] {strides = array<i32>} : memref<5x80xi32, #tpu.memory_space<vmem>>, vector<1x16xi32>,
    %swap3A_259 = vector.shape_cast %swap3A_258 : vector<1x16xi32> to vector<16xi32>
    %swap3A_260 = vector.shape_cast %add3A_254 : vector<16xi32> to vector<1x16xi32>
    tpu.vector_store %arg20[%swap3A_256, %swap3A_257], %swap3A_260 {strides = array<i32>} : memref<5x80xi32, #tpu.memory_space<vmem>>, vector<1x16xi32>,
    %get3A_261 = arith.constant 160 : index
    %get3A_262 = tpu.vector_load %arg14[%get3A_261] {strides = array<i32>} : memref<400xi32, #tpu.memory_space<vmem>>, vector<16xi32>,
    %get3A_263 = vector.shape_cast %get3A_262 : vector<16xi32> to vector<16xi32>
    %mul3A_264 = arith.constant 6 : i32
    %mul3A_265 = vector.broadcast %mul3A_264 : i32 to vector<16xi32>
    %mul3A_266 = arith.muli %get3A_263, %mul3A_265 : vector<16xi32>
    %get3A_267 = arith.constant 160 : index
    %get3A_268 = tpu.vector_load %arg15[%get3A_267] {strides = array<i32>} : memref<400xi32, #tpu.memory_space<vmem>>, vector<16xi32>,
    %get3A_269 = vector.shape_cast %get3A_268 : vector<16xi32> to vector<16xi32>
    %add3A_270 = arith.addi %mul3A_266, %get3A_269 : vector<16xi32>
    %mul3A_271 = arith.constant 2 : i32
    %mul3A_272 = vector.broadcast %mul3A_271 : i32 to vector<16xi32>
    %mul3A_273 = arith.muli %add3A_270, %mul3A_272 : vector<16xi32>
    %get3A_274 = arith.constant 160 : index
    %get3A_275 = tpu.vector_load %arg16[%get3A_274] {strides = array<i32>} : memref<400xi32, #tpu.memory_space<vmem>>, vector<16xi32>,
    %get3A_276 = vector.shape_cast %get3A_275 : vector<16xi32> to vector<16xi32>
    %add3A_277 = arith.addi %mul3A_273, %get3A_276 : vector<16xi32>
    %swap3A_278 = arith.constant 2 : i32
    %swap3A_279 = arith.index_cast %swap3A_278 : i32 to index
    %swap3A_280 = arith.constant 0 : index
    %swap3A_281 = tpu.vector_load %arg20[%swap3A_279, %swap3A_280] {strides = array<i32>} : memref<5x80xi32, #tpu.memory_space<vmem>>, vector<1x16xi32>,
    %swap3A_282 = vector.shape_cast %swap3A_281 : vector<1x16xi32> to vector<16xi32>
    %swap3A_283 = vector.shape_cast %add3A_277 : vector<16xi32> to vector<1x16xi32>
    tpu.vector_store %arg20[%swap3A_279, %swap3A_280], %swap3A_283 {strides = array<i32>} : memref<5x80xi32, #tpu.memory_space<vmem>>, vector<1x16xi32>,
    %get3A_284 = arith.constant 176 : index
    %get3A_285 = tpu.vector_load %arg14[%get3A_284] {strides = array<i32>} : memref<400xi32, #tpu.memory_space<vmem>>, vector<16xi32>,
    %get3A_286 = vector.shape_cast %get3A_285 : vector<16xi32> to vector<16xi32>
    %mul3A_287 = arith.constant 6 : i32
    %mul3A_288 = vector.broadcast %mul3A_287 : i32 to vector<16xi32>
    %mul3A_289 = arith.muli %get3A_286, %mul3A_288 : vector<16xi32>
    %get3A_290 = arith.constant 176 : index
    %get3A_291 = tpu.vector_load %arg15[%get3A_290] {strides = array<i32>} : memref<400xi32, #tpu.memory_space<vmem>>, vector<16xi32>,
    %get3A_292 = vector.shape_cast %get3A_291 : vector<16xi32> to vector<16xi32>
    %add3A_293 = arith.addi %mul3A_289, %get3A_292 : vector<16xi32>
    %mul3A_294 = arith.constant 2 : i32
    %mul3A_295 = vector.broadcast %mul3A_294 : i32 to vector<16xi32>
    %mul3A_296 = arith.muli %add3A_293, %mul3A_295 : vector<16xi32>
    %get3A_297 = arith.constant 176 : index
    %get3A_298 = tpu.vector_load %arg16[%get3A_297] {strides = array<i32>} : memref<400xi32, #tpu.memory_space<vmem>>, vector<16xi32>,
    %get3A_299 = vector.shape_cast %get3A_298 : vector<16xi32> to vector<16xi32>
    %add3A_300 = arith.addi %mul3A_296, %get3A_299 : vector<16xi32>
    %swap3A_301 = arith.constant 2 : i32
    %swap3A_302 = arith.index_cast %swap3A_301 : i32 to index
    %swap3A_303 = arith.constant 16 : index
    %swap3A_304 = tpu.vector_load %arg20[%swap3A_302, %swap3A_303] {strides = array<i32>} : memref<5x80xi32, #tpu.memory_space<vmem>>, vector<1x16xi32>,
    %swap3A_305 = vector.shape_cast %swap3A_304 : vector<1x16xi32> to vector<16xi32>
    %swap3A_306 = vector.shape_cast %add3A_300 : vector<16xi32> to vector<1x16xi32>
    tpu.vector_store %arg20[%swap3A_302, %swap3A_303], %swap3A_306 {strides = array<i32>} : memref<5x80xi32, #tpu.memory_space<vmem>>, vector<1x16xi32>,
    %get3A_307 = arith.constant 192 : index
    %get3A_308 = tpu.vector_load %arg14[%get3A_307] {strides = array<i32>} : memref<400xi32, #tpu.memory_space<vmem>>, vector<16xi32>,
    %get3A_309 = vector.shape_cast %get3A_308 : vector<16xi32> to vector<16xi32>
    %mul3A_310 = arith.constant 6 : i32
    %mul3A_311 = vector.broadcast %mul3A_310 : i32 to vector<16xi32>
    %mul3A_312 = arith.muli %get3A_309, %mul3A_311 : vector<16xi32>
    %get3A_313 = arith.constant 192 : index
    %get3A_314 = tpu.vector_load %arg15[%get3A_313] {strides = array<i32>} : memref<400xi32, #tpu.memory_space<vmem>>, vector<16xi32>,
    %get3A_315 = vector.shape_cast %get3A_314 : vector<16xi32> to vector<16xi32>
    %add3A_316 = arith.addi %mul3A_312, %get3A_315 : vector<16xi32>
    %mul3A_317 = arith.constant 2 : i32
    %mul3A_318 = vector.broadcast %mul3A_317 : i32 to vector<16xi32>
    %mul3A_319 = arith.muli %add3A_316, %mul3A_318 : vector<16xi32>
    %get3A_320 = arith.constant 192 : index
    %get3A_321 = tpu.vector_load %arg16[%get3A_320] {strides = array<i32>} : memref<400xi32, #tpu.memory_space<vmem>>, vector<16xi32>,
    %get3A_322 = vector.shape_cast %get3A_321 : vector<16xi32> to vector<16xi32>
    %add3A_323 = arith.addi %mul3A_319, %get3A_322 : vector<16xi32>
    %swap3A_324 = arith.constant 2 : i32
    %swap3A_325 = arith.index_cast %swap3A_324 : i32 to index
    %swap3A_326 = arith.constant 32 : index
    %swap3A_327 = tpu.vector_load %arg20[%swap3A_325, %swap3A_326] {strides = array<i32>} : memref<5x80xi32, #tpu.memory_space<vmem>>, vector<1x16xi32>,
    %swap3A_328 = vector.shape_cast %swap3A_327 : vector<1x16xi32> to vector<16xi32>
    %swap3A_329 = vector.shape_cast %add3A_323 : vector<16xi32> to vector<1x16xi32>
    tpu.vector_store %arg20[%swap3A_325, %swap3A_326], %swap3A_329 {strides = array<i32>} : memref<5x80xi32, #tpu.memory_space<vmem>>, vector<1x16xi32>,
    %get3A_330 = arith.constant 208 : index
    %get3A_331 = tpu.vector_load %arg14[%get3A_330] {strides = array<i32>} : memref<400xi32, #tpu.memory_space<vmem>>, vector<16xi32>,
    %get3A_332 = vector.shape_cast %get3A_331 : vector<16xi32> to vector<16xi32>
    %mul3A_333 = arith.constant 6 : i32
    %mul3A_334 = vector.broadcast %mul3A_333 : i32 to vector<16xi32>
    %mul3A_335 = arith.muli %get3A_332, %mul3A_334 : vector<16xi32>
    %get3A_336 = arith.constant 208 : index
    %get3A_337 = tpu.vector_load %arg15[%get3A_336] {strides = array<i32>} : memref<400xi32, #tpu.memory_space<vmem>>, vector<16xi32>,
    %get3A_338 = vector.shape_cast %get3A_337 : vector<16xi32> to vector<16xi32>
    %add3A_339 = arith.addi %mul3A_335, %get3A_338 : vector<16xi32>
    %mul3A_340 = arith.constant 2 : i32
    %mul3A_341 = vector.broadcast %mul3A_340 : i32 to vector<16xi32>
    %mul3A_342 = arith.muli %add3A_339, %mul3A_341 : vector<16xi32>
    %get3A_343 = arith.constant 208 : index
    %get3A_344 = tpu.vector_load %arg16[%get3A_343] {strides = array<i32>} : memref<400xi32, #tpu.memory_space<vmem>>, vector<16xi32>,
    %get3A_345 = vector.shape_cast %get3A_344 : vector<16xi32> to vector<16xi32>
    %add3A_346 = arith.addi %mul3A_342, %get3A_345 : vector<16xi32>
    %swap3A_347 = arith.constant 2 : i32
    %swap3A_348 = arith.index_cast %swap3A_347 : i32 to index
    %swap3A_349 = arith.constant 48 : index
    %swap3A_350 = tpu.vector_load %arg20[%swap3A_348, %swap3A_349] {strides = array<i32>} : memref<5x80xi32, #tpu.memory_space<vmem>>, vector<1x16xi32>,
    %swap3A_351 = vector.shape_cast %swap3A_350 : vector<1x16xi32> to vector<16xi32>
    %swap3A_352 = vector.shape_cast %add3A_346 : vector<16xi32> to vector<1x16xi32>
    tpu.vector_store %arg20[%swap3A_348, %swap3A_349], %swap3A_352 {strides = array<i32>} : memref<5x80xi32, #tpu.memory_space<vmem>>, vector<1x16xi32>,
    %get3A_353 = arith.constant 224 : index
    %get3A_354 = tpu.vector_load %arg14[%get3A_353] {strides = array<i32>} : memref<400xi32, #tpu.memory_space<vmem>>, vector<16xi32>,
    %get3A_355 = vector.shape_cast %get3A_354 : vector<16xi32> to vector<16xi32>
    %mul3A_356 = arith.constant 6 : i32
    %mul3A_357 = vector.broadcast %mul3A_356 : i32 to vector<16xi32>
    %mul3A_358 = arith.muli %get3A_355, %mul3A_357 : vector<16xi32>
    %get3A_359 = arith.constant 224 : index
    %get3A_360 = tpu.vector_load %arg15[%get3A_359] {strides = array<i32>} : memref<400xi32, #tpu.memory_space<vmem>>, vector<16xi32>,
    %get3A_361 = vector.shape_cast %get3A_360 : vector<16xi32> to vector<16xi32>
    %add3A_362 = arith.addi %mul3A_358, %get3A_361 : vector<16xi32>
    %mul3A_363 = arith.constant 2 : i32
    %mul3A_364 = vector.broadcast %mul3A_363 : i32 to vector<16xi32>
    %mul3A_365 = arith.muli %add3A_362, %mul3A_364 : vector<16xi32>
    %get3A_366 = arith.constant 224 : index
    %get3A_367 = tpu.vector_load %arg16[%get3A_366] {strides = array<i32>} : memref<400xi32, #tpu.memory_space<vmem>>, vector<16xi32>,
    %get3A_368 = vector.shape_cast %get3A_367 : vector<16xi32> to vector<16xi32>
    %add3A_369 = arith.addi %mul3A_365, %get3A_368 : vector<16xi32>
    %swap3A_370 = arith.constant 2 : i32
    %swap3A_371 = arith.index_cast %swap3A_370 : i32 to index
    %swap3A_372 = arith.constant 64 : index
    %swap3A_373 = tpu.vector_load %arg20[%swap3A_371, %swap3A_372] {strides = array<i32>} : memref<5x80xi32, #tpu.memory_space<vmem>>, vector<1x16xi32>,
    %swap3A_374 = vector.shape_cast %swap3A_373 : vector<1x16xi32> to vector<16xi32>
    %swap3A_375 = vector.shape_cast %add3A_369 : vector<16xi32> to vector<1x16xi32>
    tpu.vector_store %arg20[%swap3A_371, %swap3A_372], %swap3A_375 {strides = array<i32>} : memref<5x80xi32, #tpu.memory_space<vmem>>, vector<1x16xi32>,
    %get3A_376 = arith.constant 240 : index
    %get3A_377 = tpu.vector_load %arg14[%get3A_376] {strides = array<i32>} : memref<400xi32, #tpu.memory_space<vmem>>, vector<16xi32>,
    %get3A_378 = vector.shape_cast %get3A_377 : vector<16xi32> to vector<16xi32>
    %mul3A_379 = arith.constant 6 : i32
    %mul3A_380 = vector.broadcast %mul3A_379 : i32 to vector<16xi32>
    %mul3A_381 = arith.muli %get3A_378, %mul3A_380 : vector<16xi32>
    %get3A_382 = arith.constant 240 : index
    %get3A_383 = tpu.vector_load %arg15[%get3A_382] {strides = array<i32>} : memref<400xi32, #tpu.memory_space<vmem>>, vector<16xi32>,
    %get3A_384 = vector.shape_cast %get3A_383 : vector<16xi32> to vector<16xi32>
    %add3A_385 = arith.addi %mul3A_381, %get3A_384 : vector<16xi32>
    %mul3A_386 = arith.constant 2 : i32
    %mul3A_387 = vector.broadcast %mul3A_386 : i32 to vector<16xi32>
    %mul3A_388 = arith.muli %add3A_385, %mul3A_387 : vector<16xi32>
    %get3A_389 = arith.constant 240 : index
    %get3A_390 = tpu.vector_load %arg16[%get3A_389] {strides = array<i32>} : memref<400xi32, #tpu.memory_space<vmem>>, vector<16xi32>,
    %get3A_391 = vector.shape_cast %get3A_390 : vector<16xi32> to vector<16xi32>
    %add3A_392 = arith.addi %mul3A_388, %get3A_391 : vector<16xi32>
    %swap3A_393 = arith.constant 3 : i32
    %swap3A_394 = arith.index_cast %swap3A_393 : i32 to index
    %swap3A_395 = arith.constant 0 : index
    %swap3A_396 = tpu.vector_load %arg20[%swap3A_394, %swap3A_395] {strides = array<i32>} : memref<5x80xi32, #tpu.memory_space<vmem>>, vector<1x16xi32>,
    %swap3A_397 = vector.shape_cast %swap3A_396 : vector<1x16xi32> to vector<16xi32>
    %swap3A_398 = vector.shape_cast %add3A_392 : vector<16xi32> to vector<1x16xi32>
    tpu.vector_store %arg20[%swap3A_394, %swap3A_395], %swap3A_398 {strides = array<i32>} : memref<5x80xi32, #tpu.memory_space<vmem>>, vector<1x16xi32>,
    %get3A_399 = arith.constant 256 : index
    %get3A_400 = tpu.vector_load %arg14[%get3A_399] {strides = array<i32>} : memref<400xi32, #tpu.memory_space<vmem>>, vector<16xi32>,
    %get3A_401 = vector.shape_cast %get3A_400 : vector<16xi32> to vector<16xi32>
    %mul3A_402 = arith.constant 6 : i32
    %mul3A_403 = vector.broadcast %mul3A_402 : i32 to vector<16xi32>
    %mul3A_404 = arith.muli %get3A_401, %mul3A_403 : vector<16xi32>
    %get3A_405 = arith.constant 256 : index
    %get3A_406 = tpu.vector_load %arg15[%get3A_405] {strides = array<i32>} : memref<400xi32, #tpu.memory_space<vmem>>, vector<16xi32>,
    %get3A_407 = vector.shape_cast %get3A_406 : vector<16xi32> to vector<16xi32>
    %add3A_408 = arith.addi %mul3A_404, %get3A_407 : vector<16xi32>
    %mul3A_409 = arith.constant 2 : i32
    %mul3A_410 = vector.broadcast %mul3A_409 : i32 to vector<16xi32>
    %mul3A_411 = arith.muli %add3A_408, %mul3A_410 : vector<16xi32>
    %get3A_412 = arith.constant 256 : index
    %get3A_413 = tpu.vector_load %arg16[%get3A_412] {strides = array<i32>} : memref<400xi32, #tpu.memory_space<vmem>>, vector<16xi32>,
    %get3A_414 = vector.shape_cast %get3A_413 : vector<16xi32> to vector<16xi32>
    %add3A_415 = arith.addi %mul3A_411, %get3A_414 : vector<16xi32>
    %swap3A_416 = arith.constant 3 : i32
    %swap3A_417 = arith.index_cast %swap3A_416 : i32 to index
    %swap3A_418 = arith.constant 16 : index
    %swap3A_419 = tpu.vector_load %arg20[%swap3A_417, %swap3A_418] {strides = array<i32>} : memref<5x80xi32, #tpu.memory_space<vmem>>, vector<1x16xi32>,
    %swap3A_420 = vector.shape_cast %swap3A_419 : vector<1x16xi32> to vector<16xi32>
    %swap3A_421 = vector.shape_cast %add3A_415 : vector<16xi32> to vector<1x16xi32>
    tpu.vector_store %arg20[%swap3A_417, %swap3A_418], %swap3A_421 {strides = array<i32>} : memref<5x80xi32, #tpu.memory_space<vmem>>, vector<1x16xi32>,
    %get3A_422 = arith.constant 272 : index
    %get3A_423 = tpu.vector_load %arg14[%get3A_422] {strides = array<i32>} : memref<400xi32, #tpu.memory_space<vmem>>, vector<16xi32>,
    %get3A_424 = vector.shape_cast %get3A_423 : vector<16xi32> to vector<16xi32>
    %mul3A_425 = arith.constant 6 : i32
    %mul3A_426 = vector.broadcast %mul3A_425 : i32 to vector<16xi32>
    %mul3A_427 = arith.muli %get3A_424, %mul3A_426 : vector<16xi32>
    %get3A_428 = arith.constant 272 : index
    %get3A_429 = tpu.vector_load %arg15[%get3A_428] {strides = array<i32>} : memref<400xi32, #tpu.memory_space<vmem>>, vector<16xi32>,
    %get3A_430 = vector.shape_cast %get3A_429 : vector<16xi32> to vector<16xi32>
    %add3A_431 = arith.addi %mul3A_427, %get3A_430 : vector<16xi32>
    %mul3A_432 = arith.constant 2 : i32
    %mul3A_433 = vector.broadcast %mul3A_432 : i32 to vector<16xi32>
    %mul3A_434 = arith.muli %add3A_431, %mul3A_433 : vector<16xi32>
    %get3A_435 = arith.constant 272 : index
    %get3A_436 = tpu.vector_load %arg16[%get3A_435] {strides = array<i32>} : memref<400xi32, #tpu.memory_space<vmem>>, vector<16xi32>,
    %get3A_437 = vector.shape_cast %get3A_436 : vector<16xi32> to vector<16xi32>
    %add3A_438 = arith.addi %mul3A_434, %get3A_437 : vector<16xi32>
    %swap3A_439 = arith.constant 3 : i32
    %swap3A_440 = arith.index_cast %swap3A_439 : i32 to index
    %swap3A_441 = arith.constant 32 : index
    %swap3A_442 = tpu.vector_load %arg20[%swap3A_440, %swap3A_441] {strides = array<i32>} : memref<5x80xi32, #tpu.memory_space<vmem>>, vector<1x16xi32>,
    %swap3A_443 = vector.shape_cast %swap3A_442 : vector<1x16xi32> to vector<16xi32>
    %swap3A_444 = vector.shape_cast %add3A_438 : vector<16xi32> to vector<1x16xi32>
    tpu.vector_store %arg20[%swap3A_440, %swap3A_441], %swap3A_444 {strides = array<i32>} : memref<5x80xi32, #tpu.memory_space<vmem>>, vector<1x16xi32>,
    %get3A_445 = arith.constant 288 : index
    %get3A_446 = tpu.vector_load %arg14[%get3A_445] {strides = array<i32>} : memref<400xi32, #tpu.memory_space<vmem>>, vector<16xi32>,
    %get3A_447 = vector.shape_cast %get3A_446 : vector<16xi32> to vector<16xi32>
    %mul3A_448 = arith.constant 6 : i32
    %mul3A_449 = vector.broadcast %mul3A_448 : i32 to vector<16xi32>
    %mul3A_450 = arith.muli %get3A_447, %mul3A_449 : vector<16xi32>
    %get3A_451 = arith.constant 288 : index
    %get3A_452 = tpu.vector_load %arg15[%get3A_451] {strides = array<i32>} : memref<400xi32, #tpu.memory_space<vmem>>, vector<16xi32>,
    %get3A_453 = vector.shape_cast %get3A_452 : vector<16xi32> to vector<16xi32>
    %add3A_454 = arith.addi %mul3A_450, %get3A_453 : vector<16xi32>
    %mul3A_455 = arith.constant 2 : i32
    %mul3A_456 = vector.broadcast %mul3A_455 : i32 to vector<16xi32>
    %mul3A_457 = arith.muli %add3A_454, %mul3A_456 : vector<16xi32>
    %get3A_458 = arith.constant 288 : index
    %get3A_459 = tpu.vector_load %arg16[%get3A_458] {strides = array<i32>} : memref<400xi32, #tpu.memory_space<vmem>>, vector<16xi32>,
    %get3A_460 = vector.shape_cast %get3A_459 : vector<16xi32> to vector<16xi32>
    %add3A_461 = arith.addi %mul3A_457, %get3A_460 : vector<16xi32>
    %swap3A_462 = arith.constant 3 : i32
    %swap3A_463 = arith.index_cast %swap3A_462 : i32 to index
    %swap3A_464 = arith.constant 48 : index
    %swap3A_465 = tpu.vector_load %arg20[%swap3A_463, %swap3A_464] {strides = array<i32>} : memref<5x80xi32, #tpu.memory_space<vmem>>, vector<1x16xi32>,
    %swap3A_466 = vector.shape_cast %swap3A_465 : vector<1x16xi32> to vector<16xi32>
    %swap3A_467 = vector.shape_cast %add3A_461 : vector<16xi32> to vector<1x16xi32>
    tpu.vector_store %arg20[%swap3A_463, %swap3A_464], %swap3A_467 {strides = array<i32>} : memref<5x80xi32, #tpu.memory_space<vmem>>, vector<1x16xi32>,
    %get3A_468 = arith.constant 304 : index
    %get3A_469 = tpu.vector_load %arg14[%get3A_468] {strides = array<i32>} : memref<400xi32, #tpu.memory_space<vmem>>, vector<16xi32>,
    %get3A_470 = vector.shape_cast %get3A_469 : vector<16xi32> to vector<16xi32>
    %mul3A_471 = arith.constant 6 : i32
    %mul3A_472 = vector.broadcast %mul3A_471 : i32 to vector<16xi32>
    %mul3A_473 = arith.muli %get3A_470, %mul3A_472 : vector<16xi32>
    %get3A_474 = arith.constant 304 : index
    %get3A_475 = tpu.vector_load %arg15[%get3A_474] {strides = array<i32>} : memref<400xi32, #tpu.memory_space<vmem>>, vector<16xi32>,
    %get3A_476 = vector.shape_cast %get3A_475 : vector<16xi32> to vector<16xi32>
    %add3A_477 = arith.addi %mul3A_473, %get3A_476 : vector<16xi32>
    %mul3A_478 = arith.constant 2 : i32
    %mul3A_479 = vector.broadcast %mul3A_478 : i32 to vector<16xi32>
    %mul3A_480 = arith.muli %add3A_477, %mul3A_479 : vector<16xi32>
    %get3A_481 = arith.constant 304 : index
    %get3A_482 = tpu.vector_load %arg16[%get3A_481] {strides = array<i32>} : memref<400xi32, #tpu.memory_space<vmem>>, vector<16xi32>,
    %get3A_483 = vector.shape_cast %get3A_482 : vector<16xi32> to vector<16xi32>
    %add3A_484 = arith.addi %mul3A_480, %get3A_483 : vector<16xi32>
    %swap3A_485 = arith.constant 3 : i32
    %swap3A_486 = arith.index_cast %swap3A_485 : i32 to index
    %swap3A_487 = arith.constant 64 : index
    %swap3A_488 = tpu.vector_load %arg20[%swap3A_486, %swap3A_487] {strides = array<i32>} : memref<5x80xi32, #tpu.memory_space<vmem>>, vector<1x16xi32>,
    %swap3A_489 = vector.shape_cast %swap3A_488 : vector<1x16xi32> to vector<16xi32>
    %swap3A_490 = vector.shape_cast %add3A_484 : vector<16xi32> to vector<1x16xi32>
    tpu.vector_store %arg20[%swap3A_486, %swap3A_487], %swap3A_490 {strides = array<i32>} : memref<5x80xi32, #tpu.memory_space<vmem>>, vector<1x16xi32>,
    %get3A_491 = arith.constant 320 : index
    %get3A_492 = tpu.vector_load %arg14[%get3A_491] {strides = array<i32>} : memref<400xi32, #tpu.memory_space<vmem>>, vector<16xi32>,
    %get3A_493 = vector.shape_cast %get3A_492 : vector<16xi32> to vector<16xi32>
    %mul3A_494 = arith.constant 6 : i32
    %mul3A_495 = vector.broadcast %mul3A_494 : i32 to vector<16xi32>
    %mul3A_496 = arith.muli %get3A_493, %mul3A_495 : vector<16xi32>
    %get3A_497 = arith.constant 320 : index
    %get3A_498 = tpu.vector_load %arg15[%get3A_497] {strides = array<i32>} : memref<400xi32, #tpu.memory_space<vmem>>, vector<16xi32>,
    %get3A_499 = vector.shape_cast %get3A_498 : vector<16xi32> to vector<16xi32>
    %add3A_500 = arith.addi %mul3A_496, %get3A_499 : vector<16xi32>
    %mul3A_501 = arith.constant 2 : i32
    %mul3A_502 = vector.broadcast %mul3A_501 : i32 to vector<16xi32>
    %mul3A_503 = arith.muli %add3A_500, %mul3A_502 : vector<16xi32>
    %get3A_504 = arith.constant 320 : index
    %get3A_505 = tpu.vector_load %arg16[%get3A_504] {strides = array<i32>} : memref<400xi32, #tpu.memory_space<vmem>>, vector<16xi32>,
    %get3A_506 = vector.shape_cast %get3A_505 : vector<16xi32> to vector<16xi32>
    %add3A_507 = arith.addi %mul3A_503, %get3A_506 : vector<16xi32>
    %swap3A_508 = arith.constant 4 : i32
    %swap3A_509 = arith.index_cast %swap3A_508 : i32 to index
    %swap3A_510 = arith.constant 0 : index
    %swap3A_511 = tpu.vector_load %arg20[%swap3A_509, %swap3A_510] {strides = array<i32>} : memref<5x80xi32, #tpu.memory_space<vmem>>, vector<1x16xi32>,
    %swap3A_512 = vector.shape_cast %swap3A_511 : vector<1x16xi32> to vector<16xi32>
    %swap3A_513 = vector.shape_cast %add3A_507 : vector<16xi32> to vector<1x16xi32>
    tpu.vector_store %arg20[%swap3A_509, %swap3A_510], %swap3A_513 {strides = array<i32>} : memref<5x80xi32, #tpu.memory_space<vmem>>, vector<1x16xi32>,
    %get3A_514 = arith.constant 336 : index
    %get3A_515 = tpu.vector_load %arg14[%get3A_514] {strides = array<i32>} : memref<400xi32, #tpu.memory_space<vmem>>, vector<16xi32>,
    %get3A_516 = vector.shape_cast %get3A_515 : vector<16xi32> to vector<16xi32>
    %mul3A_517 = arith.constant 6 : i32
    %mul3A_518 = vector.broadcast %mul3A_517 : i32 to vector<16xi32>
    %mul3A_519 = arith.muli %get3A_516, %mul3A_518 : vector<16xi32>
    %get3A_520 = arith.constant 336 : index
    %get3A_521 = tpu.vector_load %arg15[%get3A_520] {strides = array<i32>} : memref<400xi32, #tpu.memory_space<vmem>>, vector<16xi32>,
    %get3A_522 = vector.shape_cast %get3A_521 : vector<16xi32> to vector<16xi32>
    %add3A_523 = arith.addi %mul3A_519, %get3A_522 : vector<16xi32>
    %mul3A_524 = arith.constant 2 : i32
    %mul3A_525 = vector.broadcast %mul3A_524 : i32 to vector<16xi32>
    %mul3A_526 = arith.muli %add3A_523, %mul3A_525 : vector<16xi32>
    %get3A_527 = arith.constant 336 : index
    %get3A_528 = tpu.vector_load %arg16[%get3A_527] {strides = array<i32>} : memref<400xi32, #tpu.memory_space<vmem>>, vector<16xi32>,
    %get3A_529 = vector.shape_cast %get3A_528 : vector<16xi32> to vector<16xi32>
    %add3A_530 = arith.addi %mul3A_526, %get3A_529 : vector<16xi32>
    %swap3A_531 = arith.constant 4 : i32
    %swap3A_532 = arith.index_cast %swap3A_531 : i32 to index
    %swap3A_533 = arith.constant 16 : index
    %swap3A_534 = tpu.vector_load %arg20[%swap3A_532, %swap3A_533] {strides = array<i32>} : memref<5x80xi32, #tpu.memory_space<vmem>>, vector<1x16xi32>,
    %swap3A_535 = vector.shape_cast %swap3A_534 : vector<1x16xi32> to vector<16xi32>
    %swap3A_536 = vector.shape_cast %add3A_530 : vector<16xi32> to vector<1x16xi32>
    tpu.vector_store %arg20[%swap3A_532, %swap3A_533], %swap3A_536 {strides = array<i32>} : memref<5x80xi32, #tpu.memory_space<vmem>>, vector<1x16xi32>,
    %get3A_537 = arith.constant 352 : index
    %get3A_538 = tpu.vector_load %arg14[%get3A_537] {strides = array<i32>} : memref<400xi32, #tpu.memory_space<vmem>>, vector<16xi32>,
    %get3A_539 = vector.shape_cast %get3A_538 : vector<16xi32> to vector<16xi32>
    %mul3A_540 = arith.constant 6 : i32
    %mul3A_541 = vector.broadcast %mul3A_540 : i32 to vector<16xi32>
    %mul3A_542 = arith.muli %get3A_539, %mul3A_541 : vector<16xi32>
    %get3A_543 = arith.constant 352 : index
    %get3A_544 = tpu.vector_load %arg15[%get3A_543] {strides = array<i32>} : memref<400xi32, #tpu.memory_space<vmem>>, vector<16xi32>,
    %get3A_545 = vector.shape_cast %get3A_544 : vector<16xi32> to vector<16xi32>
    %add3A_546 = arith.addi %mul3A_542, %get3A_545 : vector<16xi32>
    %mul3A_547 = arith.constant 2 : i32
    %mul3A_548 = vector.broadcast %mul3A_547 : i32 to vector<16xi32>
    %mul3A_549 = arith.muli %add3A_546, %mul3A_548 : vector<16xi32>
    %get3A_550 = arith.constant 352 : index
    %get3A_551 = tpu.vector_load %arg16[%get3A_550] {strides = array<i32>} : memref<400xi32, #tpu.memory_space<vmem>>, vector<16xi32>,
    %get3A_552 = vector.shape_cast %get3A_551 : vector<16xi32> to vector<16xi32>
    %add3A_553 = arith.addi %mul3A_549, %get3A_552 : vector<16xi32>
    %swap3A_554 = arith.constant 4 : i32
    %swap3A_555 = arith.index_cast %swap3A_554 : i32 to index
    %swap3A_556 = arith.constant 32 : index
    %swap3A_557 = tpu.vector_load %arg20[%swap3A_555, %swap3A_556] {strides = array<i32>} : memref<5x80xi32, #tpu.memory_space<vmem>>, vector<1x16xi32>,
    %swap3A_558 = vector.shape_cast %swap3A_557 : vector<1x16xi32> to vector<16xi32>
    %swap3A_559 = vector.shape_cast %add3A_553 : vector<16xi32> to vector<1x16xi32>
    tpu.vector_store %arg20[%swap3A_555, %swap3A_556], %swap3A_559 {strides = array<i32>} : memref<5x80xi32, #tpu.memory_space<vmem>>, vector<1x16xi32>,
    %get3A_560 = arith.constant 368 : index
    %get3A_561 = tpu.vector_load %arg14[%get3A_560] {strides = array<i32>} : memref<400xi32, #tpu.memory_space<vmem>>, vector<16xi32>,
    %get3A_562 = vector.shape_cast %get3A_561 : vector<16xi32> to vector<16xi32>
    %mul3A_563 = arith.constant 6 : i32
    %mul3A_564 = vector.broadcast %mul3A_563 : i32 to vector<16xi32>
    %mul3A_565 = arith.muli %get3A_562, %mul3A_564 : vector<16xi32>
    %get3A_566 = arith.constant 368 : index
    %get3A_567 = tpu.vector_load %arg15[%get3A_566] {strides = array<i32>} : memref<400xi32, #tpu.memory_space<vmem>>, vector<16xi32>,
    %get3A_568 = vector.shape_cast %get3A_567 : vector<16xi32> to vector<16xi32>
    %add3A_569 = arith.addi %mul3A_565, %get3A_568 : vector<16xi32>
    %mul3A_570 = arith.constant 2 : i32
    %mul3A_571 = vector.broadcast %mul3A_570 : i32 to vector<16xi32>
    %mul3A_572 = arith.muli %add3A_569, %mul3A_571 : vector<16xi32>
    %get3A_573 = arith.constant 368 : index
    %get3A_574 = tpu.vector_load %arg16[%get3A_573] {strides = array<i32>} : memref<400xi32, #tpu.memory_space<vmem>>, vector<16xi32>,
    %get3A_575 = vector.shape_cast %get3A_574 : vector<16xi32> to vector<16xi32>
    %add3A_576 = arith.addi %mul3A_572, %get3A_575 : vector<16xi32>
    %swap3A_577 = arith.constant 4 : i32
    %swap3A_578 = arith.index_cast %swap3A_577 : i32 to index
    %swap3A_579 = arith.constant 48 : index
    %swap3A_580 = tpu.vector_load %arg20[%swap3A_578, %swap3A_579] {strides = array<i32>} : memref<5x80xi32, #tpu.memory_space<vmem>>, vector<1x16xi32>,
    %swap3A_581 = vector.shape_cast %swap3A_580 : vector<1x16xi32> to vector<16xi32>
    %swap3A_582 = vector.shape_cast %add3A_576 : vector<16xi32> to vector<1x16xi32>
    tpu.vector_store %arg20[%swap3A_578, %swap3A_579], %swap3A_582 {strides = array<i32>} : memref<5x80xi32, #tpu.memory_space<vmem>>, vector<1x16xi32>,
    %get3A_583 = arith.constant 384 : index
    %get3A_584 = tpu.vector_load %arg14[%get3A_583] {strides = array<i32>} : memref<400xi32, #tpu.memory_space<vmem>>, vector<16xi32>,
    %get3A_585 = vector.shape_cast %get3A_584 : vector<16xi32> to vector<16xi32>
    %mul3A_586 = arith.constant 6 : i32
    %mul3A_587 = vector.broadcast %mul3A_586 : i32 to vector<16xi32>
    %mul3A_588 = arith.muli %get3A_585, %mul3A_587 : vector<16xi32>
    %get3A_589 = arith.constant 384 : index
    %get3A_590 = tpu.vector_load %arg15[%get3A_589] {strides = array<i32>} : memref<400xi32, #tpu.memory_space<vmem>>, vector<16xi32>,
    %get3A_591 = vector.shape_cast %get3A_590 : vector<16xi32> to vector<16xi32>
    %add3A_592 = arith.addi %mul3A_588, %get3A_591 : vector<16xi32>
    %mul3A_593 = arith.constant 2 : i32
    %mul3A_594 = vector.broadcast %mul3A_593 : i32 to vector<16xi32>
    %mul3A_595 = arith.muli %add3A_592, %mul3A_594 : vector<16xi32>
    %get3A_596 = arith.constant 384 : index
    %get3A_597 = tpu.vector_load %arg16[%get3A_596] {strides = array<i32>} : memref<400xi32, #tpu.memory_space<vmem>>, vector<16xi32>,
    %get3A_598 = vector.shape_cast %get3A_597 : vector<16xi32> to vector<16xi32>
    %add3A_599 = arith.addi %mul3A_595, %get3A_598 : vector<16xi32>
    %swap3A_600 = arith.constant 4 : i32
    %swap3A_601 = arith.index_cast %swap3A_600 : i32 to index
    %swap3A_602 = arith.constant 64 : index
    %swap3A_603 = tpu.vector_load %arg20[%swap3A_601, %swap3A_602] {strides = array<i32>} : memref<5x80xi32, #tpu.memory_space<vmem>>, vector<1x16xi32>,
    %swap3A_604 = vector.shape_cast %swap3A_603 : vector<1x16xi32> to vector<16xi32>
    %swap3A_605 = vector.shape_cast %add3A_599 : vector<16xi32> to vector<1x16xi32>
    tpu.vector_store %arg20[%swap3A_601, %swap3A_602], %swap3A_605 {strides = array<i32>} : memref<5x80xi32, #tpu.memory_space<vmem>>, vector<1x16xi32>,
    %barrier3A = arith.constant 0 : index
    tpu.barrier barrier_id(%barrier3A)
    %dma_start3A_606 = arith.constant 0 : i32
    %dma_start3A_607 = arith.constant 0 : i32
    %dma_start3A_608 = arith.constant 0 : i32
    %dma_start3A_609 = tpu.memref_slice %arg22[%dma_start3A_607, %dma_start3A_608] : memref<400x128xf32, #tpu.memory_space<vmem>> -> memref<80x128xf32, #tpu.memory_space<vmem>>
    %dma_start3A_610 = arith.constant 0 : i32
    %dma_start3A_611 = tpu.memref_slice %arg20[%dma_start3A_606, %dma_start3A_610] : memref<5x80xi32, #tpu.memory_space<vmem>> -> memref<1x80xi32, #tpu.memory_space<vmem>>
    %dma_start3A_612 = tpu.memref_squeeze %dma_start3A_611 : memref<1x80xi32, #tpu.memory_space<vmem>> -> memref<80xi32, #tpu.memory_space<vmem>>
    %dma_start3A_613 = arith.constant 0 : i32
    %dma_start3A_614 = arith.constant 0 : i32
    %dma_start3A_615 = tpu.memref_slice %arg13[%dma_start3A_613, %dma_start3A_614] : memref<60x128xf32, #tpu.memory_space<vmem_shared>> -> memref<60x128xf32, #tpu.memory_space<vmem_shared>>
    tpu.enqueue_indirect_dma source(%dma_start3A_615 : memref<60x128xf32, #tpu.memory_space<vmem_shared>>) target(%dma_start3A_609 : memref<80x128xf32, #tpu.memory_space<vmem>>) offsets(%dma_start3A_612 : memref<80xi32, #tpu.memory_space<vmem>>) semaphore(%arg26 : memref<!tpu.dma_semaphore, #tpu.memory_space<semaphore_mem>>)
    %dma_start3A_616 = arith.constant 1 : i32
    %dma_start3A_617 = arith.constant 80 : i32
    %dma_start3A_618 = arith.constant 0 : i32
    %dma_start3A_619 = tpu.memref_slice %arg22[%dma_start3A_617, %dma_start3A_618] : memref<400x128xf32, #tpu.memory_space<vmem>> -> memref<80x128xf32, #tpu.memory_space<vmem>>
    %dma_start3A_620 = arith.constant 0 : i32
    %dma_start3A_621 = tpu.memref_slice %arg20[%dma_start3A_616, %dma_start3A_620] : memref<5x80xi32, #tpu.memory_space<vmem>> -> memref<1x80xi32, #tpu.memory_space<vmem>>
    %dma_start3A_622 = tpu.memref_squeeze %dma_start3A_621 : memref<1x80xi32, #tpu.memory_space<vmem>> -> memref<80xi32, #tpu.memory_space<vmem>>
    %dma_start3A_623 = arith.constant 0 : i32
    %dma_start3A_624 = arith.constant 0 : i32
    %dma_start3A_625 = tpu.memref_slice %arg13[%dma_start3A_623, %dma_start3A_624] : memref<60x128xf32, #tpu.memory_space<vmem_shared>> -> memref<60x128xf32, #tpu.memory_space<vmem_shared>>
    tpu.enqueue_indirect_dma source(%dma_start3A_625 : memref<60x128xf32, #tpu.memory_space<vmem_shared>>) target(%dma_start3A_619 : memref<80x128xf32, #tpu.memory_space<vmem>>) offsets(%dma_start3A_622 : memref<80xi32, #tpu.memory_space<vmem>>) semaphore(%arg26 : memref<!tpu.dma_semaphore, #tpu.memory_space<semaphore_mem>>)
    %dma_start3A_626 = arith.constant 2 : i32
    %dma_start3A_627 = arith.constant 160 : i32
    %dma_start3A_628 = arith.constant 0 : i32
    %dma_start3A_629 = tpu.memref_slice %arg22[%dma_start3A_627, %dma_start3A_628] : memref<400x128xf32, #tpu.memory_space<vmem>> -> memref<80x128xf32, #tpu.memory_space<vmem>>
    %dma_start3A_630 = arith.constant 0 : i32
    %dma_start3A_631 = tpu.memref_slice %arg20[%dma_start3A_626, %dma_start3A_630] : memref<5x80xi32, #tpu.memory_space<vmem>> -> memref<1x80xi32, #tpu.memory_space<vmem>>
    %dma_start3A_632 = tpu.memref_squeeze %dma_start3A_631 : memref<1x80xi32, #tpu.memory_space<vmem>> -> memref<80xi32, #tpu.memory_space<vmem>>
    %dma_start3A_633 = arith.constant 0 : i32
    %dma_start3A_634 = arith.constant 0 : i32
    %dma_start3A_635 = tpu.memref_slice %arg13[%dma_start3A_633, %dma_start3A_634] : memref<60x128xf32, #tpu.memory_space<vmem_shared>> -> memref<60x128xf32, #tpu.memory_space<vmem_shared>>
    tpu.enqueue_indirect_dma source(%dma_start3A_635 : memref<60x128xf32, #tpu.memory_space<vmem_shared>>) target(%dma_start3A_629 : memref<80x128xf32, #tpu.memory_space<vmem>>) offsets(%dma_start3A_632 : memref<80xi32, #tpu.memory_space<vmem>>) semaphore(%arg26 : memref<!tpu.dma_semaphore, #tpu.memory_space<semaphore_mem>>)
    %dma_start3A_636 = arith.constant 3 : i32
    %dma_start3A_637 = arith.constant 240 : i32
    %dma_start3A_638 = arith.constant 0 : i32
    %dma_start3A_639 = tpu.memref_slice %arg22[%dma_start3A_637, %dma_start3A_638] : memref<400x128xf32, #tpu.memory_space<vmem>> -> memref<80x128xf32, #tpu.memory_space<vmem>>
    %dma_start3A_640 = arith.constant 0 : i32
    %dma_start3A_641 = tpu.memref_slice %arg20[%dma_start3A_636, %dma_start3A_640] : memref<5x80xi32, #tpu.memory_space<vmem>> -> memref<1x80xi32, #tpu.memory_space<vmem>>
    %dma_start3A_642 = tpu.memref_squeeze %dma_start3A_641 : memref<1x80xi32, #tpu.memory_space<vmem>> -> memref<80xi32, #tpu.memory_space<vmem>>
    %dma_start3A_643 = arith.constant 0 : i32
    %dma_start3A_644 = arith.constant 0 : i32
    %dma_start3A_645 = tpu.memref_slice %arg13[%dma_start3A_643, %dma_start3A_644] : memref<60x128xf32, #tpu.memory_space<vmem_shared>> -> memref<60x128xf32, #tpu.memory_space<vmem_shared>>
    tpu.enqueue_indirect_dma source(%dma_start3A_645 : memref<60x128xf32, #tpu.memory_space<vmem_shared>>) target(%dma_start3A_639 : memref<80x128xf32, #tpu.memory_space<vmem>>) offsets(%dma_start3A_642 : memref<80xi32, #tpu.memory_space<vmem>>) semaphore(%arg26 : memref<!tpu.dma_semaphore, #tpu.memory_space<semaphore_mem>>)
    %dma_start3A_646 = arith.constant 4 : i32
    %dma_start3A_647 = arith.constant 320 : i32
    %dma_start3A_648 = arith.constant 0 : i32
    %dma_start3A_649 = tpu.memref_slice %arg22[%dma_start3A_647, %dma_start3A_648] : memref<400x128xf32, #tpu.memory_space<vmem>> -> memref<80x128xf32, #tpu.memory_space<vmem>>
    %dma_start3A_650 = arith.constant 0 : i32
    %dma_start3A_651 = tpu.memref_slice %arg20[%dma_start3A_646, %dma_start3A_650] : memref<5x80xi32, #tpu.memory_space<vmem>> -> memref<1x80xi32, #tpu.memory_space<vmem>>
    %dma_start3A_652 = tpu.memref_squeeze %dma_start3A_651 : memref<1x80xi32, #tpu.memory_space<vmem>> -> memref<80xi32, #tpu.memory_space<vmem>>
    %dma_start3A_653 = arith.constant 0 : i32
    %dma_start3A_654 = arith.constant 0 : i32
    %dma_start3A_655 = tpu.memref_slice %arg13[%dma_start3A_653, %dma_start3A_654] : memref<60x128xf32, #tpu.memory_space<vmem_shared>> -> memref<60x128xf32, #tpu.memory_space<vmem_shared>>
    tpu.enqueue_indirect_dma source(%dma_start3A_655 : memref<60x128xf32, #tpu.memory_space<vmem_shared>>) target(%dma_start3A_649 : memref<80x128xf32, #tpu.memory_space<vmem>>) offsets(%dma_start3A_652 : memref<80xi32, #tpu.memory_space<vmem>>) semaphore(%arg26 : memref<!tpu.dma_semaphore, #tpu.memory_space<semaphore_mem>>)
    %dma_wait3A_656 = arith.constant 0 : i32
    %dma_wait3A_657 = arith.constant 0 : i32
    %dma_wait3A_658 = arith.constant 0 : i32
    %dma_wait3A_659 = tpu.memref_slice %arg22[%dma_wait3A_657, %dma_wait3A_658] : memref<400x128xf32, #tpu.memory_space<vmem>> -> memref<80x128xf32, #tpu.memory_space<vmem>>
    %dma_wait3A_660 = arith.constant 0 : i32
    %dma_wait3A_661 = tpu.memref_slice %arg20[%dma_wait3A_656, %dma_wait3A_660] : memref<5x80xi32, #tpu.memory_space<vmem>> -> memref<1x80xi32, #tpu.memory_space<vmem>>
    %dma_wait3A_662 = tpu.memref_squeeze %dma_wait3A_661 : memref<1x80xi32, #tpu.memory_space<vmem>> -> memref<80xi32, #tpu.memory_space<vmem>>
    %dma_wait3A_663 = arith.constant 0 : i32
    %dma_wait3A_664 = arith.constant 0 : i32
    %dma_wait3A_665 = tpu.memref_slice %arg13[%dma_wait3A_663, %dma_wait3A_664] : memref<60x128xf32, #tpu.memory_space<vmem_shared>> -> memref<60x128xf32, #tpu.memory_space<vmem_shared>>
    tpu.wait_indirect_dma semaphore(%arg26 : memref<!tpu.dma_semaphore, #tpu.memory_space<semaphore_mem>>) src(%dma_wait3A_665 : memref<60x128xf32, #tpu.memory_space<vmem_shared>>) dst(%dma_wait3A_659 : memref<80x128xf32, #tpu.memory_space<vmem>>)
    %dma_wait3A_666 = arith.constant 0 : i32
    %dma_wait3A_667 = arith.constant 0 : i32
    %dma_wait3A_668 = arith.constant 0 : i32
    %dma_wait3A_669 = tpu.memref_slice %arg22[%dma_wait3A_667, %dma_wait3A_668] : memref<400x128xf32, #tpu.memory_space<vmem>> -> memref<80x128xf32, #tpu.memory_space<vmem>>
    %dma_wait3A_670 = arith.constant 0 : i32
    %dma_wait3A_671 = tpu.memref_slice %arg20[%dma_wait3A_666, %dma_wait3A_670] : memref<5x80xi32, #tpu.memory_space<vmem>> -> memref<1x80xi32, #tpu.memory_space<vmem>>
    %dma_wait3A_672 = tpu.memref_squeeze %dma_wait3A_671 : memref<1x80xi32, #tpu.memory_space<vmem>> -> memref<80xi32, #tpu.memory_space<vmem>>
    %dma_wait3A_673 = arith.constant 0 : i32
    %dma_wait3A_674 = arith.constant 0 : i32
    %dma_wait3A_675 = tpu.memref_slice %arg13[%dma_wait3A_673, %dma_wait3A_674] : memref<60x128xf32, #tpu.memory_space<vmem_shared>> -> memref<60x128xf32, #tpu.memory_space<vmem_shared>>
    tpu.wait_indirect_dma semaphore(%arg26 : memref<!tpu.dma_semaphore, #tpu.memory_space<semaphore_mem>>) src(%dma_wait3A_675 : memref<60x128xf32, #tpu.memory_space<vmem_shared>>) dst(%dma_wait3A_669 : memref<80x128xf32, #tpu.memory_space<vmem>>)
    %dma_wait3A_676 = arith.constant 0 : i32
    %dma_wait3A_677 = arith.constant 0 : i32
    %dma_wait3A_678 = arith.constant 0 : i32
    %dma_wait3A_679 = tpu.memref_slice %arg22[%dma_wait3A_677, %dma_wait3A_678] : memref<400x128xf32, #tpu.memory_space<vmem>> -> memref<80x128xf32, #tpu.memory_space<vmem>>
    %dma_wait3A_680 = arith.constant 0 : i32
    %dma_wait3A_681 = tpu.memref_slice %arg20[%dma_wait3A_676, %dma_wait3A_680] : memref<5x80xi32, #tpu.memory_space<vmem>> -> memref<1x80xi32, #tpu.memory_space<vmem>>
    %dma_wait3A_682 = tpu.memref_squeeze %dma_wait3A_681 : memref<1x80xi32, #tpu.memory_space<vmem>> -> memref<80xi32, #tpu.memory_space<vmem>>
    %dma_wait3A_683 = arith.constant 0 : i32
    %dma_wait3A_684 = arith.constant 0 : i32
    %dma_wait3A_685 = tpu.memref_slice %arg13[%dma_wait3A_683, %dma_wait3A_684] : memref<60x128xf32, #tpu.memory_space<vmem_shared>> -> memref<60x128xf32, #tpu.memory_space<vmem_shared>>
    tpu.wait_indirect_dma semaphore(%arg26 : memref<!tpu.dma_semaphore, #tpu.memory_space<semaphore_mem>>) src(%dma_wait3A_685 : memref<60x128xf32, #tpu.memory_space<vmem_shared>>) dst(%dma_wait3A_679 : memref<80x128xf32, #tpu.memory_space<vmem>>)
    %dma_wait3A_686 = arith.constant 0 : i32
    %dma_wait3A_687 = arith.constant 0 : i32
    %dma_wait3A_688 = arith.constant 0 : i32
    %dma_wait3A_689 = tpu.memref_slice %arg22[%dma_wait3A_687, %dma_wait3A_688] : memref<400x128xf32, #tpu.memory_space<vmem>> -> memref<80x128xf32, #tpu.memory_space<vmem>>
    %dma_wait3A_690 = arith.constant 0 : i32
    %dma_wait3A_691 = tpu.memref_slice %arg20[%dma_wait3A_686, %dma_wait3A_690] : memref<5x80xi32, #tpu.memory_space<vmem>> -> memref<1x80xi32, #tpu.memory_space<vmem>>
    %dma_wait3A_692 = tpu.memref_squeeze %dma_wait3A_691 : memref<1x80xi32, #tpu.memory_space<vmem>> -> memref<80xi32, #tpu.memory_space<vmem>>
    %dma_wait3A_693 = arith.constant 0 : i32
    %dma_wait3A_694 = arith.constant 0 : i32
    %dma_wait3A_695 = tpu.memref_slice %arg13[%dma_wait3A_693, %dma_wait3A_694] : memref<60x128xf32, #tpu.memory_space<vmem_shared>> -> memref<60x128xf32, #tpu.memory_space<vmem_shared>>
    tpu.wait_indirect_dma semaphore(%arg26 : memref<!tpu.dma_semaphore, #tpu.memory_space<semaphore_mem>>) src(%dma_wait3A_695 : memref<60x128xf32, #tpu.memory_space<vmem_shared>>) dst(%dma_wait3A_689 : memref<80x128xf32, #tpu.memory_space<vmem>>)
    %dma_wait3A_696 = arith.constant 0 : i32
    %dma_wait3A_697 = arith.constant 0 : i32
    %dma_wait3A_698 = arith.constant 0 : i32
    %dma_wait3A_699 = tpu.memref_slice %arg22[%dma_wait3A_697, %dma_wait3A_698] : memref<400x128xf32, #tpu.memory_space<vmem>> -> memref<80x128xf32, #tpu.memory_space<vmem>>
    %dma_wait3A_700 = arith.constant 0 : i32
    %dma_wait3A_701 = tpu.memref_slice %arg20[%dma_wait3A_696, %dma_wait3A_700] : memref<5x80xi32, #tpu.memory_space<vmem>> -> memref<1x80xi32, #tpu.memory_space<vmem>>
    %dma_wait3A_702 = tpu.memref_squeeze %dma_wait3A_701 : memref<1x80xi32, #tpu.memory_space<vmem>> -> memref<80xi32, #tpu.memory_space<vmem>>
    %dma_wait3A_703 = arith.constant 0 : i32
    %dma_wait3A_704 = arith.constant 0 : i32
    %dma_wait3A_705 = tpu.memref_slice %arg13[%dma_wait3A_703, %dma_wait3A_704] : memref<60x128xf32, #tpu.memory_space<vmem_shared>> -> memref<60x128xf32, #tpu.memory_space<vmem_shared>>
    tpu.wait_indirect_dma semaphore(%arg26 : memref<!tpu.dma_semaphore, #tpu.memory_space<semaphore_mem>>) src(%dma_wait3A_705 : memref<60x128xf32, #tpu.memory_space<vmem_shared>>) dst(%dma_wait3A_699 : memref<80x128xf32, #tpu.memory_space<vmem>>)
    %mul3A_706 = arith.constant 10000 : i32
    %mul3A_707 = arith.muli %add3A, %mul3A_706 : i32
    %add3A_708 = arith.constant 0 : i32
    %add3A_709 = arith.addi %mul3A_707, %add3A_708 : i32
    %dma_start3A_710 = arith.constant 0 : i32
    %dma_start3A_711 = tpu.memref_slice %arg8[%add3A_709, %dma_start3A_710] : memref<320000x128xf32, #tpu.memory_space<hbm>> -> memref<400x128xf32, #tpu.memory_space<hbm>>
    %dma_start3A_712 = arith.constant 0 : i32
    %dma_start3A_713 = tpu.memref_slice %arg8[%add3A_709, %dma_start3A_712] : memref<320000x128xf32, #tpu.memory_space<hbm>> -> memref<400x128xf32, #tpu.memory_space<hbm>>
    tpu.enqueue_dma source(%arg22 : memref<400x128xf32, #tpu.memory_space<vmem>>) target(%dma_start3A_713 : memref<400x128xf32, #tpu.memory_space<hbm>>) target_semaphore(%arg28 : memref<!tpu.dma_semaphore, #tpu.memory_space<semaphore_mem>>)
    %mul3A_714 = arith.constant 10000 : i32
    %mul3A_715 = arith.muli %add3A, %mul3A_714 : i32
    %add3A_716 = arith.constant 800 : i32
    %add3A_717 = arith.addi %mul3A_715, %add3A_716 : i32
    %dma_start3A_718 = tpu.memref_slice %arg2[%add3A_717] : memref<320000xi32, #tpu.memory_space<hbm>> -> memref<400xi32, #tpu.memory_space<hbm>>
    %dma_start3A_719 = tpu.memref_slice %arg2[%add3A_717] : memref<320000xi32, #tpu.memory_space<hbm>> -> memref<400xi32, #tpu.memory_space<hbm>>
    tpu.enqueue_dma source(%dma_start3A_719 : memref<400xi32, #tpu.memory_space<hbm>>) target(%arg14 : memref<400xi32, #tpu.memory_space<vmem>>) target_semaphore(%arg24 : memref<!tpu.dma_semaphore, #tpu.memory_space<semaphore_mem>>)
    %dma_start3A_720 = tpu.memref_slice %arg3[%add3A_717] : memref<320000xi32, #tpu.memory_space<hbm>> -> memref<400xi32, #tpu.memory_space<hbm>>
    %dma_start3A_721 = tpu.memref_slice %arg3[%add3A_717] : memref<320000xi32, #tpu.memory_space<hbm>> -> memref<400xi32, #tpu.memory_space<hbm>>
    tpu.enqueue_dma source(%dma_start3A_721 : memref<400xi32, #tpu.memory_space<hbm>>) target(%arg15 : memref<400xi32, #tpu.memory_space<vmem>>) target_semaphore(%arg24 : memref<!tpu.dma_semaphore, #tpu.memory_space<semaphore_mem>>)
    %dma_start3A_722 = tpu.memref_slice %arg4[%add3A_717] : memref<320000xi32, #tpu.memory_space<hbm>> -> memref<400xi32, #tpu.memory_space<hbm>>
    %dma_start3A_723 = tpu.memref_slice %arg4[%add3A_717] : memref<320000xi32, #tpu.memory_space<hbm>> -> memref<400xi32, #tpu.memory_space<hbm>>
    tpu.enqueue_dma source(%dma_start3A_723 : memref<400xi32, #tpu.memory_space<hbm>>) target(%arg16 : memref<400xi32, #tpu.memory_space<vmem>>) target_semaphore(%arg24 : memref<!tpu.dma_semaphore, #tpu.memory_space<semaphore_mem>>)
    %dma_wait3A_724 = arith.constant 0 : i32
    %dma_wait3A_725 = tpu.memref_slice %arg2[%dma_wait3A_724] : memref<320000xi32, #tpu.memory_space<hbm>> -> memref<400xi32, #tpu.memory_space<hbm>>
    %dma_wait3A_726 = arith.constant 0 : i32
    %dma_wait3A_727 = tpu.memref_slice %arg2[%dma_wait3A_726] : memref<320000xi32, #tpu.memory_space<hbm>> -> memref<400xi32, #tpu.memory_space<hbm>>
    tpu.wait_dma2 semaphore(%arg25 : memref<!tpu.dma_semaphore, #tpu.memory_space<semaphore_mem>>) src(%dma_wait3A_727 : memref<400xi32, #tpu.memory_space<hbm>>) dst(%arg17 : memref<400xi32, #tpu.memory_space<vmem>>)
    %dma_wait3A_728 = arith.constant 0 : i32
    %dma_wait3A_729 = tpu.memref_slice %arg2[%dma_wait3A_728] : memref<320000xi32, #tpu.memory_space<hbm>> -> memref<400xi32, #tpu.memory_space<hbm>>
    %dma_wait3A_730 = arith.constant 0 : i32
    %dma_wait3A_731 = tpu.memref_slice %arg2[%dma_wait3A_730] : memref<320000xi32, #tpu.memory_space<hbm>> -> memref<400xi32, #tpu.memory_space<hbm>>
    tpu.wait_dma2 semaphore(%arg25 : memref<!tpu.dma_semaphore, #tpu.memory_space<semaphore_mem>>) src(%dma_wait3A_731 : memref<400xi32, #tpu.memory_space<hbm>>) dst(%arg18 : memref<400xi32, #tpu.memory_space<vmem>>)
    %dma_wait3A_732 = arith.constant 0 : i32
    %dma_wait3A_733 = tpu.memref_slice %arg2[%dma_wait3A_732] : memref<320000xi32, #tpu.memory_space<hbm>> -> memref<400xi32, #tpu.memory_space<hbm>>
    %dma_wait3A_734 = arith.constant 0 : i32
    %dma_wait3A_735 = tpu.memref_slice %arg2[%dma_wait3A_734] : memref<320000xi32, #tpu.memory_space<hbm>> -> memref<400xi32, #tpu.memory_space<hbm>>
    tpu.wait_dma2 semaphore(%arg25 : memref<!tpu.dma_semaphore, #tpu.memory_space<semaphore_mem>>) src(%dma_wait3A_735 : memref<400xi32, #tpu.memory_space<hbm>>) dst(%arg19 : memref<400xi32, #tpu.memory_space<vmem>>)
    %get3A_736 = arith.constant 0 : index
    %get3A_737 = tpu.vector_load %arg17[%get3A_736] {strides = array<i32>} : memref<400xi32, #tpu.memory_space<vmem>>, vector<16xi32>,
    %get3A_738 = vector.shape_cast %get3A_737 : vector<16xi32> to vector<16xi32>
    %mul3A_739 = arith.constant 6 : i32
    %mul3A_740 = vector.broadcast %mul3A_739 : i32 to vector<16xi32>
    %mul3A_741 = arith.muli %get3A_738, %mul3A_740 : vector<16xi32>
    %get3A_742 = arith.constant 0 : index
    %get3A_743 = tpu.vector_load %arg18[%get3A_742] {strides = array<i32>} : memref<400xi32, #tpu.memory_space<vmem>>, vector<16xi32>,
    %get3A_744 = vector.shape_cast %get3A_743 : vector<16xi32> to vector<16xi32>
    %add3A_745 = arith.addi %mul3A_741, %get3A_744 : vector<16xi32>
    %mul3A_746 = arith.constant 2 : i32
    %mul3A_747 = vector.broadcast %mul3A_746 : i32 to vector<16xi32>
    %mul3A_748 = arith.muli %add3A_745, %mul3A_747 : vector<16xi32>
    %get3A_749 = arith.constant 0 : index
    %get3A_750 = tpu.vector_load %arg19[%get3A_749] {strides = array<i32>} : memref<400xi32, #tpu.memory_space<vmem>>, vector<16xi32>,
    %get3A_751 = vector.shape_cast %get3A_750 : vector<16xi32> to vector<16xi32>
    %add3A_752 = arith.addi %mul3A_748, %get3A_751 : vector<16xi32>
    %swap3A_753 = arith.constant 0 : i32
    %swap3A_754 = arith.index_cast %swap3A_753 : i32 to index
    %swap3A_755 = arith.constant 0 : index
    %swap3A_756 = tpu.vector_load %arg21[%swap3A_754, %swap3A_755] {strides = array<i32>} : memref<5x80xi32, #tpu.memory_space<vmem>>, vector<1x16xi32>,
    %swap3A_757 = vector.shape_cast %swap3A_756 : vector<1x16xi32> to vector<16xi32>
    %swap3A_758 = vector.shape_cast %add3A_752 : vector<16xi32> to vector<1x16xi32>
    tpu.vector_store %arg21[%swap3A_754, %swap3A_755], %swap3A_758 {strides = array<i32>} : memref<5x80xi32, #tpu.memory_space<vmem>>, vector<1x16xi32>,
    %get3A_759 = arith.constant 16 : index
    %get3A_760 = tpu.vector_load %arg17[%get3A_759] {strides = array<i32>} : memref<400xi32, #tpu.memory_space<vmem>>, vector<16xi32>,
    %get3A_761 = vector.shape_cast %get3A_760 : vector<16xi32> to vector<16xi32>
    %mul3A_762 = arith.constant 6 : i32
    %mul3A_763 = vector.broadcast %mul3A_762 : i32 to vector<16xi32>
    %mul3A_764 = arith.muli %get3A_761, %mul3A_763 : vector<16xi32>
    %get3A_765 = arith.constant 16 : index
    %get3A_766 = tpu.vector_load %arg18[%get3A_765] {strides = array<i32>} : memref<400xi32, #tpu.memory_space<vmem>>, vector<16xi32>,
    %get3A_767 = vector.shape_cast %get3A_766 : vector<16xi32> to vector<16xi32>
    %add3A_768 = arith.addi %mul3A_764, %get3A_767 : vector<16xi32>
    %mul3A_769 = arith.constant 2 : i32
    %mul3A_770 = vector.broadcast %mul3A_769 : i32 to vector<16xi32>
    %mul3A_771 = arith.muli %add3A_768, %mul3A_770 : vector<16xi32>
    %get3A_772 = arith.constant 16 : index
    %get3A_773 = tpu.vector_load %arg19[%get3A_772] {strides = array<i32>} : memref<400xi32, #tpu.memory_space<vmem>>, vector<16xi32>,
    %get3A_774 = vector.shape_cast %get3A_773 : vector<16xi32> to vector<16xi32>
    %add3A_775 = arith.addi %mul3A_771, %get3A_774 : vector<16xi32>
    %swap3A_776 = arith.constant 0 : i32
    %swap3A_777 = arith.index_cast %swap3A_776 : i32 to index
    %swap3A_778 = arith.constant 16 : index
    %swap3A_779 = tpu.vector_load %arg21[%swap3A_777, %swap3A_778] {strides = array<i32>} : memref<5x80xi32, #tpu.memory_space<vmem>>, vector<1x16xi32>,
    %swap3A_780 = vector.shape_cast %swap3A_779 : vector<1x16xi32> to vector<16xi32>
    %swap3A_781 = vector.shape_cast %add3A_775 : vector<16xi32> to vector<1x16xi32>
    tpu.vector_store %arg21[%swap3A_777, %swap3A_778], %swap3A_781 {strides = array<i32>} : memref<5x80xi32, #tpu.memory_space<vmem>>, vector<1x16xi32>,
    %get3A_782 = arith.constant 32 : index
    %get3A_783 = tpu.vector_load %arg17[%get3A_782] {strides = array<i32>} : memref<400xi32, #tpu.memory_space<vmem>>, vector<16xi32>,
    %get3A_784 = vector.shape_cast %get3A_783 : vector<16xi32> to vector<16xi32>
    %mul3A_785 = arith.constant 6 : i32
    %mul3A_786 = vector.broadcast %mul3A_785 : i32 to vector<16xi32>
    %mul3A_787 = arith.muli %get3A_784, %mul3A_786 : vector<16xi32>
    %get3A_788 = arith.constant 32 : index
    %get3A_789 = tpu.vector_load %arg18[%get3A_788] {strides = array<i32>} : memref<400xi32, #tpu.memory_space<vmem>>, vector<16xi32>,
    %get3A_790 = vector.shape_cast %get3A_789 : vector<16xi32> to vector<16xi32>
    %add3A_791 = arith.addi %mul3A_787, %get3A_790 : vector<16xi32>
    %mul3A_792 = arith.constant 2 : i32
    %mul3A_793 = vector.broadcast %mul3A_792 : i32 to vector<16xi32>
    %mul3A_794 = arith.muli %add3A_791, %mul3A_793 : vector<16xi32>
    %get3A_795 = arith.constant 32 : index
    %get3A_796 = tpu.vector_load %arg19[%get3A_795] {strides = array<i32>} : memref<400xi32, #tpu.memory_space<vmem>>, vector<16xi32>,
    %get3A_797 = vector.shape_cast %get3A_796 : vector<16xi32> to vector<16xi32>
    %add3A_798 = arith.addi %mul3A_794, %get3A_797 : vector<16xi32>
    %swap3A_799 = arith.constant 0 : i32
    %swap3A_800 = arith.index_cast %swap3A_799 : i32 to index
    %swap3A_801 = arith.constant 32 : index
    %swap3A_802 = tpu.vector_load %arg21[%swap3A_800, %swap3A_801] {strides = array<i32>} : memref<5x80xi32, #tpu.memory_space<vmem>>, vector<1x16xi32>,
    %swap3A_803 = vector.shape_cast %swap3A_802 : vector<1x16xi32> to vector<16xi32>
    %swap3A_804 = vector.shape_cast %add3A_798 : vector<16xi32> to vector<1x16xi32>
    tpu.vector_store %arg21[%swap3A_800, %swap3A_801], %swap3A_804 {strides = array<i32>} : memref<5x80xi32, #tpu.memory_space<vmem>>, vector<1x16xi32>,
    %get3A_805 = arith.constant 48 : index
    %get3A_806 = tpu.vector_load %arg17[%get3A_805] {strides = array<i32>} : memref<400xi32, #tpu.memory_space<vmem>>, vector<16xi32>,
    %get3A_807 = vector.shape_cast %get3A_806 : vector<16xi32> to vector<16xi32>
    %mul3A_808 = arith.constant 6 : i32
    %mul3A_809 = vector.broadcast %mul3A_808 : i32 to vector<16xi32>
    %mul3A_810 = arith.muli %get3A_807, %mul3A_809 : vector<16xi32>
    %get3A_811 = arith.constant 48 : index
    %get3A_812 = tpu.vector_load %arg18[%get3A_811] {strides = array<i32>} : memref<400xi32, #tpu.memory_space<vmem>>, vector<16xi32>,
    %get3A_813 = vector.shape_cast %get3A_812 : vector<16xi32> to vector<16xi32>
    %add3A_814 = arith.addi %mul3A_810, %get3A_813 : vector<16xi32>
    %mul3A_815 = arith.constant 2 : i32
    %mul3A_816 = vector.broadcast %mul3A_815 : i32 to vector<16xi32>
    %mul3A_817 = arith.muli %add3A_814, %mul3A_816 : vector<16xi32>
    %get3A_818 = arith.constant 48 : index
    %get3A_819 = tpu.vector_load %arg19[%get3A_818] {strides = array<i32>} : memref<400xi32, #tpu.memory_space<vmem>>, vector<16xi32>,
    %get3A_820 = vector.shape_cast %get3A_819 : vector<16xi32> to vector<16xi32>
    %add3A_821 = arith.addi %mul3A_817, %get3A_820 : vector<16xi32>
    %swap3A_822 = arith.constant 0 : i32
    %swap3A_823 = arith.index_cast %swap3A_822 : i32 to index
    %swap3A_824 = arith.constant 48 : index
    %swap3A_825 = tpu.vector_load %arg21[%swap3A_823, %swap3A_824] {strides = array<i32>} : memref<5x80xi32, #tpu.memory_space<vmem>>, vector<1x16xi32>,
    %swap3A_826 = vector.shape_cast %swap3A_825 : vector<1x16xi32> to vector<16xi32>
    %swap3A_827 = vector.shape_cast %add3A_821 : vector<16xi32> to vector<1x16xi32>
    tpu.vector_store %arg21[%swap3A_823, %swap3A_824], %swap3A_827 {strides = array<i32>} : memref<5x80xi32, #tpu.memory_space<vmem>>, vector<1x16xi32>,
    %get3A_828 = arith.constant 64 : index
    %get3A_829 = tpu.vector_load %arg17[%get3A_828] {strides = array<i32>} : memref<400xi32, #tpu.memory_space<vmem>>, vector<16xi32>,
    %get3A_830 = vector.shape_cast %get3A_829 : vector<16xi32> to vector<16xi32>
    %mul3A_831 = arith.constant 6 : i32
    %mul3A_832 = vector.broadcast %mul3A_831 : i32 to vector<16xi32>
    %mul3A_833 = arith.muli %get3A_830, %mul3A_832 : vector<16xi32>
    %get3A_834 = arith.constant 64 : index
    %get3A_835 = tpu.vector_load %arg18[%get3A_834] {strides = array<i32>} : memref<400xi32, #tpu.memory_space<vmem>>, vector<16xi32>,
    %get3A_836 = vector.shape_cast %get3A_835 : vector<16xi32> to vector<16xi32>
    %add3A_837 = arith.addi %mul3A_833, %get3A_836 : vector<16xi32>
    %mul3A_838 = arith.constant 2 : i32
    %mul3A_839 = vector.broadcast %mul3A_838 : i32 to vector<16xi32>
    %mul3A_840 = arith.muli %add3A_837, %mul3A_839 : vector<16xi32>
    %get3A_841 = arith.constant 64 : index
    %get3A_842 = tpu.vector_load %arg19[%get3A_841] {strides = array<i32>} : memref<400xi32, #tpu.memory_space<vmem>>, vector<16xi32>,
    %get3A_843 = vector.shape_cast %get3A_842 : vector<16xi32> to vector<16xi32>
    %add3A_844 = arith.addi %mul3A_840, %get3A_843 : vector<16xi32>
    %swap3A_845 = arith.constant 0 : i32
    %swap3A_846 = arith.index_cast %swap3A_845 : i32 to index
    %swap3A_847 = arith.constant 64 : index
    %swap3A_848 = tpu.vector_load %arg21[%swap3A_846, %swap3A_847] {strides = array<i32>} : memref<5x80xi32, #tpu.memory_space<vmem>>, vector<1x16xi32>,
    %swap3A_849 = vector.shape_cast %swap3A_848 : vector<1x16xi32> to vector<16xi32>
    %swap3A_850 = vector.shape_cast %add3A_844 : vector<16xi32> to vector<1x16xi32>
    tpu.vector_store %arg21[%swap3A_846, %swap3A_847], %swap3A_850 {strides = array<i32>} : memref<5x80xi32, #tpu.memory_space<vmem>>, vector<1x16xi32>,
    %get3A_851 = arith.constant 80 : index
    %get3A_852 = tpu.vector_load %arg17[%get3A_851] {strides = array<i32>} : memref<400xi32, #tpu.memory_space<vmem>>, vector<16xi32>,
    %get3A_853 = vector.shape_cast %get3A_852 : vector<16xi32> to vector<16xi32>
    %mul3A_854 = arith.constant 6 : i32
    %mul3A_855 = vector.broadcast %mul3A_854 : i32 to vector<16xi32>
    %mul3A_856 = arith.muli %get3A_853, %mul3A_855 : vector<16xi32>
    %get3A_857 = arith.constant 80 : index
    %get3A_858 = tpu.vector_load %arg18[%get3A_857] {strides = array<i32>} : memref<400xi32, #tpu.memory_space<vmem>>, vector<16xi32>,
    %get3A_859 = vector.shape_cast %get3A_858 : vector<16xi32> to vector<16xi32>
    %add3A_860 = arith.addi %mul3A_856, %get3A_859 : vector<16xi32>
    %mul3A_861 = arith.constant 2 : i32
    %mul3A_862 = vector.broadcast %mul3A_861 : i32 to vector<16xi32>
    %mul3A_863 = arith.muli %add3A_860, %mul3A_862 : vector<16xi32>
    %get3A_864 = arith.constant 80 : index
    %get3A_865 = tpu.vector_load %arg19[%get3A_864] {strides = array<i32>} : memref<400xi32, #tpu.memory_space<vmem>>, vector<16xi32>,
    %get3A_866 = vector.shape_cast %get3A_865 : vector<16xi32> to vector<16xi32>
    %add3A_867 = arith.addi %mul3A_863, %get3A_866 : vector<16xi32>
    %swap3A_868 = arith.constant 1 : i32
    %swap3A_869 = arith.index_cast %swap3A_868 : i32 to index
    %swap3A_870 = arith.constant 0 : index
    %swap3A_871 = tpu.vector_load %arg21[%swap3A_869, %swap3A_870] {strides = array<i32>} : memref<5x80xi32, #tpu.memory_space<vmem>>, vector<1x16xi32>,
    %swap3A_872 = vector.shape_cast %swap3A_871 : vector<1x16xi32> to vector<16xi32>
    %swap3A_873 = vector.shape_cast %add3A_867 : vector<16xi32> to vector<1x16xi32>
    tpu.vector_store %arg21[%swap3A_869, %swap3A_870], %swap3A_873 {strides = array<i32>} : memref<5x80xi32, #tpu.memory_space<vmem>>, vector<1x16xi32>,
    %get3A_874 = arith.constant 96 : index
    %get3A_875 = tpu.vector_load %arg17[%get3A_874] {strides = array<i32>} : memref<400xi32, #tpu.memory_space<vmem>>, vector<16xi32>,
    %get3A_876 = vector.shape_cast %get3A_875 : vector<16xi32> to vector<16xi32>
    %mul3A_877 = arith.constant 6 : i32
    %mul3A_878 = vector.broadcast %mul3A_877 : i32 to vector<16xi32>
    %mul3A_879 = arith.muli %get3A_876, %mul3A_878 : vector<16xi32>
    %get3A_880 = arith.constant 96 : index
    %get3A_881 = tpu.vector_load %arg18[%get3A_880] {strides = array<i32>} : memref<400xi32, #tpu.memory_space<vmem>>, vector<16xi32>,
    %get3A_882 = vector.shape_cast %get3A_881 : vector<16xi32> to vector<16xi32>
    %add3A_883 = arith.addi %mul3A_879, %get3A_882 : vector<16xi32>
    %mul3A_884 = arith.constant 2 : i32
    %mul3A_885 = vector.broadcast %mul3A_884 : i32 to vector<16xi32>
    %mul3A_886 = arith.muli %add3A_883, %mul3A_885 : vector<16xi32>
    %get3A_887 = arith.constant 96 : index
    %get3A_888 = tpu.vector_load %arg19[%get3A_887] {strides = array<i32>} : memref<400xi32, #tpu.memory_space<vmem>>, vector<16xi32>,
    %get3A_889 = vector.shape_cast %get3A_888 : vector<16xi32> to vector<16xi32>
    %add3A_890 = arith.addi %mul3A_886, %get3A_889 : vector<16xi32>
    %swap3A_891 = arith.constant 1 : i32
    %swap3A_892 = arith.index_cast %swap3A_891 : i32 to index
    %swap3A_893 = arith.constant 16 : index
    %swap3A_894 = tpu.vector_load %arg21[%swap3A_892, %swap3A_893] {strides = array<i32>} : memref<5x80xi32, #tpu.memory_space<vmem>>, vector<1x16xi32>,
    %swap3A_895 = vector.shape_cast %swap3A_894 : vector<1x16xi32> to vector<16xi32>
    %swap3A_896 = vector.shape_cast %add3A_890 : vector<16xi32> to vector<1x16xi32>
    tpu.vector_store %arg21[%swap3A_892, %swap3A_893], %swap3A_896 {strides = array<i32>} : memref<5x80xi32, #tpu.memory_space<vmem>>, vector<1x16xi32>,
    %get3A_897 = arith.constant 112 : index
    %get3A_898 = tpu.vector_load %arg17[%get3A_897] {strides = array<i32>} : memref<400xi32, #tpu.memory_space<vmem>>, vector<16xi32>,
    %get3A_899 = vector.shape_cast %get3A_898 : vector<16xi32> to vector<16xi32>
    %mul3A_900 = arith.constant 6 : i32
    %mul3A_901 = vector.broadcast %mul3A_900 : i32 to vector<16xi32>
    %mul3A_902 = arith.muli %get3A_899, %mul3A_901 : vector<16xi32>
    %get3A_903 = arith.constant 112 : index
    %get3A_904 = tpu.vector_load %arg18[%get3A_903] {strides = array<i32>} : memref<400xi32, #tpu.memory_space<vmem>>, vector<16xi32>,
    %get3A_905 = vector.shape_cast %get3A_904 : vector<16xi32> to vector<16xi32>
    %add3A_906 = arith.addi %mul3A_902, %get3A_905 : vector<16xi32>
    %mul3A_907 = arith.constant 2 : i32
    %mul3A_908 = vector.broadcast %mul3A_907 : i32 to vector<16xi32>
    %mul3A_909 = arith.muli %add3A_906, %mul3A_908 : vector<16xi32>
    %get3A_910 = arith.constant 112 : index
    %get3A_911 = tpu.vector_load %arg19[%get3A_910] {strides = array<i32>} : memref<400xi32, #tpu.memory_space<vmem>>, vector<16xi32>,
    %get3A_912 = vector.shape_cast %get3A_911 : vector<16xi32> to vector<16xi32>
    %add3A_913 = arith.addi %mul3A_909, %get3A_912 : vector<16xi32>
    %swap3A_914 = arith.constant 1 : i32
    %swap3A_915 = arith.index_cast %swap3A_914 : i32 to index
    %swap3A_916 = arith.constant 32 : index
    %swap3A_917 = tpu.vector_load %arg21[%swap3A_915, %swap3A_916] {strides = array<i32>} : memref<5x80xi32, #tpu.memory_space<vmem>>, vector<1x16xi32>,
    %swap3A_918 = vector.shape_cast %swap3A_917 : vector<1x16xi32> to vector<16xi32>
    %swap3A_919 = vector.shape_cast %add3A_913 : vector<16xi32> to vector<1x16xi32>
    tpu.vector_store %arg21[%swap3A_915, %swap3A_916], %swap3A_919 {strides = array<i32>} : memref<5x80xi32, #tpu.memory_space<vmem>>, vector<1x16xi32>,
    %get3A_920 = arith.constant 128 : index
    %get3A_921 = tpu.vector_load %arg17[%get3A_920] {strides = array<i32>} : memref<400xi32, #tpu.memory_space<vmem>>, vector<16xi32>,
    %get3A_922 = vector.shape_cast %get3A_921 : vector<16xi32> to vector<16xi32>
    %mul3A_923 = arith.constant 6 : i32
    %mul3A_924 = vector.broadcast %mul3A_923 : i32 to vector<16xi32>
    %mul3A_925 = arith.muli %get3A_922, %mul3A_924 : vector<16xi32>
    %get3A_926 = arith.constant 128 : index
    %get3A_927 = tpu.vector_load %arg18[%get3A_926] {strides = array<i32>} : memref<400xi32, #tpu.memory_space<vmem>>, vector<16xi32>,
    %get3A_928 = vector.shape_cast %get3A_927 : vector<16xi32> to vector<16xi32>
    %add3A_929 = arith.addi %mul3A_925, %get3A_928 : vector<16xi32>
    %mul3A_930 = arith.constant 2 : i32
    %mul3A_931 = vector.broadcast %mul3A_930 : i32 to vector<16xi32>
    %mul3A_932 = arith.muli %add3A_929, %mul3A_931 : vector<16xi32>
    %get3A_933 = arith.constant 128 : index
    %get3A_934 = tpu.vector_load %arg19[%get3A_933] {strides = array<i32>} : memref<400xi32, #tpu.memory_space<vmem>>, vector<16xi32>,
    %get3A_935 = vector.shape_cast %get3A_934 : vector<16xi32> to vector<16xi32>
    %add3A_936 = arith.addi %mul3A_932, %get3A_935 : vector<16xi32>
    %swap3A_937 = arith.constant 1 : i32
    %swap3A_938 = arith.index_cast %swap3A_937 : i32 to index
    %swap3A_939 = arith.constant 48 : index
    %swap3A_940 = tpu.vector_load %arg21[%swap3A_938, %swap3A_939] {strides = array<i32>} : memref<5x80xi32, #tpu.memory_space<vmem>>, vector<1x16xi32>,
    %swap3A_941 = vector.shape_cast %swap3A_940 : vector<1x16xi32> to vector<16xi32>
    %swap3A_942 = vector.shape_cast %add3A_936 : vector<16xi32> to vector<1x16xi32>
    tpu.vector_store %arg21[%swap3A_938, %swap3A_939], %swap3A_942 {strides = array<i32>} : memref<5x80xi32, #tpu.memory_space<vmem>>, vector<1x16xi32>,
    %get3A_943 = arith.constant 144 : index
    %get3A_944 = tpu.vector_load %arg17[%get3A_943] {strides = array<i32>} : memref<400xi32, #tpu.memory_space<vmem>>, vector<16xi32>,
    %get3A_945 = vector.shape_cast %get3A_944 : vector<16xi32> to vector<16xi32>
    %mul3A_946 = arith.constant 6 : i32
    %mul3A_947 = vector.broadcast %mul3A_946 : i32 to vector<16xi32>
    %mul3A_948 = arith.muli %get3A_945, %mul3A_947 : vector<16xi32>
    %get3A_949 = arith.constant 144 : index
    %get3A_950 = tpu.vector_load %arg18[%get3A_949] {strides = array<i32>} : memref<400xi32, #tpu.memory_space<vmem>>, vector<16xi32>,
    %get3A_951 = vector.shape_cast %get3A_950 : vector<16xi32> to vector<16xi32>
    %add3A_952 = arith.addi %mul3A_948, %get3A_951 : vector<16xi32>
    %mul3A_953 = arith.constant 2 : i32
    %mul3A_954 = vector.broadcast %mul3A_953 : i32 to vector<16xi32>
    %mul3A_955 = arith.muli %add3A_952, %mul3A_954 : vector<16xi32>
    %get3A_956 = arith.constant 144 : index
    %get3A_957 = tpu.vector_load %arg19[%get3A_956] {strides = array<i32>} : memref<400xi32, #tpu.memory_space<vmem>>, vector<16xi32>,
    %get3A_958 = vector.shape_cast %get3A_957 : vector<16xi32> to vector<16xi32>
    %add3A_959 = arith.addi %mul3A_955, %get3A_958 : vector<16xi32>
    %swap3A_960 = arith.constant 1 : i32
    %swap3A_961 = arith.index_cast %swap3A_960 : i32 to index
    %swap3A_962 = arith.constant 64 : index
    %swap3A_963 = tpu.vector_load %arg21[%swap3A_961, %swap3A_962] {strides = array<i32>} : memref<5x80xi32, #tpu.memory_space<vmem>>, vector<1x16xi32>,
    %swap3A_964 = vector.shape_cast %swap3A_963 : vector<1x16xi32> to vector<16xi32>
    %swap3A_965 = vector.shape_cast %add3A_959 : vector<16xi32> to vector<1x16xi32>
    tpu.vector_store %arg21[%swap3A_961, %swap3A_962], %swap3A_965 {strides = array<i32>} : memref<5x80xi32, #tpu.memory_space<vmem>>, vector<1x16xi32>,
    %get3A_966 = arith.constant 160 : index
    %get3A_967 = tpu.vector_load %arg17[%get3A_966] {strides = array<i32>} : memref<400xi32, #tpu.memory_space<vmem>>, vector<16xi32>,
    %get3A_968 = vector.shape_cast %get3A_967 : vector<16xi32> to vector<16xi32>
    %mul3A_969 = arith.constant 6 : i32
    %mul3A_970 = vector.broadcast %mul3A_969 : i32 to vector<16xi32>
    %mul3A_971 = arith.muli %get3A_968, %mul3A_970 : vector<16xi32>
    %get3A_972 = arith.constant 160 : index
    %get3A_973 = tpu.vector_load %arg18[%get3A_972] {strides = array<i32>} : memref<400xi32, #tpu.memory_space<vmem>>, vector<16xi32>,
    %get3A_974 = vector.shape_cast %get3A_973 : vector<16xi32> to vector<16xi32>
    %add3A_975 = arith.addi %mul3A_971, %get3A_974 : vector<16xi32>
    %mul3A_976 = arith.constant 2 : i32
    %mul3A_977 = vector.broadcast %mul3A_976 : i32 to vector<16xi32>
    %mul3A_978 = arith.muli %add3A_975, %mul3A_977 : vector<16xi32>
    %get3A_979 = arith.constant 160 : index
    %get3A_980 = tpu.vector_load %arg19[%get3A_979] {strides = array<i32>} : memref<400xi32, #tpu.memory_space<vmem>>, vector<16xi32>,
    %get3A_981 = vector.shape_cast %get3A_980 : vector<16xi32> to vector<16xi32>
    %add3A_982 = arith.addi %mul3A_978, %get3A_981 : vector<16xi32>
    %swap3A_983 = arith.constant 2 : i32
    %swap3A_984 = arith.index_cast %swap3A_983 : i32 to index
    %swap3A_985 = arith.constant 0 : index
    %swap3A_986 = tpu.vector_load %arg21[%swap3A_984, %swap3A_985] {strides = array<i32>} : memref<5x80xi32, #tpu.memory_space<vmem>>, vector<1x16xi32>,
    %swap3A_987 = vector.shape_cast %swap3A_986 : vector<1x16xi32> to vector<16xi32>
    %swap3A_988 = vector.shape_cast %add3A_982 : vector<16xi32> to vector<1x16xi32>
    tpu.vector_store %arg21[%swap3A_984, %swap3A_985], %swap3A_988 {strides = array<i32>} : memref<5x80xi32, #tpu.memory_space<vmem>>, vector<1x16xi32>,
    %get3A_989 = arith.constant 176 : index
    %get3A_990 = tpu.vector_load %arg17[%get3A_989] {strides = array<i32>} : memref<400xi32, #tpu.memory_space<vmem>>, vector<16xi32>,
    %get3A_991 = vector.shape_cast %get3A_990 : vector<16xi32> to vector<16xi32>
    %mul3A_992 = arith.constant 6 : i32
    %mul3A_993 = vector.broadcast %mul3A_992 : i32 to vector<16xi32>
    %mul3A_994 = arith.muli %get3A_991, %mul3A_993 : vector<16xi32>
    %get3A_995 = arith.constant 176 : index
    %get3A_996 = tpu.vector_load %arg18[%get3A_995] {strides = array<i32>} : memref<400xi32, #tpu.memory_space<vmem>>, vector<16xi32>,
    %get3A_997 = vector.shape_cast %get3A_996 : vector<16xi32> to vector<16xi32>
    %add3A_998 = arith.addi %mul3A_994, %get3A_997 : vector<16xi32>
    %mul3A_999 = arith.constant 2 : i32
    %mul3A_1000 = vector.broadcast %mul3A_999 : i32 to vector<16xi32>
    %mul3A_1001 = arith.muli %add3A_998, %mul3A_1000 : vector<16xi32>
    %get3A_1002 = arith.constant 176 : index
    %get3A_1003 = tpu.vector_load %arg19[%get3A_1002] {strides = array<i32>} : memref<400xi32, #tpu.memory_space<vmem>>, vector<16xi32>,
    %get3A_1004 = vector.shape_cast %get3A_1003 : vector<16xi32> to vector<16xi32>
    %add3A_1005 = arith.addi %mul3A_1001, %get3A_1004 : vector<16xi32>
    %swap3A_1006 = arith.constant 2 : i32
    %swap3A_1007 = arith.index_cast %swap3A_1006 : i32 to index
    %swap3A_1008 = arith.constant 16 : index
    %swap3A_1009 = tpu.vector_load %arg21[%swap3A_1007, %swap3A_1008] {strides = array<i32>} : memref<5x80xi32, #tpu.memory_space<vmem>>, vector<1x16xi32>,
    %swap3A_1010 = vector.shape_cast %swap3A_1009 : vector<1x16xi32> to vector<16xi32>
    %swap3A_1011 = vector.shape_cast %add3A_1005 : vector<16xi32> to vector<1x16xi32>
    tpu.vector_store %arg21[%swap3A_1007, %swap3A_1008], %swap3A_1011 {strides = array<i32>} : memref<5x80xi32, #tpu.memory_space<vmem>>, vector<1x16xi32>,
    %get3A_1012 = arith.constant 192 : index
    %get3A_1013 = tpu.vector_load %arg17[%get3A_1012] {strides = array<i32>} : memref<400xi32, #tpu.memory_space<vmem>>, vector<16xi32>,
    %get3A_1014 = vector.shape_cast %get3A_1013 : vector<16xi32> to vector<16xi32>
    %mul3A_1015 = arith.constant 6 : i32
    %mul3A_1016 = vector.broadcast %mul3A_1015 : i32 to vector<16xi32>
    %mul3A_1017 = arith.muli %get3A_1014, %mul3A_1016 : vector<16xi32>
    %get3A_1018 = arith.constant 192 : index
    %get3A_1019 = tpu.vector_load %arg18[%get3A_1018] {strides = array<i32>} : memref<400xi32, #tpu.memory_space<vmem>>, vector<16xi32>,
    %get3A_1020 = vector.shape_cast %get3A_1019 : vector<16xi32> to vector<16xi32>
    %add3A_1021 = arith.addi %mul3A_1017, %get3A_1020 : vector<16xi32>
    %mul3A_1022 = arith.constant 2 : i32
    %mul3A_1023 = vector.broadcast %mul3A_1022 : i32 to vector<16xi32>
    %mul3A_1024 = arith.muli %add3A_1021, %mul3A_1023 : vector<16xi32>
    %get3A_1025 = arith.constant 192 : index
    %get3A_1026 = tpu.vector_load %arg19[%get3A_1025] {strides = array<i32>} : memref<400xi32, #tpu.memory_space<vmem>>, vector<16xi32>,
    %get3A_1027 = vector.shape_cast %get3A_1026 : vector<16xi32> to vector<16xi32>
    %add3A_1028 = arith.addi %mul3A_1024, %get3A_1027 : vector<16xi32>
    %swap3A_1029 = arith.constant 2 : i32
    %swap3A_1030 = arith.index_cast %swap3A_1029 : i32 to index
    %swap3A_1031 = arith.constant 32 : index
    %swap3A_1032 = tpu.vector_load %arg21[%swap3A_1030, %swap3A_1031] {strides = array<i32>} : memref<5x80xi32, #tpu.memory_space<vmem>>, vector<1x16xi32>,
    %swap3A_1033 = vector.shape_cast %swap3A_1032 : vector<1x16xi32> to vector<16xi32>
    %swap3A_1034 = vector.shape_cast %add3A_1028 : vector<16xi32> to vector<1x16xi32>
    tpu.vector_store %arg21[%swap3A_1030, %swap3A_1031], %swap3A_1034 {strides = array<i32>} : memref<5x80xi32, #tpu.memory_space<vmem>>, vector<1x16xi32>,
    %get3A_1035 = arith.constant 208 : index
    %get3A_1036 = tpu.vector_load %arg17[%get3A_1035] {strides = array<i32>} : memref<400xi32, #tpu.memory_space<vmem>>, vector<16xi32>,
    %get3A_1037 = vector.shape_cast %get3A_1036 : vector<16xi32> to vector<16xi32>
    %mul3A_1038 = arith.constant 6 : i32
    %mul3A_1039 = vector.broadcast %mul3A_1038 : i32 to vector<16xi32>
    %mul3A_1040 = arith.muli %get3A_1037, %mul3A_1039 : vector<16xi32>
    %get3A_1041 = arith.constant 208 : index
    %get3A_1042 = tpu.vector_load %arg18[%get3A_1041] {strides = array<i32>} : memref<400xi32, #tpu.memory_space<vmem>>, vector<16xi32>,
    %get3A_1043 = vector.shape_cast %get3A_1042 : vector<16xi32> to vector<16xi32>
    %add3A_1044 = arith.addi %mul3A_1040, %get3A_1043 : vector<16xi32>
    %mul3A_1045 = arith.constant 2 : i32
    %mul3A_1046 = vector.broadcast %mul3A_1045 : i32 to vector<16xi32>
    %mul3A_1047 = arith.muli %add3A_1044, %mul3A_1046 : vector<16xi32>
    %get3A_1048 = arith.constant 208 : index
    %get3A_1049 = tpu.vector_load %arg19[%get3A_1048] {strides = array<i32>} : memref<400xi32, #tpu.memory_space<vmem>>, vector<16xi32>,
    %get3A_1050 = vector.shape_cast %get3A_1049 : vector<16xi32> to vector<16xi32>
    %add3A_1051 = arith.addi %mul3A_1047, %get3A_1050 : vector<16xi32>
    %swap3A_1052 = arith.constant 2 : i32
    %swap3A_1053 = arith.index_cast %swap3A_1052 : i32 to index
    %swap3A_1054 = arith.constant 48 : index
    %swap3A_1055 = tpu.vector_load %arg21[%swap3A_1053, %swap3A_1054] {strides = array<i32>} : memref<5x80xi32, #tpu.memory_space<vmem>>, vector<1x16xi32>,
    %swap3A_1056 = vector.shape_cast %swap3A_1055 : vector<1x16xi32> to vector<16xi32>
    %swap3A_1057 = vector.shape_cast %add3A_1051 : vector<16xi32> to vector<1x16xi32>
    tpu.vector_store %arg21[%swap3A_1053, %swap3A_1054], %swap3A_1057 {strides = array<i32>} : memref<5x80xi32, #tpu.memory_space<vmem>>, vector<1x16xi32>,
    %get3A_1058 = arith.constant 224 : index
    %get3A_1059 = tpu.vector_load %arg17[%get3A_1058] {strides = array<i32>} : memref<400xi32, #tpu.memory_space<vmem>>, vector<16xi32>,
    %get3A_1060 = vector.shape_cast %get3A_1059 : vector<16xi32> to vector<16xi32>
    %mul3A_1061 = arith.constant 6 : i32
    %mul3A_1062 = vector.broadcast %mul3A_1061 : i32 to vector<16xi32>
    %mul3A_1063 = arith.muli %get3A_1060, %mul3A_1062 : vector<16xi32>
    %get3A_1064 = arith.constant 224 : index
    %get3A_1065 = tpu.vector_load %arg18[%get3A_1064] {strides = array<i32>} : memref<400xi32, #tpu.memory_space<vmem>>, vector<16xi32>,
    %get3A_1066 = vector.shape_cast %get3A_1065 : vector<16xi32> to vector<16xi32>
    %add3A_1067 = arith.addi %mul3A_1063, %get3A_1066 : vector<16xi32>
    %mul3A_1068 = arith.constant 2 : i32
    %mul3A_1069 = vector.broadcast %mul3A_1068 : i32 to vector<16xi32>
    %mul3A_1070 = arith.muli %add3A_1067, %mul3A_1069 : vector<16xi32>
    %get3A_1071 = arith.constant 224 : index
    %get3A_1072 = tpu.vector_load %arg19[%get3A_1071] {strides = array<i32>} : memref<400xi32, #tpu.memory_space<vmem>>, vector<16xi32>,
    %get3A_1073 = vector.shape_cast %get3A_1072 : vector<16xi32> to vector<16xi32>
    %add3A_1074 = arith.addi %mul3A_1070, %get3A_1073 : vector<16xi32>
    %swap3A_1075 = arith.constant 2 : i32
    %swap3A_1076 = arith.index_cast %swap3A_1075 : i32 to index
    %swap3A_1077 = arith.constant 64 : index
    %swap3A_1078 = tpu.vector_load %arg21[%swap3A_1076, %swap3A_1077] {strides = array<i32>} : memref<5x80xi32, #tpu.memory_space<vmem>>, vector<1x16xi32>,
    %swap3A_1079 = vector.shape_cast %swap3A_1078 : vector<1x16xi32> to vector<16xi32>
    %swap3A_1080 = vector.shape_cast %add3A_1074 : vector<16xi32> to vector<1x16xi32>
    tpu.vector_store %arg21[%swap3A_1076, %swap3A_1077], %swap3A_1080 {strides = array<i32>} : memref<5x80xi32, #tpu.memory_space<vmem>>, vector<1x16xi32>,
    %get3A_1081 = arith.constant 240 : index
    %get3A_1082 = tpu.vector_load %arg17[%get3A_1081] {strides = array<i32>} : memref<400xi32, #tpu.memory_space<vmem>>, vector<16xi32>,
    %get3A_1083 = vector.shape_cast %get3A_1082 : vector<16xi32> to vector<16xi32>
    %mul3A_1084 = arith.constant 6 : i32
    %mul3A_1085 = vector.broadcast %mul3A_1084 : i32 to vector<16xi32>
    %mul3A_1086 = arith.muli %get3A_1083, %mul3A_1085 : vector<16xi32>
    %get3A_1087 = arith.constant 240 : index
    %get3A_1088 = tpu.vector_load %arg18[%get3A_1087] {strides = array<i32>} : memref<400xi32, #tpu.memory_space<vmem>>, vector<16xi32>,
    %get3A_1089 = vector.shape_cast %get3A_1088 : vector<16xi32> to vector<16xi32>
    %add3A_1090 = arith.addi %mul3A_1086, %get3A_1089 : vector<16xi32>
    %mul3A_1091 = arith.constant 2 : i32
    %mul3A_1092 = vector.broadcast %mul3A_1091 : i32 to vector<16xi32>
    %mul3A_1093 = arith.muli %add3A_1090, %mul3A_1092 : vector<16xi32>
    %get3A_1094 = arith.constant 240 : index
    %get3A_1095 = tpu.vector_load %arg19[%get3A_1094] {strides = array<i32>} : memref<400xi32, #tpu.memory_space<vmem>>, vector<16xi32>,
    %get3A_1096 = vector.shape_cast %get3A_1095 : vector<16xi32> to vector<16xi32>
    %add3A_1097 = arith.addi %mul3A_1093, %get3A_1096 : vector<16xi32>
    %swap3A_1098 = arith.constant 3 : i32
    %swap3A_1099 = arith.index_cast %swap3A_1098 : i32 to index
    %swap3A_1100 = arith.constant 0 : index
    %swap3A_1101 = tpu.vector_load %arg21[%swap3A_1099, %swap3A_1100] {strides = array<i32>} : memref<5x80xi32, #tpu.memory_space<vmem>>, vector<1x16xi32>,
    %swap3A_1102 = vector.shape_cast %swap3A_1101 : vector<1x16xi32> to vector<16xi32>
    %swap3A_1103 = vector.shape_cast %add3A_1097 : vector<16xi32> to vector<1x16xi32>
    tpu.vector_store %arg21[%swap3A_1099, %swap3A_1100], %swap3A_1103 {strides = array<i32>} : memref<5x80xi32, #tpu.memory_space<vmem>>, vector<1x16xi32>,
    %get3A_1104 = arith.constant 256 : index
    %get3A_1105 = tpu.vector_load %arg17[%get3A_1104] {strides = array<i32>} : memref<400xi32, #tpu.memory_space<vmem>>, vector<16xi32>,
    %get3A_1106 = vector.shape_cast %get3A_1105 : vector<16xi32> to vector<16xi32>
    %mul3A_1107 = arith.constant 6 : i32
    %mul3A_1108 = vector.broadcast %mul3A_1107 : i32 to vector<16xi32>
    %mul3A_1109 = arith.muli %get3A_1106, %mul3A_1108 : vector<16xi32>
    %get3A_1110 = arith.constant 256 : index
    %get3A_1111 = tpu.vector_load %arg18[%get3A_1110] {strides = array<i32>} : memref<400xi32, #tpu.memory_space<vmem>>, vector<16xi32>,
    %get3A_1112 = vector.shape_cast %get3A_1111 : vector<16xi32> to vector<16xi32>
    %add3A_1113 = arith.addi %mul3A_1109, %get3A_1112 : vector<16xi32>
    %mul3A_1114 = arith.constant 2 : i32
    %mul3A_1115 = vector.broadcast %mul3A_1114 : i32 to vector<16xi32>
    %mul3A_1116 = arith.muli %add3A_1113, %mul3A_1115 : vector<16xi32>
    %get3A_1117 = arith.constant 256 : index
    %get3A_1118 = tpu.vector_load %arg19[%get3A_1117] {strides = array<i32>} : memref<400xi32, #tpu.memory_space<vmem>>, vector<16xi32>,
    %get3A_1119 = vector.shape_cast %get3A_1118 : vector<16xi32> to vector<16xi32>
    %add3A_1120 = arith.addi %mul3A_1116, %get3A_1119 : vector<16xi32>
    %swap3A_1121 = arith.constant 3 : i32
    %swap3A_1122 = arith.index_cast %swap3A_1121 : i32 to index
    %swap3A_1123 = arith.constant 16 : index
    %swap3A_1124 = tpu.vector_load %arg21[%swap3A_1122, %swap3A_1123] {strides = array<i32>} : memref<5x80xi32, #tpu.memory_space<vmem>>, vector<1x16xi32>,
    %swap3A_1125 = vector.shape_cast %swap3A_1124 : vector<1x16xi32> to vector<16xi32>
    %swap3A_1126 = vector.shape_cast %add3A_1120 : vector<16xi32> to vector<1x16xi32>
    tpu.vector_store %arg21[%swap3A_1122, %swap3A_1123], %swap3A_1126 {strides = array<i32>} : memref<5x80xi32, #tpu.memory_space<vmem>>, vector<1x16xi32>,
    %get3A_1127 = arith.constant 272 : index
    %get3A_1128 = tpu.vector_load %arg17[%get3A_1127] {strides = array<i32>} : memref<400xi32, #tpu.memory_space<vmem>>, vector<16xi32>,
    %get3A_1129 = vector.shape_cast %get3A_1128 : vector<16xi32> to vector<16xi32>
    %mul3A_1130 = arith.constant 6 : i32
    %mul3A_1131 = vector.broadcast %mul3A_1130 : i32 to vector<16xi32>
    %mul3A_1132 = arith.muli %get3A_1129, %mul3A_1131 : vector<16xi32>
    %get3A_1133 = arith.constant 272 : index
    %get3A_1134 = tpu.vector_load %arg18[%get3A_1133] {strides = array<i32>} : memref<400xi32, #tpu.memory_space<vmem>>, vector<16xi32>,
    %get3A_1135 = vector.shape_cast %get3A_1134 : vector<16xi32> to vector<16xi32>
    %add3A_1136 = arith.addi %mul3A_1132, %get3A_1135 : vector<16xi32>
    %mul3A_1137 = arith.constant 2 : i32
    %mul3A_1138 = vector.broadcast %mul3A_1137 : i32 to vector<16xi32>
    %mul3A_1139 = arith.muli %add3A_1136, %mul3A_1138 : vector<16xi32>
    %get3A_1140 = arith.constant 272 : index
    %get3A_1141 = tpu.vector_load %arg19[%get3A_1140] {strides = array<i32>} : memref<400xi32, #tpu.memory_space<vmem>>, vector<16xi32>,
    %get3A_1142 = vector.shape_cast %get3A_1141 : vector<16xi32> to vector<16xi32>
    %add3A_1143 = arith.addi %mul3A_1139, %get3A_1142 : vector<16xi32>
    %swap3A_1144 = arith.constant 3 : i32
    %swap3A_1145 = arith.index_cast %swap3A_1144 : i32 to index
    %swap3A_1146 = arith.constant 32 : index
    %swap3A_1147 = tpu.vector_load %arg21[%swap3A_1145, %swap3A_1146] {strides = array<i32>} : memref<5x80xi32, #tpu.memory_space<vmem>>, vector<1x16xi32>,
    %swap3A_1148 = vector.shape_cast %swap3A_1147 : vector<1x16xi32> to vector<16xi32>
    %swap3A_1149 = vector.shape_cast %add3A_1143 : vector<16xi32> to vector<1x16xi32>
    tpu.vector_store %arg21[%swap3A_1145, %swap3A_1146], %swap3A_1149 {strides = array<i32>} : memref<5x80xi32, #tpu.memory_space<vmem>>, vector<1x16xi32>,
    %get3A_1150 = arith.constant 288 : index
    %get3A_1151 = tpu.vector_load %arg17[%get3A_1150] {strides = array<i32>} : memref<400xi32, #tpu.memory_space<vmem>>, vector<16xi32>,
    %get3A_1152 = vector.shape_cast %get3A_1151 : vector<16xi32> to vector<16xi32>
    %mul3A_1153 = arith.constant 6 : i32
    %mul3A_1154 = vector.broadcast %mul3A_1153 : i32 to vector<16xi32>
    %mul3A_1155 = arith.muli %get3A_1152, %mul3A_1154 : vector<16xi32>
    %get3A_1156 = arith.constant 288 : index
    %get3A_1157 = tpu.vector_load %arg18[%get3A_1156] {strides = array<i32>} : memref<400xi32, #tpu.memory_space<vmem>>, vector<16xi32>,
    %get3A_1158 = vector.shape_cast %get3A_1157 : vector<16xi32> to vector<16xi32>
    %add3A_1159 = arith.addi %mul3A_1155, %get3A_1158 : vector<16xi32>
    %mul3A_1160 = arith.constant 2 : i32
    %mul3A_1161 = vector.broadcast %mul3A_1160 : i32 to vector<16xi32>
    %mul3A_1162 = arith.muli %add3A_1159, %mul3A_1161 : vector<16xi32>
    %get3A_1163 = arith.constant 288 : index
    %get3A_1164 = tpu.vector_load %arg19[%get3A_1163] {strides = array<i32>} : memref<400xi32, #tpu.memory_space<vmem>>, vector<16xi32>,
    %get3A_1165 = vector.shape_cast %get3A_1164 : vector<16xi32> to vector<16xi32>
    %add3A_1166 = arith.addi %mul3A_1162, %get3A_1165 : vector<16xi32>
    %swap3A_1167 = arith.constant 3 : i32
    %swap3A_1168 = arith.index_cast %swap3A_1167 : i32 to index
    %swap3A_1169 = arith.constant 48 : index
    %swap3A_1170 = tpu.vector_load %arg21[%swap3A_1168, %swap3A_1169] {strides = array<i32>} : memref<5x80xi32, #tpu.memory_space<vmem>>, vector<1x16xi32>,
    %swap3A_1171 = vector.shape_cast %swap3A_1170 : vector<1x16xi32> to vector<16xi32>
    %swap3A_1172 = vector.shape_cast %add3A_1166 : vector<16xi32> to vector<1x16xi32>
    tpu.vector_store %arg21[%swap3A_1168, %swap3A_1169], %swap3A_1172 {strides = array<i32>} : memref<5x80xi32, #tpu.memory_space<vmem>>, vector<1x16xi32>,
    %get3A_1173 = arith.constant 304 : index
    %get3A_1174 = tpu.vector_load %arg17[%get3A_1173] {strides = array<i32>} : memref<400xi32, #tpu.memory_space<vmem>>, vector<16xi32>,
    %get3A_1175 = vector.shape_cast %get3A_1174 : vector<16xi32> to vector<16xi32>
    %mul3A_1176 = arith.constant 6 : i32
    %mul3A_1177 = vector.broadcast %mul3A_1176 : i32 to vector<16xi32>
    %mul3A_1178 = arith.muli %get3A_1175, %mul3A_1177 : vector<16xi32>
    %get3A_1179 = arith.constant 304 : index
    %get3A_1180 = tpu.vector_load %arg18[%get3A_1179] {strides = array<i32>} : memref<400xi32, #tpu.memory_space<vmem>>, vector<16xi32>,
    %get3A_1181 = vector.shape_cast %get3A_1180 : vector<16xi32> to vector<16xi32>
    %add3A_1182 = arith.addi %mul3A_1178, %get3A_1181 : vector<16xi32>
    %mul3A_1183 = arith.constant 2 : i32
    %mul3A_1184 = vector.broadcast %mul3A_1183 : i32 to vector<16xi32>
    %mul3A_1185 = arith.muli %add3A_1182, %mul3A_1184 : vector<16xi32>
    %get3A_1186 = arith.constant 304 : index
    %get3A_1187 = tpu.vector_load %arg19[%get3A_1186] {strides = array<i32>} : memref<400xi32, #tpu.memory_space<vmem>>, vector<16xi32>,
    %get3A_1188 = vector.shape_cast %get3A_1187 : vector<16xi32> to vector<16xi32>
    %add3A_1189 = arith.addi %mul3A_1185, %get3A_1188 : vector<16xi32>
    %swap3A_1190 = arith.constant 3 : i32
    %swap3A_1191 = arith.index_cast %swap3A_1190 : i32 to index
    %swap3A_1192 = arith.constant 64 : index
    %swap3A_1193 = tpu.vector_load %arg21[%swap3A_1191, %swap3A_1192] {strides = array<i32>} : memref<5x80xi32, #tpu.memory_space<vmem>>, vector<1x16xi32>,
    %swap3A_1194 = vector.shape_cast %swap3A_1193 : vector<1x16xi32> to vector<16xi32>
    %swap3A_1195 = vector.shape_cast %add3A_1189 : vector<16xi32> to vector<1x16xi32>
    tpu.vector_store %arg21[%swap3A_1191, %swap3A_1192], %swap3A_1195 {strides = array<i32>} : memref<5x80xi32, #tpu.memory_space<vmem>>, vector<1x16xi32>,
    %get3A_1196 = arith.constant 320 : index
    %get3A_1197 = tpu.vector_load %arg17[%get3A_1196] {strides = array<i32>} : memref<400xi32, #tpu.memory_space<vmem>>, vector<16xi32>,
    %get3A_1198 = vector.shape_cast %get3A_1197 : vector<16xi32> to vector<16xi32>
    %mul3A_1199 = arith.constant 6 : i32
    %mul3A_1200 = vector.broadcast %mul3A_1199 : i32 to vector<16xi32>
    %mul3A_1201 = arith.muli %get3A_1198, %mul3A_1200 : vector<16xi32>
    %get3A_1202 = arith.constant 320 : index
    %get3A_1203 = tpu.vector_load %arg18[%get3A_1202] {strides = array<i32>} : memref<400xi32, #tpu.memory_space<vmem>>, vector<16xi32>,
    %get3A_1204 = vector.shape_cast %get3A_1203 : vector<16xi32> to vector<16xi32>
    %add3A_1205 = arith.addi %mul3A_1201, %get3A_1204 : vector<16xi32>
    %mul3A_1206 = arith.constant 2 : i32
    %mul3A_1207 = vector.broadcast %mul3A_1206 : i32 to vector<16xi32>
    %mul3A_1208 = arith.muli %add3A_1205, %mul3A_1207 : vector<16xi32>
    %get3A_1209 = arith.constant 320 : index
    %get3A_1210 = tpu.vector_load %arg19[%get3A_1209] {strides = array<i32>} : memref<400xi32, #tpu.memory_space<vmem>>, vector<16xi32>,
    %get3A_1211 = vector.shape_cast %get3A_1210 : vector<16xi32> to vector<16xi32>
    %add3A_1212 = arith.addi %mul3A_1208, %get3A_1211 : vector<16xi32>
    %swap3A_1213 = arith.constant 4 : i32
    %swap3A_1214 = arith.index_cast %swap3A_1213 : i32 to index
    %swap3A_1215 = arith.constant 0 : index
    %swap3A_1216 = tpu.vector_load %arg21[%swap3A_1214, %swap3A_1215] {strides = array<i32>} : memref<5x80xi32, #tpu.memory_space<vmem>>, vector<1x16xi32>,
    %swap3A_1217 = vector.shape_cast %swap3A_1216 : vector<1x16xi32> to vector<16xi32>
    %swap3A_1218 = vector.shape_cast %add3A_1212 : vector<16xi32> to vector<1x16xi32>
    tpu.vector_store %arg21[%swap3A_1214, %swap3A_1215], %swap3A_1218 {strides = array<i32>} : memref<5x80xi32, #tpu.memory_space<vmem>>, vector<1x16xi32>,
    %get3A_1219 = arith.constant 336 : index
    %get3A_1220 = tpu.vector_load %arg17[%get3A_1219] {strides = array<i32>} : memref<400xi32, #tpu.memory_space<vmem>>, vector<16xi32>,
    %get3A_1221 = vector.shape_cast %get3A_1220 : vector<16xi32> to vector<16xi32>
    %mul3A_1222 = arith.constant 6 : i32
    %mul3A_1223 = vector.broadcast %mul3A_1222 : i32 to vector<16xi32>
    %mul3A_1224 = arith.muli %get3A_1221, %mul3A_1223 : vector<16xi32>
    %get3A_1225 = arith.constant 336 : index
    %get3A_1226 = tpu.vector_load %arg18[%get3A_1225] {strides = array<i32>} : memref<400xi32, #tpu.memory_space<vmem>>, vector<16xi32>,
    %get3A_1227 = vector.shape_cast %get3A_1226 : vector<16xi32> to vector<16xi32>
    %add3A_1228 = arith.addi %mul3A_1224, %get3A_1227 : vector<16xi32>
    %mul3A_1229 = arith.constant 2 : i32
    %mul3A_1230 = vector.broadcast %mul3A_1229 : i32 to vector<16xi32>
    %mul3A_1231 = arith.muli %add3A_1228, %mul3A_1230 : vector<16xi32>
    %get3A_1232 = arith.constant 336 : index
    %get3A_1233 = tpu.vector_load %arg19[%get3A_1232] {strides = array<i32>} : memref<400xi32, #tpu.memory_space<vmem>>, vector<16xi32>,
    %get3A_1234 = vector.shape_cast %get3A_1233 : vector<16xi32> to vector<16xi32>
    %add3A_1235 = arith.addi %mul3A_1231, %get3A_1234 : vector<16xi32>
    %swap3A_1236 = arith.constant 4 : i32
    %swap3A_1237 = arith.index_cast %swap3A_1236 : i32 to index
    %swap3A_1238 = arith.constant 16 : index
    %swap3A_1239 = tpu.vector_load %arg21[%swap3A_1237, %swap3A_1238] {strides = array<i32>} : memref<5x80xi32, #tpu.memory_space<vmem>>, vector<1x16xi32>,
    %swap3A_1240 = vector.shape_cast %swap3A_1239 : vector<1x16xi32> to vector<16xi32>
    %swap3A_1241 = vector.shape_cast %add3A_1235 : vector<16xi32> to vector<1x16xi32>
    tpu.vector_store %arg21[%swap3A_1237, %swap3A_1238], %swap3A_1241 {strides = array<i32>} : memref<5x80xi32, #tpu.memory_space<vmem>>, vector<1x16xi32>,
    %get3A_1242 = arith.constant 352 : index
    %get3A_1243 = tpu.vector_load %arg17[%get3A_1242] {strides = array<i32>} : memref<400xi32, #tpu.memory_space<vmem>>, vector<16xi32>,
    %get3A_1244 = vector.shape_cast %get3A_1243 : vector<16xi32> to vector<16xi32>
    %mul3A_1245 = arith.constant 6 : i32
    %mul3A_1246 = vector.broadcast %mul3A_1245 : i32 to vector<16xi32>
    %mul3A_1247 = arith.muli %get3A_1244, %mul3A_1246 : vector<16xi32>
    %get3A_1248 = arith.constant 352 : index
    %get3A_1249 = tpu.vector_load %arg18[%get3A_1248] {strides = array<i32>} : memref<400xi32, #tpu.memory_space<vmem>>, vector<16xi32>,
    %get3A_1250 = vector.shape_cast %get3A_1249 : vector<16xi32> to vector<16xi32>
    %add3A_1251 = arith.addi %mul3A_1247, %get3A_1250 : vector<16xi32>
    %mul3A_1252 = arith.constant 2 : i32
    %mul3A_1253 = vector.broadcast %mul3A_1252 : i32 to vector<16xi32>
    %mul3A_1254 = arith.muli %add3A_1251, %mul3A_1253 : vector<16xi32>
    %get3A_1255 = arith.constant 352 : index
    %get3A_1256 = tpu.vector_load %arg19[%get3A_1255] {strides = array<i32>} : memref<400xi32, #tpu.memory_space<vmem>>, vector<16xi32>,
    %get3A_1257 = vector.shape_cast %get3A_1256 : vector<16xi32> to vector<16xi32>
    %add3A_1258 = arith.addi %mul3A_1254, %get3A_1257 : vector<16xi32>
    %swap3A_1259 = arith.constant 4 : i32
    %swap3A_1260 = arith.index_cast %swap3A_1259 : i32 to index
    %swap3A_1261 = arith.constant 32 : index
    %swap3A_1262 = tpu.vector_load %arg21[%swap3A_1260, %swap3A_1261] {strides = array<i32>} : memref<5x80xi32, #tpu.memory_space<vmem>>, vector<1x16xi32>,
    %swap3A_1263 = vector.shape_cast %swap3A_1262 : vector<1x16xi32> to vector<16xi32>
    %swap3A_1264 = vector.shape_cast %add3A_1258 : vector<16xi32> to vector<1x16xi32>
    tpu.vector_store %arg21[%swap3A_1260, %swap3A_1261], %swap3A_1264 {strides = array<i32>} : memref<5x80xi32, #tpu.memory_space<vmem>>, vector<1x16xi32>,
    %get3A_1265 = arith.constant 368 : index
    %get3A_1266 = tpu.vector_load %arg17[%get3A_1265] {strides = array<i32>} : memref<400xi32, #tpu.memory_space<vmem>>, vector<16xi32>,
    %get3A_1267 = vector.shape_cast %get3A_1266 : vector<16xi32> to vector<16xi32>
    %mul3A_1268 = arith.constant 6 : i32
    %mul3A_1269 = vector.broadcast %mul3A_1268 : i32 to vector<16xi32>
    %mul3A_1270 = arith.muli %get3A_1267, %mul3A_1269 : vector<16xi32>
    %get3A_1271 = arith.constant 368 : index
    %get3A_1272 = tpu.vector_load %arg18[%get3A_1271] {strides = array<i32>} : memref<400xi32, #tpu.memory_space<vmem>>, vector<16xi32>,
    %get3A_1273 = vector.shape_cast %get3A_1272 : vector<16xi32> to vector<16xi32>
    %add3A_1274 = arith.addi %mul3A_1270, %get3A_1273 : vector<16xi32>
    %mul3A_1275 = arith.constant 2 : i32
    %mul3A_1276 = vector.broadcast %mul3A_1275 : i32 to vector<16xi32>
    %mul3A_1277 = arith.muli %add3A_1274, %mul3A_1276 : vector<16xi32>
    %get3A_1278 = arith.constant 368 : index
    %get3A_1279 = tpu.vector_load %arg19[%get3A_1278] {strides = array<i32>} : memref<400xi32, #tpu.memory_space<vmem>>, vector<16xi32>,
    %get3A_1280 = vector.shape_cast %get3A_1279 : vector<16xi32> to vector<16xi32>
    %add3A_1281 = arith.addi %mul3A_1277, %get3A_1280 : vector<16xi32>
    %swap3A_1282 = arith.constant 4 : i32
    %swap3A_1283 = arith.index_cast %swap3A_1282 : i32 to index
    %swap3A_1284 = arith.constant 48 : index
    %swap3A_1285 = tpu.vector_load %arg21[%swap3A_1283, %swap3A_1284] {strides = array<i32>} : memref<5x80xi32, #tpu.memory_space<vmem>>, vector<1x16xi32>,
    %swap3A_1286 = vector.shape_cast %swap3A_1285 : vector<1x16xi32> to vector<16xi32>
    %swap3A_1287 = vector.shape_cast %add3A_1281 : vector<16xi32> to vector<1x16xi32>
    tpu.vector_store %arg21[%swap3A_1283, %swap3A_1284], %swap3A_1287 {strides = array<i32>} : memref<5x80xi32, #tpu.memory_space<vmem>>, vector<1x16xi32>,
    %get3A_1288 = arith.constant 384 : index
    %get3A_1289 = tpu.vector_load %arg17[%get3A_1288] {strides = array<i32>} : memref<400xi32, #tpu.memory_space<vmem>>, vector<16xi32>,
    %get3A_1290 = vector.shape_cast %get3A_1289 : vector<16xi32> to vector<16xi32>
    %mul3A_1291 = arith.constant 6 : i32
    %mul3A_1292 = vector.broadcast %mul3A_1291 : i32 to vector<16xi32>
    %mul3A_1293 = arith.muli %get3A_1290, %mul3A_1292 : vector<16xi32>
    %get3A_1294 = arith.constant 384 : index
    %get3A_1295 = tpu.vector_load %arg18[%get3A_1294] {strides = array<i32>} : memref<400xi32, #tpu.memory_space<vmem>>, vector<16xi32>,
    %get3A_1296 = vector.shape_cast %get3A_1295 : vector<16xi32> to vector<16xi32>
    %add3A_1297 = arith.addi %mul3A_1293, %get3A_1296 : vector<16xi32>
    %mul3A_1298 = arith.constant 2 : i32
    %mul3A_1299 = vector.broadcast %mul3A_1298 : i32 to vector<16xi32>
    %mul3A_1300 = arith.muli %add3A_1297, %mul3A_1299 : vector<16xi32>
    %get3A_1301 = arith.constant 384 : index
    %get3A_1302 = tpu.vector_load %arg19[%get3A_1301] {strides = array<i32>} : memref<400xi32, #tpu.memory_space<vmem>>, vector<16xi32>,
    %get3A_1303 = vector.shape_cast %get3A_1302 : vector<16xi32> to vector<16xi32>
    %add3A_1304 = arith.addi %mul3A_1300, %get3A_1303 : vector<16xi32>
    %swap3A_1305 = arith.constant 4 : i32
    %swap3A_1306 = arith.index_cast %swap3A_1305 : i32 to index
    %swap3A_1307 = arith.constant 64 : index
    %swap3A_1308 = tpu.vector_load %arg21[%swap3A_1306, %swap3A_1307] {strides = array<i32>} : memref<5x80xi32, #tpu.memory_space<vmem>>, vector<1x16xi32>,
    %swap3A_1309 = vector.shape_cast %swap3A_1308 : vector<1x16xi32> to vector<16xi32>
    %swap3A_1310 = vector.shape_cast %add3A_1304 : vector<16xi32> to vector<1x16xi32>
    tpu.vector_store %arg21[%swap3A_1306, %swap3A_1307], %swap3A_1310 {strides = array<i32>} : memref<5x80xi32, #tpu.memory_space<vmem>>, vector<1x16xi32>,
    %dma_start3A_1311 = arith.constant 0 : i32
    %dma_start3A_1312 = arith.constant 0 : i32
    %dma_start3A_1313 = arith.constant 0 : i32
    %dma_start3A_1314 = tpu.memref_slice %arg23[%dma_start3A_1312, %dma_start3A_1313] : memref<400x128xf32, #tpu.memory_space<vmem>> -> memref<80x128xf32, #tpu.memory_space<vmem>>
    %dma_start3A_1315 = arith.constant 0 : i32
    %dma_start3A_1316 = tpu.memref_slice %arg21[%dma_start3A_1311, %dma_start3A_1315] : memref<5x80xi32, #tpu.memory_space<vmem>> -> memref<1x80xi32, #tpu.memory_space<vmem>>
    %dma_start3A_1317 = tpu.memref_squeeze %dma_start3A_1316 : memref<1x80xi32, #tpu.memory_space<vmem>> -> memref<80xi32, #tpu.memory_space<vmem>>
    %dma_start3A_1318 = arith.constant 0 : i32
    %dma_start3A_1319 = arith.constant 0 : i32
    %dma_start3A_1320 = tpu.memref_slice %arg13[%dma_start3A_1318, %dma_start3A_1319] : memref<60x128xf32, #tpu.memory_space<vmem_shared>> -> memref<60x128xf32, #tpu.memory_space<vmem_shared>>
    tpu.enqueue_indirect_dma source(%dma_start3A_1320 : memref<60x128xf32, #tpu.memory_space<vmem_shared>>) target(%dma_start3A_1314 : memref<80x128xf32, #tpu.memory_space<vmem>>) offsets(%dma_start3A_1317 : memref<80xi32, #tpu.memory_space<vmem>>) semaphore(%arg27 : memref<!tpu.dma_semaphore, #tpu.memory_space<semaphore_mem>>)
    %dma_start3A_1321 = arith.constant 1 : i32
    %dma_start3A_1322 = arith.constant 80 : i32
    %dma_start3A_1323 = arith.constant 0 : i32
    %dma_start3A_1324 = tpu.memref_slice %arg23[%dma_start3A_1322, %dma_start3A_1323] : memref<400x128xf32, #tpu.memory_space<vmem>> -> memref<80x128xf32, #tpu.memory_space<vmem>>
    %dma_start3A_1325 = arith.constant 0 : i32
    %dma_start3A_1326 = tpu.memref_slice %arg21[%dma_start3A_1321, %dma_start3A_1325] : memref<5x80xi32, #tpu.memory_space<vmem>> -> memref<1x80xi32, #tpu.memory_space<vmem>>
    %dma_start3A_1327 = tpu.memref_squeeze %dma_start3A_1326 : memref<1x80xi32, #tpu.memory_space<vmem>> -> memref<80xi32, #tpu.memory_space<vmem>>
    %dma_start3A_1328 = arith.constant 0 : i32
    %dma_start3A_1329 = arith.constant 0 : i32
    %dma_start3A_1330 = tpu.memref_slice %arg13[%dma_start3A_1328, %dma_start3A_1329] : memref<60x128xf32, #tpu.memory_space<vmem_shared>> -> memref<60x128xf32, #tpu.memory_space<vmem_shared>>
    tpu.enqueue_indirect_dma source(%dma_start3A_1330 : memref<60x128xf32, #tpu.memory_space<vmem_shared>>) target(%dma_start3A_1324 : memref<80x128xf32, #tpu.memory_space<vmem>>) offsets(%dma_start3A_1327 : memref<80xi32, #tpu.memory_space<vmem>>) semaphore(%arg27 : memref<!tpu.dma_semaphore, #tpu.memory_space<semaphore_mem>>)
    %dma_start3A_1331 = arith.constant 2 : i32
    %dma_start3A_1332 = arith.constant 160 : i32
    %dma_start3A_1333 = arith.constant 0 : i32
    %dma_start3A_1334 = tpu.memref_slice %arg23[%dma_start3A_1332, %dma_start3A_1333] : memref<400x128xf32, #tpu.memory_space<vmem>> -> memref<80x128xf32, #tpu.memory_space<vmem>>
    %dma_start3A_1335 = arith.constant 0 : i32
    %dma_start3A_1336 = tpu.memref_slice %arg21[%dma_start3A_1331, %dma_start3A_1335] : memref<5x80xi32, #tpu.memory_space<vmem>> -> memref<1x80xi32, #tpu.memory_space<vmem>>
    %dma_start3A_1337 = tpu.memref_squeeze %dma_start3A_1336 : memref<1x80xi32, #tpu.memory_space<vmem>> -> memref<80xi32, #tpu.memory_space<vmem>>
    %dma_start3A_1338 = arith.constant 0 : i32
    %dma_start3A_1339 = arith.constant 0 : i32
    %dma_start3A_1340 = tpu.memref_slice %arg13[%dma_start3A_1338, %dma_start3A_1339] : memref<60x128xf32, #tpu.memory_space<vmem_shared>> -> memref<60x128xf32, #tpu.memory_space<vmem_shared>>
    tpu.enqueue_indirect_dma source(%dma_start3A_1340 : memref<60x128xf32, #tpu.memory_space<vmem_shared>>) target(%dma_start3A_1334 : memref<80x128xf32, #tpu.memory_space<vmem>>) offsets(%dma_start3A_1337 : memref<80xi32, #tpu.memory_space<vmem>>) semaphore(%arg27 : memref<!tpu.dma_semaphore, #tpu.memory_space<semaphore_mem>>)
    %dma_start3A_1341 = arith.constant 3 : i32
    %dma_start3A_1342 = arith.constant 240 : i32
    %dma_start3A_1343 = arith.constant 0 : i32
    %dma_start3A_1344 = tpu.memref_slice %arg23[%dma_start3A_1342, %dma_start3A_1343] : memref<400x128xf32, #tpu.memory_space<vmem>> -> memref<80x128xf32, #tpu.memory_space<vmem>>
    %dma_start3A_1345 = arith.constant 0 : i32
    %dma_start3A_1346 = tpu.memref_slice %arg21[%dma_start3A_1341, %dma_start3A_1345] : memref<5x80xi32, #tpu.memory_space<vmem>> -> memref<1x80xi32, #tpu.memory_space<vmem>>
    %dma_start3A_1347 = tpu.memref_squeeze %dma_start3A_1346 : memref<1x80xi32, #tpu.memory_space<vmem>> -> memref<80xi32, #tpu.memory_space<vmem>>
    %dma_start3A_1348 = arith.constant 0 : i32
    %dma_start3A_1349 = arith.constant 0 : i32
    %dma_start3A_1350 = tpu.memref_slice %arg13[%dma_start3A_1348, %dma_start3A_1349] : memref<60x128xf32, #tpu.memory_space<vmem_shared>> -> memref<60x128xf32, #tpu.memory_space<vmem_shared>>
    tpu.enqueue_indirect_dma source(%dma_start3A_1350 : memref<60x128xf32, #tpu.memory_space<vmem_shared>>) target(%dma_start3A_1344 : memref<80x128xf32, #tpu.memory_space<vmem>>) offsets(%dma_start3A_1347 : memref<80xi32, #tpu.memory_space<vmem>>) semaphore(%arg27 : memref<!tpu.dma_semaphore, #tpu.memory_space<semaphore_mem>>)
    %dma_start3A_1351 = arith.constant 4 : i32
    %dma_start3A_1352 = arith.constant 320 : i32
    %dma_start3A_1353 = arith.constant 0 : i32
    %dma_start3A_1354 = tpu.memref_slice %arg23[%dma_start3A_1352, %dma_start3A_1353] : memref<400x128xf32, #tpu.memory_space<vmem>> -> memref<80x128xf32, #tpu.memory_space<vmem>>
    %dma_start3A_1355 = arith.constant 0 : i32
    %dma_start3A_1356 = tpu.memref_slice %arg21[%dma_start3A_1351, %dma_start3A_1355] : memref<5x80xi32, #tpu.memory_space<vmem>> -> memref<1x80xi32, #tpu.memory_space<vmem>>
    %dma_start3A_1357 = tpu.memref_squeeze %dma_start3A_1356 : memref<1x80xi32, #tpu.memory_space<vmem>> -> memref<80xi32, #tpu.memory_space<vmem>>
    %dma_start3A_1358 = arith.constant 0 : i32
    %dma_start3A_1359 = arith.constant 0 : i32
    %dma_start3A_1360 = tpu.memref_slice %arg13[%dma_start3A_1358, %dma_start3A_1359] : memref<60x128xf32, #tpu.memory_space<vmem_shared>> -> memref<60x128xf32, #tpu.memory_space<vmem_shared>>
    tpu.enqueue_indirect_dma source(%dma_start3A_1360 : memref<60x128xf32, #tpu.memory_space<vmem_shared>>) target(%dma_start3A_1354 : memref<80x128xf32, #tpu.memory_space<vmem>>) offsets(%dma_start3A_1357 : memref<80xi32, #tpu.memory_space<vmem>>) semaphore(%arg27 : memref<!tpu.dma_semaphore, #tpu.memory_space<semaphore_mem>>)
    %scan3A = arith.constant 0 : i32
    %scan3A_1361 = arith.constant 0 : i32
    %scan3A_1362 = arith.constant 11 : i32
    %scan3A_1363 = arith.addi %scan3A_1361, %scan3A_1362 : i32
    %scan3A_1364 = arith.constant 1 : i32
    scf.for %scan3A_2137 = %scan3A_1361 to %scan3A_1363 step %scan3A_1364  : i32 {
      %mul3A_2138 = arith.constant 2 : i32
      %mul3A_2139 = arith.muli %mul3A_2138, %scan3A_2137 : i32
      %add3A_2140 = arith.constant 1 : i32
      %add3A_2141 = arith.addi %mul3A_2139, %add3A_2140 : i32
      %dma_wait3A_2142 = arith.constant 0 : i32
      %dma_wait3A_2143 = arith.constant 0 : i32
      %dma_wait3A_2144 = arith.constant 0 : i32
      %dma_wait3A_2145 = tpu.memref_slice %arg23[%dma_wait3A_2143, %dma_wait3A_2144] : memref<400x128xf32, #tpu.memory_space<vmem>> -> memref<80x128xf32, #tpu.memory_space<vmem>>
      %dma_wait3A_2146 = arith.constant 0 : i32
      %dma_wait3A_2147 = tpu.memref_slice %arg21[%dma_wait3A_2142, %dma_wait3A_2146] : memref<5x80xi32, #tpu.memory_space<vmem>> -> memref<1x80xi32, #tpu.memory_space<vmem>>
      %dma_wait3A_2148 = tpu.memref_squeeze %dma_wait3A_2147 : memref<1x80xi32, #tpu.memory_space<vmem>> -> memref<80xi32, #tpu.memory_space<vmem>>
      %dma_wait3A_2149 = arith.constant 0 : i32
      %dma_wait3A_2150 = arith.constant 0 : i32
      %dma_wait3A_2151 = tpu.memref_slice %arg13[%dma_wait3A_2149, %dma_wait3A_2150] : memref<60x128xf32, #tpu.memory_space<vmem_shared>> -> memref<60x128xf32, #tpu.memory_space<vmem_shared>>
      tpu.wait_indirect_dma semaphore(%arg27 : memref<!tpu.dma_semaphore, #tpu.memory_space<semaphore_mem>>) src(%dma_wait3A_2151 : memref<60x128xf32, #tpu.memory_space<vmem_shared>>) dst(%dma_wait3A_2145 : memref<80x128xf32, #tpu.memory_space<vmem>>)
      %dma_wait3A_2152 = arith.constant 0 : i32
      %dma_wait3A_2153 = arith.constant 0 : i32
      %dma_wait3A_2154 = arith.constant 0 : i32
      %dma_wait3A_2155 = tpu.memref_slice %arg23[%dma_wait3A_2153, %dma_wait3A_2154] : memref<400x128xf32, #tpu.memory_space<vmem>> -> memref<80x128xf32, #tpu.memory_space<vmem>>
      %dma_wait3A_2156 = arith.constant 0 : i32
      %dma_wait3A_2157 = tpu.memref_slice %arg21[%dma_wait3A_2152, %dma_wait3A_2156] : memref<5x80xi32, #tpu.memory_space<vmem>> -> memref<1x80xi32, #tpu.memory_space<vmem>>
      %dma_wait3A_2158 = tpu.memref_squeeze %dma_wait3A_2157 : memref<1x80xi32, #tpu.memory_space<vmem>> -> memref<80xi32, #tpu.memory_space<vmem>>
      %dma_wait3A_2159 = arith.constant 0 : i32
      %dma_wait3A_2160 = arith.constant 0 : i32
      %dma_wait3A_2161 = tpu.memref_slice %arg13[%dma_wait3A_2159, %dma_wait3A_2160] : memref<60x128xf32, #tpu.memory_space<vmem_shared>> -> memref<60x128xf32, #tpu.memory_space<vmem_shared>>
      tpu.wait_indirect_dma semaphore(%arg27 : memref<!tpu.dma_semaphore, #tpu.memory_space<semaphore_mem>>) src(%dma_wait3A_2161 : memref<60x128xf32, #tpu.memory_space<vmem_shared>>) dst(%dma_wait3A_2155 : memref<80x128xf32, #tpu.memory_space<vmem>>)
      %dma_wait3A_2162 = arith.constant 0 : i32
      %dma_wait3A_2163 = arith.constant 0 : i32
      %dma_wait3A_2164 = arith.constant 0 : i32
      %dma_wait3A_2165 = tpu.memref_slice %arg23[%dma_wait3A_2163, %dma_wait3A_2164] : memref<400x128xf32, #tpu.memory_space<vmem>> -> memref<80x128xf32, #tpu.memory_space<vmem>>
      %dma_wait3A_2166 = arith.constant 0 : i32
      %dma_wait3A_2167 = tpu.memref_slice %arg21[%dma_wait3A_2162, %dma_wait3A_2166] : memref<5x80xi32, #tpu.memory_space<vmem>> -> memref<1x80xi32, #tpu.memory_space<vmem>>
      %dma_wait3A_2168 = tpu.memref_squeeze %dma_wait3A_2167 : memref<1x80xi32, #tpu.memory_space<vmem>> -> memref<80xi32, #tpu.memory_space<vmem>>
      %dma_wait3A_2169 = arith.constant 0 : i32
      %dma_wait3A_2170 = arith.constant 0 : i32
      %dma_wait3A_2171 = tpu.memref_slice %arg13[%dma_wait3A_2169, %dma_wait3A_2170] : memref<60x128xf32, #tpu.memory_space<vmem_shared>> -> memref<60x128xf32, #tpu.memory_space<vmem_shared>>
      tpu.wait_indirect_dma semaphore(%arg27 : memref<!tpu.dma_semaphore, #tpu.memory_space<semaphore_mem>>) src(%dma_wait3A_2171 : memref<60x128xf32, #tpu.memory_space<vmem_shared>>) dst(%dma_wait3A_2165 : memref<80x128xf32, #tpu.memory_space<vmem>>)
      %dma_wait3A_2172 = arith.constant 0 : i32
      %dma_wait3A_2173 = arith.constant 0 : i32
      %dma_wait3A_2174 = arith.constant 0 : i32
      %dma_wait3A_2175 = tpu.memref_slice %arg23[%dma_wait3A_2173, %dma_wait3A_2174] : memref<400x128xf32, #tpu.memory_space<vmem>> -> memref<80x128xf32, #tpu.memory_space<vmem>>
      %dma_wait3A_2176 = arith.constant 0 : i32
      %dma_wait3A_2177 = tpu.memref_slice %arg21[%dma_wait3A_2172, %dma_wait3A_2176] : memref<5x80xi32, #tpu.memory_space<vmem>> -> memref<1x80xi32, #tpu.memory_space<vmem>>
      %dma_wait3A_2178 = tpu.memref_squeeze %dma_wait3A_2177 : memref<1x80xi32, #tpu.memory_space<vmem>> -> memref<80xi32, #tpu.memory_space<vmem>>
      %dma_wait3A_2179 = arith.constant 0 : i32
      %dma_wait3A_2180 = arith.constant 0 : i32
      %dma_wait3A_2181 = tpu.memref_slice %arg13[%dma_wait3A_2179, %dma_wait3A_2180] : memref<60x128xf32, #tpu.memory_space<vmem_shared>> -> memref<60x128xf32, #tpu.memory_space<vmem_shared>>
      tpu.wait_indirect_dma semaphore(%arg27 : memref<!tpu.dma_semaphore, #tpu.memory_space<semaphore_mem>>) src(%dma_wait3A_2181 : memref<60x128xf32, #tpu.memory_space<vmem_shared>>) dst(%dma_wait3A_2175 : memref<80x128xf32, #tpu.memory_space<vmem>>)
      %dma_wait3A_2182 = arith.constant 0 : i32
      %dma_wait3A_2183 = arith.constant 0 : i32
      %dma_wait3A_2184 = arith.constant 0 : i32
      %dma_wait3A_2185 = tpu.memref_slice %arg23[%dma_wait3A_2183, %dma_wait3A_2184] : memref<400x128xf32, #tpu.memory_space<vmem>> -> memref<80x128xf32, #tpu.memory_space<vmem>>
      %dma_wait3A_2186 = arith.constant 0 : i32
      %dma_wait3A_2187 = tpu.memref_slice %arg21[%dma_wait3A_2182, %dma_wait3A_2186] : memref<5x80xi32, #tpu.memory_space<vmem>> -> memref<1x80xi32, #tpu.memory_space<vmem>>
      %dma_wait3A_2188 = tpu.memref_squeeze %dma_wait3A_2187 : memref<1x80xi32, #tpu.memory_space<vmem>> -> memref<80xi32, #tpu.memory_space<vmem>>
      %dma_wait3A_2189 = arith.constant 0 : i32
      %dma_wait3A_2190 = arith.constant 0 : i32
      %dma_wait3A_2191 = tpu.memref_slice %arg13[%dma_wait3A_2189, %dma_wait3A_2190] : memref<60x128xf32, #tpu.memory_space<vmem_shared>> -> memref<60x128xf32, #tpu.memory_space<vmem_shared>>
      tpu.wait_indirect_dma semaphore(%arg27 : memref<!tpu.dma_semaphore, #tpu.memory_space<semaphore_mem>>) src(%dma_wait3A_2191 : memref<60x128xf32, #tpu.memory_space<vmem_shared>>) dst(%dma_wait3A_2185 : memref<80x128xf32, #tpu.memory_space<vmem>>)
      %mul3A_2192 = arith.constant 10000 : i32
      %mul3A_2193 = arith.muli %add3A, %mul3A_2192 : i32
      %mul3A_2194 = arith.constant 400 : i32
      %mul3A_2195 = arith.muli %add3A_2141, %mul3A_2194 : i32
      %add3A_2196 = arith.addi %mul3A_2193, %mul3A_2195 : i32
      %dma_start3A_2197 = arith.constant 0 : i32
      %dma_start3A_2198 = tpu.memref_slice %arg8[%add3A_2196, %dma_start3A_2197] : memref<320000x128xf32, #tpu.memory_space<hbm>> -> memref<400x128xf32, #tpu.memory_space<hbm>>
      %dma_start3A_2199 = arith.constant 0 : i32
      %dma_start3A_2200 = tpu.memref_slice %arg8[%add3A_2196, %dma_start3A_2199] : memref<320000x128xf32, #tpu.memory_space<hbm>> -> memref<400x128xf32, #tpu.memory_space<hbm>>
      tpu.enqueue_dma source(%arg23 : memref<400x128xf32, #tpu.memory_space<vmem>>) target(%dma_start3A_2200 : memref<400x128xf32, #tpu.memory_space<hbm>>) target_semaphore(%arg29 : memref<!tpu.dma_semaphore, #tpu.memory_space<semaphore_mem>>)
      %add3A_2201 = arith.constant 2 : i32
      %add3A_2202 = arith.addi %add3A_2141, %add3A_2201 : i32
      %mul3A_2203 = arith.constant 10000 : i32
      %mul3A_2204 = arith.muli %add3A, %mul3A_2203 : i32
      %mul3A_2205 = arith.constant 400 : i32
      %mul3A_2206 = arith.muli %add3A_2202, %mul3A_2205 : i32
      %add3A_2207 = arith.addi %mul3A_2204, %mul3A_2206 : i32
      %dma_start3A_2208 = tpu.memref_slice %arg2[%add3A_2207] : memref<320000xi32, #tpu.memory_space<hbm>> -> memref<400xi32, #tpu.memory_space<hbm>>
      %dma_start3A_2209 = tpu.memref_slice %arg2[%add3A_2207] : memref<320000xi32, #tpu.memory_space<hbm>> -> memref<400xi32, #tpu.memory_space<hbm>>
      tpu.enqueue_dma source(%dma_start3A_2209 : memref<400xi32, #tpu.memory_space<hbm>>) target(%arg17 : memref<400xi32, #tpu.memory_space<vmem>>) target_semaphore(%arg25 : memref<!tpu.dma_semaphore, #tpu.memory_space<semaphore_mem>>)
      %dma_start3A_2210 = tpu.memref_slice %arg3[%add3A_2207] : memref<320000xi32, #tpu.memory_space<hbm>> -> memref<400xi32, #tpu.memory_space<hbm>>
      %dma_start3A_2211 = tpu.memref_slice %arg3[%add3A_2207] : memref<320000xi32, #tpu.memory_space<hbm>> -> memref<400xi32, #tpu.memory_space<hbm>>
      tpu.enqueue_dma source(%dma_start3A_2211 : memref<400xi32, #tpu.memory_space<hbm>>) target(%arg18 : memref<400xi32, #tpu.memory_space<vmem>>) target_semaphore(%arg25 : memref<!tpu.dma_semaphore, #tpu.memory_space<semaphore_mem>>)
      %dma_start3A_2212 = tpu.memref_slice %arg4[%add3A_2207] : memref<320000xi32, #tpu.memory_space<hbm>> -> memref<400xi32, #tpu.memory_space<hbm>>
      %dma_start3A_2213 = tpu.memref_slice %arg4[%add3A_2207] : memref<320000xi32, #tpu.memory_space<hbm>> -> memref<400xi32, #tpu.memory_space<hbm>>
      tpu.enqueue_dma source(%dma_start3A_2213 : memref<400xi32, #tpu.memory_space<hbm>>) target(%arg19 : memref<400xi32, #tpu.memory_space<vmem>>) target_semaphore(%arg25 : memref<!tpu.dma_semaphore, #tpu.memory_space<semaphore_mem>>)
      %dma_wait3A_2214 = arith.constant 0 : i32
      %dma_wait3A_2215 = tpu.memref_slice %arg2[%dma_wait3A_2214] : memref<320000xi32, #tpu.memory_space<hbm>> -> memref<400xi32, #tpu.memory_space<hbm>>
      %dma_wait3A_2216 = arith.constant 0 : i32
      %dma_wait3A_2217 = tpu.memref_slice %arg2[%dma_wait3A_2216] : memref<320000xi32, #tpu.memory_space<hbm>> -> memref<400xi32, #tpu.memory_space<hbm>>
      tpu.wait_dma2 semaphore(%arg24 : memref<!tpu.dma_semaphore, #tpu.memory_space<semaphore_mem>>) src(%dma_wait3A_2217 : memref<400xi32, #tpu.memory_space<hbm>>) dst(%arg14 : memref<400xi32, #tpu.memory_space<vmem>>)
      %dma_wait3A_2218 = arith.constant 0 : i32
      %dma_wait3A_2219 = tpu.memref_slice %arg2[%dma_wait3A_2218] : memref<320000xi32, #tpu.memory_space<hbm>> -> memref<400xi32, #tpu.memory_space<hbm>>
      %dma_wait3A_2220 = arith.constant 0 : i32
      %dma_wait3A_2221 = tpu.memref_slice %arg2[%dma_wait3A_2220] : memref<320000xi32, #tpu.memory_space<hbm>> -> memref<400xi32, #tpu.memory_space<hbm>>
      tpu.wait_dma2 semaphore(%arg24 : memref<!tpu.dma_semaphore, #tpu.memory_space<semaphore_mem>>) src(%dma_wait3A_2221 : memref<400xi32, #tpu.memory_space<hbm>>) dst(%arg15 : memref<400xi32, #tpu.memory_space<vmem>>)
      %dma_wait3A_2222 = arith.constant 0 : i32
      %dma_wait3A_2223 = tpu.memref_slice %arg2[%dma_wait3A_2222] : memref<320000xi32, #tpu.memory_space<hbm>> -> memref<400xi32, #tpu.memory_space<hbm>>
      %dma_wait3A_2224 = arith.constant 0 : i32
      %dma_wait3A_2225 = tpu.memref_slice %arg2[%dma_wait3A_2224] : memref<320000xi32, #tpu.memory_space<hbm>> -> memref<400xi32, #tpu.memory_space<hbm>>
      tpu.wait_dma2 semaphore(%arg24 : memref<!tpu.dma_semaphore, #tpu.memory_space<semaphore_mem>>) src(%dma_wait3A_2225 : memref<400xi32, #tpu.memory_space<hbm>>) dst(%arg16 : memref<400xi32, #tpu.memory_space<vmem>>)
      %get3A_2226 = arith.constant 0 : index
      %get3A_2227 = tpu.vector_load %arg14[%get3A_2226] {strides = array<i32>} : memref<400xi32, #tpu.memory_space<vmem>>, vector<16xi32>,
      %get3A_2228 = vector.shape_cast %get3A_2227 : vector<16xi32> to vector<16xi32>
      %mul3A_2229 = arith.constant 6 : i32
      %mul3A_2230 = vector.broadcast %mul3A_2229 : i32 to vector<16xi32>
      %mul3A_2231 = arith.muli %get3A_2228, %mul3A_2230 : vector<16xi32>
      %get3A_2232 = arith.constant 0 : index
      %get3A_2233 = tpu.vector_load %arg15[%get3A_2232] {strides = array<i32>} : memref<400xi32, #tpu.memory_space<vmem>>, vector<16xi32>,
      %get3A_2234 = vector.shape_cast %get3A_2233 : vector<16xi32> to vector<16xi32>
      %add3A_2235 = arith.addi %mul3A_2231, %get3A_2234 : vector<16xi32>
      %mul3A_2236 = arith.constant 2 : i32
      %mul3A_2237 = vector.broadcast %mul3A_2236 : i32 to vector<16xi32>
      %mul3A_2238 = arith.muli %add3A_2235, %mul3A_2237 : vector<16xi32>
      %get3A_2239 = arith.constant 0 : index
      %get3A_2240 = tpu.vector_load %arg16[%get3A_2239] {strides = array<i32>} : memref<400xi32, #tpu.memory_space<vmem>>, vector<16xi32>,
      %get3A_2241 = vector.shape_cast %get3A_2240 : vector<16xi32> to vector<16xi32>
      %add3A_2242 = arith.addi %mul3A_2238, %get3A_2241 : vector<16xi32>
      %swap3A_2243 = arith.constant 0 : i32
      %swap3A_2244 = arith.index_cast %swap3A_2243 : i32 to index
      %swap3A_2245 = arith.constant 0 : index
      %swap3A_2246 = tpu.vector_load %arg20[%swap3A_2244, %swap3A_2245] {strides = array<i32>} : memref<5x80xi32, #tpu.memory_space<vmem>>, vector<1x16xi32>,
      %swap3A_2247 = vector.shape_cast %swap3A_2246 : vector<1x16xi32> to vector<16xi32>
      %swap3A_2248 = vector.shape_cast %add3A_2242 : vector<16xi32> to vector<1x16xi32>
      tpu.vector_store %arg20[%swap3A_2244, %swap3A_2245], %swap3A_2248 {strides = array<i32>} : memref<5x80xi32, #tpu.memory_space<vmem>>, vector<1x16xi32>,
      %get3A_2249 = arith.constant 16 : index
      %get3A_2250 = tpu.vector_load %arg14[%get3A_2249] {strides = array<i32>} : memref<400xi32, #tpu.memory_space<vmem>>, vector<16xi32>,
      %get3A_2251 = vector.shape_cast %get3A_2250 : vector<16xi32> to vector<16xi32>
      %mul3A_2252 = arith.constant 6 : i32
      %mul3A_2253 = vector.broadcast %mul3A_2252 : i32 to vector<16xi32>
      %mul3A_2254 = arith.muli %get3A_2251, %mul3A_2253 : vector<16xi32>
      %get3A_2255 = arith.constant 16 : index
      %get3A_2256 = tpu.vector_load %arg15[%get3A_2255] {strides = array<i32>} : memref<400xi32, #tpu.memory_space<vmem>>, vector<16xi32>,
      %get3A_2257 = vector.shape_cast %get3A_2256 : vector<16xi32> to vector<16xi32>
      %add3A_2258 = arith.addi %mul3A_2254, %get3A_2257 : vector<16xi32>
      %mul3A_2259 = arith.constant 2 : i32
      %mul3A_2260 = vector.broadcast %mul3A_2259 : i32 to vector<16xi32>
      %mul3A_2261 = arith.muli %add3A_2258, %mul3A_2260 : vector<16xi32>
      %get3A_2262 = arith.constant 16 : index
      %get3A_2263 = tpu.vector_load %arg16[%get3A_2262] {strides = array<i32>} : memref<400xi32, #tpu.memory_space<vmem>>, vector<16xi32>,
      %get3A_2264 = vector.shape_cast %get3A_2263 : vector<16xi32> to vector<16xi32>
      %add3A_2265 = arith.addi %mul3A_2261, %get3A_2264 : vector<16xi32>
      %swap3A_2266 = arith.constant 0 : i32
      %swap3A_2267 = arith.index_cast %swap3A_2266 : i32 to index
      %swap3A_2268 = arith.constant 16 : index
      %swap3A_2269 = tpu.vector_load %arg20[%swap3A_2267, %swap3A_2268] {strides = array<i32>} : memref<5x80xi32, #tpu.memory_space<vmem>>, vector<1x16xi32>,
      %swap3A_2270 = vector.shape_cast %swap3A_2269 : vector<1x16xi32> to vector<16xi32>
      %swap3A_2271 = vector.shape_cast %add3A_2265 : vector<16xi32> to vector<1x16xi32>
      tpu.vector_store %arg20[%swap3A_2267, %swap3A_2268], %swap3A_2271 {strides = array<i32>} : memref<5x80xi32, #tpu.memory_space<vmem>>, vector<1x16xi32>,
      %get3A_2272 = arith.constant 32 : index
      %get3A_2273 = tpu.vector_load %arg14[%get3A_2272] {strides = array<i32>} : memref<400xi32, #tpu.memory_space<vmem>>, vector<16xi32>,
      %get3A_2274 = vector.shape_cast %get3A_2273 : vector<16xi32> to vector<16xi32>
      %mul3A_2275 = arith.constant 6 : i32
      %mul3A_2276 = vector.broadcast %mul3A_2275 : i32 to vector<16xi32>
      %mul3A_2277 = arith.muli %get3A_2274, %mul3A_2276 : vector<16xi32>
      %get3A_2278 = arith.constant 32 : index
      %get3A_2279 = tpu.vector_load %arg15[%get3A_2278] {strides = array<i32>} : memref<400xi32, #tpu.memory_space<vmem>>, vector<16xi32>,
      %get3A_2280 = vector.shape_cast %get3A_2279 : vector<16xi32> to vector<16xi32>
      %add3A_2281 = arith.addi %mul3A_2277, %get3A_2280 : vector<16xi32>
      %mul3A_2282 = arith.constant 2 : i32
      %mul3A_2283 = vector.broadcast %mul3A_2282 : i32 to vector<16xi32>
      %mul3A_2284 = arith.muli %add3A_2281, %mul3A_2283 : vector<16xi32>
      %get3A_2285 = arith.constant 32 : index
      %get3A_2286 = tpu.vector_load %arg16[%get3A_2285] {strides = array<i32>} : memref<400xi32, #tpu.memory_space<vmem>>, vector<16xi32>,
      %get3A_2287 = vector.shape_cast %get3A_2286 : vector<16xi32> to vector<16xi32>
      %add3A_2288 = arith.addi %mul3A_2284, %get3A_2287 : vector<16xi32>
      %swap3A_2289 = arith.constant 0 : i32
      %swap3A_2290 = arith.index_cast %swap3A_2289 : i32 to index
      %swap3A_2291 = arith.constant 32 : index
      %swap3A_2292 = tpu.vector_load %arg20[%swap3A_2290, %swap3A_2291] {strides = array<i32>} : memref<5x80xi32, #tpu.memory_space<vmem>>, vector<1x16xi32>,
      %swap3A_2293 = vector.shape_cast %swap3A_2292 : vector<1x16xi32> to vector<16xi32>
      %swap3A_2294 = vector.shape_cast %add3A_2288 : vector<16xi32> to vector<1x16xi32>
      tpu.vector_store %arg20[%swap3A_2290, %swap3A_2291], %swap3A_2294 {strides = array<i32>} : memref<5x80xi32, #tpu.memory_space<vmem>>, vector<1x16xi32>,
      %get3A_2295 = arith.constant 48 : index
      %get3A_2296 = tpu.vector_load %arg14[%get3A_2295] {strides = array<i32>} : memref<400xi32, #tpu.memory_space<vmem>>, vector<16xi32>,
      %get3A_2297 = vector.shape_cast %get3A_2296 : vector<16xi32> to vector<16xi32>
      %mul3A_2298 = arith.constant 6 : i32
      %mul3A_2299 = vector.broadcast %mul3A_2298 : i32 to vector<16xi32>
      %mul3A_2300 = arith.muli %get3A_2297, %mul3A_2299 : vector<16xi32>
      %get3A_2301 = arith.constant 48 : index
      %get3A_2302 = tpu.vector_load %arg15[%get3A_2301] {strides = array<i32>} : memref<400xi32, #tpu.memory_space<vmem>>, vector<16xi32>,
      %get3A_2303 = vector.shape_cast %get3A_2302 : vector<16xi32> to vector<16xi32>
      %add3A_2304 = arith.addi %mul3A_2300, %get3A_2303 : vector<16xi32>
      %mul3A_2305 = arith.constant 2 : i32
      %mul3A_2306 = vector.broadcast %mul3A_2305 : i32 to vector<16xi32>
      %mul3A_2307 = arith.muli %add3A_2304, %mul3A_2306 : vector<16xi32>
      %get3A_2308 = arith.constant 48 : index
      %get3A_2309 = tpu.vector_load %arg16[%get3A_2308] {strides = array<i32>} : memref<400xi32, #tpu.memory_space<vmem>>, vector<16xi32>,
      %get3A_2310 = vector.shape_cast %get3A_2309 : vector<16xi32> to vector<16xi32>
      %add3A_2311 = arith.addi %mul3A_2307, %get3A_2310 : vector<16xi32>
      %swap3A_2312 = arith.constant 0 : i32
      %swap3A_2313 = arith.index_cast %swap3A_2312 : i32 to index
      %swap3A_2314 = arith.constant 48 : index
      %swap3A_2315 = tpu.vector_load %arg20[%swap3A_2313, %swap3A_2314] {strides = array<i32>} : memref<5x80xi32, #tpu.memory_space<vmem>>, vector<1x16xi32>,
      %swap3A_2316 = vector.shape_cast %swap3A_2315 : vector<1x16xi32> to vector<16xi32>
      %swap3A_2317 = vector.shape_cast %add3A_2311 : vector<16xi32> to vector<1x16xi32>
      tpu.vector_store %arg20[%swap3A_2313, %swap3A_2314], %swap3A_2317 {strides = array<i32>} : memref<5x80xi32, #tpu.memory_space<vmem>>, vector<1x16xi32>,
      %get3A_2318 = arith.constant 64 : index
      %get3A_2319 = tpu.vector_load %arg14[%get3A_2318] {strides = array<i32>} : memref<400xi32, #tpu.memory_space<vmem>>, vector<16xi32>,
      %get3A_2320 = vector.shape_cast %get3A_2319 : vector<16xi32> to vector<16xi32>
      %mul3A_2321 = arith.constant 6 : i32
      %mul3A_2322 = vector.broadcast %mul3A_2321 : i32 to vector<16xi32>
      %mul3A_2323 = arith.muli %get3A_2320, %mul3A_2322 : vector<16xi32>
      %get3A_2324 = arith.constant 64 : index
      %get3A_2325 = tpu.vector_load %arg15[%get3A_2324] {strides = array<i32>} : memref<400xi32, #tpu.memory_space<vmem>>, vector<16xi32>,
      %get3A_2326 = vector.shape_cast %get3A_2325 : vector<16xi32> to vector<16xi32>
      %add3A_2327 = arith.addi %mul3A_2323, %get3A_2326 : vector<16xi32>
      %mul3A_2328 = arith.constant 2 : i32
      %mul3A_2329 = vector.broadcast %mul3A_2328 : i32 to vector<16xi32>
      %mul3A_2330 = arith.muli %add3A_2327, %mul3A_2329 : vector<16xi32>
      %get3A_2331 = arith.constant 64 : index
      %get3A_2332 = tpu.vector_load %arg16[%get3A_2331] {strides = array<i32>} : memref<400xi32, #tpu.memory_space<vmem>>, vector<16xi32>,
      %get3A_2333 = vector.shape_cast %get3A_2332 : vector<16xi32> to vector<16xi32>
      %add3A_2334 = arith.addi %mul3A_2330, %get3A_2333 : vector<16xi32>
      %swap3A_2335 = arith.constant 0 : i32
      %swap3A_2336 = arith.index_cast %swap3A_2335 : i32 to index
      %swap3A_2337 = arith.constant 64 : index
      %swap3A_2338 = tpu.vector_load %arg20[%swap3A_2336, %swap3A_2337] {strides = array<i32>} : memref<5x80xi32, #tpu.memory_space<vmem>>, vector<1x16xi32>,
      %swap3A_2339 = vector.shape_cast %swap3A_2338 : vector<1x16xi32> to vector<16xi32>
      %swap3A_2340 = vector.shape_cast %add3A_2334 : vector<16xi32> to vector<1x16xi32>
      tpu.vector_store %arg20[%swap3A_2336, %swap3A_2337], %swap3A_2340 {strides = array<i32>} : memref<5x80xi32, #tpu.memory_space<vmem>>, vector<1x16xi32>,
      %get3A_2341 = arith.constant 80 : index
      %get3A_2342 = tpu.vector_load %arg14[%get3A_2341] {strides = array<i32>} : memref<400xi32, #tpu.memory_space<vmem>>, vector<16xi32>,
      %get3A_2343 = vector.shape_cast %get3A_2342 : vector<16xi32> to vector<16xi32>
      %mul3A_2344 = arith.constant 6 : i32
      %mul3A_2345 = vector.broadcast %mul3A_2344 : i32 to vector<16xi32>
      %mul3A_2346 = arith.muli %get3A_2343, %mul3A_2345 : vector<16xi32>
      %get3A_2347 = arith.constant 80 : index
      %get3A_2348 = tpu.vector_load %arg15[%get3A_2347] {strides = array<i32>} : memref<400xi32, #tpu.memory_space<vmem>>, vector<16xi32>,
      %get3A_2349 = vector.shape_cast %get3A_2348 : vector<16xi32> to vector<16xi32>
      %add3A_2350 = arith.addi %mul3A_2346, %get3A_2349 : vector<16xi32>
      %mul3A_2351 = arith.constant 2 : i32
      %mul3A_2352 = vector.broadcast %mul3A_2351 : i32 to vector<16xi32>
      %mul3A_2353 = arith.muli %add3A_2350, %mul3A_2352 : vector<16xi32>
      %get3A_2354 = arith.constant 80 : index
      %get3A_2355 = tpu.vector_load %arg16[%get3A_2354] {strides = array<i32>} : memref<400xi32, #tpu.memory_space<vmem>>, vector<16xi32>,
      %get3A_2356 = vector.shape_cast %get3A_2355 : vector<16xi32> to vector<16xi32>
      %add3A_2357 = arith.addi %mul3A_2353, %get3A_2356 : vector<16xi32>
      %swap3A_2358 = arith.constant 1 : i32
      %swap3A_2359 = arith.index_cast %swap3A_2358 : i32 to index
      %swap3A_2360 = arith.constant 0 : index
      %swap3A_2361 = tpu.vector_load %arg20[%swap3A_2359, %swap3A_2360] {strides = array<i32>} : memref<5x80xi32, #tpu.memory_space<vmem>>, vector<1x16xi32>,
      %swap3A_2362 = vector.shape_cast %swap3A_2361 : vector<1x16xi32> to vector<16xi32>
      %swap3A_2363 = vector.shape_cast %add3A_2357 : vector<16xi32> to vector<1x16xi32>
      tpu.vector_store %arg20[%swap3A_2359, %swap3A_2360], %swap3A_2363 {strides = array<i32>} : memref<5x80xi32, #tpu.memory_space<vmem>>, vector<1x16xi32>,
      %get3A_2364 = arith.constant 96 : index
      %get3A_2365 = tpu.vector_load %arg14[%get3A_2364] {strides = array<i32>} : memref<400xi32, #tpu.memory_space<vmem>>, vector<16xi32>,
      %get3A_2366 = vector.shape_cast %get3A_2365 : vector<16xi32> to vector<16xi32>
      %mul3A_2367 = arith.constant 6 : i32
      %mul3A_2368 = vector.broadcast %mul3A_2367 : i32 to vector<16xi32>
      %mul3A_2369 = arith.muli %get3A_2366, %mul3A_2368 : vector<16xi32>
      %get3A_2370 = arith.constant 96 : index
      %get3A_2371 = tpu.vector_load %arg15[%get3A_2370] {strides = array<i32>} : memref<400xi32, #tpu.memory_space<vmem>>, vector<16xi32>,
      %get3A_2372 = vector.shape_cast %get3A_2371 : vector<16xi32> to vector<16xi32>
      %add3A_2373 = arith.addi %mul3A_2369, %get3A_2372 : vector<16xi32>
      %mul3A_2374 = arith.constant 2 : i32
      %mul3A_2375 = vector.broadcast %mul3A_2374 : i32 to vector<16xi32>
      %mul3A_2376 = arith.muli %add3A_2373, %mul3A_2375 : vector<16xi32>
      %get3A_2377 = arith.constant 96 : index
      %get3A_2378 = tpu.vector_load %arg16[%get3A_2377] {strides = array<i32>} : memref<400xi32, #tpu.memory_space<vmem>>, vector<16xi32>,
      %get3A_2379 = vector.shape_cast %get3A_2378 : vector<16xi32> to vector<16xi32>
      %add3A_2380 = arith.addi %mul3A_2376, %get3A_2379 : vector<16xi32>
      %swap3A_2381 = arith.constant 1 : i32
      %swap3A_2382 = arith.index_cast %swap3A_2381 : i32 to index
      %swap3A_2383 = arith.constant 16 : index
      %swap3A_2384 = tpu.vector_load %arg20[%swap3A_2382, %swap3A_2383] {strides = array<i32>} : memref<5x80xi32, #tpu.memory_space<vmem>>, vector<1x16xi32>,
      %swap3A_2385 = vector.shape_cast %swap3A_2384 : vector<1x16xi32> to vector<16xi32>
      %swap3A_2386 = vector.shape_cast %add3A_2380 : vector<16xi32> to vector<1x16xi32>
      tpu.vector_store %arg20[%swap3A_2382, %swap3A_2383], %swap3A_2386 {strides = array<i32>} : memref<5x80xi32, #tpu.memory_space<vmem>>, vector<1x16xi32>,
      %get3A_2387 = arith.constant 112 : index
      %get3A_2388 = tpu.vector_load %arg14[%get3A_2387] {strides = array<i32>} : memref<400xi32, #tpu.memory_space<vmem>>, vector<16xi32>,
      %get3A_2389 = vector.shape_cast %get3A_2388 : vector<16xi32> to vector<16xi32>
      %mul3A_2390 = arith.constant 6 : i32
      %mul3A_2391 = vector.broadcast %mul3A_2390 : i32 to vector<16xi32>
      %mul3A_2392 = arith.muli %get3A_2389, %mul3A_2391 : vector<16xi32>
      %get3A_2393 = arith.constant 112 : index
      %get3A_2394 = tpu.vector_load %arg15[%get3A_2393] {strides = array<i32>} : memref<400xi32, #tpu.memory_space<vmem>>, vector<16xi32>,
      %get3A_2395 = vector.shape_cast %get3A_2394 : vector<16xi32> to vector<16xi32>
      %add3A_2396 = arith.addi %mul3A_2392, %get3A_2395 : vector<16xi32>
      %mul3A_2397 = arith.constant 2 : i32
      %mul3A_2398 = vector.broadcast %mul3A_2397 : i32 to vector<16xi32>
      %mul3A_2399 = arith.muli %add3A_2396, %mul3A_2398 : vector<16xi32>
      %get3A_2400 = arith.constant 112 : index
      %get3A_2401 = tpu.vector_load %arg16[%get3A_2400] {strides = array<i32>} : memref<400xi32, #tpu.memory_space<vmem>>, vector<16xi32>,
      %get3A_2402 = vector.shape_cast %get3A_2401 : vector<16xi32> to vector<16xi32>
      %add3A_2403 = arith.addi %mul3A_2399, %get3A_2402 : vector<16xi32>
      %swap3A_2404 = arith.constant 1 : i32
      %swap3A_2405 = arith.index_cast %swap3A_2404 : i32 to index
      %swap3A_2406 = arith.constant 32 : index
      %swap3A_2407 = tpu.vector_load %arg20[%swap3A_2405, %swap3A_2406] {strides = array<i32>} : memref<5x80xi32, #tpu.memory_space<vmem>>, vector<1x16xi32>,
      %swap3A_2408 = vector.shape_cast %swap3A_2407 : vector<1x16xi32> to vector<16xi32>
      %swap3A_2409 = vector.shape_cast %add3A_2403 : vector<16xi32> to vector<1x16xi32>
      tpu.vector_store %arg20[%swap3A_2405, %swap3A_2406], %swap3A_2409 {strides = array<i32>} : memref<5x80xi32, #tpu.memory_space<vmem>>, vector<1x16xi32>,
      %get3A_2410 = arith.constant 128 : index
      %get3A_2411 = tpu.vector_load %arg14[%get3A_2410] {strides = array<i32>} : memref<400xi32, #tpu.memory_space<vmem>>, vector<16xi32>,
      %get3A_2412 = vector.shape_cast %get3A_2411 : vector<16xi32> to vector<16xi32>
      %mul3A_2413 = arith.constant 6 : i32
      %mul3A_2414 = vector.broadcast %mul3A_2413 : i32 to vector<16xi32>
      %mul3A_2415 = arith.muli %get3A_2412, %mul3A_2414 : vector<16xi32>
      %get3A_2416 = arith.constant 128 : index
      %get3A_2417 = tpu.vector_load %arg15[%get3A_2416] {strides = array<i32>} : memref<400xi32, #tpu.memory_space<vmem>>, vector<16xi32>,
      %get3A_2418 = vector.shape_cast %get3A_2417 : vector<16xi32> to vector<16xi32>
      %add3A_2419 = arith.addi %mul3A_2415, %get3A_2418 : vector<16xi32>
      %mul3A_2420 = arith.constant 2 : i32
      %mul3A_2421 = vector.broadcast %mul3A_2420 : i32 to vector<16xi32>
      %mul3A_2422 = arith.muli %add3A_2419, %mul3A_2421 : vector<16xi32>
      %get3A_2423 = arith.constant 128 : index
      %get3A_2424 = tpu.vector_load %arg16[%get3A_2423] {strides = array<i32>} : memref<400xi32, #tpu.memory_space<vmem>>, vector<16xi32>,
      %get3A_2425 = vector.shape_cast %get3A_2424 : vector<16xi32> to vector<16xi32>
      %add3A_2426 = arith.addi %mul3A_2422, %get3A_2425 : vector<16xi32>
      %swap3A_2427 = arith.constant 1 : i32
      %swap3A_2428 = arith.index_cast %swap3A_2427 : i32 to index
      %swap3A_2429 = arith.constant 48 : index
      %swap3A_2430 = tpu.vector_load %arg20[%swap3A_2428, %swap3A_2429] {strides = array<i32>} : memref<5x80xi32, #tpu.memory_space<vmem>>, vector<1x16xi32>,
      %swap3A_2431 = vector.shape_cast %swap3A_2430 : vector<1x16xi32> to vector<16xi32>
      %swap3A_2432 = vector.shape_cast %add3A_2426 : vector<16xi32> to vector<1x16xi32>
      tpu.vector_store %arg20[%swap3A_2428, %swap3A_2429], %swap3A_2432 {strides = array<i32>} : memref<5x80xi32, #tpu.memory_space<vmem>>, vector<1x16xi32>,
      %get3A_2433 = arith.constant 144 : index
      %get3A_2434 = tpu.vector_load %arg14[%get3A_2433] {strides = array<i32>} : memref<400xi32, #tpu.memory_space<vmem>>, vector<16xi32>,
      %get3A_2435 = vector.shape_cast %get3A_2434 : vector<16xi32> to vector<16xi32>
      %mul3A_2436 = arith.constant 6 : i32
      %mul3A_2437 = vector.broadcast %mul3A_2436 : i32 to vector<16xi32>
      %mul3A_2438 = arith.muli %get3A_2435, %mul3A_2437 : vector<16xi32>
      %get3A_2439 = arith.constant 144 : index
      %get3A_2440 = tpu.vector_load %arg15[%get3A_2439] {strides = array<i32>} : memref<400xi32, #tpu.memory_space<vmem>>, vector<16xi32>,
      %get3A_2441 = vector.shape_cast %get3A_2440 : vector<16xi32> to vector<16xi32>
      %add3A_2442 = arith.addi %mul3A_2438, %get3A_2441 : vector<16xi32>
      %mul3A_2443 = arith.constant 2 : i32
      %mul3A_2444 = vector.broadcast %mul3A_2443 : i32 to vector<16xi32>
      %mul3A_2445 = arith.muli %add3A_2442, %mul3A_2444 : vector<16xi32>
      %get3A_2446 = arith.constant 144 : index
      %get3A_2447 = tpu.vector_load %arg16[%get3A_2446] {strides = array<i32>} : memref<400xi32, #tpu.memory_space<vmem>>, vector<16xi32>,
      %get3A_2448 = vector.shape_cast %get3A_2447 : vector<16xi32> to vector<16xi32>
      %add3A_2449 = arith.addi %mul3A_2445, %get3A_2448 : vector<16xi32>
      %swap3A_2450 = arith.constant 1 : i32
      %swap3A_2451 = arith.index_cast %swap3A_2450 : i32 to index
      %swap3A_2452 = arith.constant 64 : index
      %swap3A_2453 = tpu.vector_load %arg20[%swap3A_2451, %swap3A_2452] {strides = array<i32>} : memref<5x80xi32, #tpu.memory_space<vmem>>, vector<1x16xi32>,
      %swap3A_2454 = vector.shape_cast %swap3A_2453 : vector<1x16xi32> to vector<16xi32>
      %swap3A_2455 = vector.shape_cast %add3A_2449 : vector<16xi32> to vector<1x16xi32>
      tpu.vector_store %arg20[%swap3A_2451, %swap3A_2452], %swap3A_2455 {strides = array<i32>} : memref<5x80xi32, #tpu.memory_space<vmem>>, vector<1x16xi32>,
      %get3A_2456 = arith.constant 160 : index
      %get3A_2457 = tpu.vector_load %arg14[%get3A_2456] {strides = array<i32>} : memref<400xi32, #tpu.memory_space<vmem>>, vector<16xi32>,
      %get3A_2458 = vector.shape_cast %get3A_2457 : vector<16xi32> to vector<16xi32>
      %mul3A_2459 = arith.constant 6 : i32
      %mul3A_2460 = vector.broadcast %mul3A_2459 : i32 to vector<16xi32>
      %mul3A_2461 = arith.muli %get3A_2458, %mul3A_2460 : vector<16xi32>
      %get3A_2462 = arith.constant 160 : index
      %get3A_2463 = tpu.vector_load %arg15[%get3A_2462] {strides = array<i32>} : memref<400xi32, #tpu.memory_space<vmem>>, vector<16xi32>,
      %get3A_2464 = vector.shape_cast %get3A_2463 : vector<16xi32> to vector<16xi32>
      %add3A_2465 = arith.addi %mul3A_2461, %get3A_2464 : vector<16xi32>
      %mul3A_2466 = arith.constant 2 : i32
      %mul3A_2467 = vector.broadcast %mul3A_2466 : i32 to vector<16xi32>
      %mul3A_2468 = arith.muli %add3A_2465, %mul3A_2467 : vector<16xi32>
      %get3A_2469 = arith.constant 160 : index
      %get3A_2470 = tpu.vector_load %arg16[%get3A_2469] {strides = array<i32>} : memref<400xi32, #tpu.memory_space<vmem>>, vector<16xi32>,
      %get3A_2471 = vector.shape_cast %get3A_2470 : vector<16xi32> to vector<16xi32>
      %add3A_2472 = arith.addi %mul3A_2468, %get3A_2471 : vector<16xi32>
      %swap3A_2473 = arith.constant 2 : i32
      %swap3A_2474 = arith.index_cast %swap3A_2473 : i32 to index
      %swap3A_2475 = arith.constant 0 : index
      %swap3A_2476 = tpu.vector_load %arg20[%swap3A_2474, %swap3A_2475] {strides = array<i32>} : memref<5x80xi32, #tpu.memory_space<vmem>>, vector<1x16xi32>,
      %swap3A_2477 = vector.shape_cast %swap3A_2476 : vector<1x16xi32> to vector<16xi32>
      %swap3A_2478 = vector.shape_cast %add3A_2472 : vector<16xi32> to vector<1x16xi32>
      tpu.vector_store %arg20[%swap3A_2474, %swap3A_2475], %swap3A_2478 {strides = array<i32>} : memref<5x80xi32, #tpu.memory_space<vmem>>, vector<1x16xi32>,
      %get3A_2479 = arith.constant 176 : index
      %get3A_2480 = tpu.vector_load %arg14[%get3A_2479] {strides = array<i32>} : memref<400xi32, #tpu.memory_space<vmem>>, vector<16xi32>,
      %get3A_2481 = vector.shape_cast %get3A_2480 : vector<16xi32> to vector<16xi32>
      %mul3A_2482 = arith.constant 6 : i32
      %mul3A_2483 = vector.broadcast %mul3A_2482 : i32 to vector<16xi32>
      %mul3A_2484 = arith.muli %get3A_2481, %mul3A_2483 : vector<16xi32>
      %get3A_2485 = arith.constant 176 : index
      %get3A_2486 = tpu.vector_load %arg15[%get3A_2485] {strides = array<i32>} : memref<400xi32, #tpu.memory_space<vmem>>, vector<16xi32>,
      %get3A_2487 = vector.shape_cast %get3A_2486 : vector<16xi32> to vector<16xi32>
      %add3A_2488 = arith.addi %mul3A_2484, %get3A_2487 : vector<16xi32>
      %mul3A_2489 = arith.constant 2 : i32
      %mul3A_2490 = vector.broadcast %mul3A_2489 : i32 to vector<16xi32>
      %mul3A_2491 = arith.muli %add3A_2488, %mul3A_2490 : vector<16xi32>
      %get3A_2492 = arith.constant 176 : index
      %get3A_2493 = tpu.vector_load %arg16[%get3A_2492] {strides = array<i32>} : memref<400xi32, #tpu.memory_space<vmem>>, vector<16xi32>,
      %get3A_2494 = vector.shape_cast %get3A_2493 : vector<16xi32> to vector<16xi32>
      %add3A_2495 = arith.addi %mul3A_2491, %get3A_2494 : vector<16xi32>
      %swap3A_2496 = arith.constant 2 : i32
      %swap3A_2497 = arith.index_cast %swap3A_2496 : i32 to index
      %swap3A_2498 = arith.constant 16 : index
      %swap3A_2499 = tpu.vector_load %arg20[%swap3A_2497, %swap3A_2498] {strides = array<i32>} : memref<5x80xi32, #tpu.memory_space<vmem>>, vector<1x16xi32>,
      %swap3A_2500 = vector.shape_cast %swap3A_2499 : vector<1x16xi32> to vector<16xi32>
      %swap3A_2501 = vector.shape_cast %add3A_2495 : vector<16xi32> to vector<1x16xi32>
      tpu.vector_store %arg20[%swap3A_2497, %swap3A_2498], %swap3A_2501 {strides = array<i32>} : memref<5x80xi32, #tpu.memory_space<vmem>>, vector<1x16xi32>,
      %get3A_2502 = arith.constant 192 : index
      %get3A_2503 = tpu.vector_load %arg14[%get3A_2502] {strides = array<i32>} : memref<400xi32, #tpu.memory_space<vmem>>, vector<16xi32>,
      %get3A_2504 = vector.shape_cast %get3A_2503 : vector<16xi32> to vector<16xi32>
      %mul3A_2505 = arith.constant 6 : i32
      %mul3A_2506 = vector.broadcast %mul3A_2505 : i32 to vector<16xi32>
      %mul3A_2507 = arith.muli %get3A_2504, %mul3A_2506 : vector<16xi32>
      %get3A_2508 = arith.constant 192 : index
      %get3A_2509 = tpu.vector_load %arg15[%get3A_2508] {strides = array<i32>} : memref<400xi32, #tpu.memory_space<vmem>>, vector<16xi32>,
      %get3A_2510 = vector.shape_cast %get3A_2509 : vector<16xi32> to vector<16xi32>
      %add3A_2511 = arith.addi %mul3A_2507, %get3A_2510 : vector<16xi32>
      %mul3A_2512 = arith.constant 2 : i32
      %mul3A_2513 = vector.broadcast %mul3A_2512 : i32 to vector<16xi32>
      %mul3A_2514 = arith.muli %add3A_2511, %mul3A_2513 : vector<16xi32>
      %get3A_2515 = arith.constant 192 : index
      %get3A_2516 = tpu.vector_load %arg16[%get3A_2515] {strides = array<i32>} : memref<400xi32, #tpu.memory_space<vmem>>, vector<16xi32>,
      %get3A_2517 = vector.shape_cast %get3A_2516 : vector<16xi32> to vector<16xi32>
      %add3A_2518 = arith.addi %mul3A_2514, %get3A_2517 : vector<16xi32>
      %swap3A_2519 = arith.constant 2 : i32
      %swap3A_2520 = arith.index_cast %swap3A_2519 : i32 to index
      %swap3A_2521 = arith.constant 32 : index
      %swap3A_2522 = tpu.vector_load %arg20[%swap3A_2520, %swap3A_2521] {strides = array<i32>} : memref<5x80xi32, #tpu.memory_space<vmem>>, vector<1x16xi32>,
      %swap3A_2523 = vector.shape_cast %swap3A_2522 : vector<1x16xi32> to vector<16xi32>
      %swap3A_2524 = vector.shape_cast %add3A_2518 : vector<16xi32> to vector<1x16xi32>
      tpu.vector_store %arg20[%swap3A_2520, %swap3A_2521], %swap3A_2524 {strides = array<i32>} : memref<5x80xi32, #tpu.memory_space<vmem>>, vector<1x16xi32>,
      %get3A_2525 = arith.constant 208 : index
      %get3A_2526 = tpu.vector_load %arg14[%get3A_2525] {strides = array<i32>} : memref<400xi32, #tpu.memory_space<vmem>>, vector<16xi32>,
      %get3A_2527 = vector.shape_cast %get3A_2526 : vector<16xi32> to vector<16xi32>
      %mul3A_2528 = arith.constant 6 : i32
      %mul3A_2529 = vector.broadcast %mul3A_2528 : i32 to vector<16xi32>
      %mul3A_2530 = arith.muli %get3A_2527, %mul3A_2529 : vector<16xi32>
      %get3A_2531 = arith.constant 208 : index
      %get3A_2532 = tpu.vector_load %arg15[%get3A_2531] {strides = array<i32>} : memref<400xi32, #tpu.memory_space<vmem>>, vector<16xi32>,
      %get3A_2533 = vector.shape_cast %get3A_2532 : vector<16xi32> to vector<16xi32>
      %add3A_2534 = arith.addi %mul3A_2530, %get3A_2533 : vector<16xi32>
      %mul3A_2535 = arith.constant 2 : i32
      %mul3A_2536 = vector.broadcast %mul3A_2535 : i32 to vector<16xi32>
      %mul3A_2537 = arith.muli %add3A_2534, %mul3A_2536 : vector<16xi32>
      %get3A_2538 = arith.constant 208 : index
      %get3A_2539 = tpu.vector_load %arg16[%get3A_2538] {strides = array<i32>} : memref<400xi32, #tpu.memory_space<vmem>>, vector<16xi32>,
      %get3A_2540 = vector.shape_cast %get3A_2539 : vector<16xi32> to vector<16xi32>
      %add3A_2541 = arith.addi %mul3A_2537, %get3A_2540 : vector<16xi32>
      %swap3A_2542 = arith.constant 2 : i32
      %swap3A_2543 = arith.index_cast %swap3A_2542 : i32 to index
      %swap3A_2544 = arith.constant 48 : index
      %swap3A_2545 = tpu.vector_load %arg20[%swap3A_2543, %swap3A_2544] {strides = array<i32>} : memref<5x80xi32, #tpu.memory_space<vmem>>, vector<1x16xi32>,
      %swap3A_2546 = vector.shape_cast %swap3A_2545 : vector<1x16xi32> to vector<16xi32>
      %swap3A_2547 = vector.shape_cast %add3A_2541 : vector<16xi32> to vector<1x16xi32>
      tpu.vector_store %arg20[%swap3A_2543, %swap3A_2544], %swap3A_2547 {strides = array<i32>} : memref<5x80xi32, #tpu.memory_space<vmem>>, vector<1x16xi32>,
      %get3A_2548 = arith.constant 224 : index
      %get3A_2549 = tpu.vector_load %arg14[%get3A_2548] {strides = array<i32>} : memref<400xi32, #tpu.memory_space<vmem>>, vector<16xi32>,
      %get3A_2550 = vector.shape_cast %get3A_2549 : vector<16xi32> to vector<16xi32>
      %mul3A_2551 = arith.constant 6 : i32
      %mul3A_2552 = vector.broadcast %mul3A_2551 : i32 to vector<16xi32>
      %mul3A_2553 = arith.muli %get3A_2550, %mul3A_2552 : vector<16xi32>
      %get3A_2554 = arith.constant 224 : index
      %get3A_2555 = tpu.vector_load %arg15[%get3A_2554] {strides = array<i32>} : memref<400xi32, #tpu.memory_space<vmem>>, vector<16xi32>,
      %get3A_2556 = vector.shape_cast %get3A_2555 : vector<16xi32> to vector<16xi32>
      %add3A_2557 = arith.addi %mul3A_2553, %get3A_2556 : vector<16xi32>
      %mul3A_2558 = arith.constant 2 : i32
      %mul3A_2559 = vector.broadcast %mul3A_2558 : i32 to vector<16xi32>
      %mul3A_2560 = arith.muli %add3A_2557, %mul3A_2559 : vector<16xi32>
      %get3A_2561 = arith.constant 224 : index
      %get3A_2562 = tpu.vector_load %arg16[%get3A_2561] {strides = array<i32>} : memref<400xi32, #tpu.memory_space<vmem>>, vector<16xi32>,
      %get3A_2563 = vector.shape_cast %get3A_2562 : vector<16xi32> to vector<16xi32>
      %add3A_2564 = arith.addi %mul3A_2560, %get3A_2563 : vector<16xi32>
      %swap3A_2565 = arith.constant 2 : i32
      %swap3A_2566 = arith.index_cast %swap3A_2565 : i32 to index
      %swap3A_2567 = arith.constant 64 : index
      %swap3A_2568 = tpu.vector_load %arg20[%swap3A_2566, %swap3A_2567] {strides = array<i32>} : memref<5x80xi32, #tpu.memory_space<vmem>>, vector<1x16xi32>,
      %swap3A_2569 = vector.shape_cast %swap3A_2568 : vector<1x16xi32> to vector<16xi32>
      %swap3A_2570 = vector.shape_cast %add3A_2564 : vector<16xi32> to vector<1x16xi32>
      tpu.vector_store %arg20[%swap3A_2566, %swap3A_2567], %swap3A_2570 {strides = array<i32>} : memref<5x80xi32, #tpu.memory_space<vmem>>, vector<1x16xi32>,
      %get3A_2571 = arith.constant 240 : index
      %get3A_2572 = tpu.vector_load %arg14[%get3A_2571] {strides = array<i32>} : memref<400xi32, #tpu.memory_space<vmem>>, vector<16xi32>,
      %get3A_2573 = vector.shape_cast %get3A_2572 : vector<16xi32> to vector<16xi32>
      %mul3A_2574 = arith.constant 6 : i32
      %mul3A_2575 = vector.broadcast %mul3A_2574 : i32 to vector<16xi32>
      %mul3A_2576 = arith.muli %get3A_2573, %mul3A_2575 : vector<16xi32>
      %get3A_2577 = arith.constant 240 : index
      %get3A_2578 = tpu.vector_load %arg15[%get3A_2577] {strides = array<i32>} : memref<400xi32, #tpu.memory_space<vmem>>, vector<16xi32>,
      %get3A_2579 = vector.shape_cast %get3A_2578 : vector<16xi32> to vector<16xi32>
      %add3A_2580 = arith.addi %mul3A_2576, %get3A_2579 : vector<16xi32>
      %mul3A_2581 = arith.constant 2 : i32
      %mul3A_2582 = vector.broadcast %mul3A_2581 : i32 to vector<16xi32>
      %mul3A_2583 = arith.muli %add3A_2580, %mul3A_2582 : vector<16xi32>
      %get3A_2584 = arith.constant 240 : index
      %get3A_2585 = tpu.vector_load %arg16[%get3A_2584] {strides = array<i32>} : memref<400xi32, #tpu.memory_space<vmem>>, vector<16xi32>,
      %get3A_2586 = vector.shape_cast %get3A_2585 : vector<16xi32> to vector<16xi32>
      %add3A_2587 = arith.addi %mul3A_2583, %get3A_2586 : vector<16xi32>
      %swap3A_2588 = arith.constant 3 : i32
      %swap3A_2589 = arith.index_cast %swap3A_2588 : i32 to index
      %swap3A_2590 = arith.constant 0 : index
      %swap3A_2591 = tpu.vector_load %arg20[%swap3A_2589, %swap3A_2590] {strides = array<i32>} : memref<5x80xi32, #tpu.memory_space<vmem>>, vector<1x16xi32>,
      %swap3A_2592 = vector.shape_cast %swap3A_2591 : vector<1x16xi32> to vector<16xi32>
      %swap3A_2593 = vector.shape_cast %add3A_2587 : vector<16xi32> to vector<1x16xi32>
      tpu.vector_store %arg20[%swap3A_2589, %swap3A_2590], %swap3A_2593 {strides = array<i32>} : memref<5x80xi32, #tpu.memory_space<vmem>>, vector<1x16xi32>,
      %get3A_2594 = arith.constant 256 : index
      %get3A_2595 = tpu.vector_load %arg14[%get3A_2594] {strides = array<i32>} : memref<400xi32, #tpu.memory_space<vmem>>, vector<16xi32>,
      %get3A_2596 = vector.shape_cast %get3A_2595 : vector<16xi32> to vector<16xi32>
      %mul3A_2597 = arith.constant 6 : i32
      %mul3A_2598 = vector.broadcast %mul3A_2597 : i32 to vector<16xi32>
      %mul3A_2599 = arith.muli %get3A_2596, %mul3A_2598 : vector<16xi32>
      %get3A_2600 = arith.constant 256 : index
      %get3A_2601 = tpu.vector_load %arg15[%get3A_2600] {strides = array<i32>} : memref<400xi32, #tpu.memory_space<vmem>>, vector<16xi32>,
      %get3A_2602 = vector.shape_cast %get3A_2601 : vector<16xi32> to vector<16xi32>
      %add3A_2603 = arith.addi %mul3A_2599, %get3A_2602 : vector<16xi32>
      %mul3A_2604 = arith.constant 2 : i32
      %mul3A_2605 = vector.broadcast %mul3A_2604 : i32 to vector<16xi32>
      %mul3A_2606 = arith.muli %add3A_2603, %mul3A_2605 : vector<16xi32>
      %get3A_2607 = arith.constant 256 : index
      %get3A_2608 = tpu.vector_load %arg16[%get3A_2607] {strides = array<i32>} : memref<400xi32, #tpu.memory_space<vmem>>, vector<16xi32>,
      %get3A_2609 = vector.shape_cast %get3A_2608 : vector<16xi32> to vector<16xi32>
      %add3A_2610 = arith.addi %mul3A_2606, %get3A_2609 : vector<16xi32>
      %swap3A_2611 = arith.constant 3 : i32
      %swap3A_2612 = arith.index_cast %swap3A_2611 : i32 to index
      %swap3A_2613 = arith.constant 16 : index
      %swap3A_2614 = tpu.vector_load %arg20[%swap3A_2612, %swap3A_2613] {strides = array<i32>} : memref<5x80xi32, #tpu.memory_space<vmem>>, vector<1x16xi32>,
      %swap3A_2615 = vector.shape_cast %swap3A_2614 : vector<1x16xi32> to vector<16xi32>
      %swap3A_2616 = vector.shape_cast %add3A_2610 : vector<16xi32> to vector<1x16xi32>
      tpu.vector_store %arg20[%swap3A_2612, %swap3A_2613], %swap3A_2616 {strides = array<i32>} : memref<5x80xi32, #tpu.memory_space<vmem>>, vector<1x16xi32>,
      %get3A_2617 = arith.constant 272 : index
      %get3A_2618 = tpu.vector_load %arg14[%get3A_2617] {strides = array<i32>} : memref<400xi32, #tpu.memory_space<vmem>>, vector<16xi32>,
      %get3A_2619 = vector.shape_cast %get3A_2618 : vector<16xi32> to vector<16xi32>
      %mul3A_2620 = arith.constant 6 : i32
      %mul3A_2621 = vector.broadcast %mul3A_2620 : i32 to vector<16xi32>
      %mul3A_2622 = arith.muli %get3A_2619, %mul3A_2621 : vector<16xi32>
      %get3A_2623 = arith.constant 272 : index
      %get3A_2624 = tpu.vector_load %arg15[%get3A_2623] {strides = array<i32>} : memref<400xi32, #tpu.memory_space<vmem>>, vector<16xi32>,
      %get3A_2625 = vector.shape_cast %get3A_2624 : vector<16xi32> to vector<16xi32>
      %add3A_2626 = arith.addi %mul3A_2622, %get3A_2625 : vector<16xi32>
      %mul3A_2627 = arith.constant 2 : i32
      %mul3A_2628 = vector.broadcast %mul3A_2627 : i32 to vector<16xi32>
      %mul3A_2629 = arith.muli %add3A_2626, %mul3A_2628 : vector<16xi32>
      %get3A_2630 = arith.constant 272 : index
      %get3A_2631 = tpu.vector_load %arg16[%get3A_2630] {strides = array<i32>} : memref<400xi32, #tpu.memory_space<vmem>>, vector<16xi32>,
      %get3A_2632 = vector.shape_cast %get3A_2631 : vector<16xi32> to vector<16xi32>
      %add3A_2633 = arith.addi %mul3A_2629, %get3A_2632 : vector<16xi32>
      %swap3A_2634 = arith.constant 3 : i32
      %swap3A_2635 = arith.index_cast %swap3A_2634 : i32 to index
      %swap3A_2636 = arith.constant 32 : index
      %swap3A_2637 = tpu.vector_load %arg20[%swap3A_2635, %swap3A_2636] {strides = array<i32>} : memref<5x80xi32, #tpu.memory_space<vmem>>, vector<1x16xi32>,
      %swap3A_2638 = vector.shape_cast %swap3A_2637 : vector<1x16xi32> to vector<16xi32>
      %swap3A_2639 = vector.shape_cast %add3A_2633 : vector<16xi32> to vector<1x16xi32>
      tpu.vector_store %arg20[%swap3A_2635, %swap3A_2636], %swap3A_2639 {strides = array<i32>} : memref<5x80xi32, #tpu.memory_space<vmem>>, vector<1x16xi32>,
      %get3A_2640 = arith.constant 288 : index
      %get3A_2641 = tpu.vector_load %arg14[%get3A_2640] {strides = array<i32>} : memref<400xi32, #tpu.memory_space<vmem>>, vector<16xi32>,
      %get3A_2642 = vector.shape_cast %get3A_2641 : vector<16xi32> to vector<16xi32>
      %mul3A_2643 = arith.constant 6 : i32
      %mul3A_2644 = vector.broadcast %mul3A_2643 : i32 to vector<16xi32>
      %mul3A_2645 = arith.muli %get3A_2642, %mul3A_2644 : vector<16xi32>
      %get3A_2646 = arith.constant 288 : index
      %get3A_2647 = tpu.vector_load %arg15[%get3A_2646] {strides = array<i32>} : memref<400xi32, #tpu.memory_space<vmem>>, vector<16xi32>,
      %get3A_2648 = vector.shape_cast %get3A_2647 : vector<16xi32> to vector<16xi32>
      %add3A_2649 = arith.addi %mul3A_2645, %get3A_2648 : vector<16xi32>
      %mul3A_2650 = arith.constant 2 : i32
      %mul3A_2651 = vector.broadcast %mul3A_2650 : i32 to vector<16xi32>
      %mul3A_2652 = arith.muli %add3A_2649, %mul3A_2651 : vector<16xi32>
      %get3A_2653 = arith.constant 288 : index
      %get3A_2654 = tpu.vector_load %arg16[%get3A_2653] {strides = array<i32>} : memref<400xi32, #tpu.memory_space<vmem>>, vector<16xi32>,
      %get3A_2655 = vector.shape_cast %get3A_2654 : vector<16xi32> to vector<16xi32>
      %add3A_2656 = arith.addi %mul3A_2652, %get3A_2655 : vector<16xi32>
      %swap3A_2657 = arith.constant 3 : i32
      %swap3A_2658 = arith.index_cast %swap3A_2657 : i32 to index
      %swap3A_2659 = arith.constant 48 : index
      %swap3A_2660 = tpu.vector_load %arg20[%swap3A_2658, %swap3A_2659] {strides = array<i32>} : memref<5x80xi32, #tpu.memory_space<vmem>>, vector<1x16xi32>,
      %swap3A_2661 = vector.shape_cast %swap3A_2660 : vector<1x16xi32> to vector<16xi32>
      %swap3A_2662 = vector.shape_cast %add3A_2656 : vector<16xi32> to vector<1x16xi32>
      tpu.vector_store %arg20[%swap3A_2658, %swap3A_2659], %swap3A_2662 {strides = array<i32>} : memref<5x80xi32, #tpu.memory_space<vmem>>, vector<1x16xi32>,
      %get3A_2663 = arith.constant 304 : index
      %get3A_2664 = tpu.vector_load %arg14[%get3A_2663] {strides = array<i32>} : memref<400xi32, #tpu.memory_space<vmem>>, vector<16xi32>,
      %get3A_2665 = vector.shape_cast %get3A_2664 : vector<16xi32> to vector<16xi32>
      %mul3A_2666 = arith.constant 6 : i32
      %mul3A_2667 = vector.broadcast %mul3A_2666 : i32 to vector<16xi32>
      %mul3A_2668 = arith.muli %get3A_2665, %mul3A_2667 : vector<16xi32>
      %get3A_2669 = arith.constant 304 : index
      %get3A_2670 = tpu.vector_load %arg15[%get3A_2669] {strides = array<i32>} : memref<400xi32, #tpu.memory_space<vmem>>, vector<16xi32>,
      %get3A_2671 = vector.shape_cast %get3A_2670 : vector<16xi32> to vector<16xi32>
      %add3A_2672 = arith.addi %mul3A_2668, %get3A_2671 : vector<16xi32>
      %mul3A_2673 = arith.constant 2 : i32
      %mul3A_2674 = vector.broadcast %mul3A_2673 : i32 to vector<16xi32>
      %mul3A_2675 = arith.muli %add3A_2672, %mul3A_2674 : vector<16xi32>
      %get3A_2676 = arith.constant 304 : index
      %get3A_2677 = tpu.vector_load %arg16[%get3A_2676] {strides = array<i32>} : memref<400xi32, #tpu.memory_space<vmem>>, vector<16xi32>,
      %get3A_2678 = vector.shape_cast %get3A_2677 : vector<16xi32> to vector<16xi32>
      %add3A_2679 = arith.addi %mul3A_2675, %get3A_2678 : vector<16xi32>
      %swap3A_2680 = arith.constant 3 : i32
      %swap3A_2681 = arith.index_cast %swap3A_2680 : i32 to index
      %swap3A_2682 = arith.constant 64 : index
      %swap3A_2683 = tpu.vector_load %arg20[%swap3A_2681, %swap3A_2682] {strides = array<i32>} : memref<5x80xi32, #tpu.memory_space<vmem>>, vector<1x16xi32>,
      %swap3A_2684 = vector.shape_cast %swap3A_2683 : vector<1x16xi32> to vector<16xi32>
      %swap3A_2685 = vector.shape_cast %add3A_2679 : vector<16xi32> to vector<1x16xi32>
      tpu.vector_store %arg20[%swap3A_2681, %swap3A_2682], %swap3A_2685 {strides = array<i32>} : memref<5x80xi32, #tpu.memory_space<vmem>>, vector<1x16xi32>,
      %get3A_2686 = arith.constant 320 : index
      %get3A_2687 = tpu.vector_load %arg14[%get3A_2686] {strides = array<i32>} : memref<400xi32, #tpu.memory_space<vmem>>, vector<16xi32>,
      %get3A_2688 = vector.shape_cast %get3A_2687 : vector<16xi32> to vector<16xi32>
      %mul3A_2689 = arith.constant 6 : i32
      %mul3A_2690 = vector.broadcast %mul3A_2689 : i32 to vector<16xi32>
      %mul3A_2691 = arith.muli %get3A_2688, %mul3A_2690 : vector<16xi32>
      %get3A_2692 = arith.constant 320 : index
      %get3A_2693 = tpu.vector_load %arg15[%get3A_2692] {strides = array<i32>} : memref<400xi32, #tpu.memory_space<vmem>>, vector<16xi32>,
      %get3A_2694 = vector.shape_cast %get3A_2693 : vector<16xi32> to vector<16xi32>
      %add3A_2695 = arith.addi %mul3A_2691, %get3A_2694 : vector<16xi32>
      %mul3A_2696 = arith.constant 2 : i32
      %mul3A_2697 = vector.broadcast %mul3A_2696 : i32 to vector<16xi32>
      %mul3A_2698 = arith.muli %add3A_2695, %mul3A_2697 : vector<16xi32>
      %get3A_2699 = arith.constant 320 : index
      %get3A_2700 = tpu.vector_load %arg16[%get3A_2699] {strides = array<i32>} : memref<400xi32, #tpu.memory_space<vmem>>, vector<16xi32>,
      %get3A_2701 = vector.shape_cast %get3A_2700 : vector<16xi32> to vector<16xi32>
      %add3A_2702 = arith.addi %mul3A_2698, %get3A_2701 : vector<16xi32>
      %swap3A_2703 = arith.constant 4 : i32
      %swap3A_2704 = arith.index_cast %swap3A_2703 : i32 to index
      %swap3A_2705 = arith.constant 0 : index
      %swap3A_2706 = tpu.vector_load %arg20[%swap3A_2704, %swap3A_2705] {strides = array<i32>} : memref<5x80xi32, #tpu.memory_space<vmem>>, vector<1x16xi32>,
      %swap3A_2707 = vector.shape_cast %swap3A_2706 : vector<1x16xi32> to vector<16xi32>
      %swap3A_2708 = vector.shape_cast %add3A_2702 : vector<16xi32> to vector<1x16xi32>
      tpu.vector_store %arg20[%swap3A_2704, %swap3A_2705], %swap3A_2708 {strides = array<i32>} : memref<5x80xi32, #tpu.memory_space<vmem>>, vector<1x16xi32>,
      %get3A_2709 = arith.constant 336 : index
      %get3A_2710 = tpu.vector_load %arg14[%get3A_2709] {strides = array<i32>} : memref<400xi32, #tpu.memory_space<vmem>>, vector<16xi32>,
      %get3A_2711 = vector.shape_cast %get3A_2710 : vector<16xi32> to vector<16xi32>
      %mul3A_2712 = arith.constant 6 : i32
      %mul3A_2713 = vector.broadcast %mul3A_2712 : i32 to vector<16xi32>
      %mul3A_2714 = arith.muli %get3A_2711, %mul3A_2713 : vector<16xi32>
      %get3A_2715 = arith.constant 336 : index
      %get3A_2716 = tpu.vector_load %arg15[%get3A_2715] {strides = array<i32>} : memref<400xi32, #tpu.memory_space<vmem>>, vector<16xi32>,
      %get3A_2717 = vector.shape_cast %get3A_2716 : vector<16xi32> to vector<16xi32>
      %add3A_2718 = arith.addi %mul3A_2714, %get3A_2717 : vector<16xi32>
      %mul3A_2719 = arith.constant 2 : i32
      %mul3A_2720 = vector.broadcast %mul3A_2719 : i32 to vector<16xi32>
      %mul3A_2721 = arith.muli %add3A_2718, %mul3A_2720 : vector<16xi32>
      %get3A_2722 = arith.constant 336 : index
      %get3A_2723 = tpu.vector_load %arg16[%get3A_2722] {strides = array<i32>} : memref<400xi32, #tpu.memory_space<vmem>>, vector<16xi32>,
      %get3A_2724 = vector.shape_cast %get3A_2723 : vector<16xi32> to vector<16xi32>
      %add3A_2725 = arith.addi %mul3A_2721, %get3A_2724 : vector<16xi32>
      %swap3A_2726 = arith.constant 4 : i32
      %swap3A_2727 = arith.index_cast %swap3A_2726 : i32 to index
      %swap3A_2728 = arith.constant 16 : index
      %swap3A_2729 = tpu.vector_load %arg20[%swap3A_2727, %swap3A_2728] {strides = array<i32>} : memref<5x80xi32, #tpu.memory_space<vmem>>, vector<1x16xi32>,
      %swap3A_2730 = vector.shape_cast %swap3A_2729 : vector<1x16xi32> to vector<16xi32>
      %swap3A_2731 = vector.shape_cast %add3A_2725 : vector<16xi32> to vector<1x16xi32>
      tpu.vector_store %arg20[%swap3A_2727, %swap3A_2728], %swap3A_2731 {strides = array<i32>} : memref<5x80xi32, #tpu.memory_space<vmem>>, vector<1x16xi32>,
      %get3A_2732 = arith.constant 352 : index
      %get3A_2733 = tpu.vector_load %arg14[%get3A_2732] {strides = array<i32>} : memref<400xi32, #tpu.memory_space<vmem>>, vector<16xi32>,
      %get3A_2734 = vector.shape_cast %get3A_2733 : vector<16xi32> to vector<16xi32>
      %mul3A_2735 = arith.constant 6 : i32
      %mul3A_2736 = vector.broadcast %mul3A_2735 : i32 to vector<16xi32>
      %mul3A_2737 = arith.muli %get3A_2734, %mul3A_2736 : vector<16xi32>
      %get3A_2738 = arith.constant 352 : index
      %get3A_2739 = tpu.vector_load %arg15[%get3A_2738] {strides = array<i32>} : memref<400xi32, #tpu.memory_space<vmem>>, vector<16xi32>,
      %get3A_2740 = vector.shape_cast %get3A_2739 : vector<16xi32> to vector<16xi32>
      %add3A_2741 = arith.addi %mul3A_2737, %get3A_2740 : vector<16xi32>
      %mul3A_2742 = arith.constant 2 : i32
      %mul3A_2743 = vector.broadcast %mul3A_2742 : i32 to vector<16xi32>
      %mul3A_2744 = arith.muli %add3A_2741, %mul3A_2743 : vector<16xi32>
      %get3A_2745 = arith.constant 352 : index
      %get3A_2746 = tpu.vector_load %arg16[%get3A_2745] {strides = array<i32>} : memref<400xi32, #tpu.memory_space<vmem>>, vector<16xi32>,
      %get3A_2747 = vector.shape_cast %get3A_2746 : vector<16xi32> to vector<16xi32>
      %add3A_2748 = arith.addi %mul3A_2744, %get3A_2747 : vector<16xi32>
      %swap3A_2749 = arith.constant 4 : i32
      %swap3A_2750 = arith.index_cast %swap3A_2749 : i32 to index
      %swap3A_2751 = arith.constant 32 : index
      %swap3A_2752 = tpu.vector_load %arg20[%swap3A_2750, %swap3A_2751] {strides = array<i32>} : memref<5x80xi32, #tpu.memory_space<vmem>>, vector<1x16xi32>,
      %swap3A_2753 = vector.shape_cast %swap3A_2752 : vector<1x16xi32> to vector<16xi32>
      %swap3A_2754 = vector.shape_cast %add3A_2748 : vector<16xi32> to vector<1x16xi32>
      tpu.vector_store %arg20[%swap3A_2750, %swap3A_2751], %swap3A_2754 {strides = array<i32>} : memref<5x80xi32, #tpu.memory_space<vmem>>, vector<1x16xi32>,
      %get3A_2755 = arith.constant 368 : index
      %get3A_2756 = tpu.vector_load %arg14[%get3A_2755] {strides = array<i32>} : memref<400xi32, #tpu.memory_space<vmem>>, vector<16xi32>,
      %get3A_2757 = vector.shape_cast %get3A_2756 : vector<16xi32> to vector<16xi32>
      %mul3A_2758 = arith.constant 6 : i32
      %mul3A_2759 = vector.broadcast %mul3A_2758 : i32 to vector<16xi32>
      %mul3A_2760 = arith.muli %get3A_2757, %mul3A_2759 : vector<16xi32>
      %get3A_2761 = arith.constant 368 : index
      %get3A_2762 = tpu.vector_load %arg15[%get3A_2761] {strides = array<i32>} : memref<400xi32, #tpu.memory_space<vmem>>, vector<16xi32>,
      %get3A_2763 = vector.shape_cast %get3A_2762 : vector<16xi32> to vector<16xi32>
      %add3A_2764 = arith.addi %mul3A_2760, %get3A_2763 : vector<16xi32>
      %mul3A_2765 = arith.constant 2 : i32
      %mul3A_2766 = vector.broadcast %mul3A_2765 : i32 to vector<16xi32>
      %mul3A_2767 = arith.muli %add3A_2764, %mul3A_2766 : vector<16xi32>
      %get3A_2768 = arith.constant 368 : index
      %get3A_2769 = tpu.vector_load %arg16[%get3A_2768] {strides = array<i32>} : memref<400xi32, #tpu.memory_space<vmem>>, vector<16xi32>,
      %get3A_2770 = vector.shape_cast %get3A_2769 : vector<16xi32> to vector<16xi32>
      %add3A_2771 = arith.addi %mul3A_2767, %get3A_2770 : vector<16xi32>
      %swap3A_2772 = arith.constant 4 : i32
      %swap3A_2773 = arith.index_cast %swap3A_2772 : i32 to index
      %swap3A_2774 = arith.constant 48 : index
      %swap3A_2775 = tpu.vector_load %arg20[%swap3A_2773, %swap3A_2774] {strides = array<i32>} : memref<5x80xi32, #tpu.memory_space<vmem>>, vector<1x16xi32>,
      %swap3A_2776 = vector.shape_cast %swap3A_2775 : vector<1x16xi32> to vector<16xi32>
      %swap3A_2777 = vector.shape_cast %add3A_2771 : vector<16xi32> to vector<1x16xi32>
      tpu.vector_store %arg20[%swap3A_2773, %swap3A_2774], %swap3A_2777 {strides = array<i32>} : memref<5x80xi32, #tpu.memory_space<vmem>>, vector<1x16xi32>,
      %get3A_2778 = arith.constant 384 : index
      %get3A_2779 = tpu.vector_load %arg14[%get3A_2778] {strides = array<i32>} : memref<400xi32, #tpu.memory_space<vmem>>, vector<16xi32>,
      %get3A_2780 = vector.shape_cast %get3A_2779 : vector<16xi32> to vector<16xi32>
      %mul3A_2781 = arith.constant 6 : i32
      %mul3A_2782 = vector.broadcast %mul3A_2781 : i32 to vector<16xi32>
      %mul3A_2783 = arith.muli %get3A_2780, %mul3A_2782 : vector<16xi32>
      %get3A_2784 = arith.constant 384 : index
      %get3A_2785 = tpu.vector_load %arg15[%get3A_2784] {strides = array<i32>} : memref<400xi32, #tpu.memory_space<vmem>>, vector<16xi32>,
      %get3A_2786 = vector.shape_cast %get3A_2785 : vector<16xi32> to vector<16xi32>
      %add3A_2787 = arith.addi %mul3A_2783, %get3A_2786 : vector<16xi32>
      %mul3A_2788 = arith.constant 2 : i32
      %mul3A_2789 = vector.broadcast %mul3A_2788 : i32 to vector<16xi32>
      %mul3A_2790 = arith.muli %add3A_2787, %mul3A_2789 : vector<16xi32>
      %get3A_2791 = arith.constant 384 : index
      %get3A_2792 = tpu.vector_load %arg16[%get3A_2791] {strides = array<i32>} : memref<400xi32, #tpu.memory_space<vmem>>, vector<16xi32>,
      %get3A_2793 = vector.shape_cast %get3A_2792 : vector<16xi32> to vector<16xi32>
      %add3A_2794 = arith.addi %mul3A_2790, %get3A_2793 : vector<16xi32>
      %swap3A_2795 = arith.constant 4 : i32
      %swap3A_2796 = arith.index_cast %swap3A_2795 : i32 to index
      %swap3A_2797 = arith.constant 64 : index
      %swap3A_2798 = tpu.vector_load %arg20[%swap3A_2796, %swap3A_2797] {strides = array<i32>} : memref<5x80xi32, #tpu.memory_space<vmem>>, vector<1x16xi32>,
      %swap3A_2799 = vector.shape_cast %swap3A_2798 : vector<1x16xi32> to vector<16xi32>
      %swap3A_2800 = vector.shape_cast %add3A_2794 : vector<16xi32> to vector<1x16xi32>
      tpu.vector_store %arg20[%swap3A_2796, %swap3A_2797], %swap3A_2800 {strides = array<i32>} : memref<5x80xi32, #tpu.memory_space<vmem>>, vector<1x16xi32>,
      %mul3A_2801 = arith.constant 10000 : i32
      %mul3A_2802 = arith.muli %add3A, %mul3A_2801 : i32
      %dma_wait3A_2803 = arith.constant 0 : i32
      %dma_wait3A_2804 = tpu.memref_slice %arg8[%mul3A_2802, %dma_wait3A_2803] : memref<320000x128xf32, #tpu.memory_space<hbm>> -> memref<400x128xf32, #tpu.memory_space<hbm>>
      %dma_wait3A_2805 = arith.constant 0 : i32
      %dma_wait3A_2806 = tpu.memref_slice %arg8[%mul3A_2802, %dma_wait3A_2805] : memref<320000x128xf32, #tpu.memory_space<hbm>> -> memref<400x128xf32, #tpu.memory_space<hbm>>
      tpu.wait_dma2 semaphore(%arg28 : memref<!tpu.dma_semaphore, #tpu.memory_space<semaphore_mem>>) src(%arg22 : memref<400x128xf32, #tpu.memory_space<vmem>>) dst(%dma_wait3A_2806 : memref<400x128xf32, #tpu.memory_space<hbm>>)
      %dma_start3A_2807 = arith.constant 0 : i32
      %dma_start3A_2808 = arith.constant 0 : i32
      %dma_start3A_2809 = arith.constant 0 : i32
      %dma_start3A_2810 = tpu.memref_slice %arg22[%dma_start3A_2808, %dma_start3A_2809] : memref<400x128xf32, #tpu.memory_space<vmem>> -> memref<80x128xf32, #tpu.memory_space<vmem>>
      %dma_start3A_2811 = arith.constant 0 : i32
      %dma_start3A_2812 = tpu.memref_slice %arg20[%dma_start3A_2807, %dma_start3A_2811] : memref<5x80xi32, #tpu.memory_space<vmem>> -> memref<1x80xi32, #tpu.memory_space<vmem>>
      %dma_start3A_2813 = tpu.memref_squeeze %dma_start3A_2812 : memref<1x80xi32, #tpu.memory_space<vmem>> -> memref<80xi32, #tpu.memory_space<vmem>>
      %dma_start3A_2814 = arith.constant 0 : i32
      %dma_start3A_2815 = arith.constant 0 : i32
      %dma_start3A_2816 = tpu.memref_slice %arg13[%dma_start3A_2814, %dma_start3A_2815] : memref<60x128xf32, #tpu.memory_space<vmem_shared>> -> memref<60x128xf32, #tpu.memory_space<vmem_shared>>
      tpu.enqueue_indirect_dma source(%dma_start3A_2816 : memref<60x128xf32, #tpu.memory_space<vmem_shared>>) target(%dma_start3A_2810 : memref<80x128xf32, #tpu.memory_space<vmem>>) offsets(%dma_start3A_2813 : memref<80xi32, #tpu.memory_space<vmem>>) semaphore(%arg26 : memref<!tpu.dma_semaphore, #tpu.memory_space<semaphore_mem>>)
      %dma_start3A_2817 = arith.constant 1 : i32
      %dma_start3A_2818 = arith.constant 80 : i32
      %dma_start3A_2819 = arith.constant 0 : i32
      %dma_start3A_2820 = tpu.memref_slice %arg22[%dma_start3A_2818, %dma_start3A_2819] : memref<400x128xf32, #tpu.memory_space<vmem>> -> memref<80x128xf32, #tpu.memory_space<vmem>>
      %dma_start3A_2821 = arith.constant 0 : i32
      %dma_start3A_2822 = tpu.memref_slice %arg20[%dma_start3A_2817, %dma_start3A_2821] : memref<5x80xi32, #tpu.memory_space<vmem>> -> memref<1x80xi32, #tpu.memory_space<vmem>>
      %dma_start3A_2823 = tpu.memref_squeeze %dma_start3A_2822 : memref<1x80xi32, #tpu.memory_space<vmem>> -> memref<80xi32, #tpu.memory_space<vmem>>
      %dma_start3A_2824 = arith.constant 0 : i32
      %dma_start3A_2825 = arith.constant 0 : i32
      %dma_start3A_2826 = tpu.memref_slice %arg13[%dma_start3A_2824, %dma_start3A_2825] : memref<60x128xf32, #tpu.memory_space<vmem_shared>> -> memref<60x128xf32, #tpu.memory_space<vmem_shared>>
      tpu.enqueue_indirect_dma source(%dma_start3A_2826 : memref<60x128xf32, #tpu.memory_space<vmem_shared>>) target(%dma_start3A_2820 : memref<80x128xf32, #tpu.memory_space<vmem>>) offsets(%dma_start3A_2823 : memref<80xi32, #tpu.memory_space<vmem>>) semaphore(%arg26 : memref<!tpu.dma_semaphore, #tpu.memory_space<semaphore_mem>>)
      %dma_start3A_2827 = arith.constant 2 : i32
      %dma_start3A_2828 = arith.constant 160 : i32
      %dma_start3A_2829 = arith.constant 0 : i32
      %dma_start3A_2830 = tpu.memref_slice %arg22[%dma_start3A_2828, %dma_start3A_2829] : memref<400x128xf32, #tpu.memory_space<vmem>> -> memref<80x128xf32, #tpu.memory_space<vmem>>
      %dma_start3A_2831 = arith.constant 0 : i32
      %dma_start3A_2832 = tpu.memref_slice %arg20[%dma_start3A_2827, %dma_start3A_2831] : memref<5x80xi32, #tpu.memory_space<vmem>> -> memref<1x80xi32, #tpu.memory_space<vmem>>
      %dma_start3A_2833 = tpu.memref_squeeze %dma_start3A_2832 : memref<1x80xi32, #tpu.memory_space<vmem>> -> memref<80xi32, #tpu.memory_space<vmem>>
      %dma_start3A_2834 = arith.constant 0 : i32
      %dma_start3A_2835 = arith.constant 0 : i32
      %dma_start3A_2836 = tpu.memref_slice %arg13[%dma_start3A_2834, %dma_start3A_2835] : memref<60x128xf32, #tpu.memory_space<vmem_shared>> -> memref<60x128xf32, #tpu.memory_space<vmem_shared>>
      tpu.enqueue_indirect_dma source(%dma_start3A_2836 : memref<60x128xf32, #tpu.memory_space<vmem_shared>>) target(%dma_start3A_2830 : memref<80x128xf32, #tpu.memory_space<vmem>>) offsets(%dma_start3A_2833 : memref<80xi32, #tpu.memory_space<vmem>>) semaphore(%arg26 : memref<!tpu.dma_semaphore, #tpu.memory_space<semaphore_mem>>)
      %dma_start3A_2837 = arith.constant 3 : i32
      %dma_start3A_2838 = arith.constant 240 : i32
      %dma_start3A_2839 = arith.constant 0 : i32
      %dma_start3A_2840 = tpu.memref_slice %arg22[%dma_start3A_2838, %dma_start3A_2839] : memref<400x128xf32, #tpu.memory_space<vmem>> -> memref<80x128xf32, #tpu.memory_space<vmem>>
      %dma_start3A_2841 = arith.constant 0 : i32
      %dma_start3A_2842 = tpu.memref_slice %arg20[%dma_start3A_2837, %dma_start3A_2841] : memref<5x80xi32, #tpu.memory_space<vmem>> -> memref<1x80xi32, #tpu.memory_space<vmem>>
      %dma_start3A_2843 = tpu.memref_squeeze %dma_start3A_2842 : memref<1x80xi32, #tpu.memory_space<vmem>> -> memref<80xi32, #tpu.memory_space<vmem>>
      %dma_start3A_2844 = arith.constant 0 : i32
      %dma_start3A_2845 = arith.constant 0 : i32
      %dma_start3A_2846 = tpu.memref_slice %arg13[%dma_start3A_2844, %dma_start3A_2845] : memref<60x128xf32, #tpu.memory_space<vmem_shared>> -> memref<60x128xf32, #tpu.memory_space<vmem_shared>>
      tpu.enqueue_indirect_dma source(%dma_start3A_2846 : memref<60x128xf32, #tpu.memory_space<vmem_shared>>) target(%dma_start3A_2840 : memref<80x128xf32, #tpu.memory_space<vmem>>) offsets(%dma_start3A_2843 : memref<80xi32, #tpu.memory_space<vmem>>) semaphore(%arg26 : memref<!tpu.dma_semaphore, #tpu.memory_space<semaphore_mem>>)
      %dma_start3A_2847 = arith.constant 4 : i32
      %dma_start3A_2848 = arith.constant 320 : i32
      %dma_start3A_2849 = arith.constant 0 : i32
      %dma_start3A_2850 = tpu.memref_slice %arg22[%dma_start3A_2848, %dma_start3A_2849] : memref<400x128xf32, #tpu.memory_space<vmem>> -> memref<80x128xf32, #tpu.memory_space<vmem>>
      %dma_start3A_2851 = arith.constant 0 : i32
      %dma_start3A_2852 = tpu.memref_slice %arg20[%dma_start3A_2847, %dma_start3A_2851] : memref<5x80xi32, #tpu.memory_space<vmem>> -> memref<1x80xi32, #tpu.memory_space<vmem>>
      %dma_start3A_2853 = tpu.memref_squeeze %dma_start3A_2852 : memref<1x80xi32, #tpu.memory_space<vmem>> -> memref<80xi32, #tpu.memory_space<vmem>>
      %dma_start3A_2854 = arith.constant 0 : i32
      %dma_start3A_2855 = arith.constant 0 : i32
      %dma_start3A_2856 = tpu.memref_slice %arg13[%dma_start3A_2854, %dma_start3A_2855] : memref<60x128xf32, #tpu.memory_space<vmem_shared>> -> memref<60x128xf32, #tpu.memory_space<vmem_shared>>
      tpu.enqueue_indirect_dma source(%dma_start3A_2856 : memref<60x128xf32, #tpu.memory_space<vmem_shared>>) target(%dma_start3A_2850 : memref<80x128xf32, #tpu.memory_space<vmem>>) offsets(%dma_start3A_2853 : memref<80xi32, #tpu.memory_space<vmem>>) semaphore(%arg26 : memref<!tpu.dma_semaphore, #tpu.memory_space<semaphore_mem>>)
      %mul3A_2857 = arith.constant 2 : i32
      %mul3A_2858 = arith.muli %mul3A_2857, %scan3A_2137 : i32
      %add3A_2859 = arith.constant 2 : i32
      %add3A_2860 = arith.addi %mul3A_2858, %add3A_2859 : i32
      %dma_wait3A_2861 = arith.constant 0 : i32
      %dma_wait3A_2862 = arith.constant 0 : i32
      %dma_wait3A_2863 = arith.constant 0 : i32
      %dma_wait3A_2864 = tpu.memref_slice %arg22[%dma_wait3A_2862, %dma_wait3A_2863] : memref<400x128xf32, #tpu.memory_space<vmem>> -> memref<80x128xf32, #tpu.memory_space<vmem>>
      %dma_wait3A_2865 = arith.constant 0 : i32
      %dma_wait3A_2866 = tpu.memref_slice %arg20[%dma_wait3A_2861, %dma_wait3A_2865] : memref<5x80xi32, #tpu.memory_space<vmem>> -> memref<1x80xi32, #tpu.memory_space<vmem>>
      %dma_wait3A_2867 = tpu.memref_squeeze %dma_wait3A_2866 : memref<1x80xi32, #tpu.memory_space<vmem>> -> memref<80xi32, #tpu.memory_space<vmem>>
      %dma_wait3A_2868 = arith.constant 0 : i32
      %dma_wait3A_2869 = arith.constant 0 : i32
      %dma_wait3A_2870 = tpu.memref_slice %arg13[%dma_wait3A_2868, %dma_wait3A_2869] : memref<60x128xf32, #tpu.memory_space<vmem_shared>> -> memref<60x128xf32, #tpu.memory_space<vmem_shared>>
      tpu.wait_indirect_dma semaphore(%arg26 : memref<!tpu.dma_semaphore, #tpu.memory_space<semaphore_mem>>) src(%dma_wait3A_2870 : memref<60x128xf32, #tpu.memory_space<vmem_shared>>) dst(%dma_wait3A_2864 : memref<80x128xf32, #tpu.memory_space<vmem>>)
      %dma_wait3A_2871 = arith.constant 0 : i32
      %dma_wait3A_2872 = arith.constant 0 : i32
      %dma_wait3A_2873 = arith.constant 0 : i32
      %dma_wait3A_2874 = tpu.memref_slice %arg22[%dma_wait3A_2872, %dma_wait3A_2873] : memref<400x128xf32, #tpu.memory_space<vmem>> -> memref<80x128xf32, #tpu.memory_space<vmem>>
      %dma_wait3A_2875 = arith.constant 0 : i32
      %dma_wait3A_2876 = tpu.memref_slice %arg20[%dma_wait3A_2871, %dma_wait3A_2875] : memref<5x80xi32, #tpu.memory_space<vmem>> -> memref<1x80xi32, #tpu.memory_space<vmem>>
      %dma_wait3A_2877 = tpu.memref_squeeze %dma_wait3A_2876 : memref<1x80xi32, #tpu.memory_space<vmem>> -> memref<80xi32, #tpu.memory_space<vmem>>
      %dma_wait3A_2878 = arith.constant 0 : i32
      %dma_wait3A_2879 = arith.constant 0 : i32
      %dma_wait3A_2880 = tpu.memref_slice %arg13[%dma_wait3A_2878, %dma_wait3A_2879] : memref<60x128xf32, #tpu.memory_space<vmem_shared>> -> memref<60x128xf32, #tpu.memory_space<vmem_shared>>
      tpu.wait_indirect_dma semaphore(%arg26 : memref<!tpu.dma_semaphore, #tpu.memory_space<semaphore_mem>>) src(%dma_wait3A_2880 : memref<60x128xf32, #tpu.memory_space<vmem_shared>>) dst(%dma_wait3A_2874 : memref<80x128xf32, #tpu.memory_space<vmem>>)
      %dma_wait3A_2881 = arith.constant 0 : i32
      %dma_wait3A_2882 = arith.constant 0 : i32
      %dma_wait3A_2883 = arith.constant 0 : i32
      %dma_wait3A_2884 = tpu.memref_slice %arg22[%dma_wait3A_2882, %dma_wait3A_2883] : memref<400x128xf32, #tpu.memory_space<vmem>> -> memref<80x128xf32, #tpu.memory_space<vmem>>
      %dma_wait3A_2885 = arith.constant 0 : i32
      %dma_wait3A_2886 = tpu.memref_slice %arg20[%dma_wait3A_2881, %dma_wait3A_2885] : memref<5x80xi32, #tpu.memory_space<vmem>> -> memref<1x80xi32, #tpu.memory_space<vmem>>
      %dma_wait3A_2887 = tpu.memref_squeeze %dma_wait3A_2886 : memref<1x80xi32, #tpu.memory_space<vmem>> -> memref<80xi32, #tpu.memory_space<vmem>>
      %dma_wait3A_2888 = arith.constant 0 : i32
      %dma_wait3A_2889 = arith.constant 0 : i32
      %dma_wait3A_2890 = tpu.memref_slice %arg13[%dma_wait3A_2888, %dma_wait3A_2889] : memref<60x128xf32, #tpu.memory_space<vmem_shared>> -> memref<60x128xf32, #tpu.memory_space<vmem_shared>>
      tpu.wait_indirect_dma semaphore(%arg26 : memref<!tpu.dma_semaphore, #tpu.memory_space<semaphore_mem>>) src(%dma_wait3A_2890 : memref<60x128xf32, #tpu.memory_space<vmem_shared>>) dst(%dma_wait3A_2884 : memref<80x128xf32, #tpu.memory_space<vmem>>)
      %dma_wait3A_2891 = arith.constant 0 : i32
      %dma_wait3A_2892 = arith.constant 0 : i32
      %dma_wait3A_2893 = arith.constant 0 : i32
      %dma_wait3A_2894 = tpu.memref_slice %arg22[%dma_wait3A_2892, %dma_wait3A_2893] : memref<400x128xf32, #tpu.memory_space<vmem>> -> memref<80x128xf32, #tpu.memory_space<vmem>>
      %dma_wait3A_2895 = arith.constant 0 : i32
      %dma_wait3A_2896 = tpu.memref_slice %arg20[%dma_wait3A_2891, %dma_wait3A_2895] : memref<5x80xi32, #tpu.memory_space<vmem>> -> memref<1x80xi32, #tpu.memory_space<vmem>>
      %dma_wait3A_2897 = tpu.memref_squeeze %dma_wait3A_2896 : memref<1x80xi32, #tpu.memory_space<vmem>> -> memref<80xi32, #tpu.memory_space<vmem>>
      %dma_wait3A_2898 = arith.constant 0 : i32
      %dma_wait3A_2899 = arith.constant 0 : i32
      %dma_wait3A_2900 = tpu.memref_slice %arg13[%dma_wait3A_2898, %dma_wait3A_2899] : memref<60x128xf32, #tpu.memory_space<vmem_shared>> -> memref<60x128xf32, #tpu.memory_space<vmem_shared>>
      tpu.wait_indirect_dma semaphore(%arg26 : memref<!tpu.dma_semaphore, #tpu.memory_space<semaphore_mem>>) src(%dma_wait3A_2900 : memref<60x128xf32, #tpu.memory_space<vmem_shared>>) dst(%dma_wait3A_2894 : memref<80x128xf32, #tpu.memory_space<vmem>>)
      %dma_wait3A_2901 = arith.constant 0 : i32
      %dma_wait3A_2902 = arith.constant 0 : i32
      %dma_wait3A_2903 = arith.constant 0 : i32
      %dma_wait3A_2904 = tpu.memref_slice %arg22[%dma_wait3A_2902, %dma_wait3A_2903] : memref<400x128xf32, #tpu.memory_space<vmem>> -> memref<80x128xf32, #tpu.memory_space<vmem>>
      %dma_wait3A_2905 = arith.constant 0 : i32
      %dma_wait3A_2906 = tpu.memref_slice %arg20[%dma_wait3A_2901, %dma_wait3A_2905] : memref<5x80xi32, #tpu.memory_space<vmem>> -> memref<1x80xi32, #tpu.memory_space<vmem>>
      %dma_wait3A_2907 = tpu.memref_squeeze %dma_wait3A_2906 : memref<1x80xi32, #tpu.memory_space<vmem>> -> memref<80xi32, #tpu.memory_space<vmem>>
      %dma_wait3A_2908 = arith.constant 0 : i32
      %dma_wait3A_2909 = arith.constant 0 : i32
      %dma_wait3A_2910 = tpu.memref_slice %arg13[%dma_wait3A_2908, %dma_wait3A_2909] : memref<60x128xf32, #tpu.memory_space<vmem_shared>> -> memref<60x128xf32, #tpu.memory_space<vmem_shared>>
      tpu.wait_indirect_dma semaphore(%arg26 : memref<!tpu.dma_semaphore, #tpu.memory_space<semaphore_mem>>) src(%dma_wait3A_2910 : memref<60x128xf32, #tpu.memory_space<vmem_shared>>) dst(%dma_wait3A_2904 : memref<80x128xf32, #tpu.memory_space<vmem>>)
      %mul3A_2911 = arith.constant 10000 : i32
      %mul3A_2912 = arith.muli %add3A, %mul3A_2911 : i32
      %mul3A_2913 = arith.constant 400 : i32
      %mul3A_2914 = arith.muli %add3A_2860, %mul3A_2913 : i32
      %add3A_2915 = arith.addi %mul3A_2912, %mul3A_2914 : i32
      %dma_start3A_2916 = arith.constant 0 : i32
      %dma_start3A_2917 = tpu.memref_slice %arg8[%add3A_2915, %dma_start3A_2916] : memref<320000x128xf32, #tpu.memory_space<hbm>> -> memref<400x128xf32, #tpu.memory_space<hbm>>
      %dma_start3A_2918 = arith.constant 0 : i32
      %dma_start3A_2919 = tpu.memref_slice %arg8[%add3A_2915, %dma_start3A_2918] : memref<320000x128xf32, #tpu.memory_space<hbm>> -> memref<400x128xf32, #tpu.memory_space<hbm>>
      tpu.enqueue_dma source(%arg22 : memref<400x128xf32, #tpu.memory_space<vmem>>) target(%dma_start3A_2919 : memref<400x128xf32, #tpu.memory_space<hbm>>) target_semaphore(%arg28 : memref<!tpu.dma_semaphore, #tpu.memory_space<semaphore_mem>>)
      %add3A_2920 = arith.constant 2 : i32
      %add3A_2921 = arith.addi %add3A_2860, %add3A_2920 : i32
      %mul3A_2922 = arith.constant 10000 : i32
      %mul3A_2923 = arith.muli %add3A, %mul3A_2922 : i32
      %mul3A_2924 = arith.constant 400 : i32
      %mul3A_2925 = arith.muli %add3A_2921, %mul3A_2924 : i32
      %add3A_2926 = arith.addi %mul3A_2923, %mul3A_2925 : i32
      %dma_start3A_2927 = tpu.memref_slice %arg2[%add3A_2926] : memref<320000xi32, #tpu.memory_space<hbm>> -> memref<400xi32, #tpu.memory_space<hbm>>
      %dma_start3A_2928 = tpu.memref_slice %arg2[%add3A_2926] : memref<320000xi32, #tpu.memory_space<hbm>> -> memref<400xi32, #tpu.memory_space<hbm>>
      tpu.enqueue_dma source(%dma_start3A_2928 : memref<400xi32, #tpu.memory_space<hbm>>) target(%arg14 : memref<400xi32, #tpu.memory_space<vmem>>) target_semaphore(%arg24 : memref<!tpu.dma_semaphore, #tpu.memory_space<semaphore_mem>>)
      %dma_start3A_2929 = tpu.memref_slice %arg3[%add3A_2926] : memref<320000xi32, #tpu.memory_space<hbm>> -> memref<400xi32, #tpu.memory_space<hbm>>
      %dma_start3A_2930 = tpu.memref_slice %arg3[%add3A_2926] : memref<320000xi32, #tpu.memory_space<hbm>> -> memref<400xi32, #tpu.memory_space<hbm>>
      tpu.enqueue_dma source(%dma_start3A_2930 : memref<400xi32, #tpu.memory_space<hbm>>) target(%arg15 : memref<400xi32, #tpu.memory_space<vmem>>) target_semaphore(%arg24 : memref<!tpu.dma_semaphore, #tpu.memory_space<semaphore_mem>>)
      %dma_start3A_2931 = tpu.memref_slice %arg4[%add3A_2926] : memref<320000xi32, #tpu.memory_space<hbm>> -> memref<400xi32, #tpu.memory_space<hbm>>
      %dma_start3A_2932 = tpu.memref_slice %arg4[%add3A_2926] : memref<320000xi32, #tpu.memory_space<hbm>> -> memref<400xi32, #tpu.memory_space<hbm>>
      tpu.enqueue_dma source(%dma_start3A_2932 : memref<400xi32, #tpu.memory_space<hbm>>) target(%arg16 : memref<400xi32, #tpu.memory_space<vmem>>) target_semaphore(%arg24 : memref<!tpu.dma_semaphore, #tpu.memory_space<semaphore_mem>>)
      %dma_wait3A_2933 = arith.constant 0 : i32
      %dma_wait3A_2934 = tpu.memref_slice %arg2[%dma_wait3A_2933] : memref<320000xi32, #tpu.memory_space<hbm>> -> memref<400xi32, #tpu.memory_space<hbm>>
      %dma_wait3A_2935 = arith.constant 0 : i32
      %dma_wait3A_2936 = tpu.memref_slice %arg2[%dma_wait3A_2935] : memref<320000xi32, #tpu.memory_space<hbm>> -> memref<400xi32, #tpu.memory_space<hbm>>
      tpu.wait_dma2 semaphore(%arg25 : memref<!tpu.dma_semaphore, #tpu.memory_space<semaphore_mem>>) src(%dma_wait3A_2936 : memref<400xi32, #tpu.memory_space<hbm>>) dst(%arg17 : memref<400xi32, #tpu.memory_space<vmem>>)
      %dma_wait3A_2937 = arith.constant 0 : i32
      %dma_wait3A_2938 = tpu.memref_slice %arg2[%dma_wait3A_2937] : memref<320000xi32, #tpu.memory_space<hbm>> -> memref<400xi32, #tpu.memory_space<hbm>>
      %dma_wait3A_2939 = arith.constant 0 : i32
      %dma_wait3A_2940 = tpu.memref_slice %arg2[%dma_wait3A_2939] : memref<320000xi32, #tpu.memory_space<hbm>> -> memref<400xi32, #tpu.memory_space<hbm>>
      tpu.wait_dma2 semaphore(%arg25 : memref<!tpu.dma_semaphore, #tpu.memory_space<semaphore_mem>>) src(%dma_wait3A_2940 : memref<400xi32, #tpu.memory_space<hbm>>) dst(%arg18 : memref<400xi32, #tpu.memory_space<vmem>>)
      %dma_wait3A_2941 = arith.constant 0 : i32
      %dma_wait3A_2942 = tpu.memref_slice %arg2[%dma_wait3A_2941] : memref<320000xi32, #tpu.memory_space<hbm>> -> memref<400xi32, #tpu.memory_space<hbm>>
      %dma_wait3A_2943 = arith.constant 0 : i32
      %dma_wait3A_2944 = tpu.memref_slice %arg2[%dma_wait3A_2943] : memref<320000xi32, #tpu.memory_space<hbm>> -> memref<400xi32, #tpu.memory_space<hbm>>
      tpu.wait_dma2 semaphore(%arg25 : memref<!tpu.dma_semaphore, #tpu.memory_space<semaphore_mem>>) src(%dma_wait3A_2944 : memref<400xi32, #tpu.memory_space<hbm>>) dst(%arg19 : memref<400xi32, #tpu.memory_space<vmem>>)
      %get3A_2945 = arith.constant 0 : index
      %get3A_2946 = tpu.vector_load %arg17[%get3A_2945] {strides = array<i32>} : memref<400xi32, #tpu.memory_space<vmem>>, vector<16xi32>,
      %get3A_2947 = vector.shape_cast %get3A_2946 : vector<16xi32> to vector<16xi32>
      %mul3A_2948 = arith.constant 6 : i32
      %mul3A_2949 = vector.broadcast %mul3A_2948 : i32 to vector<16xi32>
      %mul3A_2950 = arith.muli %get3A_2947, %mul3A_2949 : vector<16xi32>
      %get3A_2951 = arith.constant 0 : index
      %get3A_2952 = tpu.vector_load %arg18[%get3A_2951] {strides = array<i32>} : memref<400xi32, #tpu.memory_space<vmem>>, vector<16xi32>,
      %get3A_2953 = vector.shape_cast %get3A_2952 : vector<16xi32> to vector<16xi32>
      %add3A_2954 = arith.addi %mul3A_2950, %get3A_2953 : vector<16xi32>
      %mul3A_2955 = arith.constant 2 : i32
      %mul3A_2956 = vector.broadcast %mul3A_2955 : i32 to vector<16xi32>
      %mul3A_2957 = arith.muli %add3A_2954, %mul3A_2956 : vector<16xi32>
      %get3A_2958 = arith.constant 0 : index
      %get3A_2959 = tpu.vector_load %arg19[%get3A_2958] {strides = array<i32>} : memref<400xi32, #tpu.memory_space<vmem>>, vector<16xi32>,
      %get3A_2960 = vector.shape_cast %get3A_2959 : vector<16xi32> to vector<16xi32>
      %add3A_2961 = arith.addi %mul3A_2957, %get3A_2960 : vector<16xi32>
      %swap3A_2962 = arith.constant 0 : i32
      %swap3A_2963 = arith.index_cast %swap3A_2962 : i32 to index
      %swap3A_2964 = arith.constant 0 : index
      %swap3A_2965 = tpu.vector_load %arg21[%swap3A_2963, %swap3A_2964] {strides = array<i32>} : memref<5x80xi32, #tpu.memory_space<vmem>>, vector<1x16xi32>,
      %swap3A_2966 = vector.shape_cast %swap3A_2965 : vector<1x16xi32> to vector<16xi32>
      %swap3A_2967 = vector.shape_cast %add3A_2961 : vector<16xi32> to vector<1x16xi32>
      tpu.vector_store %arg21[%swap3A_2963, %swap3A_2964], %swap3A_2967 {strides = array<i32>} : memref<5x80xi32, #tpu.memory_space<vmem>>, vector<1x16xi32>,
      %get3A_2968 = arith.constant 16 : index
      %get3A_2969 = tpu.vector_load %arg17[%get3A_2968] {strides = array<i32>} : memref<400xi32, #tpu.memory_space<vmem>>, vector<16xi32>,
      %get3A_2970 = vector.shape_cast %get3A_2969 : vector<16xi32> to vector<16xi32>
      %mul3A_2971 = arith.constant 6 : i32
      %mul3A_2972 = vector.broadcast %mul3A_2971 : i32 to vector<16xi32>
      %mul3A_2973 = arith.muli %get3A_2970, %mul3A_2972 : vector<16xi32>
      %get3A_2974 = arith.constant 16 : index
      %get3A_2975 = tpu.vector_load %arg18[%get3A_2974] {strides = array<i32>} : memref<400xi32, #tpu.memory_space<vmem>>, vector<16xi32>,
      %get3A_2976 = vector.shape_cast %get3A_2975 : vector<16xi32> to vector<16xi32>
      %add3A_2977 = arith.addi %mul3A_2973, %get3A_2976 : vector<16xi32>
      %mul3A_2978 = arith.constant 2 : i32
      %mul3A_2979 = vector.broadcast %mul3A_2978 : i32 to vector<16xi32>
      %mul3A_2980 = arith.muli %add3A_2977, %mul3A_2979 : vector<16xi32>
      %get3A_2981 = arith.constant 16 : index
      %get3A_2982 = tpu.vector_load %arg19[%get3A_2981] {strides = array<i32>} : memref<400xi32, #tpu.memory_space<vmem>>, vector<16xi32>,
      %get3A_2983 = vector.shape_cast %get3A_2982 : vector<16xi32> to vector<16xi32>
      %add3A_2984 = arith.addi %mul3A_2980, %get3A_2983 : vector<16xi32>
      %swap3A_2985 = arith.constant 0 : i32
      %swap3A_2986 = arith.index_cast %swap3A_2985 : i32 to index
      %swap3A_2987 = arith.constant 16 : index
      %swap3A_2988 = tpu.vector_load %arg21[%swap3A_2986, %swap3A_2987] {strides = array<i32>} : memref<5x80xi32, #tpu.memory_space<vmem>>, vector<1x16xi32>,
      %swap3A_2989 = vector.shape_cast %swap3A_2988 : vector<1x16xi32> to vector<16xi32>
      %swap3A_2990 = vector.shape_cast %add3A_2984 : vector<16xi32> to vector<1x16xi32>
      tpu.vector_store %arg21[%swap3A_2986, %swap3A_2987], %swap3A_2990 {strides = array<i32>} : memref<5x80xi32, #tpu.memory_space<vmem>>, vector<1x16xi32>,
      %get3A_2991 = arith.constant 32 : index
      %get3A_2992 = tpu.vector_load %arg17[%get3A_2991] {strides = array<i32>} : memref<400xi32, #tpu.memory_space<vmem>>, vector<16xi32>,
      %get3A_2993 = vector.shape_cast %get3A_2992 : vector<16xi32> to vector<16xi32>
      %mul3A_2994 = arith.constant 6 : i32
      %mul3A_2995 = vector.broadcast %mul3A_2994 : i32 to vector<16xi32>
      %mul3A_2996 = arith.muli %get3A_2993, %mul3A_2995 : vector<16xi32>
      %get3A_2997 = arith.constant 32 : index
      %get3A_2998 = tpu.vector_load %arg18[%get3A_2997] {strides = array<i32>} : memref<400xi32, #tpu.memory_space<vmem>>, vector<16xi32>,
      %get3A_2999 = vector.shape_cast %get3A_2998 : vector<16xi32> to vector<16xi32>
      %add3A_3000 = arith.addi %mul3A_2996, %get3A_2999 : vector<16xi32>
      %mul3A_3001 = arith.constant 2 : i32
      %mul3A_3002 = vector.broadcast %mul3A_3001 : i32 to vector<16xi32>
      %mul3A_3003 = arith.muli %add3A_3000, %mul3A_3002 : vector<16xi32>
      %get3A_3004 = arith.constant 32 : index
      %get3A_3005 = tpu.vector_load %arg19[%get3A_3004] {strides = array<i32>} : memref<400xi32, #tpu.memory_space<vmem>>, vector<16xi32>,
      %get3A_3006 = vector.shape_cast %get3A_3005 : vector<16xi32> to vector<16xi32>
      %add3A_3007 = arith.addi %mul3A_3003, %get3A_3006 : vector<16xi32>
      %swap3A_3008 = arith.constant 0 : i32
      %swap3A_3009 = arith.index_cast %swap3A_3008 : i32 to index
      %swap3A_3010 = arith.constant 32 : index
      %swap3A_3011 = tpu.vector_load %arg21[%swap3A_3009, %swap3A_3010] {strides = array<i32>} : memref<5x80xi32, #tpu.memory_space<vmem>>, vector<1x16xi32>,
      %swap3A_3012 = vector.shape_cast %swap3A_3011 : vector<1x16xi32> to vector<16xi32>
      %swap3A_3013 = vector.shape_cast %add3A_3007 : vector<16xi32> to vector<1x16xi32>
      tpu.vector_store %arg21[%swap3A_3009, %swap3A_3010], %swap3A_3013 {strides = array<i32>} : memref<5x80xi32, #tpu.memory_space<vmem>>, vector<1x16xi32>,
      %get3A_3014 = arith.constant 48 : index
      %get3A_3015 = tpu.vector_load %arg17[%get3A_3014] {strides = array<i32>} : memref<400xi32, #tpu.memory_space<vmem>>, vector<16xi32>,
      %get3A_3016 = vector.shape_cast %get3A_3015 : vector<16xi32> to vector<16xi32>
      %mul3A_3017 = arith.constant 6 : i32
      %mul3A_3018 = vector.broadcast %mul3A_3017 : i32 to vector<16xi32>
      %mul3A_3019 = arith.muli %get3A_3016, %mul3A_3018 : vector<16xi32>
      %get3A_3020 = arith.constant 48 : index
      %get3A_3021 = tpu.vector_load %arg18[%get3A_3020] {strides = array<i32>} : memref<400xi32, #tpu.memory_space<vmem>>, vector<16xi32>,
      %get3A_3022 = vector.shape_cast %get3A_3021 : vector<16xi32> to vector<16xi32>
      %add3A_3023 = arith.addi %mul3A_3019, %get3A_3022 : vector<16xi32>
      %mul3A_3024 = arith.constant 2 : i32
      %mul3A_3025 = vector.broadcast %mul3A_3024 : i32 to vector<16xi32>
      %mul3A_3026 = arith.muli %add3A_3023, %mul3A_3025 : vector<16xi32>
      %get3A_3027 = arith.constant 48 : index
      %get3A_3028 = tpu.vector_load %arg19[%get3A_3027] {strides = array<i32>} : memref<400xi32, #tpu.memory_space<vmem>>, vector<16xi32>,
      %get3A_3029 = vector.shape_cast %get3A_3028 : vector<16xi32> to vector<16xi32>
      %add3A_3030 = arith.addi %mul3A_3026, %get3A_3029 : vector<16xi32>
      %swap3A_3031 = arith.constant 0 : i32
      %swap3A_3032 = arith.index_cast %swap3A_3031 : i32 to index
      %swap3A_3033 = arith.constant 48 : index
      %swap3A_3034 = tpu.vector_load %arg21[%swap3A_3032, %swap3A_3033] {strides = array<i32>} : memref<5x80xi32, #tpu.memory_space<vmem>>, vector<1x16xi32>,
      %swap3A_3035 = vector.shape_cast %swap3A_3034 : vector<1x16xi32> to vector<16xi32>
      %swap3A_3036 = vector.shape_cast %add3A_3030 : vector<16xi32> to vector<1x16xi32>
      tpu.vector_store %arg21[%swap3A_3032, %swap3A_3033], %swap3A_3036 {strides = array<i32>} : memref<5x80xi32, #tpu.memory_space<vmem>>, vector<1x16xi32>,
      %get3A_3037 = arith.constant 64 : index
      %get3A_3038 = tpu.vector_load %arg17[%get3A_3037] {strides = array<i32>} : memref<400xi32, #tpu.memory_space<vmem>>, vector<16xi32>,
      %get3A_3039 = vector.shape_cast %get3A_3038 : vector<16xi32> to vector<16xi32>
      %mul3A_3040 = arith.constant 6 : i32
      %mul3A_3041 = vector.broadcast %mul3A_3040 : i32 to vector<16xi32>
      %mul3A_3042 = arith.muli %get3A_3039, %mul3A_3041 : vector<16xi32>
      %get3A_3043 = arith.constant 64 : index
      %get3A_3044 = tpu.vector_load %arg18[%get3A_3043] {strides = array<i32>} : memref<400xi32, #tpu.memory_space<vmem>>, vector<16xi32>,
      %get3A_3045 = vector.shape_cast %get3A_3044 : vector<16xi32> to vector<16xi32>
      %add3A_3046 = arith.addi %mul3A_3042, %get3A_3045 : vector<16xi32>
      %mul3A_3047 = arith.constant 2 : i32
      %mul3A_3048 = vector.broadcast %mul3A_3047 : i32 to vector<16xi32>
      %mul3A_3049 = arith.muli %add3A_3046, %mul3A_3048 : vector<16xi32>
      %get3A_3050 = arith.constant 64 : index
      %get3A_3051 = tpu.vector_load %arg19[%get3A_3050] {strides = array<i32>} : memref<400xi32, #tpu.memory_space<vmem>>, vector<16xi32>,
      %get3A_3052 = vector.shape_cast %get3A_3051 : vector<16xi32> to vector<16xi32>
      %add3A_3053 = arith.addi %mul3A_3049, %get3A_3052 : vector<16xi32>
      %swap3A_3054 = arith.constant 0 : i32
      %swap3A_3055 = arith.index_cast %swap3A_3054 : i32 to index
      %swap3A_3056 = arith.constant 64 : index
      %swap3A_3057 = tpu.vector_load %arg21[%swap3A_3055, %swap3A_3056] {strides = array<i32>} : memref<5x80xi32, #tpu.memory_space<vmem>>, vector<1x16xi32>,
      %swap3A_3058 = vector.shape_cast %swap3A_3057 : vector<1x16xi32> to vector<16xi32>
      %swap3A_3059 = vector.shape_cast %add3A_3053 : vector<16xi32> to vector<1x16xi32>
      tpu.vector_store %arg21[%swap3A_3055, %swap3A_3056], %swap3A_3059 {strides = array<i32>} : memref<5x80xi32, #tpu.memory_space<vmem>>, vector<1x16xi32>,
      %get3A_3060 = arith.constant 80 : index
      %get3A_3061 = tpu.vector_load %arg17[%get3A_3060] {strides = array<i32>} : memref<400xi32, #tpu.memory_space<vmem>>, vector<16xi32>,
      %get3A_3062 = vector.shape_cast %get3A_3061 : vector<16xi32> to vector<16xi32>
      %mul3A_3063 = arith.constant 6 : i32
      %mul3A_3064 = vector.broadcast %mul3A_3063 : i32 to vector<16xi32>
      %mul3A_3065 = arith.muli %get3A_3062, %mul3A_3064 : vector<16xi32>
      %get3A_3066 = arith.constant 80 : index
      %get3A_3067 = tpu.vector_load %arg18[%get3A_3066] {strides = array<i32>} : memref<400xi32, #tpu.memory_space<vmem>>, vector<16xi32>,
      %get3A_3068 = vector.shape_cast %get3A_3067 : vector<16xi32> to vector<16xi32>
      %add3A_3069 = arith.addi %mul3A_3065, %get3A_3068 : vector<16xi32>
      %mul3A_3070 = arith.constant 2 : i32
      %mul3A_3071 = vector.broadcast %mul3A_3070 : i32 to vector<16xi32>
      %mul3A_3072 = arith.muli %add3A_3069, %mul3A_3071 : vector<16xi32>
      %get3A_3073 = arith.constant 80 : index
      %get3A_3074 = tpu.vector_load %arg19[%get3A_3073] {strides = array<i32>} : memref<400xi32, #tpu.memory_space<vmem>>, vector<16xi32>,
      %get3A_3075 = vector.shape_cast %get3A_3074 : vector<16xi32> to vector<16xi32>
      %add3A_3076 = arith.addi %mul3A_3072, %get3A_3075 : vector<16xi32>
      %swap3A_3077 = arith.constant 1 : i32
      %swap3A_3078 = arith.index_cast %swap3A_3077 : i32 to index
      %swap3A_3079 = arith.constant 0 : index
      %swap3A_3080 = tpu.vector_load %arg21[%swap3A_3078, %swap3A_3079] {strides = array<i32>} : memref<5x80xi32, #tpu.memory_space<vmem>>, vector<1x16xi32>,
      %swap3A_3081 = vector.shape_cast %swap3A_3080 : vector<1x16xi32> to vector<16xi32>
      %swap3A_3082 = vector.shape_cast %add3A_3076 : vector<16xi32> to vector<1x16xi32>
      tpu.vector_store %arg21[%swap3A_3078, %swap3A_3079], %swap3A_3082 {strides = array<i32>} : memref<5x80xi32, #tpu.memory_space<vmem>>, vector<1x16xi32>,
      %get3A_3083 = arith.constant 96 : index
      %get3A_3084 = tpu.vector_load %arg17[%get3A_3083] {strides = array<i32>} : memref<400xi32, #tpu.memory_space<vmem>>, vector<16xi32>,
      %get3A_3085 = vector.shape_cast %get3A_3084 : vector<16xi32> to vector<16xi32>
      %mul3A_3086 = arith.constant 6 : i32
      %mul3A_3087 = vector.broadcast %mul3A_3086 : i32 to vector<16xi32>
      %mul3A_3088 = arith.muli %get3A_3085, %mul3A_3087 : vector<16xi32>
      %get3A_3089 = arith.constant 96 : index
      %get3A_3090 = tpu.vector_load %arg18[%get3A_3089] {strides = array<i32>} : memref<400xi32, #tpu.memory_space<vmem>>, vector<16xi32>,
      %get3A_3091 = vector.shape_cast %get3A_3090 : vector<16xi32> to vector<16xi32>
      %add3A_3092 = arith.addi %mul3A_3088, %get3A_3091 : vector<16xi32>
      %mul3A_3093 = arith.constant 2 : i32
      %mul3A_3094 = vector.broadcast %mul3A_3093 : i32 to vector<16xi32>
      %mul3A_3095 = arith.muli %add3A_3092, %mul3A_3094 : vector<16xi32>
      %get3A_3096 = arith.constant 96 : index
      %get3A_3097 = tpu.vector_load %arg19[%get3A_3096] {strides = array<i32>} : memref<400xi32, #tpu.memory_space<vmem>>, vector<16xi32>,
      %get3A_3098 = vector.shape_cast %get3A_3097 : vector<16xi32> to vector<16xi32>
      %add3A_3099 = arith.addi %mul3A_3095, %get3A_3098 : vector<16xi32>
      %swap3A_3100 = arith.constant 1 : i32
      %swap3A_3101 = arith.index_cast %swap3A_3100 : i32 to index
      %swap3A_3102 = arith.constant 16 : index
      %swap3A_3103 = tpu.vector_load %arg21[%swap3A_3101, %swap3A_3102] {strides = array<i32>} : memref<5x80xi32, #tpu.memory_space<vmem>>, vector<1x16xi32>,
      %swap3A_3104 = vector.shape_cast %swap3A_3103 : vector<1x16xi32> to vector<16xi32>
      %swap3A_3105 = vector.shape_cast %add3A_3099 : vector<16xi32> to vector<1x16xi32>
      tpu.vector_store %arg21[%swap3A_3101, %swap3A_3102], %swap3A_3105 {strides = array<i32>} : memref<5x80xi32, #tpu.memory_space<vmem>>, vector<1x16xi32>,
      %get3A_3106 = arith.constant 112 : index
      %get3A_3107 = tpu.vector_load %arg17[%get3A_3106] {strides = array<i32>} : memref<400xi32, #tpu.memory_space<vmem>>, vector<16xi32>,
      %get3A_3108 = vector.shape_cast %get3A_3107 : vector<16xi32> to vector<16xi32>
      %mul3A_3109 = arith.constant 6 : i32
      %mul3A_3110 = vector.broadcast %mul3A_3109 : i32 to vector<16xi32>
      %mul3A_3111 = arith.muli %get3A_3108, %mul3A_3110 : vector<16xi32>
      %get3A_3112 = arith.constant 112 : index
      %get3A_3113 = tpu.vector_load %arg18[%get3A_3112] {strides = array<i32>} : memref<400xi32, #tpu.memory_space<vmem>>, vector<16xi32>,
      %get3A_3114 = vector.shape_cast %get3A_3113 : vector<16xi32> to vector<16xi32>
      %add3A_3115 = arith.addi %mul3A_3111, %get3A_3114 : vector<16xi32>
      %mul3A_3116 = arith.constant 2 : i32
      %mul3A_3117 = vector.broadcast %mul3A_3116 : i32 to vector<16xi32>
      %mul3A_3118 = arith.muli %add3A_3115, %mul3A_3117 : vector<16xi32>
      %get3A_3119 = arith.constant 112 : index
      %get3A_3120 = tpu.vector_load %arg19[%get3A_3119] {strides = array<i32>} : memref<400xi32, #tpu.memory_space<vmem>>, vector<16xi32>,
      %get3A_3121 = vector.shape_cast %get3A_3120 : vector<16xi32> to vector<16xi32>
      %add3A_3122 = arith.addi %mul3A_3118, %get3A_3121 : vector<16xi32>
      %swap3A_3123 = arith.constant 1 : i32
      %swap3A_3124 = arith.index_cast %swap3A_3123 : i32 to index
      %swap3A_3125 = arith.constant 32 : index
      %swap3A_3126 = tpu.vector_load %arg21[%swap3A_3124, %swap3A_3125] {strides = array<i32>} : memref<5x80xi32, #tpu.memory_space<vmem>>, vector<1x16xi32>,
      %swap3A_3127 = vector.shape_cast %swap3A_3126 : vector<1x16xi32> to vector<16xi32>
      %swap3A_3128 = vector.shape_cast %add3A_3122 : vector<16xi32> to vector<1x16xi32>
      tpu.vector_store %arg21[%swap3A_3124, %swap3A_3125], %swap3A_3128 {strides = array<i32>} : memref<5x80xi32, #tpu.memory_space<vmem>>, vector<1x16xi32>,
      %get3A_3129 = arith.constant 128 : index
      %get3A_3130 = tpu.vector_load %arg17[%get3A_3129] {strides = array<i32>} : memref<400xi32, #tpu.memory_space<vmem>>, vector<16xi32>,
      %get3A_3131 = vector.shape_cast %get3A_3130 : vector<16xi32> to vector<16xi32>
      %mul3A_3132 = arith.constant 6 : i32
      %mul3A_3133 = vector.broadcast %mul3A_3132 : i32 to vector<16xi32>
      %mul3A_3134 = arith.muli %get3A_3131, %mul3A_3133 : vector<16xi32>
      %get3A_3135 = arith.constant 128 : index
      %get3A_3136 = tpu.vector_load %arg18[%get3A_3135] {strides = array<i32>} : memref<400xi32, #tpu.memory_space<vmem>>, vector<16xi32>,
      %get3A_3137 = vector.shape_cast %get3A_3136 : vector<16xi32> to vector<16xi32>
      %add3A_3138 = arith.addi %mul3A_3134, %get3A_3137 : vector<16xi32>
      %mul3A_3139 = arith.constant 2 : i32
      %mul3A_3140 = vector.broadcast %mul3A_3139 : i32 to vector<16xi32>
      %mul3A_3141 = arith.muli %add3A_3138, %mul3A_3140 : vector<16xi32>
      %get3A_3142 = arith.constant 128 : index
      %get3A_3143 = tpu.vector_load %arg19[%get3A_3142] {strides = array<i32>} : memref<400xi32, #tpu.memory_space<vmem>>, vector<16xi32>,
      %get3A_3144 = vector.shape_cast %get3A_3143 : vector<16xi32> to vector<16xi32>
      %add3A_3145 = arith.addi %mul3A_3141, %get3A_3144 : vector<16xi32>
      %swap3A_3146 = arith.constant 1 : i32
      %swap3A_3147 = arith.index_cast %swap3A_3146 : i32 to index
      %swap3A_3148 = arith.constant 48 : index
      %swap3A_3149 = tpu.vector_load %arg21[%swap3A_3147, %swap3A_3148] {strides = array<i32>} : memref<5x80xi32, #tpu.memory_space<vmem>>, vector<1x16xi32>,
      %swap3A_3150 = vector.shape_cast %swap3A_3149 : vector<1x16xi32> to vector<16xi32>
      %swap3A_3151 = vector.shape_cast %add3A_3145 : vector<16xi32> to vector<1x16xi32>
      tpu.vector_store %arg21[%swap3A_3147, %swap3A_3148], %swap3A_3151 {strides = array<i32>} : memref<5x80xi32, #tpu.memory_space<vmem>>, vector<1x16xi32>,
      %get3A_3152 = arith.constant 144 : index
      %get3A_3153 = tpu.vector_load %arg17[%get3A_3152] {strides = array<i32>} : memref<400xi32, #tpu.memory_space<vmem>>, vector<16xi32>,
      %get3A_3154 = vector.shape_cast %get3A_3153 : vector<16xi32> to vector<16xi32>
      %mul3A_3155 = arith.constant 6 : i32
      %mul3A_3156 = vector.broadcast %mul3A_3155 : i32 to vector<16xi32>
      %mul3A_3157 = arith.muli %get3A_3154, %mul3A_3156 : vector<16xi32>
      %get3A_3158 = arith.constant 144 : index
      %get3A_3159 = tpu.vector_load %arg18[%get3A_3158] {strides = array<i32>} : memref<400xi32, #tpu.memory_space<vmem>>, vector<16xi32>,
      %get3A_3160 = vector.shape_cast %get3A_3159 : vector<16xi32> to vector<16xi32>
      %add3A_3161 = arith.addi %mul3A_3157, %get3A_3160 : vector<16xi32>
      %mul3A_3162 = arith.constant 2 : i32
      %mul3A_3163 = vector.broadcast %mul3A_3162 : i32 to vector<16xi32>
      %mul3A_3164 = arith.muli %add3A_3161, %mul3A_3163 : vector<16xi32>
      %get3A_3165 = arith.constant 144 : index
      %get3A_3166 = tpu.vector_load %arg19[%get3A_3165] {strides = array<i32>} : memref<400xi32, #tpu.memory_space<vmem>>, vector<16xi32>,
      %get3A_3167 = vector.shape_cast %get3A_3166 : vector<16xi32> to vector<16xi32>
      %add3A_3168 = arith.addi %mul3A_3164, %get3A_3167 : vector<16xi32>
      %swap3A_3169 = arith.constant 1 : i32
      %swap3A_3170 = arith.index_cast %swap3A_3169 : i32 to index
      %swap3A_3171 = arith.constant 64 : index
      %swap3A_3172 = tpu.vector_load %arg21[%swap3A_3170, %swap3A_3171] {strides = array<i32>} : memref<5x80xi32, #tpu.memory_space<vmem>>, vector<1x16xi32>,
      %swap3A_3173 = vector.shape_cast %swap3A_3172 : vector<1x16xi32> to vector<16xi32>
      %swap3A_3174 = vector.shape_cast %add3A_3168 : vector<16xi32> to vector<1x16xi32>
      tpu.vector_store %arg21[%swap3A_3170, %swap3A_3171], %swap3A_3174 {strides = array<i32>} : memref<5x80xi32, #tpu.memory_space<vmem>>, vector<1x16xi32>,
      %get3A_3175 = arith.constant 160 : index
      %get3A_3176 = tpu.vector_load %arg17[%get3A_3175] {strides = array<i32>} : memref<400xi32, #tpu.memory_space<vmem>>, vector<16xi32>,
      %get3A_3177 = vector.shape_cast %get3A_3176 : vector<16xi32> to vector<16xi32>
      %mul3A_3178 = arith.constant 6 : i32
      %mul3A_3179 = vector.broadcast %mul3A_3178 : i32 to vector<16xi32>
      %mul3A_3180 = arith.muli %get3A_3177, %mul3A_3179 : vector<16xi32>
      %get3A_3181 = arith.constant 160 : index
      %get3A_3182 = tpu.vector_load %arg18[%get3A_3181] {strides = array<i32>} : memref<400xi32, #tpu.memory_space<vmem>>, vector<16xi32>,
      %get3A_3183 = vector.shape_cast %get3A_3182 : vector<16xi32> to vector<16xi32>
      %add3A_3184 = arith.addi %mul3A_3180, %get3A_3183 : vector<16xi32>
      %mul3A_3185 = arith.constant 2 : i32
      %mul3A_3186 = vector.broadcast %mul3A_3185 : i32 to vector<16xi32>
      %mul3A_3187 = arith.muli %add3A_3184, %mul3A_3186 : vector<16xi32>
      %get3A_3188 = arith.constant 160 : index
      %get3A_3189 = tpu.vector_load %arg19[%get3A_3188] {strides = array<i32>} : memref<400xi32, #tpu.memory_space<vmem>>, vector<16xi32>,
      %get3A_3190 = vector.shape_cast %get3A_3189 : vector<16xi32> to vector<16xi32>
      %add3A_3191 = arith.addi %mul3A_3187, %get3A_3190 : vector<16xi32>
      %swap3A_3192 = arith.constant 2 : i32
      %swap3A_3193 = arith.index_cast %swap3A_3192 : i32 to index
      %swap3A_3194 = arith.constant 0 : index
      %swap3A_3195 = tpu.vector_load %arg21[%swap3A_3193, %swap3A_3194] {strides = array<i32>} : memref<5x80xi32, #tpu.memory_space<vmem>>, vector<1x16xi32>,
      %swap3A_3196 = vector.shape_cast %swap3A_3195 : vector<1x16xi32> to vector<16xi32>
      %swap3A_3197 = vector.shape_cast %add3A_3191 : vector<16xi32> to vector<1x16xi32>
      tpu.vector_store %arg21[%swap3A_3193, %swap3A_3194], %swap3A_3197 {strides = array<i32>} : memref<5x80xi32, #tpu.memory_space<vmem>>, vector<1x16xi32>,
      %get3A_3198 = arith.constant 176 : index
      %get3A_3199 = tpu.vector_load %arg17[%get3A_3198] {strides = array<i32>} : memref<400xi32, #tpu.memory_space<vmem>>, vector<16xi32>,
      %get3A_3200 = vector.shape_cast %get3A_3199 : vector<16xi32> to vector<16xi32>
      %mul3A_3201 = arith.constant 6 : i32
      %mul3A_3202 = vector.broadcast %mul3A_3201 : i32 to vector<16xi32>
      %mul3A_3203 = arith.muli %get3A_3200, %mul3A_3202 : vector<16xi32>
      %get3A_3204 = arith.constant 176 : index
      %get3A_3205 = tpu.vector_load %arg18[%get3A_3204] {strides = array<i32>} : memref<400xi32, #tpu.memory_space<vmem>>, vector<16xi32>,
      %get3A_3206 = vector.shape_cast %get3A_3205 : vector<16xi32> to vector<16xi32>
      %add3A_3207 = arith.addi %mul3A_3203, %get3A_3206 : vector<16xi32>
      %mul3A_3208 = arith.constant 2 : i32
      %mul3A_3209 = vector.broadcast %mul3A_3208 : i32 to vector<16xi32>
      %mul3A_3210 = arith.muli %add3A_3207, %mul3A_3209 : vector<16xi32>
      %get3A_3211 = arith.constant 176 : index
      %get3A_3212 = tpu.vector_load %arg19[%get3A_3211] {strides = array<i32>} : memref<400xi32, #tpu.memory_space<vmem>>, vector<16xi32>,
      %get3A_3213 = vector.shape_cast %get3A_3212 : vector<16xi32> to vector<16xi32>
      %add3A_3214 = arith.addi %mul3A_3210, %get3A_3213 : vector<16xi32>
      %swap3A_3215 = arith.constant 2 : i32
      %swap3A_3216 = arith.index_cast %swap3A_3215 : i32 to index
      %swap3A_3217 = arith.constant 16 : index
      %swap3A_3218 = tpu.vector_load %arg21[%swap3A_3216, %swap3A_3217] {strides = array<i32>} : memref<5x80xi32, #tpu.memory_space<vmem>>, vector<1x16xi32>,
      %swap3A_3219 = vector.shape_cast %swap3A_3218 : vector<1x16xi32> to vector<16xi32>
      %swap3A_3220 = vector.shape_cast %add3A_3214 : vector<16xi32> to vector<1x16xi32>
      tpu.vector_store %arg21[%swap3A_3216, %swap3A_3217], %swap3A_3220 {strides = array<i32>} : memref<5x80xi32, #tpu.memory_space<vmem>>, vector<1x16xi32>,
      %get3A_3221 = arith.constant 192 : index
      %get3A_3222 = tpu.vector_load %arg17[%get3A_3221] {strides = array<i32>} : memref<400xi32, #tpu.memory_space<vmem>>, vector<16xi32>,
      %get3A_3223 = vector.shape_cast %get3A_3222 : vector<16xi32> to vector<16xi32>
      %mul3A_3224 = arith.constant 6 : i32
      %mul3A_3225 = vector.broadcast %mul3A_3224 : i32 to vector<16xi32>
      %mul3A_3226 = arith.muli %get3A_3223, %mul3A_3225 : vector<16xi32>
      %get3A_3227 = arith.constant 192 : index
      %get3A_3228 = tpu.vector_load %arg18[%get3A_3227] {strides = array<i32>} : memref<400xi32, #tpu.memory_space<vmem>>, vector<16xi32>,
      %get3A_3229 = vector.shape_cast %get3A_3228 : vector<16xi32> to vector<16xi32>
      %add3A_3230 = arith.addi %mul3A_3226, %get3A_3229 : vector<16xi32>
      %mul3A_3231 = arith.constant 2 : i32
      %mul3A_3232 = vector.broadcast %mul3A_3231 : i32 to vector<16xi32>
      %mul3A_3233 = arith.muli %add3A_3230, %mul3A_3232 : vector<16xi32>
      %get3A_3234 = arith.constant 192 : index
      %get3A_3235 = tpu.vector_load %arg19[%get3A_3234] {strides = array<i32>} : memref<400xi32, #tpu.memory_space<vmem>>, vector<16xi32>,
      %get3A_3236 = vector.shape_cast %get3A_3235 : vector<16xi32> to vector<16xi32>
      %add3A_3237 = arith.addi %mul3A_3233, %get3A_3236 : vector<16xi32>
      %swap3A_3238 = arith.constant 2 : i32
      %swap3A_3239 = arith.index_cast %swap3A_3238 : i32 to index
      %swap3A_3240 = arith.constant 32 : index
      %swap3A_3241 = tpu.vector_load %arg21[%swap3A_3239, %swap3A_3240] {strides = array<i32>} : memref<5x80xi32, #tpu.memory_space<vmem>>, vector<1x16xi32>,
      %swap3A_3242 = vector.shape_cast %swap3A_3241 : vector<1x16xi32> to vector<16xi32>
      %swap3A_3243 = vector.shape_cast %add3A_3237 : vector<16xi32> to vector<1x16xi32>
      tpu.vector_store %arg21[%swap3A_3239, %swap3A_3240], %swap3A_3243 {strides = array<i32>} : memref<5x80xi32, #tpu.memory_space<vmem>>, vector<1x16xi32>,
      %get3A_3244 = arith.constant 208 : index
      %get3A_3245 = tpu.vector_load %arg17[%get3A_3244] {strides = array<i32>} : memref<400xi32, #tpu.memory_space<vmem>>, vector<16xi32>,
      %get3A_3246 = vector.shape_cast %get3A_3245 : vector<16xi32> to vector<16xi32>
      %mul3A_3247 = arith.constant 6 : i32
      %mul3A_3248 = vector.broadcast %mul3A_3247 : i32 to vector<16xi32>
      %mul3A_3249 = arith.muli %get3A_3246, %mul3A_3248 : vector<16xi32>
      %get3A_3250 = arith.constant 208 : index
      %get3A_3251 = tpu.vector_load %arg18[%get3A_3250] {strides = array<i32>} : memref<400xi32, #tpu.memory_space<vmem>>, vector<16xi32>,
      %get3A_3252 = vector.shape_cast %get3A_3251 : vector<16xi32> to vector<16xi32>
      %add3A_3253 = arith.addi %mul3A_3249, %get3A_3252 : vector<16xi32>
      %mul3A_3254 = arith.constant 2 : i32
      %mul3A_3255 = vector.broadcast %mul3A_3254 : i32 to vector<16xi32>
      %mul3A_3256 = arith.muli %add3A_3253, %mul3A_3255 : vector<16xi32>
      %get3A_3257 = arith.constant 208 : index
      %get3A_3258 = tpu.vector_load %arg19[%get3A_3257] {strides = array<i32>} : memref<400xi32, #tpu.memory_space<vmem>>, vector<16xi32>,
      %get3A_3259 = vector.shape_cast %get3A_3258 : vector<16xi32> to vector<16xi32>
      %add3A_3260 = arith.addi %mul3A_3256, %get3A_3259 : vector<16xi32>
      %swap3A_3261 = arith.constant 2 : i32
      %swap3A_3262 = arith.index_cast %swap3A_3261 : i32 to index
      %swap3A_3263 = arith.constant 48 : index
      %swap3A_3264 = tpu.vector_load %arg21[%swap3A_3262, %swap3A_3263] {strides = array<i32>} : memref<5x80xi32, #tpu.memory_space<vmem>>, vector<1x16xi32>,
      %swap3A_3265 = vector.shape_cast %swap3A_3264 : vector<1x16xi32> to vector<16xi32>
      %swap3A_3266 = vector.shape_cast %add3A_3260 : vector<16xi32> to vector<1x16xi32>
      tpu.vector_store %arg21[%swap3A_3262, %swap3A_3263], %swap3A_3266 {strides = array<i32>} : memref<5x80xi32, #tpu.memory_space<vmem>>, vector<1x16xi32>,
      %get3A_3267 = arith.constant 224 : index
      %get3A_3268 = tpu.vector_load %arg17[%get3A_3267] {strides = array<i32>} : memref<400xi32, #tpu.memory_space<vmem>>, vector<16xi32>,
      %get3A_3269 = vector.shape_cast %get3A_3268 : vector<16xi32> to vector<16xi32>
      %mul3A_3270 = arith.constant 6 : i32
      %mul3A_3271 = vector.broadcast %mul3A_3270 : i32 to vector<16xi32>
      %mul3A_3272 = arith.muli %get3A_3269, %mul3A_3271 : vector<16xi32>
      %get3A_3273 = arith.constant 224 : index
      %get3A_3274 = tpu.vector_load %arg18[%get3A_3273] {strides = array<i32>} : memref<400xi32, #tpu.memory_space<vmem>>, vector<16xi32>,
      %get3A_3275 = vector.shape_cast %get3A_3274 : vector<16xi32> to vector<16xi32>
      %add3A_3276 = arith.addi %mul3A_3272, %get3A_3275 : vector<16xi32>
      %mul3A_3277 = arith.constant 2 : i32
      %mul3A_3278 = vector.broadcast %mul3A_3277 : i32 to vector<16xi32>
      %mul3A_3279 = arith.muli %add3A_3276, %mul3A_3278 : vector<16xi32>
      %get3A_3280 = arith.constant 224 : index
      %get3A_3281 = tpu.vector_load %arg19[%get3A_3280] {strides = array<i32>} : memref<400xi32, #tpu.memory_space<vmem>>, vector<16xi32>,
      %get3A_3282 = vector.shape_cast %get3A_3281 : vector<16xi32> to vector<16xi32>
      %add3A_3283 = arith.addi %mul3A_3279, %get3A_3282 : vector<16xi32>
      %swap3A_3284 = arith.constant 2 : i32
      %swap3A_3285 = arith.index_cast %swap3A_3284 : i32 to index
      %swap3A_3286 = arith.constant 64 : index
      %swap3A_3287 = tpu.vector_load %arg21[%swap3A_3285, %swap3A_3286] {strides = array<i32>} : memref<5x80xi32, #tpu.memory_space<vmem>>, vector<1x16xi32>,
      %swap3A_3288 = vector.shape_cast %swap3A_3287 : vector<1x16xi32> to vector<16xi32>
      %swap3A_3289 = vector.shape_cast %add3A_3283 : vector<16xi32> to vector<1x16xi32>
      tpu.vector_store %arg21[%swap3A_3285, %swap3A_3286], %swap3A_3289 {strides = array<i32>} : memref<5x80xi32, #tpu.memory_space<vmem>>, vector<1x16xi32>,
      %get3A_3290 = arith.constant 240 : index
      %get3A_3291 = tpu.vector_load %arg17[%get3A_3290] {strides = array<i32>} : memref<400xi32, #tpu.memory_space<vmem>>, vector<16xi32>,
      %get3A_3292 = vector.shape_cast %get3A_3291 : vector<16xi32> to vector<16xi32>
      %mul3A_3293 = arith.constant 6 : i32
      %mul3A_3294 = vector.broadcast %mul3A_3293 : i32 to vector<16xi32>
      %mul3A_3295 = arith.muli %get3A_3292, %mul3A_3294 : vector<16xi32>
      %get3A_3296 = arith.constant 240 : index
      %get3A_3297 = tpu.vector_load %arg18[%get3A_3296] {strides = array<i32>} : memref<400xi32, #tpu.memory_space<vmem>>, vector<16xi32>,
      %get3A_3298 = vector.shape_cast %get3A_3297 : vector<16xi32> to vector<16xi32>
      %add3A_3299 = arith.addi %mul3A_3295, %get3A_3298 : vector<16xi32>
      %mul3A_3300 = arith.constant 2 : i32
      %mul3A_3301 = vector.broadcast %mul3A_3300 : i32 to vector<16xi32>
      %mul3A_3302 = arith.muli %add3A_3299, %mul3A_3301 : vector<16xi32>
      %get3A_3303 = arith.constant 240 : index
      %get3A_3304 = tpu.vector_load %arg19[%get3A_3303] {strides = array<i32>} : memref<400xi32, #tpu.memory_space<vmem>>, vector<16xi32>,
      %get3A_3305 = vector.shape_cast %get3A_3304 : vector<16xi32> to vector<16xi32>
      %add3A_3306 = arith.addi %mul3A_3302, %get3A_3305 : vector<16xi32>
      %swap3A_3307 = arith.constant 3 : i32
      %swap3A_3308 = arith.index_cast %swap3A_3307 : i32 to index
      %swap3A_3309 = arith.constant 0 : index
      %swap3A_3310 = tpu.vector_load %arg21[%swap3A_3308, %swap3A_3309] {strides = array<i32>} : memref<5x80xi32, #tpu.memory_space<vmem>>, vector<1x16xi32>,
      %swap3A_3311 = vector.shape_cast %swap3A_3310 : vector<1x16xi32> to vector<16xi32>
      %swap3A_3312 = vector.shape_cast %add3A_3306 : vector<16xi32> to vector<1x16xi32>
      tpu.vector_store %arg21[%swap3A_3308, %swap3A_3309], %swap3A_3312 {strides = array<i32>} : memref<5x80xi32, #tpu.memory_space<vmem>>, vector<1x16xi32>,
      %get3A_3313 = arith.constant 256 : index
      %get3A_3314 = tpu.vector_load %arg17[%get3A_3313] {strides = array<i32>} : memref<400xi32, #tpu.memory_space<vmem>>, vector<16xi32>,
      %get3A_3315 = vector.shape_cast %get3A_3314 : vector<16xi32> to vector<16xi32>
      %mul3A_3316 = arith.constant 6 : i32
      %mul3A_3317 = vector.broadcast %mul3A_3316 : i32 to vector<16xi32>
      %mul3A_3318 = arith.muli %get3A_3315, %mul3A_3317 : vector<16xi32>
      %get3A_3319 = arith.constant 256 : index
      %get3A_3320 = tpu.vector_load %arg18[%get3A_3319] {strides = array<i32>} : memref<400xi32, #tpu.memory_space<vmem>>, vector<16xi32>,
      %get3A_3321 = vector.shape_cast %get3A_3320 : vector<16xi32> to vector<16xi32>
      %add3A_3322 = arith.addi %mul3A_3318, %get3A_3321 : vector<16xi32>
      %mul3A_3323 = arith.constant 2 : i32
      %mul3A_3324 = vector.broadcast %mul3A_3323 : i32 to vector<16xi32>
      %mul3A_3325 = arith.muli %add3A_3322, %mul3A_3324 : vector<16xi32>
      %get3A_3326 = arith.constant 256 : index
      %get3A_3327 = tpu.vector_load %arg19[%get3A_3326] {strides = array<i32>} : memref<400xi32, #tpu.memory_space<vmem>>, vector<16xi32>,
      %get3A_3328 = vector.shape_cast %get3A_3327 : vector<16xi32> to vector<16xi32>
      %add3A_3329 = arith.addi %mul3A_3325, %get3A_3328 : vector<16xi32>
      %swap3A_3330 = arith.constant 3 : i32
      %swap3A_3331 = arith.index_cast %swap3A_3330 : i32 to index
      %swap3A_3332 = arith.constant 16 : index
      %swap3A_3333 = tpu.vector_load %arg21[%swap3A_3331, %swap3A_3332] {strides = array<i32>} : memref<5x80xi32, #tpu.memory_space<vmem>>, vector<1x16xi32>,
      %swap3A_3334 = vector.shape_cast %swap3A_3333 : vector<1x16xi32> to vector<16xi32>
      %swap3A_3335 = vector.shape_cast %add3A_3329 : vector<16xi32> to vector<1x16xi32>
      tpu.vector_store %arg21[%swap3A_3331, %swap3A_3332], %swap3A_3335 {strides = array<i32>} : memref<5x80xi32, #tpu.memory_space<vmem>>, vector<1x16xi32>,
      %get3A_3336 = arith.constant 272 : index
      %get3A_3337 = tpu.vector_load %arg17[%get3A_3336] {strides = array<i32>} : memref<400xi32, #tpu.memory_space<vmem>>, vector<16xi32>,
      %get3A_3338 = vector.shape_cast %get3A_3337 : vector<16xi32> to vector<16xi32>
      %mul3A_3339 = arith.constant 6 : i32
      %mul3A_3340 = vector.broadcast %mul3A_3339 : i32 to vector<16xi32>
      %mul3A_3341 = arith.muli %get3A_3338, %mul3A_3340 : vector<16xi32>
      %get3A_3342 = arith.constant 272 : index
      %get3A_3343 = tpu.vector_load %arg18[%get3A_3342] {strides = array<i32>} : memref<400xi32, #tpu.memory_space<vmem>>, vector<16xi32>,
      %get3A_3344 = vector.shape_cast %get3A_3343 : vector<16xi32> to vector<16xi32>
      %add3A_3345 = arith.addi %mul3A_3341, %get3A_3344 : vector<16xi32>
      %mul3A_3346 = arith.constant 2 : i32
      %mul3A_3347 = vector.broadcast %mul3A_3346 : i32 to vector<16xi32>
      %mul3A_3348 = arith.muli %add3A_3345, %mul3A_3347 : vector<16xi32>
      %get3A_3349 = arith.constant 272 : index
      %get3A_3350 = tpu.vector_load %arg19[%get3A_3349] {strides = array<i32>} : memref<400xi32, #tpu.memory_space<vmem>>, vector<16xi32>,
      %get3A_3351 = vector.shape_cast %get3A_3350 : vector<16xi32> to vector<16xi32>
      %add3A_3352 = arith.addi %mul3A_3348, %get3A_3351 : vector<16xi32>
      %swap3A_3353 = arith.constant 3 : i32
      %swap3A_3354 = arith.index_cast %swap3A_3353 : i32 to index
      %swap3A_3355 = arith.constant 32 : index
      %swap3A_3356 = tpu.vector_load %arg21[%swap3A_3354, %swap3A_3355] {strides = array<i32>} : memref<5x80xi32, #tpu.memory_space<vmem>>, vector<1x16xi32>,
      %swap3A_3357 = vector.shape_cast %swap3A_3356 : vector<1x16xi32> to vector<16xi32>
      %swap3A_3358 = vector.shape_cast %add3A_3352 : vector<16xi32> to vector<1x16xi32>
      tpu.vector_store %arg21[%swap3A_3354, %swap3A_3355], %swap3A_3358 {strides = array<i32>} : memref<5x80xi32, #tpu.memory_space<vmem>>, vector<1x16xi32>,
      %get3A_3359 = arith.constant 288 : index
      %get3A_3360 = tpu.vector_load %arg17[%get3A_3359] {strides = array<i32>} : memref<400xi32, #tpu.memory_space<vmem>>, vector<16xi32>,
      %get3A_3361 = vector.shape_cast %get3A_3360 : vector<16xi32> to vector<16xi32>
      %mul3A_3362 = arith.constant 6 : i32
      %mul3A_3363 = vector.broadcast %mul3A_3362 : i32 to vector<16xi32>
      %mul3A_3364 = arith.muli %get3A_3361, %mul3A_3363 : vector<16xi32>
      %get3A_3365 = arith.constant 288 : index
      %get3A_3366 = tpu.vector_load %arg18[%get3A_3365] {strides = array<i32>} : memref<400xi32, #tpu.memory_space<vmem>>, vector<16xi32>,
      %get3A_3367 = vector.shape_cast %get3A_3366 : vector<16xi32> to vector<16xi32>
      %add3A_3368 = arith.addi %mul3A_3364, %get3A_3367 : vector<16xi32>
      %mul3A_3369 = arith.constant 2 : i32
      %mul3A_3370 = vector.broadcast %mul3A_3369 : i32 to vector<16xi32>
      %mul3A_3371 = arith.muli %add3A_3368, %mul3A_3370 : vector<16xi32>
      %get3A_3372 = arith.constant 288 : index
      %get3A_3373 = tpu.vector_load %arg19[%get3A_3372] {strides = array<i32>} : memref<400xi32, #tpu.memory_space<vmem>>, vector<16xi32>,
      %get3A_3374 = vector.shape_cast %get3A_3373 : vector<16xi32> to vector<16xi32>
      %add3A_3375 = arith.addi %mul3A_3371, %get3A_3374 : vector<16xi32>
      %swap3A_3376 = arith.constant 3 : i32
      %swap3A_3377 = arith.index_cast %swap3A_3376 : i32 to index
      %swap3A_3378 = arith.constant 48 : index
      %swap3A_3379 = tpu.vector_load %arg21[%swap3A_3377, %swap3A_3378] {strides = array<i32>} : memref<5x80xi32, #tpu.memory_space<vmem>>, vector<1x16xi32>,
      %swap3A_3380 = vector.shape_cast %swap3A_3379 : vector<1x16xi32> to vector<16xi32>
      %swap3A_3381 = vector.shape_cast %add3A_3375 : vector<16xi32> to vector<1x16xi32>
      tpu.vector_store %arg21[%swap3A_3377, %swap3A_3378], %swap3A_3381 {strides = array<i32>} : memref<5x80xi32, #tpu.memory_space<vmem>>, vector<1x16xi32>,
      %get3A_3382 = arith.constant 304 : index
      %get3A_3383 = tpu.vector_load %arg17[%get3A_3382] {strides = array<i32>} : memref<400xi32, #tpu.memory_space<vmem>>, vector<16xi32>,
      %get3A_3384 = vector.shape_cast %get3A_3383 : vector<16xi32> to vector<16xi32>
      %mul3A_3385 = arith.constant 6 : i32
      %mul3A_3386 = vector.broadcast %mul3A_3385 : i32 to vector<16xi32>
      %mul3A_3387 = arith.muli %get3A_3384, %mul3A_3386 : vector<16xi32>
      %get3A_3388 = arith.constant 304 : index
      %get3A_3389 = tpu.vector_load %arg18[%get3A_3388] {strides = array<i32>} : memref<400xi32, #tpu.memory_space<vmem>>, vector<16xi32>,
      %get3A_3390 = vector.shape_cast %get3A_3389 : vector<16xi32> to vector<16xi32>
      %add3A_3391 = arith.addi %mul3A_3387, %get3A_3390 : vector<16xi32>
      %mul3A_3392 = arith.constant 2 : i32
      %mul3A_3393 = vector.broadcast %mul3A_3392 : i32 to vector<16xi32>
      %mul3A_3394 = arith.muli %add3A_3391, %mul3A_3393 : vector<16xi32>
      %get3A_3395 = arith.constant 304 : index
      %get3A_3396 = tpu.vector_load %arg19[%get3A_3395] {strides = array<i32>} : memref<400xi32, #tpu.memory_space<vmem>>, vector<16xi32>,
      %get3A_3397 = vector.shape_cast %get3A_3396 : vector<16xi32> to vector<16xi32>
      %add3A_3398 = arith.addi %mul3A_3394, %get3A_3397 : vector<16xi32>
      %swap3A_3399 = arith.constant 3 : i32
      %swap3A_3400 = arith.index_cast %swap3A_3399 : i32 to index
      %swap3A_3401 = arith.constant 64 : index
      %swap3A_3402 = tpu.vector_load %arg21[%swap3A_3400, %swap3A_3401] {strides = array<i32>} : memref<5x80xi32, #tpu.memory_space<vmem>>, vector<1x16xi32>,
      %swap3A_3403 = vector.shape_cast %swap3A_3402 : vector<1x16xi32> to vector<16xi32>
      %swap3A_3404 = vector.shape_cast %add3A_3398 : vector<16xi32> to vector<1x16xi32>
      tpu.vector_store %arg21[%swap3A_3400, %swap3A_3401], %swap3A_3404 {strides = array<i32>} : memref<5x80xi32, #tpu.memory_space<vmem>>, vector<1x16xi32>,
      %get3A_3405 = arith.constant 320 : index
      %get3A_3406 = tpu.vector_load %arg17[%get3A_3405] {strides = array<i32>} : memref<400xi32, #tpu.memory_space<vmem>>, vector<16xi32>,
      %get3A_3407 = vector.shape_cast %get3A_3406 : vector<16xi32> to vector<16xi32>
      %mul3A_3408 = arith.constant 6 : i32
      %mul3A_3409 = vector.broadcast %mul3A_3408 : i32 to vector<16xi32>
      %mul3A_3410 = arith.muli %get3A_3407, %mul3A_3409 : vector<16xi32>
      %get3A_3411 = arith.constant 320 : index
      %get3A_3412 = tpu.vector_load %arg18[%get3A_3411] {strides = array<i32>} : memref<400xi32, #tpu.memory_space<vmem>>, vector<16xi32>,
      %get3A_3413 = vector.shape_cast %get3A_3412 : vector<16xi32> to vector<16xi32>
      %add3A_3414 = arith.addi %mul3A_3410, %get3A_3413 : vector<16xi32>
      %mul3A_3415 = arith.constant 2 : i32
      %mul3A_3416 = vector.broadcast %mul3A_3415 : i32 to vector<16xi32>
      %mul3A_3417 = arith.muli %add3A_3414, %mul3A_3416 : vector<16xi32>
      %get3A_3418 = arith.constant 320 : index
      %get3A_3419 = tpu.vector_load %arg19[%get3A_3418] {strides = array<i32>} : memref<400xi32, #tpu.memory_space<vmem>>, vector<16xi32>,
      %get3A_3420 = vector.shape_cast %get3A_3419 : vector<16xi32> to vector<16xi32>
      %add3A_3421 = arith.addi %mul3A_3417, %get3A_3420 : vector<16xi32>
      %swap3A_3422 = arith.constant 4 : i32
      %swap3A_3423 = arith.index_cast %swap3A_3422 : i32 to index
      %swap3A_3424 = arith.constant 0 : index
      %swap3A_3425 = tpu.vector_load %arg21[%swap3A_3423, %swap3A_3424] {strides = array<i32>} : memref<5x80xi32, #tpu.memory_space<vmem>>, vector<1x16xi32>,
      %swap3A_3426 = vector.shape_cast %swap3A_3425 : vector<1x16xi32> to vector<16xi32>
      %swap3A_3427 = vector.shape_cast %add3A_3421 : vector<16xi32> to vector<1x16xi32>
      tpu.vector_store %arg21[%swap3A_3423, %swap3A_3424], %swap3A_3427 {strides = array<i32>} : memref<5x80xi32, #tpu.memory_space<vmem>>, vector<1x16xi32>,
      %get3A_3428 = arith.constant 336 : index
      %get3A_3429 = tpu.vector_load %arg17[%get3A_3428] {strides = array<i32>} : memref<400xi32, #tpu.memory_space<vmem>>, vector<16xi32>,
      %get3A_3430 = vector.shape_cast %get3A_3429 : vector<16xi32> to vector<16xi32>
      %mul3A_3431 = arith.constant 6 : i32
      %mul3A_3432 = vector.broadcast %mul3A_3431 : i32 to vector<16xi32>
      %mul3A_3433 = arith.muli %get3A_3430, %mul3A_3432 : vector<16xi32>
      %get3A_3434 = arith.constant 336 : index
      %get3A_3435 = tpu.vector_load %arg18[%get3A_3434] {strides = array<i32>} : memref<400xi32, #tpu.memory_space<vmem>>, vector<16xi32>,
      %get3A_3436 = vector.shape_cast %get3A_3435 : vector<16xi32> to vector<16xi32>
      %add3A_3437 = arith.addi %mul3A_3433, %get3A_3436 : vector<16xi32>
      %mul3A_3438 = arith.constant 2 : i32
      %mul3A_3439 = vector.broadcast %mul3A_3438 : i32 to vector<16xi32>
      %mul3A_3440 = arith.muli %add3A_3437, %mul3A_3439 : vector<16xi32>
      %get3A_3441 = arith.constant 336 : index
      %get3A_3442 = tpu.vector_load %arg19[%get3A_3441] {strides = array<i32>} : memref<400xi32, #tpu.memory_space<vmem>>, vector<16xi32>,
      %get3A_3443 = vector.shape_cast %get3A_3442 : vector<16xi32> to vector<16xi32>
      %add3A_3444 = arith.addi %mul3A_3440, %get3A_3443 : vector<16xi32>
      %swap3A_3445 = arith.constant 4 : i32
      %swap3A_3446 = arith.index_cast %swap3A_3445 : i32 to index
      %swap3A_3447 = arith.constant 16 : index
      %swap3A_3448 = tpu.vector_load %arg21[%swap3A_3446, %swap3A_3447] {strides = array<i32>} : memref<5x80xi32, #tpu.memory_space<vmem>>, vector<1x16xi32>,
      %swap3A_3449 = vector.shape_cast %swap3A_3448 : vector<1x16xi32> to vector<16xi32>
      %swap3A_3450 = vector.shape_cast %add3A_3444 : vector<16xi32> to vector<1x16xi32>
      tpu.vector_store %arg21[%swap3A_3446, %swap3A_3447], %swap3A_3450 {strides = array<i32>} : memref<5x80xi32, #tpu.memory_space<vmem>>, vector<1x16xi32>,
      %get3A_3451 = arith.constant 352 : index
      %get3A_3452 = tpu.vector_load %arg17[%get3A_3451] {strides = array<i32>} : memref<400xi32, #tpu.memory_space<vmem>>, vector<16xi32>,
      %get3A_3453 = vector.shape_cast %get3A_3452 : vector<16xi32> to vector<16xi32>
      %mul3A_3454 = arith.constant 6 : i32
      %mul3A_3455 = vector.broadcast %mul3A_3454 : i32 to vector<16xi32>
      %mul3A_3456 = arith.muli %get3A_3453, %mul3A_3455 : vector<16xi32>
      %get3A_3457 = arith.constant 352 : index
      %get3A_3458 = tpu.vector_load %arg18[%get3A_3457] {strides = array<i32>} : memref<400xi32, #tpu.memory_space<vmem>>, vector<16xi32>,
      %get3A_3459 = vector.shape_cast %get3A_3458 : vector<16xi32> to vector<16xi32>
      %add3A_3460 = arith.addi %mul3A_3456, %get3A_3459 : vector<16xi32>
      %mul3A_3461 = arith.constant 2 : i32
      %mul3A_3462 = vector.broadcast %mul3A_3461 : i32 to vector<16xi32>
      %mul3A_3463 = arith.muli %add3A_3460, %mul3A_3462 : vector<16xi32>
      %get3A_3464 = arith.constant 352 : index
      %get3A_3465 = tpu.vector_load %arg19[%get3A_3464] {strides = array<i32>} : memref<400xi32, #tpu.memory_space<vmem>>, vector<16xi32>,
      %get3A_3466 = vector.shape_cast %get3A_3465 : vector<16xi32> to vector<16xi32>
      %add3A_3467 = arith.addi %mul3A_3463, %get3A_3466 : vector<16xi32>
      %swap3A_3468 = arith.constant 4 : i32
      %swap3A_3469 = arith.index_cast %swap3A_3468 : i32 to index
      %swap3A_3470 = arith.constant 32 : index
      %swap3A_3471 = tpu.vector_load %arg21[%swap3A_3469, %swap3A_3470] {strides = array<i32>} : memref<5x80xi32, #tpu.memory_space<vmem>>, vector<1x16xi32>,
      %swap3A_3472 = vector.shape_cast %swap3A_3471 : vector<1x16xi32> to vector<16xi32>
      %swap3A_3473 = vector.shape_cast %add3A_3467 : vector<16xi32> to vector<1x16xi32>
      tpu.vector_store %arg21[%swap3A_3469, %swap3A_3470], %swap3A_3473 {strides = array<i32>} : memref<5x80xi32, #tpu.memory_space<vmem>>, vector<1x16xi32>,
      %get3A_3474 = arith.constant 368 : index
      %get3A_3475 = tpu.vector_load %arg17[%get3A_3474] {strides = array<i32>} : memref<400xi32, #tpu.memory_space<vmem>>, vector<16xi32>,
      %get3A_3476 = vector.shape_cast %get3A_3475 : vector<16xi32> to vector<16xi32>
      %mul3A_3477 = arith.constant 6 : i32
      %mul3A_3478 = vector.broadcast %mul3A_3477 : i32 to vector<16xi32>
      %mul3A_3479 = arith.muli %get3A_3476, %mul3A_3478 : vector<16xi32>
      %get3A_3480 = arith.constant 368 : index
      %get3A_3481 = tpu.vector_load %arg18[%get3A_3480] {strides = array<i32>} : memref<400xi32, #tpu.memory_space<vmem>>, vector<16xi32>,
      %get3A_3482 = vector.shape_cast %get3A_3481 : vector<16xi32> to vector<16xi32>
      %add3A_3483 = arith.addi %mul3A_3479, %get3A_3482 : vector<16xi32>
      %mul3A_3484 = arith.constant 2 : i32
      %mul3A_3485 = vector.broadcast %mul3A_3484 : i32 to vector<16xi32>
      %mul3A_3486 = arith.muli %add3A_3483, %mul3A_3485 : vector<16xi32>
      %get3A_3487 = arith.constant 368 : index
      %get3A_3488 = tpu.vector_load %arg19[%get3A_3487] {strides = array<i32>} : memref<400xi32, #tpu.memory_space<vmem>>, vector<16xi32>,
      %get3A_3489 = vector.shape_cast %get3A_3488 : vector<16xi32> to vector<16xi32>
      %add3A_3490 = arith.addi %mul3A_3486, %get3A_3489 : vector<16xi32>
      %swap3A_3491 = arith.constant 4 : i32
      %swap3A_3492 = arith.index_cast %swap3A_3491 : i32 to index
      %swap3A_3493 = arith.constant 48 : index
      %swap3A_3494 = tpu.vector_load %arg21[%swap3A_3492, %swap3A_3493] {strides = array<i32>} : memref<5x80xi32, #tpu.memory_space<vmem>>, vector<1x16xi32>,
      %swap3A_3495 = vector.shape_cast %swap3A_3494 : vector<1x16xi32> to vector<16xi32>
      %swap3A_3496 = vector.shape_cast %add3A_3490 : vector<16xi32> to vector<1x16xi32>
      tpu.vector_store %arg21[%swap3A_3492, %swap3A_3493], %swap3A_3496 {strides = array<i32>} : memref<5x80xi32, #tpu.memory_space<vmem>>, vector<1x16xi32>,
      %get3A_3497 = arith.constant 384 : index
      %get3A_3498 = tpu.vector_load %arg17[%get3A_3497] {strides = array<i32>} : memref<400xi32, #tpu.memory_space<vmem>>, vector<16xi32>,
      %get3A_3499 = vector.shape_cast %get3A_3498 : vector<16xi32> to vector<16xi32>
      %mul3A_3500 = arith.constant 6 : i32
      %mul3A_3501 = vector.broadcast %mul3A_3500 : i32 to vector<16xi32>
      %mul3A_3502 = arith.muli %get3A_3499, %mul3A_3501 : vector<16xi32>
      %get3A_3503 = arith.constant 384 : index
      %get3A_3504 = tpu.vector_load %arg18[%get3A_3503] {strides = array<i32>} : memref<400xi32, #tpu.memory_space<vmem>>, vector<16xi32>,
      %get3A_3505 = vector.shape_cast %get3A_3504 : vector<16xi32> to vector<16xi32>
      %add3A_3506 = arith.addi %mul3A_3502, %get3A_3505 : vector<16xi32>
      %mul3A_3507 = arith.constant 2 : i32
      %mul3A_3508 = vector.broadcast %mul3A_3507 : i32 to vector<16xi32>
      %mul3A_3509 = arith.muli %add3A_3506, %mul3A_3508 : vector<16xi32>
      %get3A_3510 = arith.constant 384 : index
      %get3A_3511 = tpu.vector_load %arg19[%get3A_3510] {strides = array<i32>} : memref<400xi32, #tpu.memory_space<vmem>>, vector<16xi32>,
      %get3A_3512 = vector.shape_cast %get3A_3511 : vector<16xi32> to vector<16xi32>
      %add3A_3513 = arith.addi %mul3A_3509, %get3A_3512 : vector<16xi32>
      %swap3A_3514 = arith.constant 4 : i32
      %swap3A_3515 = arith.index_cast %swap3A_3514 : i32 to index
      %swap3A_3516 = arith.constant 64 : index
      %swap3A_3517 = tpu.vector_load %arg21[%swap3A_3515, %swap3A_3516] {strides = array<i32>} : memref<5x80xi32, #tpu.memory_space<vmem>>, vector<1x16xi32>,
      %swap3A_3518 = vector.shape_cast %swap3A_3517 : vector<1x16xi32> to vector<16xi32>
      %swap3A_3519 = vector.shape_cast %add3A_3513 : vector<16xi32> to vector<1x16xi32>
      tpu.vector_store %arg21[%swap3A_3515, %swap3A_3516], %swap3A_3519 {strides = array<i32>} : memref<5x80xi32, #tpu.memory_space<vmem>>, vector<1x16xi32>,
      %mul3A_3520 = arith.constant 10000 : i32
      %mul3A_3521 = arith.muli %add3A, %mul3A_3520 : i32
      %dma_wait3A_3522 = arith.constant 0 : i32
      %dma_wait3A_3523 = tpu.memref_slice %arg8[%mul3A_3521, %dma_wait3A_3522] : memref<320000x128xf32, #tpu.memory_space<hbm>> -> memref<400x128xf32, #tpu.memory_space<hbm>>
      %dma_wait3A_3524 = arith.constant 0 : i32
      %dma_wait3A_3525 = tpu.memref_slice %arg8[%mul3A_3521, %dma_wait3A_3524] : memref<320000x128xf32, #tpu.memory_space<hbm>> -> memref<400x128xf32, #tpu.memory_space<hbm>>
      tpu.wait_dma2 semaphore(%arg29 : memref<!tpu.dma_semaphore, #tpu.memory_space<semaphore_mem>>) src(%arg23 : memref<400x128xf32, #tpu.memory_space<vmem>>) dst(%dma_wait3A_3525 : memref<400x128xf32, #tpu.memory_space<hbm>>)
      %dma_start3A_3526 = arith.constant 0 : i32
      %dma_start3A_3527 = arith.constant 0 : i32
      %dma_start3A_3528 = arith.constant 0 : i32
      %dma_start3A_3529 = tpu.memref_slice %arg23[%dma_start3A_3527, %dma_start3A_3528] : memref<400x128xf32, #tpu.memory_space<vmem>> -> memref<80x128xf32, #tpu.memory_space<vmem>>
      %dma_start3A_3530 = arith.constant 0 : i32
      %dma_start3A_3531 = tpu.memref_slice %arg21[%dma_start3A_3526, %dma_start3A_3530] : memref<5x80xi32, #tpu.memory_space<vmem>> -> memref<1x80xi32, #tpu.memory_space<vmem>>
      %dma_start3A_3532 = tpu.memref_squeeze %dma_start3A_3531 : memref<1x80xi32, #tpu.memory_space<vmem>> -> memref<80xi32, #tpu.memory_space<vmem>>
      %dma_start3A_3533 = arith.constant 0 : i32
      %dma_start3A_3534 = arith.constant 0 : i32
      %dma_start3A_3535 = tpu.memref_slice %arg13[%dma_start3A_3533, %dma_start3A_3534] : memref<60x128xf32, #tpu.memory_space<vmem_shared>> -> memref<60x128xf32, #tpu.memory_space<vmem_shared>>
      tpu.enqueue_indirect_dma source(%dma_start3A_3535 : memref<60x128xf32, #tpu.memory_space<vmem_shared>>) target(%dma_start3A_3529 : memref<80x128xf32, #tpu.memory_space<vmem>>) offsets(%dma_start3A_3532 : memref<80xi32, #tpu.memory_space<vmem>>) semaphore(%arg27 : memref<!tpu.dma_semaphore, #tpu.memory_space<semaphore_mem>>)
      %dma_start3A_3536 = arith.constant 1 : i32
      %dma_start3A_3537 = arith.constant 80 : i32
      %dma_start3A_3538 = arith.constant 0 : i32
      %dma_start3A_3539 = tpu.memref_slice %arg23[%dma_start3A_3537, %dma_start3A_3538] : memref<400x128xf32, #tpu.memory_space<vmem>> -> memref<80x128xf32, #tpu.memory_space<vmem>>
      %dma_start3A_3540 = arith.constant 0 : i32
      %dma_start3A_3541 = tpu.memref_slice %arg21[%dma_start3A_3536, %dma_start3A_3540] : memref<5x80xi32, #tpu.memory_space<vmem>> -> memref<1x80xi32, #tpu.memory_space<vmem>>
      %dma_start3A_3542 = tpu.memref_squeeze %dma_start3A_3541 : memref<1x80xi32, #tpu.memory_space<vmem>> -> memref<80xi32, #tpu.memory_space<vmem>>
      %dma_start3A_3543 = arith.constant 0 : i32
      %dma_start3A_3544 = arith.constant 0 : i32
      %dma_start3A_3545 = tpu.memref_slice %arg13[%dma_start3A_3543, %dma_start3A_3544] : memref<60x128xf32, #tpu.memory_space<vmem_shared>> -> memref<60x128xf32, #tpu.memory_space<vmem_shared>>
      tpu.enqueue_indirect_dma source(%dma_start3A_3545 : memref<60x128xf32, #tpu.memory_space<vmem_shared>>) target(%dma_start3A_3539 : memref<80x128xf32, #tpu.memory_space<vmem>>) offsets(%dma_start3A_3542 : memref<80xi32, #tpu.memory_space<vmem>>) semaphore(%arg27 : memref<!tpu.dma_semaphore, #tpu.memory_space<semaphore_mem>>)
      %dma_start3A_3546 = arith.constant 2 : i32
      %dma_start3A_3547 = arith.constant 160 : i32
      %dma_start3A_3548 = arith.constant 0 : i32
      %dma_start3A_3549 = tpu.memref_slice %arg23[%dma_start3A_3547, %dma_start3A_3548] : memref<400x128xf32, #tpu.memory_space<vmem>> -> memref<80x128xf32, #tpu.memory_space<vmem>>
      %dma_start3A_3550 = arith.constant 0 : i32
      %dma_start3A_3551 = tpu.memref_slice %arg21[%dma_start3A_3546, %dma_start3A_3550] : memref<5x80xi32, #tpu.memory_space<vmem>> -> memref<1x80xi32, #tpu.memory_space<vmem>>
      %dma_start3A_3552 = tpu.memref_squeeze %dma_start3A_3551 : memref<1x80xi32, #tpu.memory_space<vmem>> -> memref<80xi32, #tpu.memory_space<vmem>>
      %dma_start3A_3553 = arith.constant 0 : i32
      %dma_start3A_3554 = arith.constant 0 : i32
      %dma_start3A_3555 = tpu.memref_slice %arg13[%dma_start3A_3553, %dma_start3A_3554] : memref<60x128xf32, #tpu.memory_space<vmem_shared>> -> memref<60x128xf32, #tpu.memory_space<vmem_shared>>
      tpu.enqueue_indirect_dma source(%dma_start3A_3555 : memref<60x128xf32, #tpu.memory_space<vmem_shared>>) target(%dma_start3A_3549 : memref<80x128xf32, #tpu.memory_space<vmem>>) offsets(%dma_start3A_3552 : memref<80xi32, #tpu.memory_space<vmem>>) semaphore(%arg27 : memref<!tpu.dma_semaphore, #tpu.memory_space<semaphore_mem>>)
      %dma_start3A_3556 = arith.constant 3 : i32
      %dma_start3A_3557 = arith.constant 240 : i32
      %dma_start3A_3558 = arith.constant 0 : i32
      %dma_start3A_3559 = tpu.memref_slice %arg23[%dma_start3A_3557, %dma_start3A_3558] : memref<400x128xf32, #tpu.memory_space<vmem>> -> memref<80x128xf32, #tpu.memory_space<vmem>>
      %dma_start3A_3560 = arith.constant 0 : i32
      %dma_start3A_3561 = tpu.memref_slice %arg21[%dma_start3A_3556, %dma_start3A_3560] : memref<5x80xi32, #tpu.memory_space<vmem>> -> memref<1x80xi32, #tpu.memory_space<vmem>>
      %dma_start3A_3562 = tpu.memref_squeeze %dma_start3A_3561 : memref<1x80xi32, #tpu.memory_space<vmem>> -> memref<80xi32, #tpu.memory_space<vmem>>
      %dma_start3A_3563 = arith.constant 0 : i32
      %dma_start3A_3564 = arith.constant 0 : i32
      %dma_start3A_3565 = tpu.memref_slice %arg13[%dma_start3A_3563, %dma_start3A_3564] : memref<60x128xf32, #tpu.memory_space<vmem_shared>> -> memref<60x128xf32, #tpu.memory_space<vmem_shared>>
      tpu.enqueue_indirect_dma source(%dma_start3A_3565 : memref<60x128xf32, #tpu.memory_space<vmem_shared>>) target(%dma_start3A_3559 : memref<80x128xf32, #tpu.memory_space<vmem>>) offsets(%dma_start3A_3562 : memref<80xi32, #tpu.memory_space<vmem>>) semaphore(%arg27 : memref<!tpu.dma_semaphore, #tpu.memory_space<semaphore_mem>>)
      %dma_start3A_3566 = arith.constant 4 : i32
      %dma_start3A_3567 = arith.constant 320 : i32
      %dma_start3A_3568 = arith.constant 0 : i32
      %dma_start3A_3569 = tpu.memref_slice %arg23[%dma_start3A_3567, %dma_start3A_3568] : memref<400x128xf32, #tpu.memory_space<vmem>> -> memref<80x128xf32, #tpu.memory_space<vmem>>
      %dma_start3A_3570 = arith.constant 0 : i32
      %dma_start3A_3571 = tpu.memref_slice %arg21[%dma_start3A_3566, %dma_start3A_3570] : memref<5x80xi32, #tpu.memory_space<vmem>> -> memref<1x80xi32, #tpu.memory_space<vmem>>
      %dma_start3A_3572 = tpu.memref_squeeze %dma_start3A_3571 : memref<1x80xi32, #tpu.memory_space<vmem>> -> memref<80xi32, #tpu.memory_space<vmem>>
      %dma_start3A_3573 = arith.constant 0 : i32
      %dma_start3A_3574 = arith.constant 0 : i32
      %dma_start3A_3575 = tpu.memref_slice %arg13[%dma_start3A_3573, %dma_start3A_3574] : memref<60x128xf32, #tpu.memory_space<vmem_shared>> -> memref<60x128xf32, #tpu.memory_space<vmem_shared>>
      tpu.enqueue_indirect_dma source(%dma_start3A_3575 : memref<60x128xf32, #tpu.memory_space<vmem_shared>>) target(%dma_start3A_3569 : memref<80x128xf32, #tpu.memory_space<vmem>>) offsets(%dma_start3A_3572 : memref<80xi32, #tpu.memory_space<vmem>>) semaphore(%arg27 : memref<!tpu.dma_semaphore, #tpu.memory_space<semaphore_mem>>)
    }
    %scan3A_1365 = arith.constant 11 : i32
    %dma_wait3A_1366 = arith.constant 0 : i32
    %dma_wait3A_1367 = arith.constant 0 : i32
    %dma_wait3A_1368 = arith.constant 0 : i32
    %dma_wait3A_1369 = tpu.memref_slice %arg23[%dma_wait3A_1367, %dma_wait3A_1368] : memref<400x128xf32, #tpu.memory_space<vmem>> -> memref<80x128xf32, #tpu.memory_space<vmem>>
    %dma_wait3A_1370 = arith.constant 0 : i32
    %dma_wait3A_1371 = tpu.memref_slice %arg21[%dma_wait3A_1366, %dma_wait3A_1370] : memref<5x80xi32, #tpu.memory_space<vmem>> -> memref<1x80xi32, #tpu.memory_space<vmem>>
    %dma_wait3A_1372 = tpu.memref_squeeze %dma_wait3A_1371 : memref<1x80xi32, #tpu.memory_space<vmem>> -> memref<80xi32, #tpu.memory_space<vmem>>
    %dma_wait3A_1373 = arith.constant 0 : i32
    %dma_wait3A_1374 = arith.constant 0 : i32
    %dma_wait3A_1375 = tpu.memref_slice %arg13[%dma_wait3A_1373, %dma_wait3A_1374] : memref<60x128xf32, #tpu.memory_space<vmem_shared>> -> memref<60x128xf32, #tpu.memory_space<vmem_shared>>
    tpu.wait_indirect_dma semaphore(%arg27 : memref<!tpu.dma_semaphore, #tpu.memory_space<semaphore_mem>>) src(%dma_wait3A_1375 : memref<60x128xf32, #tpu.memory_space<vmem_shared>>) dst(%dma_wait3A_1369 : memref<80x128xf32, #tpu.memory_space<vmem>>)
    %dma_wait3A_1376 = arith.constant 0 : i32
    %dma_wait3A_1377 = arith.constant 0 : i32
    %dma_wait3A_1378 = arith.constant 0 : i32
    %dma_wait3A_1379 = tpu.memref_slice %arg23[%dma_wait3A_1377, %dma_wait3A_1378] : memref<400x128xf32, #tpu.memory_space<vmem>> -> memref<80x128xf32, #tpu.memory_space<vmem>>
    %dma_wait3A_1380 = arith.constant 0 : i32
    %dma_wait3A_1381 = tpu.memref_slice %arg21[%dma_wait3A_1376, %dma_wait3A_1380] : memref<5x80xi32, #tpu.memory_space<vmem>> -> memref<1x80xi32, #tpu.memory_space<vmem>>
    %dma_wait3A_1382 = tpu.memref_squeeze %dma_wait3A_1381 : memref<1x80xi32, #tpu.memory_space<vmem>> -> memref<80xi32, #tpu.memory_space<vmem>>
    %dma_wait3A_1383 = arith.constant 0 : i32
    %dma_wait3A_1384 = arith.constant 0 : i32
    %dma_wait3A_1385 = tpu.memref_slice %arg13[%dma_wait3A_1383, %dma_wait3A_1384] : memref<60x128xf32, #tpu.memory_space<vmem_shared>> -> memref<60x128xf32, #tpu.memory_space<vmem_shared>>
    tpu.wait_indirect_dma semaphore(%arg27 : memref<!tpu.dma_semaphore, #tpu.memory_space<semaphore_mem>>) src(%dma_wait3A_1385 : memref<60x128xf32, #tpu.memory_space<vmem_shared>>) dst(%dma_wait3A_1379 : memref<80x128xf32, #tpu.memory_space<vmem>>)
    %dma_wait3A_1386 = arith.constant 0 : i32
    %dma_wait3A_1387 = arith.constant 0 : i32
    %dma_wait3A_1388 = arith.constant 0 : i32
    %dma_wait3A_1389 = tpu.memref_slice %arg23[%dma_wait3A_1387, %dma_wait3A_1388] : memref<400x128xf32, #tpu.memory_space<vmem>> -> memref<80x128xf32, #tpu.memory_space<vmem>>
    %dma_wait3A_1390 = arith.constant 0 : i32
    %dma_wait3A_1391 = tpu.memref_slice %arg21[%dma_wait3A_1386, %dma_wait3A_1390] : memref<5x80xi32, #tpu.memory_space<vmem>> -> memref<1x80xi32, #tpu.memory_space<vmem>>
    %dma_wait3A_1392 = tpu.memref_squeeze %dma_wait3A_1391 : memref<1x80xi32, #tpu.memory_space<vmem>> -> memref<80xi32, #tpu.memory_space<vmem>>
    %dma_wait3A_1393 = arith.constant 0 : i32
    %dma_wait3A_1394 = arith.constant 0 : i32
    %dma_wait3A_1395 = tpu.memref_slice %arg13[%dma_wait3A_1393, %dma_wait3A_1394] : memref<60x128xf32, #tpu.memory_space<vmem_shared>> -> memref<60x128xf32, #tpu.memory_space<vmem_shared>>
    tpu.wait_indirect_dma semaphore(%arg27 : memref<!tpu.dma_semaphore, #tpu.memory_space<semaphore_mem>>) src(%dma_wait3A_1395 : memref<60x128xf32, #tpu.memory_space<vmem_shared>>) dst(%dma_wait3A_1389 : memref<80x128xf32, #tpu.memory_space<vmem>>)
    %dma_wait3A_1396 = arith.constant 0 : i32
    %dma_wait3A_1397 = arith.constant 0 : i32
    %dma_wait3A_1398 = arith.constant 0 : i32
    %dma_wait3A_1399 = tpu.memref_slice %arg23[%dma_wait3A_1397, %dma_wait3A_1398] : memref<400x128xf32, #tpu.memory_space<vmem>> -> memref<80x128xf32, #tpu.memory_space<vmem>>
    %dma_wait3A_1400 = arith.constant 0 : i32
    %dma_wait3A_1401 = tpu.memref_slice %arg21[%dma_wait3A_1396, %dma_wait3A_1400] : memref<5x80xi32, #tpu.memory_space<vmem>> -> memref<1x80xi32, #tpu.memory_space<vmem>>
    %dma_wait3A_1402 = tpu.memref_squeeze %dma_wait3A_1401 : memref<1x80xi32, #tpu.memory_space<vmem>> -> memref<80xi32, #tpu.memory_space<vmem>>
    %dma_wait3A_1403 = arith.constant 0 : i32
    %dma_wait3A_1404 = arith.constant 0 : i32
    %dma_wait3A_1405 = tpu.memref_slice %arg13[%dma_wait3A_1403, %dma_wait3A_1404] : memref<60x128xf32, #tpu.memory_space<vmem_shared>> -> memref<60x128xf32, #tpu.memory_space<vmem_shared>>
    tpu.wait_indirect_dma semaphore(%arg27 : memref<!tpu.dma_semaphore, #tpu.memory_space<semaphore_mem>>) src(%dma_wait3A_1405 : memref<60x128xf32, #tpu.memory_space<vmem_shared>>) dst(%dma_wait3A_1399 : memref<80x128xf32, #tpu.memory_space<vmem>>)
    %dma_wait3A_1406 = arith.constant 0 : i32
    %dma_wait3A_1407 = arith.constant 0 : i32
    %dma_wait3A_1408 = arith.constant 0 : i32
    %dma_wait3A_1409 = tpu.memref_slice %arg23[%dma_wait3A_1407, %dma_wait3A_1408] : memref<400x128xf32, #tpu.memory_space<vmem>> -> memref<80x128xf32, #tpu.memory_space<vmem>>
    %dma_wait3A_1410 = arith.constant 0 : i32
    %dma_wait3A_1411 = tpu.memref_slice %arg21[%dma_wait3A_1406, %dma_wait3A_1410] : memref<5x80xi32, #tpu.memory_space<vmem>> -> memref<1x80xi32, #tpu.memory_space<vmem>>
    %dma_wait3A_1412 = tpu.memref_squeeze %dma_wait3A_1411 : memref<1x80xi32, #tpu.memory_space<vmem>> -> memref<80xi32, #tpu.memory_space<vmem>>
    %dma_wait3A_1413 = arith.constant 0 : i32
    %dma_wait3A_1414 = arith.constant 0 : i32
    %dma_wait3A_1415 = tpu.memref_slice %arg13[%dma_wait3A_1413, %dma_wait3A_1414] : memref<60x128xf32, #tpu.memory_space<vmem_shared>> -> memref<60x128xf32, #tpu.memory_space<vmem_shared>>
    tpu.wait_indirect_dma semaphore(%arg27 : memref<!tpu.dma_semaphore, #tpu.memory_space<semaphore_mem>>) src(%dma_wait3A_1415 : memref<60x128xf32, #tpu.memory_space<vmem_shared>>) dst(%dma_wait3A_1409 : memref<80x128xf32, #tpu.memory_space<vmem>>)
    %mul3A_1416 = arith.constant 10000 : i32
    %mul3A_1417 = arith.muli %add3A, %mul3A_1416 : i32
    %add3A_1418 = arith.constant 9200 : i32
    %add3A_1419 = arith.addi %mul3A_1417, %add3A_1418 : i32
    %dma_start3A_1420 = arith.constant 0 : i32
    %dma_start3A_1421 = tpu.memref_slice %arg8[%add3A_1419, %dma_start3A_1420] : memref<320000x128xf32, #tpu.memory_space<hbm>> -> memref<400x128xf32, #tpu.memory_space<hbm>>
    %dma_start3A_1422 = arith.constant 0 : i32
    %dma_start3A_1423 = tpu.memref_slice %arg8[%add3A_1419, %dma_start3A_1422] : memref<320000x128xf32, #tpu.memory_space<hbm>> -> memref<400x128xf32, #tpu.memory_space<hbm>>
    tpu.enqueue_dma source(%arg23 : memref<400x128xf32, #tpu.memory_space<vmem>>) target(%dma_start3A_1423 : memref<400x128xf32, #tpu.memory_space<hbm>>) target_semaphore(%arg29 : memref<!tpu.dma_semaphore, #tpu.memory_space<semaphore_mem>>)
    %dma_wait3A_1424 = arith.constant 0 : i32
    %dma_wait3A_1425 = tpu.memref_slice %arg2[%dma_wait3A_1424] : memref<320000xi32, #tpu.memory_space<hbm>> -> memref<400xi32, #tpu.memory_space<hbm>>
    %dma_wait3A_1426 = arith.constant 0 : i32
    %dma_wait3A_1427 = tpu.memref_slice %arg2[%dma_wait3A_1426] : memref<320000xi32, #tpu.memory_space<hbm>> -> memref<400xi32, #tpu.memory_space<hbm>>
    tpu.wait_dma2 semaphore(%arg24 : memref<!tpu.dma_semaphore, #tpu.memory_space<semaphore_mem>>) src(%dma_wait3A_1427 : memref<400xi32, #tpu.memory_space<hbm>>) dst(%arg14 : memref<400xi32, #tpu.memory_space<vmem>>)
    %dma_wait3A_1428 = arith.constant 0 : i32
    %dma_wait3A_1429 = tpu.memref_slice %arg2[%dma_wait3A_1428] : memref<320000xi32, #tpu.memory_space<hbm>> -> memref<400xi32, #tpu.memory_space<hbm>>
    %dma_wait3A_1430 = arith.constant 0 : i32
    %dma_wait3A_1431 = tpu.memref_slice %arg2[%dma_wait3A_1430] : memref<320000xi32, #tpu.memory_space<hbm>> -> memref<400xi32, #tpu.memory_space<hbm>>
    tpu.wait_dma2 semaphore(%arg24 : memref<!tpu.dma_semaphore, #tpu.memory_space<semaphore_mem>>) src(%dma_wait3A_1431 : memref<400xi32, #tpu.memory_space<hbm>>) dst(%arg15 : memref<400xi32, #tpu.memory_space<vmem>>)
    %dma_wait3A_1432 = arith.constant 0 : i32
    %dma_wait3A_1433 = tpu.memref_slice %arg2[%dma_wait3A_1432] : memref<320000xi32, #tpu.memory_space<hbm>> -> memref<400xi32, #tpu.memory_space<hbm>>
    %dma_wait3A_1434 = arith.constant 0 : i32
    %dma_wait3A_1435 = tpu.memref_slice %arg2[%dma_wait3A_1434] : memref<320000xi32, #tpu.memory_space<hbm>> -> memref<400xi32, #tpu.memory_space<hbm>>
    tpu.wait_dma2 semaphore(%arg24 : memref<!tpu.dma_semaphore, #tpu.memory_space<semaphore_mem>>) src(%dma_wait3A_1435 : memref<400xi32, #tpu.memory_space<hbm>>) dst(%arg16 : memref<400xi32, #tpu.memory_space<vmem>>)
    %get3A_1436 = arith.constant 0 : index
    %get3A_1437 = tpu.vector_load %arg14[%get3A_1436] {strides = array<i32>} : memref<400xi32, #tpu.memory_space<vmem>>, vector<16xi32>,
    %get3A_1438 = vector.shape_cast %get3A_1437 : vector<16xi32> to vector<16xi32>
    %mul3A_1439 = arith.constant 6 : i32
    %mul3A_1440 = vector.broadcast %mul3A_1439 : i32 to vector<16xi32>
    %mul3A_1441 = arith.muli %get3A_1438, %mul3A_1440 : vector<16xi32>
    %get3A_1442 = arith.constant 0 : index
    %get3A_1443 = tpu.vector_load %arg15[%get3A_1442] {strides = array<i32>} : memref<400xi32, #tpu.memory_space<vmem>>, vector<16xi32>,
    %get3A_1444 = vector.shape_cast %get3A_1443 : vector<16xi32> to vector<16xi32>
    %add3A_1445 = arith.addi %mul3A_1441, %get3A_1444 : vector<16xi32>
    %mul3A_1446 = arith.constant 2 : i32
    %mul3A_1447 = vector.broadcast %mul3A_1446 : i32 to vector<16xi32>
    %mul3A_1448 = arith.muli %add3A_1445, %mul3A_1447 : vector<16xi32>
    %get3A_1449 = arith.constant 0 : index
    %get3A_1450 = tpu.vector_load %arg16[%get3A_1449] {strides = array<i32>} : memref<400xi32, #tpu.memory_space<vmem>>, vector<16xi32>,
    %get3A_1451 = vector.shape_cast %get3A_1450 : vector<16xi32> to vector<16xi32>
    %add3A_1452 = arith.addi %mul3A_1448, %get3A_1451 : vector<16xi32>
    %swap3A_1453 = arith.constant 0 : i32
    %swap3A_1454 = arith.index_cast %swap3A_1453 : i32 to index
    %swap3A_1455 = arith.constant 0 : index
    %swap3A_1456 = tpu.vector_load %arg20[%swap3A_1454, %swap3A_1455] {strides = array<i32>} : memref<5x80xi32, #tpu.memory_space<vmem>>, vector<1x16xi32>,
    %swap3A_1457 = vector.shape_cast %swap3A_1456 : vector<1x16xi32> to vector<16xi32>
    %swap3A_1458 = vector.shape_cast %add3A_1452 : vector<16xi32> to vector<1x16xi32>
    tpu.vector_store %arg20[%swap3A_1454, %swap3A_1455], %swap3A_1458 {strides = array<i32>} : memref<5x80xi32, #tpu.memory_space<vmem>>, vector<1x16xi32>,
    %get3A_1459 = arith.constant 16 : index
    %get3A_1460 = tpu.vector_load %arg14[%get3A_1459] {strides = array<i32>} : memref<400xi32, #tpu.memory_space<vmem>>, vector<16xi32>,
    %get3A_1461 = vector.shape_cast %get3A_1460 : vector<16xi32> to vector<16xi32>
    %mul3A_1462 = arith.constant 6 : i32
    %mul3A_1463 = vector.broadcast %mul3A_1462 : i32 to vector<16xi32>
    %mul3A_1464 = arith.muli %get3A_1461, %mul3A_1463 : vector<16xi32>
    %get3A_1465 = arith.constant 16 : index
    %get3A_1466 = tpu.vector_load %arg15[%get3A_1465] {strides = array<i32>} : memref<400xi32, #tpu.memory_space<vmem>>, vector<16xi32>,
    %get3A_1467 = vector.shape_cast %get3A_1466 : vector<16xi32> to vector<16xi32>
    %add3A_1468 = arith.addi %mul3A_1464, %get3A_1467 : vector<16xi32>
    %mul3A_1469 = arith.constant 2 : i32
    %mul3A_1470 = vector.broadcast %mul3A_1469 : i32 to vector<16xi32>
    %mul3A_1471 = arith.muli %add3A_1468, %mul3A_1470 : vector<16xi32>
    %get3A_1472 = arith.constant 16 : index
    %get3A_1473 = tpu.vector_load %arg16[%get3A_1472] {strides = array<i32>} : memref<400xi32, #tpu.memory_space<vmem>>, vector<16xi32>,
    %get3A_1474 = vector.shape_cast %get3A_1473 : vector<16xi32> to vector<16xi32>
    %add3A_1475 = arith.addi %mul3A_1471, %get3A_1474 : vector<16xi32>
    %swap3A_1476 = arith.constant 0 : i32
    %swap3A_1477 = arith.index_cast %swap3A_1476 : i32 to index
    %swap3A_1478 = arith.constant 16 : index
    %swap3A_1479 = tpu.vector_load %arg20[%swap3A_1477, %swap3A_1478] {strides = array<i32>} : memref<5x80xi32, #tpu.memory_space<vmem>>, vector<1x16xi32>,
    %swap3A_1480 = vector.shape_cast %swap3A_1479 : vector<1x16xi32> to vector<16xi32>
    %swap3A_1481 = vector.shape_cast %add3A_1475 : vector<16xi32> to vector<1x16xi32>
    tpu.vector_store %arg20[%swap3A_1477, %swap3A_1478], %swap3A_1481 {strides = array<i32>} : memref<5x80xi32, #tpu.memory_space<vmem>>, vector<1x16xi32>,
    %get3A_1482 = arith.constant 32 : index
    %get3A_1483 = tpu.vector_load %arg14[%get3A_1482] {strides = array<i32>} : memref<400xi32, #tpu.memory_space<vmem>>, vector<16xi32>,
    %get3A_1484 = vector.shape_cast %get3A_1483 : vector<16xi32> to vector<16xi32>
    %mul3A_1485 = arith.constant 6 : i32
    %mul3A_1486 = vector.broadcast %mul3A_1485 : i32 to vector<16xi32>
    %mul3A_1487 = arith.muli %get3A_1484, %mul3A_1486 : vector<16xi32>
    %get3A_1488 = arith.constant 32 : index
    %get3A_1489 = tpu.vector_load %arg15[%get3A_1488] {strides = array<i32>} : memref<400xi32, #tpu.memory_space<vmem>>, vector<16xi32>,
    %get3A_1490 = vector.shape_cast %get3A_1489 : vector<16xi32> to vector<16xi32>
    %add3A_1491 = arith.addi %mul3A_1487, %get3A_1490 : vector<16xi32>
    %mul3A_1492 = arith.constant 2 : i32
    %mul3A_1493 = vector.broadcast %mul3A_1492 : i32 to vector<16xi32>
    %mul3A_1494 = arith.muli %add3A_1491, %mul3A_1493 : vector<16xi32>
    %get3A_1495 = arith.constant 32 : index
    %get3A_1496 = tpu.vector_load %arg16[%get3A_1495] {strides = array<i32>} : memref<400xi32, #tpu.memory_space<vmem>>, vector<16xi32>,
    %get3A_1497 = vector.shape_cast %get3A_1496 : vector<16xi32> to vector<16xi32>
    %add3A_1498 = arith.addi %mul3A_1494, %get3A_1497 : vector<16xi32>
    %swap3A_1499 = arith.constant 0 : i32
    %swap3A_1500 = arith.index_cast %swap3A_1499 : i32 to index
    %swap3A_1501 = arith.constant 32 : index
    %swap3A_1502 = tpu.vector_load %arg20[%swap3A_1500, %swap3A_1501] {strides = array<i32>} : memref<5x80xi32, #tpu.memory_space<vmem>>, vector<1x16xi32>,
    %swap3A_1503 = vector.shape_cast %swap3A_1502 : vector<1x16xi32> to vector<16xi32>
    %swap3A_1504 = vector.shape_cast %add3A_1498 : vector<16xi32> to vector<1x16xi32>
    tpu.vector_store %arg20[%swap3A_1500, %swap3A_1501], %swap3A_1504 {strides = array<i32>} : memref<5x80xi32, #tpu.memory_space<vmem>>, vector<1x16xi32>,
    %get3A_1505 = arith.constant 48 : index
    %get3A_1506 = tpu.vector_load %arg14[%get3A_1505] {strides = array<i32>} : memref<400xi32, #tpu.memory_space<vmem>>, vector<16xi32>,
    %get3A_1507 = vector.shape_cast %get3A_1506 : vector<16xi32> to vector<16xi32>
    %mul3A_1508 = arith.constant 6 : i32
    %mul3A_1509 = vector.broadcast %mul3A_1508 : i32 to vector<16xi32>
    %mul3A_1510 = arith.muli %get3A_1507, %mul3A_1509 : vector<16xi32>
    %get3A_1511 = arith.constant 48 : index
    %get3A_1512 = tpu.vector_load %arg15[%get3A_1511] {strides = array<i32>} : memref<400xi32, #tpu.memory_space<vmem>>, vector<16xi32>,
    %get3A_1513 = vector.shape_cast %get3A_1512 : vector<16xi32> to vector<16xi32>
    %add3A_1514 = arith.addi %mul3A_1510, %get3A_1513 : vector<16xi32>
    %mul3A_1515 = arith.constant 2 : i32
    %mul3A_1516 = vector.broadcast %mul3A_1515 : i32 to vector<16xi32>
    %mul3A_1517 = arith.muli %add3A_1514, %mul3A_1516 : vector<16xi32>
    %get3A_1518 = arith.constant 48 : index
    %get3A_1519 = tpu.vector_load %arg16[%get3A_1518] {strides = array<i32>} : memref<400xi32, #tpu.memory_space<vmem>>, vector<16xi32>,
    %get3A_1520 = vector.shape_cast %get3A_1519 : vector<16xi32> to vector<16xi32>
    %add3A_1521 = arith.addi %mul3A_1517, %get3A_1520 : vector<16xi32>
    %swap3A_1522 = arith.constant 0 : i32
    %swap3A_1523 = arith.index_cast %swap3A_1522 : i32 to index
    %swap3A_1524 = arith.constant 48 : index
    %swap3A_1525 = tpu.vector_load %arg20[%swap3A_1523, %swap3A_1524] {strides = array<i32>} : memref<5x80xi32, #tpu.memory_space<vmem>>, vector<1x16xi32>,
    %swap3A_1526 = vector.shape_cast %swap3A_1525 : vector<1x16xi32> to vector<16xi32>
    %swap3A_1527 = vector.shape_cast %add3A_1521 : vector<16xi32> to vector<1x16xi32>
    tpu.vector_store %arg20[%swap3A_1523, %swap3A_1524], %swap3A_1527 {strides = array<i32>} : memref<5x80xi32, #tpu.memory_space<vmem>>, vector<1x16xi32>,
    %get3A_1528 = arith.constant 64 : index
    %get3A_1529 = tpu.vector_load %arg14[%get3A_1528] {strides = array<i32>} : memref<400xi32, #tpu.memory_space<vmem>>, vector<16xi32>,
    %get3A_1530 = vector.shape_cast %get3A_1529 : vector<16xi32> to vector<16xi32>
    %mul3A_1531 = arith.constant 6 : i32
    %mul3A_1532 = vector.broadcast %mul3A_1531 : i32 to vector<16xi32>
    %mul3A_1533 = arith.muli %get3A_1530, %mul3A_1532 : vector<16xi32>
    %get3A_1534 = arith.constant 64 : index
    %get3A_1535 = tpu.vector_load %arg15[%get3A_1534] {strides = array<i32>} : memref<400xi32, #tpu.memory_space<vmem>>, vector<16xi32>,
    %get3A_1536 = vector.shape_cast %get3A_1535 : vector<16xi32> to vector<16xi32>
    %add3A_1537 = arith.addi %mul3A_1533, %get3A_1536 : vector<16xi32>
    %mul3A_1538 = arith.constant 2 : i32
    %mul3A_1539 = vector.broadcast %mul3A_1538 : i32 to vector<16xi32>
    %mul3A_1540 = arith.muli %add3A_1537, %mul3A_1539 : vector<16xi32>
    %get3A_1541 = arith.constant 64 : index
    %get3A_1542 = tpu.vector_load %arg16[%get3A_1541] {strides = array<i32>} : memref<400xi32, #tpu.memory_space<vmem>>, vector<16xi32>,
    %get3A_1543 = vector.shape_cast %get3A_1542 : vector<16xi32> to vector<16xi32>
    %add3A_1544 = arith.addi %mul3A_1540, %get3A_1543 : vector<16xi32>
    %swap3A_1545 = arith.constant 0 : i32
    %swap3A_1546 = arith.index_cast %swap3A_1545 : i32 to index
    %swap3A_1547 = arith.constant 64 : index
    %swap3A_1548 = tpu.vector_load %arg20[%swap3A_1546, %swap3A_1547] {strides = array<i32>} : memref<5x80xi32, #tpu.memory_space<vmem>>, vector<1x16xi32>,
    %swap3A_1549 = vector.shape_cast %swap3A_1548 : vector<1x16xi32> to vector<16xi32>
    %swap3A_1550 = vector.shape_cast %add3A_1544 : vector<16xi32> to vector<1x16xi32>
    tpu.vector_store %arg20[%swap3A_1546, %swap3A_1547], %swap3A_1550 {strides = array<i32>} : memref<5x80xi32, #tpu.memory_space<vmem>>, vector<1x16xi32>,
    %get3A_1551 = arith.constant 80 : index
    %get3A_1552 = tpu.vector_load %arg14[%get3A_1551] {strides = array<i32>} : memref<400xi32, #tpu.memory_space<vmem>>, vector<16xi32>,
    %get3A_1553 = vector.shape_cast %get3A_1552 : vector<16xi32> to vector<16xi32>
    %mul3A_1554 = arith.constant 6 : i32
    %mul3A_1555 = vector.broadcast %mul3A_1554 : i32 to vector<16xi32>
    %mul3A_1556 = arith.muli %get3A_1553, %mul3A_1555 : vector<16xi32>
    %get3A_1557 = arith.constant 80 : index
    %get3A_1558 = tpu.vector_load %arg15[%get3A_1557] {strides = array<i32>} : memref<400xi32, #tpu.memory_space<vmem>>, vector<16xi32>,
    %get3A_1559 = vector.shape_cast %get3A_1558 : vector<16xi32> to vector<16xi32>
    %add3A_1560 = arith.addi %mul3A_1556, %get3A_1559 : vector<16xi32>
    %mul3A_1561 = arith.constant 2 : i32
    %mul3A_1562 = vector.broadcast %mul3A_1561 : i32 to vector<16xi32>
    %mul3A_1563 = arith.muli %add3A_1560, %mul3A_1562 : vector<16xi32>
    %get3A_1564 = arith.constant 80 : index
    %get3A_1565 = tpu.vector_load %arg16[%get3A_1564] {strides = array<i32>} : memref<400xi32, #tpu.memory_space<vmem>>, vector<16xi32>,
    %get3A_1566 = vector.shape_cast %get3A_1565 : vector<16xi32> to vector<16xi32>
    %add3A_1567 = arith.addi %mul3A_1563, %get3A_1566 : vector<16xi32>
    %swap3A_1568 = arith.constant 1 : i32
    %swap3A_1569 = arith.index_cast %swap3A_1568 : i32 to index
    %swap3A_1570 = arith.constant 0 : index
    %swap3A_1571 = tpu.vector_load %arg20[%swap3A_1569, %swap3A_1570] {strides = array<i32>} : memref<5x80xi32, #tpu.memory_space<vmem>>, vector<1x16xi32>,
    %swap3A_1572 = vector.shape_cast %swap3A_1571 : vector<1x16xi32> to vector<16xi32>
    %swap3A_1573 = vector.shape_cast %add3A_1567 : vector<16xi32> to vector<1x16xi32>
    tpu.vector_store %arg20[%swap3A_1569, %swap3A_1570], %swap3A_1573 {strides = array<i32>} : memref<5x80xi32, #tpu.memory_space<vmem>>, vector<1x16xi32>,
    %get3A_1574 = arith.constant 96 : index
    %get3A_1575 = tpu.vector_load %arg14[%get3A_1574] {strides = array<i32>} : memref<400xi32, #tpu.memory_space<vmem>>, vector<16xi32>,
    %get3A_1576 = vector.shape_cast %get3A_1575 : vector<16xi32> to vector<16xi32>
    %mul3A_1577 = arith.constant 6 : i32
    %mul3A_1578 = vector.broadcast %mul3A_1577 : i32 to vector<16xi32>
    %mul3A_1579 = arith.muli %get3A_1576, %mul3A_1578 : vector<16xi32>
    %get3A_1580 = arith.constant 96 : index
    %get3A_1581 = tpu.vector_load %arg15[%get3A_1580] {strides = array<i32>} : memref<400xi32, #tpu.memory_space<vmem>>, vector<16xi32>,
    %get3A_1582 = vector.shape_cast %get3A_1581 : vector<16xi32> to vector<16xi32>
    %add3A_1583 = arith.addi %mul3A_1579, %get3A_1582 : vector<16xi32>
    %mul3A_1584 = arith.constant 2 : i32
    %mul3A_1585 = vector.broadcast %mul3A_1584 : i32 to vector<16xi32>
    %mul3A_1586 = arith.muli %add3A_1583, %mul3A_1585 : vector<16xi32>
    %get3A_1587 = arith.constant 96 : index
    %get3A_1588 = tpu.vector_load %arg16[%get3A_1587] {strides = array<i32>} : memref<400xi32, #tpu.memory_space<vmem>>, vector<16xi32>,
    %get3A_1589 = vector.shape_cast %get3A_1588 : vector<16xi32> to vector<16xi32>
    %add3A_1590 = arith.addi %mul3A_1586, %get3A_1589 : vector<16xi32>
    %swap3A_1591 = arith.constant 1 : i32
    %swap3A_1592 = arith.index_cast %swap3A_1591 : i32 to index
    %swap3A_1593 = arith.constant 16 : index
    %swap3A_1594 = tpu.vector_load %arg20[%swap3A_1592, %swap3A_1593] {strides = array<i32>} : memref<5x80xi32, #tpu.memory_space<vmem>>, vector<1x16xi32>,
    %swap3A_1595 = vector.shape_cast %swap3A_1594 : vector<1x16xi32> to vector<16xi32>
    %swap3A_1596 = vector.shape_cast %add3A_1590 : vector<16xi32> to vector<1x16xi32>
    tpu.vector_store %arg20[%swap3A_1592, %swap3A_1593], %swap3A_1596 {strides = array<i32>} : memref<5x80xi32, #tpu.memory_space<vmem>>, vector<1x16xi32>,
    %get3A_1597 = arith.constant 112 : index
    %get3A_1598 = tpu.vector_load %arg14[%get3A_1597] {strides = array<i32>} : memref<400xi32, #tpu.memory_space<vmem>>, vector<16xi32>,
    %get3A_1599 = vector.shape_cast %get3A_1598 : vector<16xi32> to vector<16xi32>
    %mul3A_1600 = arith.constant 6 : i32
    %mul3A_1601 = vector.broadcast %mul3A_1600 : i32 to vector<16xi32>
    %mul3A_1602 = arith.muli %get3A_1599, %mul3A_1601 : vector<16xi32>
    %get3A_1603 = arith.constant 112 : index
    %get3A_1604 = tpu.vector_load %arg15[%get3A_1603] {strides = array<i32>} : memref<400xi32, #tpu.memory_space<vmem>>, vector<16xi32>,
    %get3A_1605 = vector.shape_cast %get3A_1604 : vector<16xi32> to vector<16xi32>
    %add3A_1606 = arith.addi %mul3A_1602, %get3A_1605 : vector<16xi32>
    %mul3A_1607 = arith.constant 2 : i32
    %mul3A_1608 = vector.broadcast %mul3A_1607 : i32 to vector<16xi32>
    %mul3A_1609 = arith.muli %add3A_1606, %mul3A_1608 : vector<16xi32>
    %get3A_1610 = arith.constant 112 : index
    %get3A_1611 = tpu.vector_load %arg16[%get3A_1610] {strides = array<i32>} : memref<400xi32, #tpu.memory_space<vmem>>, vector<16xi32>,
    %get3A_1612 = vector.shape_cast %get3A_1611 : vector<16xi32> to vector<16xi32>
    %add3A_1613 = arith.addi %mul3A_1609, %get3A_1612 : vector<16xi32>
    %swap3A_1614 = arith.constant 1 : i32
    %swap3A_1615 = arith.index_cast %swap3A_1614 : i32 to index
    %swap3A_1616 = arith.constant 32 : index
    %swap3A_1617 = tpu.vector_load %arg20[%swap3A_1615, %swap3A_1616] {strides = array<i32>} : memref<5x80xi32, #tpu.memory_space<vmem>>, vector<1x16xi32>,
    %swap3A_1618 = vector.shape_cast %swap3A_1617 : vector<1x16xi32> to vector<16xi32>
    %swap3A_1619 = vector.shape_cast %add3A_1613 : vector<16xi32> to vector<1x16xi32>
    tpu.vector_store %arg20[%swap3A_1615, %swap3A_1616], %swap3A_1619 {strides = array<i32>} : memref<5x80xi32, #tpu.memory_space<vmem>>, vector<1x16xi32>,
    %get3A_1620 = arith.constant 128 : index
    %get3A_1621 = tpu.vector_load %arg14[%get3A_1620] {strides = array<i32>} : memref<400xi32, #tpu.memory_space<vmem>>, vector<16xi32>,
    %get3A_1622 = vector.shape_cast %get3A_1621 : vector<16xi32> to vector<16xi32>
    %mul3A_1623 = arith.constant 6 : i32
    %mul3A_1624 = vector.broadcast %mul3A_1623 : i32 to vector<16xi32>
    %mul3A_1625 = arith.muli %get3A_1622, %mul3A_1624 : vector<16xi32>
    %get3A_1626 = arith.constant 128 : index
    %get3A_1627 = tpu.vector_load %arg15[%get3A_1626] {strides = array<i32>} : memref<400xi32, #tpu.memory_space<vmem>>, vector<16xi32>,
    %get3A_1628 = vector.shape_cast %get3A_1627 : vector<16xi32> to vector<16xi32>
    %add3A_1629 = arith.addi %mul3A_1625, %get3A_1628 : vector<16xi32>
    %mul3A_1630 = arith.constant 2 : i32
    %mul3A_1631 = vector.broadcast %mul3A_1630 : i32 to vector<16xi32>
    %mul3A_1632 = arith.muli %add3A_1629, %mul3A_1631 : vector<16xi32>
    %get3A_1633 = arith.constant 128 : index
    %get3A_1634 = tpu.vector_load %arg16[%get3A_1633] {strides = array<i32>} : memref<400xi32, #tpu.memory_space<vmem>>, vector<16xi32>,
    %get3A_1635 = vector.shape_cast %get3A_1634 : vector<16xi32> to vector<16xi32>
    %add3A_1636 = arith.addi %mul3A_1632, %get3A_1635 : vector<16xi32>
    %swap3A_1637 = arith.constant 1 : i32
    %swap3A_1638 = arith.index_cast %swap3A_1637 : i32 to index
    %swap3A_1639 = arith.constant 48 : index
    %swap3A_1640 = tpu.vector_load %arg20[%swap3A_1638, %swap3A_1639] {strides = array<i32>} : memref<5x80xi32, #tpu.memory_space<vmem>>, vector<1x16xi32>,
    %swap3A_1641 = vector.shape_cast %swap3A_1640 : vector<1x16xi32> to vector<16xi32>
    %swap3A_1642 = vector.shape_cast %add3A_1636 : vector<16xi32> to vector<1x16xi32>
    tpu.vector_store %arg20[%swap3A_1638, %swap3A_1639], %swap3A_1642 {strides = array<i32>} : memref<5x80xi32, #tpu.memory_space<vmem>>, vector<1x16xi32>,
    %get3A_1643 = arith.constant 144 : index
    %get3A_1644 = tpu.vector_load %arg14[%get3A_1643] {strides = array<i32>} : memref<400xi32, #tpu.memory_space<vmem>>, vector<16xi32>,
    %get3A_1645 = vector.shape_cast %get3A_1644 : vector<16xi32> to vector<16xi32>
    %mul3A_1646 = arith.constant 6 : i32
    %mul3A_1647 = vector.broadcast %mul3A_1646 : i32 to vector<16xi32>
    %mul3A_1648 = arith.muli %get3A_1645, %mul3A_1647 : vector<16xi32>
    %get3A_1649 = arith.constant 144 : index
    %get3A_1650 = tpu.vector_load %arg15[%get3A_1649] {strides = array<i32>} : memref<400xi32, #tpu.memory_space<vmem>>, vector<16xi32>,
    %get3A_1651 = vector.shape_cast %get3A_1650 : vector<16xi32> to vector<16xi32>
    %add3A_1652 = arith.addi %mul3A_1648, %get3A_1651 : vector<16xi32>
    %mul3A_1653 = arith.constant 2 : i32
    %mul3A_1654 = vector.broadcast %mul3A_1653 : i32 to vector<16xi32>
    %mul3A_1655 = arith.muli %add3A_1652, %mul3A_1654 : vector<16xi32>
    %get3A_1656 = arith.constant 144 : index
    %get3A_1657 = tpu.vector_load %arg16[%get3A_1656] {strides = array<i32>} : memref<400xi32, #tpu.memory_space<vmem>>, vector<16xi32>,
    %get3A_1658 = vector.shape_cast %get3A_1657 : vector<16xi32> to vector<16xi32>
    %add3A_1659 = arith.addi %mul3A_1655, %get3A_1658 : vector<16xi32>
    %swap3A_1660 = arith.constant 1 : i32
    %swap3A_1661 = arith.index_cast %swap3A_1660 : i32 to index
    %swap3A_1662 = arith.constant 64 : index
    %swap3A_1663 = tpu.vector_load %arg20[%swap3A_1661, %swap3A_1662] {strides = array<i32>} : memref<5x80xi32, #tpu.memory_space<vmem>>, vector<1x16xi32>,
    %swap3A_1664 = vector.shape_cast %swap3A_1663 : vector<1x16xi32> to vector<16xi32>
    %swap3A_1665 = vector.shape_cast %add3A_1659 : vector<16xi32> to vector<1x16xi32>
    tpu.vector_store %arg20[%swap3A_1661, %swap3A_1662], %swap3A_1665 {strides = array<i32>} : memref<5x80xi32, #tpu.memory_space<vmem>>, vector<1x16xi32>,
    %get3A_1666 = arith.constant 160 : index
    %get3A_1667 = tpu.vector_load %arg14[%get3A_1666] {strides = array<i32>} : memref<400xi32, #tpu.memory_space<vmem>>, vector<16xi32>,
    %get3A_1668 = vector.shape_cast %get3A_1667 : vector<16xi32> to vector<16xi32>
    %mul3A_1669 = arith.constant 6 : i32
    %mul3A_1670 = vector.broadcast %mul3A_1669 : i32 to vector<16xi32>
    %mul3A_1671 = arith.muli %get3A_1668, %mul3A_1670 : vector<16xi32>
    %get3A_1672 = arith.constant 160 : index
    %get3A_1673 = tpu.vector_load %arg15[%get3A_1672] {strides = array<i32>} : memref<400xi32, #tpu.memory_space<vmem>>, vector<16xi32>,
    %get3A_1674 = vector.shape_cast %get3A_1673 : vector<16xi32> to vector<16xi32>
    %add3A_1675 = arith.addi %mul3A_1671, %get3A_1674 : vector<16xi32>
    %mul3A_1676 = arith.constant 2 : i32
    %mul3A_1677 = vector.broadcast %mul3A_1676 : i32 to vector<16xi32>
    %mul3A_1678 = arith.muli %add3A_1675, %mul3A_1677 : vector<16xi32>
    %get3A_1679 = arith.constant 160 : index
    %get3A_1680 = tpu.vector_load %arg16[%get3A_1679] {strides = array<i32>} : memref<400xi32, #tpu.memory_space<vmem>>, vector<16xi32>,
    %get3A_1681 = vector.shape_cast %get3A_1680 : vector<16xi32> to vector<16xi32>
    %add3A_1682 = arith.addi %mul3A_1678, %get3A_1681 : vector<16xi32>
    %swap3A_1683 = arith.constant 2 : i32
    %swap3A_1684 = arith.index_cast %swap3A_1683 : i32 to index
    %swap3A_1685 = arith.constant 0 : index
    %swap3A_1686 = tpu.vector_load %arg20[%swap3A_1684, %swap3A_1685] {strides = array<i32>} : memref<5x80xi32, #tpu.memory_space<vmem>>, vector<1x16xi32>,
    %swap3A_1687 = vector.shape_cast %swap3A_1686 : vector<1x16xi32> to vector<16xi32>
    %swap3A_1688 = vector.shape_cast %add3A_1682 : vector<16xi32> to vector<1x16xi32>
    tpu.vector_store %arg20[%swap3A_1684, %swap3A_1685], %swap3A_1688 {strides = array<i32>} : memref<5x80xi32, #tpu.memory_space<vmem>>, vector<1x16xi32>,
    %get3A_1689 = arith.constant 176 : index
    %get3A_1690 = tpu.vector_load %arg14[%get3A_1689] {strides = array<i32>} : memref<400xi32, #tpu.memory_space<vmem>>, vector<16xi32>,
    %get3A_1691 = vector.shape_cast %get3A_1690 : vector<16xi32> to vector<16xi32>
    %mul3A_1692 = arith.constant 6 : i32
    %mul3A_1693 = vector.broadcast %mul3A_1692 : i32 to vector<16xi32>
    %mul3A_1694 = arith.muli %get3A_1691, %mul3A_1693 : vector<16xi32>
    %get3A_1695 = arith.constant 176 : index
    %get3A_1696 = tpu.vector_load %arg15[%get3A_1695] {strides = array<i32>} : memref<400xi32, #tpu.memory_space<vmem>>, vector<16xi32>,
    %get3A_1697 = vector.shape_cast %get3A_1696 : vector<16xi32> to vector<16xi32>
    %add3A_1698 = arith.addi %mul3A_1694, %get3A_1697 : vector<16xi32>
    %mul3A_1699 = arith.constant 2 : i32
    %mul3A_1700 = vector.broadcast %mul3A_1699 : i32 to vector<16xi32>
    %mul3A_1701 = arith.muli %add3A_1698, %mul3A_1700 : vector<16xi32>
    %get3A_1702 = arith.constant 176 : index
    %get3A_1703 = tpu.vector_load %arg16[%get3A_1702] {strides = array<i32>} : memref<400xi32, #tpu.memory_space<vmem>>, vector<16xi32>,
    %get3A_1704 = vector.shape_cast %get3A_1703 : vector<16xi32> to vector<16xi32>
    %add3A_1705 = arith.addi %mul3A_1701, %get3A_1704 : vector<16xi32>
    %swap3A_1706 = arith.constant 2 : i32
    %swap3A_1707 = arith.index_cast %swap3A_1706 : i32 to index
    %swap3A_1708 = arith.constant 16 : index
    %swap3A_1709 = tpu.vector_load %arg20[%swap3A_1707, %swap3A_1708] {strides = array<i32>} : memref<5x80xi32, #tpu.memory_space<vmem>>, vector<1x16xi32>,
    %swap3A_1710 = vector.shape_cast %swap3A_1709 : vector<1x16xi32> to vector<16xi32>
    %swap3A_1711 = vector.shape_cast %add3A_1705 : vector<16xi32> to vector<1x16xi32>
    tpu.vector_store %arg20[%swap3A_1707, %swap3A_1708], %swap3A_1711 {strides = array<i32>} : memref<5x80xi32, #tpu.memory_space<vmem>>, vector<1x16xi32>,
    %get3A_1712 = arith.constant 192 : index
    %get3A_1713 = tpu.vector_load %arg14[%get3A_1712] {strides = array<i32>} : memref<400xi32, #tpu.memory_space<vmem>>, vector<16xi32>,
    %get3A_1714 = vector.shape_cast %get3A_1713 : vector<16xi32> to vector<16xi32>
    %mul3A_1715 = arith.constant 6 : i32
    %mul3A_1716 = vector.broadcast %mul3A_1715 : i32 to vector<16xi32>
    %mul3A_1717 = arith.muli %get3A_1714, %mul3A_1716 : vector<16xi32>
    %get3A_1718 = arith.constant 192 : index
    %get3A_1719 = tpu.vector_load %arg15[%get3A_1718] {strides = array<i32>} : memref<400xi32, #tpu.memory_space<vmem>>, vector<16xi32>,
    %get3A_1720 = vector.shape_cast %get3A_1719 : vector<16xi32> to vector<16xi32>
    %add3A_1721 = arith.addi %mul3A_1717, %get3A_1720 : vector<16xi32>
    %mul3A_1722 = arith.constant 2 : i32
    %mul3A_1723 = vector.broadcast %mul3A_1722 : i32 to vector<16xi32>
    %mul3A_1724 = arith.muli %add3A_1721, %mul3A_1723 : vector<16xi32>
    %get3A_1725 = arith.constant 192 : index
    %get3A_1726 = tpu.vector_load %arg16[%get3A_1725] {strides = array<i32>} : memref<400xi32, #tpu.memory_space<vmem>>, vector<16xi32>,
    %get3A_1727 = vector.shape_cast %get3A_1726 : vector<16xi32> to vector<16xi32>
    %add3A_1728 = arith.addi %mul3A_1724, %get3A_1727 : vector<16xi32>
    %swap3A_1729 = arith.constant 2 : i32
    %swap3A_1730 = arith.index_cast %swap3A_1729 : i32 to index
    %swap3A_1731 = arith.constant 32 : index
    %swap3A_1732 = tpu.vector_load %arg20[%swap3A_1730, %swap3A_1731] {strides = array<i32>} : memref<5x80xi32, #tpu.memory_space<vmem>>, vector<1x16xi32>,
    %swap3A_1733 = vector.shape_cast %swap3A_1732 : vector<1x16xi32> to vector<16xi32>
    %swap3A_1734 = vector.shape_cast %add3A_1728 : vector<16xi32> to vector<1x16xi32>
    tpu.vector_store %arg20[%swap3A_1730, %swap3A_1731], %swap3A_1734 {strides = array<i32>} : memref<5x80xi32, #tpu.memory_space<vmem>>, vector<1x16xi32>,
    %get3A_1735 = arith.constant 208 : index
    %get3A_1736 = tpu.vector_load %arg14[%get3A_1735] {strides = array<i32>} : memref<400xi32, #tpu.memory_space<vmem>>, vector<16xi32>,
    %get3A_1737 = vector.shape_cast %get3A_1736 : vector<16xi32> to vector<16xi32>
    %mul3A_1738 = arith.constant 6 : i32
    %mul3A_1739 = vector.broadcast %mul3A_1738 : i32 to vector<16xi32>
    %mul3A_1740 = arith.muli %get3A_1737, %mul3A_1739 : vector<16xi32>
    %get3A_1741 = arith.constant 208 : index
    %get3A_1742 = tpu.vector_load %arg15[%get3A_1741] {strides = array<i32>} : memref<400xi32, #tpu.memory_space<vmem>>, vector<16xi32>,
    %get3A_1743 = vector.shape_cast %get3A_1742 : vector<16xi32> to vector<16xi32>
    %add3A_1744 = arith.addi %mul3A_1740, %get3A_1743 : vector<16xi32>
    %mul3A_1745 = arith.constant 2 : i32
    %mul3A_1746 = vector.broadcast %mul3A_1745 : i32 to vector<16xi32>
    %mul3A_1747 = arith.muli %add3A_1744, %mul3A_1746 : vector<16xi32>
    %get3A_1748 = arith.constant 208 : index
    %get3A_1749 = tpu.vector_load %arg16[%get3A_1748] {strides = array<i32>} : memref<400xi32, #tpu.memory_space<vmem>>, vector<16xi32>,
    %get3A_1750 = vector.shape_cast %get3A_1749 : vector<16xi32> to vector<16xi32>
    %add3A_1751 = arith.addi %mul3A_1747, %get3A_1750 : vector<16xi32>
    %swap3A_1752 = arith.constant 2 : i32
    %swap3A_1753 = arith.index_cast %swap3A_1752 : i32 to index
    %swap3A_1754 = arith.constant 48 : index
    %swap3A_1755 = tpu.vector_load %arg20[%swap3A_1753, %swap3A_1754] {strides = array<i32>} : memref<5x80xi32, #tpu.memory_space<vmem>>, vector<1x16xi32>,
    %swap3A_1756 = vector.shape_cast %swap3A_1755 : vector<1x16xi32> to vector<16xi32>
    %swap3A_1757 = vector.shape_cast %add3A_1751 : vector<16xi32> to vector<1x16xi32>
    tpu.vector_store %arg20[%swap3A_1753, %swap3A_1754], %swap3A_1757 {strides = array<i32>} : memref<5x80xi32, #tpu.memory_space<vmem>>, vector<1x16xi32>,
    %get3A_1758 = arith.constant 224 : index
    %get3A_1759 = tpu.vector_load %arg14[%get3A_1758] {strides = array<i32>} : memref<400xi32, #tpu.memory_space<vmem>>, vector<16xi32>,
    %get3A_1760 = vector.shape_cast %get3A_1759 : vector<16xi32> to vector<16xi32>
    %mul3A_1761 = arith.constant 6 : i32
    %mul3A_1762 = vector.broadcast %mul3A_1761 : i32 to vector<16xi32>
    %mul3A_1763 = arith.muli %get3A_1760, %mul3A_1762 : vector<16xi32>
    %get3A_1764 = arith.constant 224 : index
    %get3A_1765 = tpu.vector_load %arg15[%get3A_1764] {strides = array<i32>} : memref<400xi32, #tpu.memory_space<vmem>>, vector<16xi32>,
    %get3A_1766 = vector.shape_cast %get3A_1765 : vector<16xi32> to vector<16xi32>
    %add3A_1767 = arith.addi %mul3A_1763, %get3A_1766 : vector<16xi32>
    %mul3A_1768 = arith.constant 2 : i32
    %mul3A_1769 = vector.broadcast %mul3A_1768 : i32 to vector<16xi32>
    %mul3A_1770 = arith.muli %add3A_1767, %mul3A_1769 : vector<16xi32>
    %get3A_1771 = arith.constant 224 : index
    %get3A_1772 = tpu.vector_load %arg16[%get3A_1771] {strides = array<i32>} : memref<400xi32, #tpu.memory_space<vmem>>, vector<16xi32>,
    %get3A_1773 = vector.shape_cast %get3A_1772 : vector<16xi32> to vector<16xi32>
    %add3A_1774 = arith.addi %mul3A_1770, %get3A_1773 : vector<16xi32>
    %swap3A_1775 = arith.constant 2 : i32
    %swap3A_1776 = arith.index_cast %swap3A_1775 : i32 to index
    %swap3A_1777 = arith.constant 64 : index
    %swap3A_1778 = tpu.vector_load %arg20[%swap3A_1776, %swap3A_1777] {strides = array<i32>} : memref<5x80xi32, #tpu.memory_space<vmem>>, vector<1x16xi32>,
    %swap3A_1779 = vector.shape_cast %swap3A_1778 : vector<1x16xi32> to vector<16xi32>
    %swap3A_1780 = vector.shape_cast %add3A_1774 : vector<16xi32> to vector<1x16xi32>
    tpu.vector_store %arg20[%swap3A_1776, %swap3A_1777], %swap3A_1780 {strides = array<i32>} : memref<5x80xi32, #tpu.memory_space<vmem>>, vector<1x16xi32>,
    %get3A_1781 = arith.constant 240 : index
    %get3A_1782 = tpu.vector_load %arg14[%get3A_1781] {strides = array<i32>} : memref<400xi32, #tpu.memory_space<vmem>>, vector<16xi32>,
    %get3A_1783 = vector.shape_cast %get3A_1782 : vector<16xi32> to vector<16xi32>
    %mul3A_1784 = arith.constant 6 : i32
    %mul3A_1785 = vector.broadcast %mul3A_1784 : i32 to vector<16xi32>
    %mul3A_1786 = arith.muli %get3A_1783, %mul3A_1785 : vector<16xi32>
    %get3A_1787 = arith.constant 240 : index
    %get3A_1788 = tpu.vector_load %arg15[%get3A_1787] {strides = array<i32>} : memref<400xi32, #tpu.memory_space<vmem>>, vector<16xi32>,
    %get3A_1789 = vector.shape_cast %get3A_1788 : vector<16xi32> to vector<16xi32>
    %add3A_1790 = arith.addi %mul3A_1786, %get3A_1789 : vector<16xi32>
    %mul3A_1791 = arith.constant 2 : i32
    %mul3A_1792 = vector.broadcast %mul3A_1791 : i32 to vector<16xi32>
    %mul3A_1793 = arith.muli %add3A_1790, %mul3A_1792 : vector<16xi32>
    %get3A_1794 = arith.constant 240 : index
    %get3A_1795 = tpu.vector_load %arg16[%get3A_1794] {strides = array<i32>} : memref<400xi32, #tpu.memory_space<vmem>>, vector<16xi32>,
    %get3A_1796 = vector.shape_cast %get3A_1795 : vector<16xi32> to vector<16xi32>
    %add3A_1797 = arith.addi %mul3A_1793, %get3A_1796 : vector<16xi32>
    %swap3A_1798 = arith.constant 3 : i32
    %swap3A_1799 = arith.index_cast %swap3A_1798 : i32 to index
    %swap3A_1800 = arith.constant 0 : index
    %swap3A_1801 = tpu.vector_load %arg20[%swap3A_1799, %swap3A_1800] {strides = array<i32>} : memref<5x80xi32, #tpu.memory_space<vmem>>, vector<1x16xi32>,
    %swap3A_1802 = vector.shape_cast %swap3A_1801 : vector<1x16xi32> to vector<16xi32>
    %swap3A_1803 = vector.shape_cast %add3A_1797 : vector<16xi32> to vector<1x16xi32>
    tpu.vector_store %arg20[%swap3A_1799, %swap3A_1800], %swap3A_1803 {strides = array<i32>} : memref<5x80xi32, #tpu.memory_space<vmem>>, vector<1x16xi32>,
    %get3A_1804 = arith.constant 256 : index
    %get3A_1805 = tpu.vector_load %arg14[%get3A_1804] {strides = array<i32>} : memref<400xi32, #tpu.memory_space<vmem>>, vector<16xi32>,
    %get3A_1806 = vector.shape_cast %get3A_1805 : vector<16xi32> to vector<16xi32>
    %mul3A_1807 = arith.constant 6 : i32
    %mul3A_1808 = vector.broadcast %mul3A_1807 : i32 to vector<16xi32>
    %mul3A_1809 = arith.muli %get3A_1806, %mul3A_1808 : vector<16xi32>
    %get3A_1810 = arith.constant 256 : index
    %get3A_1811 = tpu.vector_load %arg15[%get3A_1810] {strides = array<i32>} : memref<400xi32, #tpu.memory_space<vmem>>, vector<16xi32>,
    %get3A_1812 = vector.shape_cast %get3A_1811 : vector<16xi32> to vector<16xi32>
    %add3A_1813 = arith.addi %mul3A_1809, %get3A_1812 : vector<16xi32>
    %mul3A_1814 = arith.constant 2 : i32
    %mul3A_1815 = vector.broadcast %mul3A_1814 : i32 to vector<16xi32>
    %mul3A_1816 = arith.muli %add3A_1813, %mul3A_1815 : vector<16xi32>
    %get3A_1817 = arith.constant 256 : index
    %get3A_1818 = tpu.vector_load %arg16[%get3A_1817] {strides = array<i32>} : memref<400xi32, #tpu.memory_space<vmem>>, vector<16xi32>,
    %get3A_1819 = vector.shape_cast %get3A_1818 : vector<16xi32> to vector<16xi32>
    %add3A_1820 = arith.addi %mul3A_1816, %get3A_1819 : vector<16xi32>
    %swap3A_1821 = arith.constant 3 : i32
    %swap3A_1822 = arith.index_cast %swap3A_1821 : i32 to index
    %swap3A_1823 = arith.constant 16 : index
    %swap3A_1824 = tpu.vector_load %arg20[%swap3A_1822, %swap3A_1823] {strides = array<i32>} : memref<5x80xi32, #tpu.memory_space<vmem>>, vector<1x16xi32>,
    %swap3A_1825 = vector.shape_cast %swap3A_1824 : vector<1x16xi32> to vector<16xi32>
    %swap3A_1826 = vector.shape_cast %add3A_1820 : vector<16xi32> to vector<1x16xi32>
    tpu.vector_store %arg20[%swap3A_1822, %swap3A_1823], %swap3A_1826 {strides = array<i32>} : memref<5x80xi32, #tpu.memory_space<vmem>>, vector<1x16xi32>,
    %get3A_1827 = arith.constant 272 : index
    %get3A_1828 = tpu.vector_load %arg14[%get3A_1827] {strides = array<i32>} : memref<400xi32, #tpu.memory_space<vmem>>, vector<16xi32>,
    %get3A_1829 = vector.shape_cast %get3A_1828 : vector<16xi32> to vector<16xi32>
    %mul3A_1830 = arith.constant 6 : i32
    %mul3A_1831 = vector.broadcast %mul3A_1830 : i32 to vector<16xi32>
    %mul3A_1832 = arith.muli %get3A_1829, %mul3A_1831 : vector<16xi32>
    %get3A_1833 = arith.constant 272 : index
    %get3A_1834 = tpu.vector_load %arg15[%get3A_1833] {strides = array<i32>} : memref<400xi32, #tpu.memory_space<vmem>>, vector<16xi32>,
    %get3A_1835 = vector.shape_cast %get3A_1834 : vector<16xi32> to vector<16xi32>
    %add3A_1836 = arith.addi %mul3A_1832, %get3A_1835 : vector<16xi32>
    %mul3A_1837 = arith.constant 2 : i32
    %mul3A_1838 = vector.broadcast %mul3A_1837 : i32 to vector<16xi32>
    %mul3A_1839 = arith.muli %add3A_1836, %mul3A_1838 : vector<16xi32>
    %get3A_1840 = arith.constant 272 : index
    %get3A_1841 = tpu.vector_load %arg16[%get3A_1840] {strides = array<i32>} : memref<400xi32, #tpu.memory_space<vmem>>, vector<16xi32>,
    %get3A_1842 = vector.shape_cast %get3A_1841 : vector<16xi32> to vector<16xi32>
    %add3A_1843 = arith.addi %mul3A_1839, %get3A_1842 : vector<16xi32>
    %swap3A_1844 = arith.constant 3 : i32
    %swap3A_1845 = arith.index_cast %swap3A_1844 : i32 to index
    %swap3A_1846 = arith.constant 32 : index
    %swap3A_1847 = tpu.vector_load %arg20[%swap3A_1845, %swap3A_1846] {strides = array<i32>} : memref<5x80xi32, #tpu.memory_space<vmem>>, vector<1x16xi32>,
    %swap3A_1848 = vector.shape_cast %swap3A_1847 : vector<1x16xi32> to vector<16xi32>
    %swap3A_1849 = vector.shape_cast %add3A_1843 : vector<16xi32> to vector<1x16xi32>
    tpu.vector_store %arg20[%swap3A_1845, %swap3A_1846], %swap3A_1849 {strides = array<i32>} : memref<5x80xi32, #tpu.memory_space<vmem>>, vector<1x16xi32>,
    %get3A_1850 = arith.constant 288 : index
    %get3A_1851 = tpu.vector_load %arg14[%get3A_1850] {strides = array<i32>} : memref<400xi32, #tpu.memory_space<vmem>>, vector<16xi32>,
    %get3A_1852 = vector.shape_cast %get3A_1851 : vector<16xi32> to vector<16xi32>
    %mul3A_1853 = arith.constant 6 : i32
    %mul3A_1854 = vector.broadcast %mul3A_1853 : i32 to vector<16xi32>
    %mul3A_1855 = arith.muli %get3A_1852, %mul3A_1854 : vector<16xi32>
    %get3A_1856 = arith.constant 288 : index
    %get3A_1857 = tpu.vector_load %arg15[%get3A_1856] {strides = array<i32>} : memref<400xi32, #tpu.memory_space<vmem>>, vector<16xi32>,
    %get3A_1858 = vector.shape_cast %get3A_1857 : vector<16xi32> to vector<16xi32>
    %add3A_1859 = arith.addi %mul3A_1855, %get3A_1858 : vector<16xi32>
    %mul3A_1860 = arith.constant 2 : i32
    %mul3A_1861 = vector.broadcast %mul3A_1860 : i32 to vector<16xi32>
    %mul3A_1862 = arith.muli %add3A_1859, %mul3A_1861 : vector<16xi32>
    %get3A_1863 = arith.constant 288 : index
    %get3A_1864 = tpu.vector_load %arg16[%get3A_1863] {strides = array<i32>} : memref<400xi32, #tpu.memory_space<vmem>>, vector<16xi32>,
    %get3A_1865 = vector.shape_cast %get3A_1864 : vector<16xi32> to vector<16xi32>
    %add3A_1866 = arith.addi %mul3A_1862, %get3A_1865 : vector<16xi32>
    %swap3A_1867 = arith.constant 3 : i32
    %swap3A_1868 = arith.index_cast %swap3A_1867 : i32 to index
    %swap3A_1869 = arith.constant 48 : index
    %swap3A_1870 = tpu.vector_load %arg20[%swap3A_1868, %swap3A_1869] {strides = array<i32>} : memref<5x80xi32, #tpu.memory_space<vmem>>, vector<1x16xi32>,
    %swap3A_1871 = vector.shape_cast %swap3A_1870 : vector<1x16xi32> to vector<16xi32>
    %swap3A_1872 = vector.shape_cast %add3A_1866 : vector<16xi32> to vector<1x16xi32>
    tpu.vector_store %arg20[%swap3A_1868, %swap3A_1869], %swap3A_1872 {strides = array<i32>} : memref<5x80xi32, #tpu.memory_space<vmem>>, vector<1x16xi32>,
    %get3A_1873 = arith.constant 304 : index
    %get3A_1874 = tpu.vector_load %arg14[%get3A_1873] {strides = array<i32>} : memref<400xi32, #tpu.memory_space<vmem>>, vector<16xi32>,
    %get3A_1875 = vector.shape_cast %get3A_1874 : vector<16xi32> to vector<16xi32>
    %mul3A_1876 = arith.constant 6 : i32
    %mul3A_1877 = vector.broadcast %mul3A_1876 : i32 to vector<16xi32>
    %mul3A_1878 = arith.muli %get3A_1875, %mul3A_1877 : vector<16xi32>
    %get3A_1879 = arith.constant 304 : index
    %get3A_1880 = tpu.vector_load %arg15[%get3A_1879] {strides = array<i32>} : memref<400xi32, #tpu.memory_space<vmem>>, vector<16xi32>,
    %get3A_1881 = vector.shape_cast %get3A_1880 : vector<16xi32> to vector<16xi32>
    %add3A_1882 = arith.addi %mul3A_1878, %get3A_1881 : vector<16xi32>
    %mul3A_1883 = arith.constant 2 : i32
    %mul3A_1884 = vector.broadcast %mul3A_1883 : i32 to vector<16xi32>
    %mul3A_1885 = arith.muli %add3A_1882, %mul3A_1884 : vector<16xi32>
    %get3A_1886 = arith.constant 304 : index
    %get3A_1887 = tpu.vector_load %arg16[%get3A_1886] {strides = array<i32>} : memref<400xi32, #tpu.memory_space<vmem>>, vector<16xi32>,
    %get3A_1888 = vector.shape_cast %get3A_1887 : vector<16xi32> to vector<16xi32>
    %add3A_1889 = arith.addi %mul3A_1885, %get3A_1888 : vector<16xi32>
    %swap3A_1890 = arith.constant 3 : i32
    %swap3A_1891 = arith.index_cast %swap3A_1890 : i32 to index
    %swap3A_1892 = arith.constant 64 : index
    %swap3A_1893 = tpu.vector_load %arg20[%swap3A_1891, %swap3A_1892] {strides = array<i32>} : memref<5x80xi32, #tpu.memory_space<vmem>>, vector<1x16xi32>,
    %swap3A_1894 = vector.shape_cast %swap3A_1893 : vector<1x16xi32> to vector<16xi32>
    %swap3A_1895 = vector.shape_cast %add3A_1889 : vector<16xi32> to vector<1x16xi32>
    tpu.vector_store %arg20[%swap3A_1891, %swap3A_1892], %swap3A_1895 {strides = array<i32>} : memref<5x80xi32, #tpu.memory_space<vmem>>, vector<1x16xi32>,
    %get3A_1896 = arith.constant 320 : index
    %get3A_1897 = tpu.vector_load %arg14[%get3A_1896] {strides = array<i32>} : memref<400xi32, #tpu.memory_space<vmem>>, vector<16xi32>,
    %get3A_1898 = vector.shape_cast %get3A_1897 : vector<16xi32> to vector<16xi32>
    %mul3A_1899 = arith.constant 6 : i32
    %mul3A_1900 = vector.broadcast %mul3A_1899 : i32 to vector<16xi32>
    %mul3A_1901 = arith.muli %get3A_1898, %mul3A_1900 : vector<16xi32>
    %get3A_1902 = arith.constant 320 : index
    %get3A_1903 = tpu.vector_load %arg15[%get3A_1902] {strides = array<i32>} : memref<400xi32, #tpu.memory_space<vmem>>, vector<16xi32>,
    %get3A_1904 = vector.shape_cast %get3A_1903 : vector<16xi32> to vector<16xi32>
    %add3A_1905 = arith.addi %mul3A_1901, %get3A_1904 : vector<16xi32>
    %mul3A_1906 = arith.constant 2 : i32
    %mul3A_1907 = vector.broadcast %mul3A_1906 : i32 to vector<16xi32>
    %mul3A_1908 = arith.muli %add3A_1905, %mul3A_1907 : vector<16xi32>
    %get3A_1909 = arith.constant 320 : index
    %get3A_1910 = tpu.vector_load %arg16[%get3A_1909] {strides = array<i32>} : memref<400xi32, #tpu.memory_space<vmem>>, vector<16xi32>,
    %get3A_1911 = vector.shape_cast %get3A_1910 : vector<16xi32> to vector<16xi32>
    %add3A_1912 = arith.addi %mul3A_1908, %get3A_1911 : vector<16xi32>
    %swap3A_1913 = arith.constant 4 : i32
    %swap3A_1914 = arith.index_cast %swap3A_1913 : i32 to index
    %swap3A_1915 = arith.constant 0 : index
    %swap3A_1916 = tpu.vector_load %arg20[%swap3A_1914, %swap3A_1915] {strides = array<i32>} : memref<5x80xi32, #tpu.memory_space<vmem>>, vector<1x16xi32>,
    %swap3A_1917 = vector.shape_cast %swap3A_1916 : vector<1x16xi32> to vector<16xi32>
    %swap3A_1918 = vector.shape_cast %add3A_1912 : vector<16xi32> to vector<1x16xi32>
    tpu.vector_store %arg20[%swap3A_1914, %swap3A_1915], %swap3A_1918 {strides = array<i32>} : memref<5x80xi32, #tpu.memory_space<vmem>>, vector<1x16xi32>,
    %get3A_1919 = arith.constant 336 : index
    %get3A_1920 = tpu.vector_load %arg14[%get3A_1919] {strides = array<i32>} : memref<400xi32, #tpu.memory_space<vmem>>, vector<16xi32>,
    %get3A_1921 = vector.shape_cast %get3A_1920 : vector<16xi32> to vector<16xi32>
    %mul3A_1922 = arith.constant 6 : i32
    %mul3A_1923 = vector.broadcast %mul3A_1922 : i32 to vector<16xi32>
    %mul3A_1924 = arith.muli %get3A_1921, %mul3A_1923 : vector<16xi32>
    %get3A_1925 = arith.constant 336 : index
    %get3A_1926 = tpu.vector_load %arg15[%get3A_1925] {strides = array<i32>} : memref<400xi32, #tpu.memory_space<vmem>>, vector<16xi32>,
    %get3A_1927 = vector.shape_cast %get3A_1926 : vector<16xi32> to vector<16xi32>
    %add3A_1928 = arith.addi %mul3A_1924, %get3A_1927 : vector<16xi32>
    %mul3A_1929 = arith.constant 2 : i32
    %mul3A_1930 = vector.broadcast %mul3A_1929 : i32 to vector<16xi32>
    %mul3A_1931 = arith.muli %add3A_1928, %mul3A_1930 : vector<16xi32>
    %get3A_1932 = arith.constant 336 : index
    %get3A_1933 = tpu.vector_load %arg16[%get3A_1932] {strides = array<i32>} : memref<400xi32, #tpu.memory_space<vmem>>, vector<16xi32>,
    %get3A_1934 = vector.shape_cast %get3A_1933 : vector<16xi32> to vector<16xi32>
    %add3A_1935 = arith.addi %mul3A_1931, %get3A_1934 : vector<16xi32>
    %swap3A_1936 = arith.constant 4 : i32
    %swap3A_1937 = arith.index_cast %swap3A_1936 : i32 to index
    %swap3A_1938 = arith.constant 16 : index
    %swap3A_1939 = tpu.vector_load %arg20[%swap3A_1937, %swap3A_1938] {strides = array<i32>} : memref<5x80xi32, #tpu.memory_space<vmem>>, vector<1x16xi32>,
    %swap3A_1940 = vector.shape_cast %swap3A_1939 : vector<1x16xi32> to vector<16xi32>
    %swap3A_1941 = vector.shape_cast %add3A_1935 : vector<16xi32> to vector<1x16xi32>
    tpu.vector_store %arg20[%swap3A_1937, %swap3A_1938], %swap3A_1941 {strides = array<i32>} : memref<5x80xi32, #tpu.memory_space<vmem>>, vector<1x16xi32>,
    %get3A_1942 = arith.constant 352 : index
    %get3A_1943 = tpu.vector_load %arg14[%get3A_1942] {strides = array<i32>} : memref<400xi32, #tpu.memory_space<vmem>>, vector<16xi32>,
    %get3A_1944 = vector.shape_cast %get3A_1943 : vector<16xi32> to vector<16xi32>
    %mul3A_1945 = arith.constant 6 : i32
    %mul3A_1946 = vector.broadcast %mul3A_1945 : i32 to vector<16xi32>
    %mul3A_1947 = arith.muli %get3A_1944, %mul3A_1946 : vector<16xi32>
    %get3A_1948 = arith.constant 352 : index
    %get3A_1949 = tpu.vector_load %arg15[%get3A_1948] {strides = array<i32>} : memref<400xi32, #tpu.memory_space<vmem>>, vector<16xi32>,
    %get3A_1950 = vector.shape_cast %get3A_1949 : vector<16xi32> to vector<16xi32>
    %add3A_1951 = arith.addi %mul3A_1947, %get3A_1950 : vector<16xi32>
    %mul3A_1952 = arith.constant 2 : i32
    %mul3A_1953 = vector.broadcast %mul3A_1952 : i32 to vector<16xi32>
    %mul3A_1954 = arith.muli %add3A_1951, %mul3A_1953 : vector<16xi32>
    %get3A_1955 = arith.constant 352 : index
    %get3A_1956 = tpu.vector_load %arg16[%get3A_1955] {strides = array<i32>} : memref<400xi32, #tpu.memory_space<vmem>>, vector<16xi32>,
    %get3A_1957 = vector.shape_cast %get3A_1956 : vector<16xi32> to vector<16xi32>
    %add3A_1958 = arith.addi %mul3A_1954, %get3A_1957 : vector<16xi32>
    %swap3A_1959 = arith.constant 4 : i32
    %swap3A_1960 = arith.index_cast %swap3A_1959 : i32 to index
    %swap3A_1961 = arith.constant 32 : index
    %swap3A_1962 = tpu.vector_load %arg20[%swap3A_1960, %swap3A_1961] {strides = array<i32>} : memref<5x80xi32, #tpu.memory_space<vmem>>, vector<1x16xi32>,
    %swap3A_1963 = vector.shape_cast %swap3A_1962 : vector<1x16xi32> to vector<16xi32>
    %swap3A_1964 = vector.shape_cast %add3A_1958 : vector<16xi32> to vector<1x16xi32>
    tpu.vector_store %arg20[%swap3A_1960, %swap3A_1961], %swap3A_1964 {strides = array<i32>} : memref<5x80xi32, #tpu.memory_space<vmem>>, vector<1x16xi32>,
    %get3A_1965 = arith.constant 368 : index
    %get3A_1966 = tpu.vector_load %arg14[%get3A_1965] {strides = array<i32>} : memref<400xi32, #tpu.memory_space<vmem>>, vector<16xi32>,
    %get3A_1967 = vector.shape_cast %get3A_1966 : vector<16xi32> to vector<16xi32>
    %mul3A_1968 = arith.constant 6 : i32
    %mul3A_1969 = vector.broadcast %mul3A_1968 : i32 to vector<16xi32>
    %mul3A_1970 = arith.muli %get3A_1967, %mul3A_1969 : vector<16xi32>
    %get3A_1971 = arith.constant 368 : index
    %get3A_1972 = tpu.vector_load %arg15[%get3A_1971] {strides = array<i32>} : memref<400xi32, #tpu.memory_space<vmem>>, vector<16xi32>,
    %get3A_1973 = vector.shape_cast %get3A_1972 : vector<16xi32> to vector<16xi32>
    %add3A_1974 = arith.addi %mul3A_1970, %get3A_1973 : vector<16xi32>
    %mul3A_1975 = arith.constant 2 : i32
    %mul3A_1976 = vector.broadcast %mul3A_1975 : i32 to vector<16xi32>
    %mul3A_1977 = arith.muli %add3A_1974, %mul3A_1976 : vector<16xi32>
    %get3A_1978 = arith.constant 368 : index
    %get3A_1979 = tpu.vector_load %arg16[%get3A_1978] {strides = array<i32>} : memref<400xi32, #tpu.memory_space<vmem>>, vector<16xi32>,
    %get3A_1980 = vector.shape_cast %get3A_1979 : vector<16xi32> to vector<16xi32>
    %add3A_1981 = arith.addi %mul3A_1977, %get3A_1980 : vector<16xi32>
    %swap3A_1982 = arith.constant 4 : i32
    %swap3A_1983 = arith.index_cast %swap3A_1982 : i32 to index
    %swap3A_1984 = arith.constant 48 : index
    %swap3A_1985 = tpu.vector_load %arg20[%swap3A_1983, %swap3A_1984] {strides = array<i32>} : memref<5x80xi32, #tpu.memory_space<vmem>>, vector<1x16xi32>,
    %swap3A_1986 = vector.shape_cast %swap3A_1985 : vector<1x16xi32> to vector<16xi32>
    %swap3A_1987 = vector.shape_cast %add3A_1981 : vector<16xi32> to vector<1x16xi32>
    tpu.vector_store %arg20[%swap3A_1983, %swap3A_1984], %swap3A_1987 {strides = array<i32>} : memref<5x80xi32, #tpu.memory_space<vmem>>, vector<1x16xi32>,
    %get3A_1988 = arith.constant 384 : index
    %get3A_1989 = tpu.vector_load %arg14[%get3A_1988] {strides = array<i32>} : memref<400xi32, #tpu.memory_space<vmem>>, vector<16xi32>,
    %get3A_1990 = vector.shape_cast %get3A_1989 : vector<16xi32> to vector<16xi32>
    %mul3A_1991 = arith.constant 6 : i32
    %mul3A_1992 = vector.broadcast %mul3A_1991 : i32 to vector<16xi32>
    %mul3A_1993 = arith.muli %get3A_1990, %mul3A_1992 : vector<16xi32>
    %get3A_1994 = arith.constant 384 : index
    %get3A_1995 = tpu.vector_load %arg15[%get3A_1994] {strides = array<i32>} : memref<400xi32, #tpu.memory_space<vmem>>, vector<16xi32>,
    %get3A_1996 = vector.shape_cast %get3A_1995 : vector<16xi32> to vector<16xi32>
    %add3A_1997 = arith.addi %mul3A_1993, %get3A_1996 : vector<16xi32>
    %mul3A_1998 = arith.constant 2 : i32
    %mul3A_1999 = vector.broadcast %mul3A_1998 : i32 to vector<16xi32>
    %mul3A_2000 = arith.muli %add3A_1997, %mul3A_1999 : vector<16xi32>
    %get3A_2001 = arith.constant 384 : index
    %get3A_2002 = tpu.vector_load %arg16[%get3A_2001] {strides = array<i32>} : memref<400xi32, #tpu.memory_space<vmem>>, vector<16xi32>,
    %get3A_2003 = vector.shape_cast %get3A_2002 : vector<16xi32> to vector<16xi32>
    %add3A_2004 = arith.addi %mul3A_2000, %get3A_2003 : vector<16xi32>
    %swap3A_2005 = arith.constant 4 : i32
    %swap3A_2006 = arith.index_cast %swap3A_2005 : i32 to index
    %swap3A_2007 = arith.constant 64 : index
    %swap3A_2008 = tpu.vector_load %arg20[%swap3A_2006, %swap3A_2007] {strides = array<i32>} : memref<5x80xi32, #tpu.memory_space<vmem>>, vector<1x16xi32>,
    %swap3A_2009 = vector.shape_cast %swap3A_2008 : vector<1x16xi32> to vector<16xi32>
    %swap3A_2010 = vector.shape_cast %add3A_2004 : vector<16xi32> to vector<1x16xi32>
    tpu.vector_store %arg20[%swap3A_2006, %swap3A_2007], %swap3A_2010 {strides = array<i32>} : memref<5x80xi32, #tpu.memory_space<vmem>>, vector<1x16xi32>,
    %mul3A_2011 = arith.constant 10000 : i32
    %mul3A_2012 = arith.muli %add3A, %mul3A_2011 : i32
    %dma_wait3A_2013 = arith.constant 0 : i32
    %dma_wait3A_2014 = tpu.memref_slice %arg8[%mul3A_2012, %dma_wait3A_2013] : memref<320000x128xf32, #tpu.memory_space<hbm>> -> memref<400x128xf32, #tpu.memory_space<hbm>>
    %dma_wait3A_2015 = arith.constant 0 : i32
    %dma_wait3A_2016 = tpu.memref_slice %arg8[%mul3A_2012, %dma_wait3A_2015] : memref<320000x128xf32, #tpu.memory_space<hbm>> -> memref<400x128xf32, #tpu.memory_space<hbm>>
    tpu.wait_dma2 semaphore(%arg28 : memref<!tpu.dma_semaphore, #tpu.memory_space<semaphore_mem>>) src(%arg22 : memref<400x128xf32, #tpu.memory_space<vmem>>) dst(%dma_wait3A_2016 : memref<400x128xf32, #tpu.memory_space<hbm>>)
    %dma_start3A_2017 = arith.constant 0 : i32
    %dma_start3A_2018 = arith.constant 0 : i32
    %dma_start3A_2019 = arith.constant 0 : i32
    %dma_start3A_2020 = tpu.memref_slice %arg22[%dma_start3A_2018, %dma_start3A_2019] : memref<400x128xf32, #tpu.memory_space<vmem>> -> memref<80x128xf32, #tpu.memory_space<vmem>>
    %dma_start3A_2021 = arith.constant 0 : i32
    %dma_start3A_2022 = tpu.memref_slice %arg20[%dma_start3A_2017, %dma_start3A_2021] : memref<5x80xi32, #tpu.memory_space<vmem>> -> memref<1x80xi32, #tpu.memory_space<vmem>>
    %dma_start3A_2023 = tpu.memref_squeeze %dma_start3A_2022 : memref<1x80xi32, #tpu.memory_space<vmem>> -> memref<80xi32, #tpu.memory_space<vmem>>
    %dma_start3A_2024 = arith.constant 0 : i32
    %dma_start3A_2025 = arith.constant 0 : i32
    %dma_start3A_2026 = tpu.memref_slice %arg13[%dma_start3A_2024, %dma_start3A_2025] : memref<60x128xf32, #tpu.memory_space<vmem_shared>> -> memref<60x128xf32, #tpu.memory_space<vmem_shared>>
    tpu.enqueue_indirect_dma source(%dma_start3A_2026 : memref<60x128xf32, #tpu.memory_space<vmem_shared>>) target(%dma_start3A_2020 : memref<80x128xf32, #tpu.memory_space<vmem>>) offsets(%dma_start3A_2023 : memref<80xi32, #tpu.memory_space<vmem>>) semaphore(%arg26 : memref<!tpu.dma_semaphore, #tpu.memory_space<semaphore_mem>>)
    %dma_start3A_2027 = arith.constant 1 : i32
    %dma_start3A_2028 = arith.constant 80 : i32
    %dma_start3A_2029 = arith.constant 0 : i32
    %dma_start3A_2030 = tpu.memref_slice %arg22[%dma_start3A_2028, %dma_start3A_2029] : memref<400x128xf32, #tpu.memory_space<vmem>> -> memref<80x128xf32, #tpu.memory_space<vmem>>
    %dma_start3A_2031 = arith.constant 0 : i32
    %dma_start3A_2032 = tpu.memref_slice %arg20[%dma_start3A_2027, %dma_start3A_2031] : memref<5x80xi32, #tpu.memory_space<vmem>> -> memref<1x80xi32, #tpu.memory_space<vmem>>
    %dma_start3A_2033 = tpu.memref_squeeze %dma_start3A_2032 : memref<1x80xi32, #tpu.memory_space<vmem>> -> memref<80xi32, #tpu.memory_space<vmem>>
    %dma_start3A_2034 = arith.constant 0 : i32
    %dma_start3A_2035 = arith.constant 0 : i32
    %dma_start3A_2036 = tpu.memref_slice %arg13[%dma_start3A_2034, %dma_start3A_2035] : memref<60x128xf32, #tpu.memory_space<vmem_shared>> -> memref<60x128xf32, #tpu.memory_space<vmem_shared>>
    tpu.enqueue_indirect_dma source(%dma_start3A_2036 : memref<60x128xf32, #tpu.memory_space<vmem_shared>>) target(%dma_start3A_2030 : memref<80x128xf32, #tpu.memory_space<vmem>>) offsets(%dma_start3A_2033 : memref<80xi32, #tpu.memory_space<vmem>>) semaphore(%arg26 : memref<!tpu.dma_semaphore, #tpu.memory_space<semaphore_mem>>)
    %dma_start3A_2037 = arith.constant 2 : i32
    %dma_start3A_2038 = arith.constant 160 : i32
    %dma_start3A_2039 = arith.constant 0 : i32
    %dma_start3A_2040 = tpu.memref_slice %arg22[%dma_start3A_2038, %dma_start3A_2039] : memref<400x128xf32, #tpu.memory_space<vmem>> -> memref<80x128xf32, #tpu.memory_space<vmem>>
    %dma_start3A_2041 = arith.constant 0 : i32
    %dma_start3A_2042 = tpu.memref_slice %arg20[%dma_start3A_2037, %dma_start3A_2041] : memref<5x80xi32, #tpu.memory_space<vmem>> -> memref<1x80xi32, #tpu.memory_space<vmem>>
    %dma_start3A_2043 = tpu.memref_squeeze %dma_start3A_2042 : memref<1x80xi32, #tpu.memory_space<vmem>> -> memref<80xi32, #tpu.memory_space<vmem>>
    %dma_start3A_2044 = arith.constant 0 : i32
    %dma_start3A_2045 = arith.constant 0 : i32
    %dma_start3A_2046 = tpu.memref_slice %arg13[%dma_start3A_2044, %dma_start3A_2045] : memref<60x128xf32, #tpu.memory_space<vmem_shared>> -> memref<60x128xf32, #tpu.memory_space<vmem_shared>>
    tpu.enqueue_indirect_dma source(%dma_start3A_2046 : memref<60x128xf32, #tpu.memory_space<vmem_shared>>) target(%dma_start3A_2040 : memref<80x128xf32, #tpu.memory_space<vmem>>) offsets(%dma_start3A_2043 : memref<80xi32, #tpu.memory_space<vmem>>) semaphore(%arg26 : memref<!tpu.dma_semaphore, #tpu.memory_space<semaphore_mem>>)
    %dma_start3A_2047 = arith.constant 3 : i32
    %dma_start3A_2048 = arith.constant 240 : i32
    %dma_start3A_2049 = arith.constant 0 : i32
    %dma_start3A_2050 = tpu.memref_slice %arg22[%dma_start3A_2048, %dma_start3A_2049] : memref<400x128xf32, #tpu.memory_space<vmem>> -> memref<80x128xf32, #tpu.memory_space<vmem>>
    %dma_start3A_2051 = arith.constant 0 : i32
    %dma_start3A_2052 = tpu.memref_slice %arg20[%dma_start3A_2047, %dma_start3A_2051] : memref<5x80xi32, #tpu.memory_space<vmem>> -> memref<1x80xi32, #tpu.memory_space<vmem>>
    %dma_start3A_2053 = tpu.memref_squeeze %dma_start3A_2052 : memref<1x80xi32, #tpu.memory_space<vmem>> -> memref<80xi32, #tpu.memory_space<vmem>>
    %dma_start3A_2054 = arith.constant 0 : i32
    %dma_start3A_2055 = arith.constant 0 : i32
    %dma_start3A_2056 = tpu.memref_slice %arg13[%dma_start3A_2054, %dma_start3A_2055] : memref<60x128xf32, #tpu.memory_space<vmem_shared>> -> memref<60x128xf32, #tpu.memory_space<vmem_shared>>
    tpu.enqueue_indirect_dma source(%dma_start3A_2056 : memref<60x128xf32, #tpu.memory_space<vmem_shared>>) target(%dma_start3A_2050 : memref<80x128xf32, #tpu.memory_space<vmem>>) offsets(%dma_start3A_2053 : memref<80xi32, #tpu.memory_space<vmem>>) semaphore(%arg26 : memref<!tpu.dma_semaphore, #tpu.memory_space<semaphore_mem>>)
    %dma_start3A_2057 = arith.constant 4 : i32
    %dma_start3A_2058 = arith.constant 320 : i32
    %dma_start3A_2059 = arith.constant 0 : i32
    %dma_start3A_2060 = tpu.memref_slice %arg22[%dma_start3A_2058, %dma_start3A_2059] : memref<400x128xf32, #tpu.memory_space<vmem>> -> memref<80x128xf32, #tpu.memory_space<vmem>>
    %dma_start3A_2061 = arith.constant 0 : i32
    %dma_start3A_2062 = tpu.memref_slice %arg20[%dma_start3A_2057, %dma_start3A_2061] : memref<5x80xi32, #tpu.memory_space<vmem>> -> memref<1x80xi32, #tpu.memory_space<vmem>>
    %dma_start3A_2063 = tpu.memref_squeeze %dma_start3A_2062 : memref<1x80xi32, #tpu.memory_space<vmem>> -> memref<80xi32, #tpu.memory_space<vmem>>
    %dma_start3A_2064 = arith.constant 0 : i32
    %dma_start3A_2065 = arith.constant 0 : i32
    %dma_start3A_2066 = tpu.memref_slice %arg13[%dma_start3A_2064, %dma_start3A_2065] : memref<60x128xf32, #tpu.memory_space<vmem_shared>> -> memref<60x128xf32, #tpu.memory_space<vmem_shared>>
    tpu.enqueue_indirect_dma source(%dma_start3A_2066 : memref<60x128xf32, #tpu.memory_space<vmem_shared>>) target(%dma_start3A_2060 : memref<80x128xf32, #tpu.memory_space<vmem>>) offsets(%dma_start3A_2063 : memref<80xi32, #tpu.memory_space<vmem>>) semaphore(%arg26 : memref<!tpu.dma_semaphore, #tpu.memory_space<semaphore_mem>>)
    %dma_wait3A_2067 = arith.constant 0 : i32
    %dma_wait3A_2068 = arith.constant 0 : i32
    %dma_wait3A_2069 = arith.constant 0 : i32
    %dma_wait3A_2070 = tpu.memref_slice %arg22[%dma_wait3A_2068, %dma_wait3A_2069] : memref<400x128xf32, #tpu.memory_space<vmem>> -> memref<80x128xf32, #tpu.memory_space<vmem>>
    %dma_wait3A_2071 = arith.constant 0 : i32
    %dma_wait3A_2072 = tpu.memref_slice %arg20[%dma_wait3A_2067, %dma_wait3A_2071] : memref<5x80xi32, #tpu.memory_space<vmem>> -> memref<1x80xi32, #tpu.memory_space<vmem>>
    %dma_wait3A_2073 = tpu.memref_squeeze %dma_wait3A_2072 : memref<1x80xi32, #tpu.memory_space<vmem>> -> memref<80xi32, #tpu.memory_space<vmem>>
    %dma_wait3A_2074 = arith.constant 0 : i32
    %dma_wait3A_2075 = arith.constant 0 : i32
    %dma_wait3A_2076 = tpu.memref_slice %arg13[%dma_wait3A_2074, %dma_wait3A_2075] : memref<60x128xf32, #tpu.memory_space<vmem_shared>> -> memref<60x128xf32, #tpu.memory_space<vmem_shared>>
    tpu.wait_indirect_dma semaphore(%arg26 : memref<!tpu.dma_semaphore, #tpu.memory_space<semaphore_mem>>) src(%dma_wait3A_2076 : memref<60x128xf32, #tpu.memory_space<vmem_shared>>) dst(%dma_wait3A_2070 : memref<80x128xf32, #tpu.memory_space<vmem>>)
    %dma_wait3A_2077 = arith.constant 0 : i32
    %dma_wait3A_2078 = arith.constant 0 : i32
    %dma_wait3A_2079 = arith.constant 0 : i32
    %dma_wait3A_2080 = tpu.memref_slice %arg22[%dma_wait3A_2078, %dma_wait3A_2079] : memref<400x128xf32, #tpu.memory_space<vmem>> -> memref<80x128xf32, #tpu.memory_space<vmem>>
    %dma_wait3A_2081 = arith.constant 0 : i32
    %dma_wait3A_2082 = tpu.memref_slice %arg20[%dma_wait3A_2077, %dma_wait3A_2081] : memref<5x80xi32, #tpu.memory_space<vmem>> -> memref<1x80xi32, #tpu.memory_space<vmem>>
    %dma_wait3A_2083 = tpu.memref_squeeze %dma_wait3A_2082 : memref<1x80xi32, #tpu.memory_space<vmem>> -> memref<80xi32, #tpu.memory_space<vmem>>
    %dma_wait3A_2084 = arith.constant 0 : i32
    %dma_wait3A_2085 = arith.constant 0 : i32
    %dma_wait3A_2086 = tpu.memref_slice %arg13[%dma_wait3A_2084, %dma_wait3A_2085] : memref<60x128xf32, #tpu.memory_space<vmem_shared>> -> memref<60x128xf32, #tpu.memory_space<vmem_shared>>
    tpu.wait_indirect_dma semaphore(%arg26 : memref<!tpu.dma_semaphore, #tpu.memory_space<semaphore_mem>>) src(%dma_wait3A_2086 : memref<60x128xf32, #tpu.memory_space<vmem_shared>>) dst(%dma_wait3A_2080 : memref<80x128xf32, #tpu.memory_space<vmem>>)
    %dma_wait3A_2087 = arith.constant 0 : i32
    %dma_wait3A_2088 = arith.constant 0 : i32
    %dma_wait3A_2089 = arith.constant 0 : i32
    %dma_wait3A_2090 = tpu.memref_slice %arg22[%dma_wait3A_2088, %dma_wait3A_2089] : memref<400x128xf32, #tpu.memory_space<vmem>> -> memref<80x128xf32, #tpu.memory_space<vmem>>
    %dma_wait3A_2091 = arith.constant 0 : i32
    %dma_wait3A_2092 = tpu.memref_slice %arg20[%dma_wait3A_2087, %dma_wait3A_2091] : memref<5x80xi32, #tpu.memory_space<vmem>> -> memref<1x80xi32, #tpu.memory_space<vmem>>
    %dma_wait3A_2093 = tpu.memref_squeeze %dma_wait3A_2092 : memref<1x80xi32, #tpu.memory_space<vmem>> -> memref<80xi32, #tpu.memory_space<vmem>>
    %dma_wait3A_2094 = arith.constant 0 : i32
    %dma_wait3A_2095 = arith.constant 0 : i32
    %dma_wait3A_2096 = tpu.memref_slice %arg13[%dma_wait3A_2094, %dma_wait3A_2095] : memref<60x128xf32, #tpu.memory_space<vmem_shared>> -> memref<60x128xf32, #tpu.memory_space<vmem_shared>>
    tpu.wait_indirect_dma semaphore(%arg26 : memref<!tpu.dma_semaphore, #tpu.memory_space<semaphore_mem>>) src(%dma_wait3A_2096 : memref<60x128xf32, #tpu.memory_space<vmem_shared>>) dst(%dma_wait3A_2090 : memref<80x128xf32, #tpu.memory_space<vmem>>)
    %dma_wait3A_2097 = arith.constant 0 : i32
    %dma_wait3A_2098 = arith.constant 0 : i32
    %dma_wait3A_2099 = arith.constant 0 : i32
    %dma_wait3A_2100 = tpu.memref_slice %arg22[%dma_wait3A_2098, %dma_wait3A_2099] : memref<400x128xf32, #tpu.memory_space<vmem>> -> memref<80x128xf32, #tpu.memory_space<vmem>>
    %dma_wait3A_2101 = arith.constant 0 : i32
    %dma_wait3A_2102 = tpu.memref_slice %arg20[%dma_wait3A_2097, %dma_wait3A_2101] : memref<5x80xi32, #tpu.memory_space<vmem>> -> memref<1x80xi32, #tpu.memory_space<vmem>>
    %dma_wait3A_2103 = tpu.memref_squeeze %dma_wait3A_2102 : memref<1x80xi32, #tpu.memory_space<vmem>> -> memref<80xi32, #tpu.memory_space<vmem>>
    %dma_wait3A_2104 = arith.constant 0 : i32
    %dma_wait3A_2105 = arith.constant 0 : i32
    %dma_wait3A_2106 = tpu.memref_slice %arg13[%dma_wait3A_2104, %dma_wait3A_2105] : memref<60x128xf32, #tpu.memory_space<vmem_shared>> -> memref<60x128xf32, #tpu.memory_space<vmem_shared>>
    tpu.wait_indirect_dma semaphore(%arg26 : memref<!tpu.dma_semaphore, #tpu.memory_space<semaphore_mem>>) src(%dma_wait3A_2106 : memref<60x128xf32, #tpu.memory_space<vmem_shared>>) dst(%dma_wait3A_2100 : memref<80x128xf32, #tpu.memory_space<vmem>>)
    %dma_wait3A_2107 = arith.constant 0 : i32
    %dma_wait3A_2108 = arith.constant 0 : i32
    %dma_wait3A_2109 = arith.constant 0 : i32
    %dma_wait3A_2110 = tpu.memref_slice %arg22[%dma_wait3A_2108, %dma_wait3A_2109] : memref<400x128xf32, #tpu.memory_space<vmem>> -> memref<80x128xf32, #tpu.memory_space<vmem>>
    %dma_wait3A_2111 = arith.constant 0 : i32
    %dma_wait3A_2112 = tpu.memref_slice %arg20[%dma_wait3A_2107, %dma_wait3A_2111] : memref<5x80xi32, #tpu.memory_space<vmem>> -> memref<1x80xi32, #tpu.memory_space<vmem>>
    %dma_wait3A_2113 = tpu.memref_squeeze %dma_wait3A_2112 : memref<1x80xi32, #tpu.memory_space<vmem>> -> memref<80xi32, #tpu.memory_space<vmem>>
    %dma_wait3A_2114 = arith.constant 0 : i32
    %dma_wait3A_2115 = arith.constant 0 : i32
    %dma_wait3A_2116 = tpu.memref_slice %arg13[%dma_wait3A_2114, %dma_wait3A_2115] : memref<60x128xf32, #tpu.memory_space<vmem_shared>> -> memref<60x128xf32, #tpu.memory_space<vmem_shared>>
    tpu.wait_indirect_dma semaphore(%arg26 : memref<!tpu.dma_semaphore, #tpu.memory_space<semaphore_mem>>) src(%dma_wait3A_2116 : memref<60x128xf32, #tpu.memory_space<vmem_shared>>) dst(%dma_wait3A_2110 : memref<80x128xf32, #tpu.memory_space<vmem>>)
    %mul3A_2117 = arith.constant 10000 : i32
    %mul3A_2118 = arith.muli %add3A, %mul3A_2117 : i32
    %add3A_2119 = arith.constant 9600 : i32
    %add3A_2120 = arith.addi %mul3A_2118, %add3A_2119 : i32
    %dma_start3A_2121 = arith.constant 0 : i32
    %dma_start3A_2122 = tpu.memref_slice %arg8[%add3A_2120, %dma_start3A_2121] : memref<320000x128xf32, #tpu.memory_space<hbm>> -> memref<400x128xf32, #tpu.memory_space<hbm>>
    %dma_start3A_2123 = arith.constant 0 : i32
    %dma_start3A_2124 = tpu.memref_slice %arg8[%add3A_2120, %dma_start3A_2123] : memref<320000x128xf32, #tpu.memory_space<hbm>> -> memref<400x128xf32, #tpu.memory_space<hbm>>
    tpu.enqueue_dma source(%arg22 : memref<400x128xf32, #tpu.memory_space<vmem>>) target(%dma_start3A_2124 : memref<400x128xf32, #tpu.memory_space<hbm>>) target_semaphore(%arg28 : memref<!tpu.dma_semaphore, #tpu.memory_space<semaphore_mem>>)
    %mul3A_2125 = arith.constant 10000 : i32
    %mul3A_2126 = arith.muli %add3A, %mul3A_2125 : i32
    %dma_wait3A_2127 = arith.constant 0 : i32
    %dma_wait3A_2128 = tpu.memref_slice %arg8[%mul3A_2126, %dma_wait3A_2127] : memref<320000x128xf32, #tpu.memory_space<hbm>> -> memref<400x128xf32, #tpu.memory_space<hbm>>
    %dma_wait3A_2129 = arith.constant 0 : i32
    %dma_wait3A_2130 = tpu.memref_slice %arg8[%mul3A_2126, %dma_wait3A_2129] : memref<320000x128xf32, #tpu.memory_space<hbm>> -> memref<400x128xf32, #tpu.memory_space<hbm>>
    tpu.wait_dma2 semaphore(%arg29 : memref<!tpu.dma_semaphore, #tpu.memory_space<semaphore_mem>>) src(%arg23 : memref<400x128xf32, #tpu.memory_space<vmem>>) dst(%dma_wait3A_2130 : memref<400x128xf32, #tpu.memory_space<hbm>>)
    %mul3A_2131 = arith.constant 10000 : i32
    %mul3A_2132 = arith.muli %add3A, %mul3A_2131 : i32
    %dma_wait3A_2133 = arith.constant 0 : i32
    %dma_wait3A_2134 = tpu.memref_slice %arg8[%mul3A_2132, %dma_wait3A_2133] : memref<320000x128xf32, #tpu.memory_space<hbm>> -> memref<400x128xf32, #tpu.memory_space<hbm>>
    %dma_wait3A_2135 = arith.constant 0 : i32
    %dma_wait3A_2136 = tpu.memref_slice %arg8[%mul3A_2132, %dma_wait3A_2135] : memref<320000x128xf32, #tpu.memory_space<hbm>> -> memref<400x128xf32, #tpu.memory_space<hbm>>
    tpu.wait_dma2 semaphore(%arg28 : memref<!tpu.dma_semaphore, #tpu.memory_space<semaphore_mem>>) src(%arg22 : memref<400x128xf32, #tpu.memory_space<vmem>>) dst(%dma_wait3A_2136 : memref<400x128xf32, #tpu.memory_space<hbm>>)
    return
  }
}

</mosaic_0001>

<sc_bundles>
// kernel: kernel.3.cloned.1.call-start
scs
__scs_entry_jumppad:
0x0: {  	(pc) =	sbr.rel $0x88, $3  }
0x1: {  	(tag) =	ssettag $0x0;
	lr =	simm.s32 $0x1  }
0x2: {  	[smem:$0x3F9D] =	sst lr;
	_ =	strace $0xD0000000  }
0x3: {  	_ = 	snop  }
0x4: {  	_ = 	snop  }
0x5: {  	_ = 	snop  }
0x6: {  	_ = 	snop  }
0x7: {  	_ = 	snop  }
__scs_overlays_trampoline_lowered:
0x8: {  	[smem:$0x3FAC] =	sst s0  }
0x9: {  	[smem:$0x3FAD] =	sst s1  }
0xa: {  	[smem:$0x3FAE] =	sst s2  }
0xb: {  	[smem:$0x3FAF] =	sst s3  }
0xc: {  	[smem:$0x3FB0] =	sst s4  }
0xd: {  	[smem:$0x3FB1] =	sst s5  }
0xe: {  	[smem:$0x3FB2] =	sst s6  }
0xf: {  	[smem:$0x3FB3] =	sst s7  }
0x10: {  	[smem:$0x3FB4] =	sst s8  }
0x11: {  	[smem:$0x3FB5] =	sst s9;
	s0 =	simm.s32 @!p0 $0x0  }
0x12: {  	s1 =	sld [smem:$0x3F9B];
	s0 =	simm.s32 @p0 $0x1  }
0x13: {  	[smem:$0x3FB6] =	sst s0;
	s0 =	simm.s32 @!p1 $0x0  }
0x14: {  	s2 =	sld [smem:$0x3F9A];
	s0 =	simm.s32 @p1 $0x1  }
0x15: {  	[smem:$0x3FB7] =	sst s0;
	s0 =	simm.s32 @!p2 $0x0  }
0x16: {  	s3 =	sld [smem:$0x3FDB];
	s0 =	simm.s32 @p2 $0x1  }
0x17: {  	s4 =	simm.s32 $0x1BF5;
	[smem:$0x3FB9] =	sst s0  }
0x18: {  	s0 =	sld [smem:$0x3F9C];
	_ =	swait.ge [sflag:s4], $0x0  }
0x19: {  	s7 =	sld [smem:$0x3F9D]  }
0x1a: {  	s8 =	sadd.s32 $0xFFFFE003, lr  }
0x1b: {  	s9 =	sadd.s32 $0xFFFFFEF7, lr;
	s5 =	simm.s32 $0xFFFFFFFF;
	p2 =	slt.u32 s8, $0xFFFFF086  }
0x1c: {  	p1 =	slt.u32 s9, $0xF7A;
	s5 =	simm.s32 @!p2 $0x0  }
0x1d: {  	s5 =	simm.s32 @p1 $0x1;
	p0 =	seq.s32 s7, s2  }
0x1e: {  	s7 =	smul.u32 @!p0 $0xF7A, s2;
	p2 =	seq.s32 @!p0 s5, $0x0  }
0x1f: {  	s9 =	smul.u32 $0xF7A, s1;
	s8 =	simm.s32 @!p0 $0x1BF5;
	p2 =	por !p2, p0  }
0x20: {  	[sflag:s8] =	ssyncset.s32 @!p0 $0xFFFFF086;
	s6 =	sadd.s32 @!p0 s3, s7;
	s7 =	simm.s32 @!p0 $0x108  }
0x21: {  	s3 =	sadd.s32 s3, s9;
	s6 =	sadd.s32 @!p0 $0x88, s6;
	s7 =	simm.s32 @p2 $0x1082  }
0x22: {  	[simem:s7], [sflag:s8] =	dma.local @!p0 [hbm:s6], $0xF7A  }
0x23: {  	s9 =	sor.u32 $0xD0000000, s2;
	s6 =	simm.s32 $0x108;
	_ =	swait.ge @!p0 [sflag:s8], $0x0  }
0x24: {  	s3 =	sadd.s32 $0x88, s3;
	s6 =	simm.s32 @!p1 $0x1082;
	[sflag:s4] =	ssyncset.s32 $0xFFFFF086  }
0x25: {  	[simem:s6], [sflag:s4] =	dma.local [hbm:s3], $0xF7A  }
0x26: {  	[smem:$0x3F9D] =	sst s1;
	(tag) =	ssettag s2;
	_ =	strace s9  }
0x27: {  	s1 =	sld [smem:$0x3FAD]  }
0x28: {  	s2 =	sld [smem:$0x3FAE]  }
0x29: {  	s4 =	sld [smem:$0x3FB0]  }
0x2a: {  	p0 =	seq.s32 s5, $0x0;
	s5 =	sld [smem:$0x3FB1]  }
0x2b: {  	s6 =	sld [smem:$0x3FB2]  }
0x2c: {  	s7 =	sld [smem:$0x3FB3]  }
0x2d: {  	s3 =	simm.s32 $0x108;
	s8 =	sld [smem:$0x3FB4]  }
0x2e: {  	s3 =	simm.s32 @!p0 $0x1082;
	s9 =	sld [smem:$0x3FB5]  }
0x2f: {  	lr =	sadd.s32 s0, s3;
	s0 =	sld [smem:$0x3FAC]  }
0x30: {  	s3 =	sld [smem:$0x3FAF]  }
0x31: {  	[smem:$0x3FB8] =	sst s10  }
0x32: {  	s10 =	sld [smem:$0x3FB6];
	_ =	sdelay $0x3  }
0x33: {  	p0 =	seq.s32 s10, $0x1;
	s10 =	sld [smem:$0x3FB8];
	_ =	sdelay $0x3  }
0x34: {  	[smem:$0x3FB8] =	sst s10  }
0x35: {  	s10 =	sld [smem:$0x3FB7];
	_ =	sdelay $0x3  }
0x36: {  	p1 =	seq.s32 s10, $0x1;
	s10 =	sld [smem:$0x3FB8];
	_ =	sdelay $0x3  }
0x37: {  	[smem:$0x3FB8] =	sst s10  }
0x38: {  	s10 =	sld [smem:$0x3FB9]  }
0x39: {  	_ = 	snop;
	(pc) =	sbr.ind lr, $3  }
0x3a: {  	_ = 	snop  }
0x3b: {  	_ = 	snop  }
0x3c: {  	p2 =	seq.s32 s10, $0x1;
	s10 =	sld [smem:$0x3FB8]  }
0x3d: {  	_ =	shalt  }
0x3e: {  	_ =	shalt  }
0x3f: {  	_ =	shalt  }
0x40: {  	_ =	shalt  }
0x41: {  	_ =	shalt  }
0x42: {  	_ =	shalt  }
0x43: {  	_ =	shalt  }
0x44: {  	_ =	shalt  }
0x45: {  	_ =	shalt  }
0x46: {  	_ =	shalt  }
0x47: {  	_ =	shalt  }
0x48: {  	_ =	shalt  }
0x49: {  	_ =	shalt  }
0x4a: {  	_ =	shalt  }
0x4b: {  	_ =	shalt  }
0x4c: {  	_ =	shalt  }
0x4d: {  	_ =	shalt  }
0x4e: {  	_ =	shalt  }
0x4f: {  	_ =	shalt  }
0x50: {  	_ =	shalt  }
0x51: {  	_ =	shalt  }
0x52: {  	_ =	shalt  }
0x53: {  	_ =	shalt  }
0x54: {  	_ =	shalt  }
0x55: {  	_ =	shalt  }
0x56: {  	_ =	shalt  }
0x57: {  	_ =	shalt  }
0x58: {  	_ =	shalt  }
0x59: {  	_ =	shalt  }
0x5a: {  	_ =	shalt  }
0x5b: {  	_ =	shalt  }
0x5c: {  	_ =	shalt  }
0x5d: {  	_ =	shalt  }
0x5e: {  	_ =	shalt  }
0x5f: {  	_ =	shalt  }
0x60: {  	_ =	shalt  }
0x61: {  	_ =	shalt  }
0x62: {  	_ =	shalt  }
0x63: {  	_ =	shalt  }
0x64: {  	_ =	shalt  }
0x65: {  	_ =	shalt  }
0x66: {  	_ =	shalt  }
0x67: {  	_ =	shalt  }
0x68: {  	_ =	shalt  }
0x69: {  	_ =	shalt  }
0x6a: {  	_ =	shalt  }
0x6b: {  	_ =	shalt  }
0x6c: {  	_ =	shalt  }
0x6d: {  	_ =	shalt  }
0x6e: {  	_ =	shalt  }
0x6f: {  	_ =	shalt  }
0x70: {  	_ =	shalt  }
0x71: {  	_ =	shalt  }
0x72: {  	_ =	shalt  }
0x73: {  	_ =	shalt  }
0x74: {  	_ =	shalt  }
0x75: {  	_ =	shalt  }
0x76: {  	_ =	shalt  }
0x77: {  	_ =	shalt  }
0x78: {  	_ =	shalt  }
0x79: {  	_ =	shalt  }
0x7a: {  	_ =	shalt  }
0x7b: {  	_ =	shalt  }
0x7c: {  	_ =	shalt  }
0x7d: {  	_ =	shalt  }
0x7e: {  	_ =	shalt  }
0x7f: {  	_ =	shalt  }
0x80: {  	_ =	shalt  }
0x81: {  	_ =	shalt  }
0x82: {  	_ =	shalt  }
0x83: {  	_ =	shalt  }
0x84: {  	_ =	shalt  }
0x85: {  	_ =	shalt  }
0x86: {  	_ =	shalt  }
0x87: {  	_ =	shalt  }
.Lfunc_end0:
.L_simem_size_0:
called_computation_lowered:
.L_overlay_start_0:
0x88: {  	s2 =	sld [smem:$0x3FD9]  }
0x89: {  	s3 =	sld [smem:$0x3FFE];
	_ =	sdelay $0x1  }
0x8a: {  	s1 =	srdreg.scid  }
0x8b: {  	s0 =	sand.u32 $0x1, s1  }
0x8c: {  	s17 =	sshll.u32 s0, $0xA;
	s2 =	sadd.s32 s3, s2  }
0x8d: {  	s2 =	sadd.s32 s2, s17  }
0x8e: {  	[smem:$0x3FC4] =	sst s2  }
0x8f: {  	_ = 	snop  }
0x90: {  	s2 =	sld [smem:$0x3FC8]  }
0x91: {  	s18 =	sld [smem:$0x3FC7]  }
0x92: {  	s4 =	sld [smem:$0x3FC6]  }
0x93: {  	s5 =	sld [smem:$0x3FD0];
	(tm) =	ssettm $0x1  }
0x94: {  	s6 =	sld [smem:$0x3FFB];
	_ =	sdelay $0x3  }
0x95: {  	_ =	strace s6  }
0x96: {  	s6 =	sld [smem:$0x3FFC];
	_ =	sdelay $0x3  }
0x97: {  	_ =	strace s6  }
0x98: {  	s6 =	sld [smem:$0x3FFD];
	_ =	sdelay $0x3  }
0x99: {  	_ =	strace s6  }
0x9a: {  	_ =	strace $0x8FFFFFFF  }
0x9b: {  	s19 =	sld [smem:$0x3FDB];
	_ =	sdelay $0x1  }
0x9c: {  	s7 =	simm.s32 $_scs_section_size  }
0x9d: {  	s8 =	simm.s32 $_size__tile_overlayer_lowered;
	s9 =	simm.s32 $_tile_overlayer_lowered  }
0x9e: {  	s22 =	simm.s32 $0x1BFF;
	s21 =	sshll.u32 s9, $0x1;
	s6 =	sadd.s32 s7, s19  }
0x9f: {  	s10 =	simm.s32 $0x0;
	s20 =	sshll.u32 s8, $0x1;
	s8 =	sadd.s32 s21, s6  }
0xa0: {  	[timem:s10], [sflag:s22] =	dma.local [hbm:s8], s20  }
0xa1: {  	_ =	swait.ge [sflag:s22], s20  }
0xa2: {  	s7 =	ssub.s32 $0x0, s20;
	[sflag:s22] =	ssyncset.done $0x0  }
0xa3: {  	[sflag:s22] =	ssyncadd.s32 s7;
	_ =	sdelay $0x1  }
0xa4: {  	s23 =	simm.s32 $0x1B8B  }
0xa5: {  	_ =	swait.ge [sflag:s23], $0x1  }
0xa6: {  	[sflag:s23] =	ssyncset.done $0x0  }
0xa7: {  	s25 =	simm.s32 $0x1B8E;
	s24 =	sld [smem:$0x3FFE];
	[sflag:s23] =	ssyncadd.s32 $0xFFFFFFFF  }
0xa8: {  	s26 =	simm.s32 $execute0_lowered;
	[smem:$0x3FD2] =	sst s25  }
0xa9: {  	s8 =	sshll.u32 s26, $0x1;
	_ =	strace $0x80000046;
	[dreg:$0x1] =	wrdreg $0xFFFFFFFF  }
0xaa: {  	s28 =	simm.s32 $_size_execute0_lowered;
	s6 =	sadd.s32 s6, s8;
	[dreg:$0x0] =	wrdreg $0x0  }
0xab: {  	s8 =	sshll.u32 s28, $0x1;
	[dreg:$0x2] =	wrdreg s6  }
0xac: {  	[dreg:$0x3] =	wrdreg s8  }
0xad: {  	[dreg:$0x4] =	wrdreg $0xC0  }
0xae: {  	_ =	task [dreg:s10], $0x5FFFF  }
0xaf: {  	[dreg:$0x1] =	wrdreg $0xFFFFFFFF  }
0xb0: {  	[dreg:$0x0] =	wrdreg $0x60  }
0xb1: {  	[dreg:$0x2] =	wrdreg s24  }
0xb2: {  	[dreg:$0x3] =	wrdreg s2  }
0xb3: {  	[dreg:$0x4] =	wrdreg s18  }
0xb4: {  	[dreg:$0x5] =	wrdreg s4  }
0xb5: {  	[dreg:$0x6] =	wrdreg s5  }
0xb6: {  	[dreg:$0x7] =	wrdreg $0x29000  }
0xb7: {  	[dreg:$0x8] =	wrdreg $0x9  }
0xb8: {  	_ =	task.clear_ibuf [dreg:s10], $0x9FFFF;
	_ =	strace $0x90000046  }
0xb9: {  	s29 =	simm.s32 $0x9;
	_ =	strace $0x80000048  }
0xba: {  	_ =	swait.ge [sflag:s29], $0x1  }
0xbb: {  	[sflag:s29] =	ssyncadd.s32 $0xFFFFFFFF  }
0xbc: {  	_ =	strace $0x90000048  }
0xbd: {  	_ =	sfence  }
0xbe: {  	s30 =	sld [smem:$0x0];
	_ =	sdelay $0x2  }
0xbf: {  	s31 =	sshll.u32 s1, $0xD;
	s1 =	sshrl.u32 s1, $0x2  }
0xc0: {  	s3 =	sand.u32 $0x4000, s31;
	s1 =	sadd.s32 s1, s30  }
0xc1: {  	s0 =	sor.u32 s3, s0;
	s1 =	sshll.u32 s1, $0x11  }
0xc2: {  	s0 =	sor.u32 s1, s0  }
0xc3: {  	s0 =	sadd.s32 $0x8F2B, s0  }
0xc4: {  	[sflag:s0] =	ssyncadd.remote.s32 $0x1  }
0xc5: {  	_ =	sfence.sel $0xFFFF  }
0xc6: {  	[dreg:$0x0] =	wrdreg $0xFFFFFFFF;
	(pc) =	sbr.abs _section_cstart, $3  }
0xc7: {  	[dreg:$0x1] =	wrdreg $0xFFFFFFFF  }
0xc8: {  	_ =	task.clear_ibuf [dreg:s10], $0x2FFFF;
	_ =	strace $0x9FFFFFFF  }
0xc9: {  	(tm) =	ssettm $0x7FFFFFFF  }
tec
execute0_lowered:
.L_overlay_start_1:
0x0: {  	(tag) =	ssettag $0x1  }
0x1: {  	s0 =	rddreg [dreg:$0x0]  }
0x2: {  	s1 =	rddreg [dreg:$0x4]  }
0x3: {  	s4 =	rddreg [dreg:$0x5];
	s2 =	srdreg.scid  }
0x4: {  	s5 =	simm.s32 $0x0;
	s3 =	stileid.u32;
	s31 =	simm.s32 $0x1  }
0x5: {  	s28 =	simm.s32 $0x66E0;
	s29 =	simm.s32 $0x37E0;
	s2 =	sand.u32 $0x1, s2  }
0x6: {  	[smem:$0x7FF] =	sst s5;
	s7 =	sadd.s32 $0x13C00, s0;
	s13 =	smul.u32 $0x2710, s3  }
0x7: {  	s9 =	sadd.s32 $0x9E00, s0;
	s6 =	sshll.u32 s2, $0x4;
	s11 =	smul.u32 $0x27100, s2  }
0x8: {  	s10 =	ssub.s32 $0x2, s2;
	s2 =	smul.u32 $0x271000, s2;
	s6 =	sor.u32 s3, s6  }
0x9: {  	p0 =	sne.s32 s3, $0x0;
	_ =	strace $0x80000047;
	s8 =	smul.u32 $0x2710, s6  }
0xa: {  	s12 =	sshrl.u32 s10, $0x1;
	s11 =	sadd.s32 s13, s11;
	s30 =	smul.u32 $0x27100, s6  }
0xb: {  	s10 =	ssub.s32 s10, s12;
	s6 =	smul.u32 $0x138800, s6;
	s14 =	sadd.s32 $0x640, s11  }
0xc: {  	s11 =	sadd.s32 $0x4B0, s11;
	s8 =	sshrl.u32 s8, $0x3;
	s16 =	sshrl.u32 s14, $0x3  }
0xd: {  	s13 =	sadd.s32 s1, s30;
	s6 =	sshrl.u32 s6, $0x3;
	s30 =	smax.u32 s10, $0x1  }
0xe: {  	s14 =	simm.s32 $0x30E0;
	s10 =	simm.s32 $0x3;
	[dreg:$0x13] =	wrdreg s13  }
0xf: {  	s22 =	sadd.s32 s7, s8;
	s23 =	sadd.s32 s9, s8;
	[dreg:$0x19] =	wrdreg s30  }
0x10: {  	s24 =	sadd.s32 s0, s8;
	s25 =	sadd.s32 $0x32, s8;
	[dreg:$0xd] =	wrdreg s22  }
0x11: {  	s17 =	sadd.s32 s16, s0;
	s8 =	sadd.s32 $0x64, s8;
	[dreg:$0xe] =	wrdreg s23  }
0x12: {  	s18 =	sadd.s32 s16, s9;
	s6 =	sadd.s32 s1, s6;
	[dreg:$0xf] =	wrdreg s24  }
0x13: {  	s21 =	sadd.s32 s16, s7;
	s1 =	sadd.s32 s2, s1;
	[dreg:$0x7] =	wrdreg s17  }
0x14: {  	s16 =	simm.s32 $0x2AE0;
	s13 =	simm.s32 $0xDEE0;
	[dreg:$0x8] =	wrdreg s18  }
0x15: {  	s2 =	simm.s32 $0x106E0;
	s30 =	simm.s32 $0x0;
	[dreg:$0x9] =	wrdreg s21  }
0x16: {  	s26 =	sadd.s32 s7, s25;
	s15 =	sadd.s32 s9, s25;
	[dreg:$0x1b] =	wrdreg s30  }
0x17: {  	s12 =	sadd.s32 s0, s25;
	s19 =	sadd.s32 s7, s8;
	[dreg:$0x10] =	wrdreg s26  }
0x18: {  	s20 =	sadd.s32 s9, s8;
	s8 =	sadd.s32 s0, s8;
	[dreg:$0x11] =	wrdreg s15  }
0x19: {  	s22 =	sadd.s32 $0x23F00, s6;
	s23 =	sshrl.u32 s11, $0x3;
	[dreg:$0x12] =	wrdreg s12  }
0x1a: {  	s24 =	smul.u32 $0x27100, s3;
	s6 =	sadd.s32 $0x25800, s6;
	[dreg:$0x14] =	wrdreg s19  }
0x1b: {  	s21 =	simm.s32 $0x2CE0;
	s17 =	simm.s32 $0x34E0;
	[dreg:$0x15] =	wrdreg s20  }
0x1c: {  	s3 =	simm.s32 $0x3760;
	s11 =	simm.s32 $0x2;
	[dreg:$0x16] =	wrdreg s8  }
0x1d: {  	s18 =	simm.s32 $0x3AE0;
	[dreg:$0x17] =	wrdreg s22;
	s0 =	sadd.s32 s23, s0  }
0x1e: {  	[dreg:$0x18] =	wrdreg s6;
	s25 =	sadd.s32 s23, s9;
	s26 =	sadd.s32 s23, s7  }
0x1f: {  	s22 =	simm.s32 $0x2EE0;
	s15 =	simm.s32 $0x32E0;
	s20 =	simm.s32 $0x3EE0  }
0x20: {  	s6 =	simm.s32 $0x8EE0;
	s7 =	simm.s32 $0x3860;
	s8 =	simm.s32 $0xB6E0  }
0x21: {  	s9 =	simm.s32 $0x38E0;
	s19 =	simm.s32 $0x3B60;
	[dreg:$0xa] =	wrdreg s0  }
0x22: {  	s23 =	simm.s32 $0x3BE0;
	s12 =	simm.s32 $0x6;
	[dreg:$0xb] =	wrdreg s25  }
0x23: {  	s1 =	sadd.s32 s24, s1;
	[dreg:$0xc] =	wrdreg s26;
	s0 =	simm.s32 $0x36E0  }
0x24: {  	s26 =	simm.s32 $0x156E0;
	s24 =	simm.s32 $0x4;
	s1 =	sadd.s32 $0x3200, s1  }
0x25: {  	s25 =	simm.s32 $0x5;
	[dreg:$0x1a] =	wrdreg s1;
	s1 =	simm.s32 $0x50  }
.LBB2_1:
0x26: {  	s30 =	rddreg [dreg:$0xd]  }
0x27: {  	[tilespmem:s16], [sflag:$0x1] =	stream.linear.gather [hbm4b:s30+s5], $0x190, $0x38;
	[tilespmem:$0x1CEE0] =	vst v63  }
0x28: {  	s30 =	rddreg [dreg:$0xe]  }
0x29: {  	[tilespmem:s21], [sflag:$0x1] =	stream.linear.gather [hbm4b:s30+s5], $0x190, $0x38;
	[tilespmem:$0x1CEE0] =	vst v63  }
0x2a: {  	s30 =	rddreg [dreg:$0xf]  }
0x2b: {  	[tilespmem:s22], [sflag:$0x1] =	stream.linear.gather [hbm4b:s30+s5], $0x190, $0x38;
	[tilespmem:$0x1CEE0] =	vst v63  }
0x2c: {  	s30 =	rddreg [dreg:$0x10]  }
0x2d: {  	[tilespmem:s14], [sflag:$0x2] =	stream.linear.gather [hbm4b:s30+s5], $0x190, $0x38;
	[tilespmem:$0x1CEE0] =	vst v63  }
.Ltmp0:
0x2e: {  	_ = 	snop;
	(pc) =	sbr.rel @p0 .LBB2_5-.Ltmp0, $4  }
0x2f: {  	s30 =	rddreg [dreg:$0x11]  }
0x30: {  	[tilespmem:s15], [sflag:$0x2] =	stream.linear.gather [hbm4b:s30+s5], $0x190, $0x38;
	[tilespmem:$0x1CEE0] =	vst v63  }
0x31: {  	s30 =	rddreg [dreg:$0x12]  }
0x32: {  	[tilespmem:s17], [sflag:$0x2] =	stream.linear.gather [hbm4b:s30+s5], $0x190, $0x38;
	[tilespmem:$0x1CEE0] =	vst v63  }
0x33: {  	s14 =	simm.s32 $0x0;
	s15 =	rddreg [dreg:$0x1];
	s18 =	simm.s32 $0x7  }
0x34: {  	[tilespmem:s14], [sflag:$0x7] =	stream.linear.gather [hbm4b:s15+s14], $0x280, $0x38;
	[tilespmem:$0x1CEE0] =	vst v63  }
0x35: {  	s16 =	simm.s32 $0x0;
	_ =	swait.ge [sflag:s18], $0x280  }
0x36: {  	s15 =	smul.u32 $0xAB, s16;
	[sflag:s18] =	ssyncset.done $0x0  }
0x37: {  	[sflag:s18] =	ssyncadd.s32 $0xFFFFFD80  }
0x38: {  	s17 =	simm.s32 $0x400;
	s15 =	sshrl.u32 s15, $0xA;
	s16 =	rddreg [dreg:$0x2]  }
0x39: {  	[tilespmem:s17], [sflag:$0x7] =	stream.linear.gather [hbm4b:s16+s14], $0x300, $0x38;
	[tilespmem:$0x1CEE0] =	vst v63  }
0x3a: {  	s15 =	sand.u32 $0x3F, s15;
	_ =	swait.ge [sflag:s18], $0x300  }
0x3b: {  	s15 =	smul.u32 $0x6, s15;
	[sflag:s18] =	ssyncset.done $0x0  }
0x3c: {  	[sflag:s18] =	ssyncadd.s32 $0xFFFFFD00  }
0x3d: {  	s19 =	simm.s32 $0x800;
	s15 =	ssub.s32 $0x0, s15;
	s17 =	rddreg [dreg:$0x3]  }
0x3e: {  	[tilespmem:s19], [sflag:$0x7] =	stream.linear.gather [hbm4b:s17+s14], $0x100, $0x38;
	[tilespmem:$0x1CEE0] =	vst v63  }
0x3f: {  	s20 =	smul.u32 $0xAB, s14;
	s15 =	sand.u32 $0xFF, s15;
	_ =	swait.ge [sflag:s18], $0x100  }
0x40: {  	s17 =	sshll.u32 s15, $0x7;
	[sflag:s18] =	ssyncset.done $0x0  }
0x41: {  	s23 =	sshrl.u32 s20, $0x4;
	s26 =	sor.u32 $0x400, s17;
	[sflag:s18] =	ssyncadd.s32 $0xFFFFFF00  }
0x42: {  	s19 =	sand.u32 $0xF80, s23;
	v0 =	vld [tilespmem:s26+$0x0]  }
0x43: {  	v1 =	vld [tilespmem:s19+$0x0]  }
0x44: {  	s16 =	sand.u32 $0x80, s14  }
0x45: {  	v2 =	vld [tilespmem:s16+$0x800];
	_ =	sdelay $0x2  }
0x46: {  	v0 =	vadd.f32 v0, v1;
	_ =	sdelay $0x1  }
0x47: {  	v0 =	vadd.f32 v2, v0  }
0x48: {  	s15 =	simm.s32 $0x940  }
0x49: {  	[tilespmem:s15+$0xFFFFFFC0] =	vst v0  }
0x4a: {  	s30 =	sor.u32 $0x410, s17;
	v0 =	vld [tilespmem:s19+$0x10]  }
0x4b: {  	v1 =	vld [tilespmem:s30+$0x0];
	_ =	sdelay $0x1  }
0x4c: {  	v2 =	vld [tilespmem:s16+$0x810];
	_ =	sdelay $0x2  }
0x4d: {  	v0 =	vadd.f32 v1, v0;
	_ =	sdelay $0x1  }
0x4e: {  	v0 =	vadd.f32 v2, v0;
	_ =	sdelay $0x1  }
0x4f: {  	[tilespmem:s15+$0xFFFFFFD0] =	vst v0  }
0x50: {  	s2 =	sor.u32 $0x420, s17;
	v0 =	vld [tilespmem:s19+$0x20]  }
0x51: {  	v1 =	vld [tilespmem:s2+$0x0];
	_ =	sdelay $0x1  }
0x52: {  	v2 =	vld [tilespmem:s16+$0x820];
	_ =	sdelay $0x2  }
0x53: {  	v0 =	vadd.f32 v1, v0;
	_ =	sdelay $0x1  }
0x54: {  	v0 =	vadd.f32 v2, v0;
	_ =	sdelay $0x1  }
0x55: {  	[tilespmem:s15+$0xFFFFFFE0] =	vst v0  }
0x56: {  	s20 =	sor.u32 $0x430, s17;
	v0 =	vld [tilespmem:s19+$0x30]  }
0x57: {  	v1 =	vld [tilespmem:s20+$0x0];
	_ =	sdelay $0x1  }
0x58: {  	v2 =	vld [tilespmem:s16+$0x830];
	_ =	sdelay $0x2  }
0x59: {  	v0 =	vadd.f32 v1, v0;
	_ =	sdelay $0x1  }
0x5a: {  	v0 =	vadd.f32 v2, v0;
	_ =	sdelay $0x1  }
0x5b: {  	[tilespmem:s15+$0xFFFFFFF0] =	vst v0  }
0x5c: {  	s23 =	sor.u32 $0x440, s17;
	v0 =	vld [tilespmem:s19+$0x40]  }
0x5d: {  	v1 =	vld [tilespmem:s23+$0x0];
	_ =	sdelay $0x1  }
0x5e: {  	v2 =	vld [tilespmem:s16+$0x840];
	_ =	sdelay $0x2  }
0x5f: {  	v0 =	vadd.f32 v1, v0;
	_ =	sdelay $0x1  }
0x60: {  	v0 =	vadd.f32 v2, v0;
	_ =	sdelay $0x1  }
0x61: {  	[tilespmem:s15+$0x0] =	vst v0  }
0x62: {  	s26 =	sor.u32 $0x450, s17;
	v0 =	vld [tilespmem:s19+$0x50]  }
0x63: {  	v1 =	vld [tilespmem:s26+$0x0];
	_ =	sdelay $0x1  }
0x64: {  	v2 =	vld [tilespmem:s16+$0x850];
	_ =	sdelay $0x2  }
0x65: {  	v0 =	vadd.f32 v1, v0;
	_ =	sdelay $0x1  }
0x66: {  	v0 =	vadd.f32 v2, v0;
	_ =	sdelay $0x1  }
0x67: {  	[tilespmem:s15+$0x10] =	vst v0  }
0x68: {  	s30 =	sor.u32 $0x460, s17;
	v0 =	vld [tilespmem:s19+$0x60]  }
0x69: {  	v1 =	vld [tilespmem:s30+$0x0];
	_ =	sdelay $0x1  }
0x6a: {  	v2 =	vld [tilespmem:s16+$0x860];
	_ =	sdelay $0x2  }
0x6b: {  	v0 =	vadd.f32 v1, v0;
	_ =	sdelay $0x1  }
0x6c: {  	v0 =	vadd.f32 v2, v0;
	_ =	sdelay $0x1  }
0x6d: {  	[tilespmem:s15+$0x20] =	vst v0  }
0x6e: {  	s18 =	simm.s32 $0x1;
	s17 =	sor.u32 $0x470, s17;
	s20 =	simm.s32 $0x0;
	v0 =	vld [tilespmem:s19+$0x70]  }
0x6f: {  	s23 =	smul.u32 $0xAB, s20;
	s26 =	simm.s32 $0x2;
	v1 =	vld [tilespmem:s17+$0x0];
	s17 =	simm.s32 $0x940  }
.LBB2_3:
0x70: {  	s14 =	sadd.s32 $0x80, s14  }
0x71: {  	v2 =	vld [tilespmem:s16+$0x870];
	s15 =	sadd.s32 $0x80, s15;
	s16 =	smov.u32 s26;
	s19 =	sadd.s32 $0x1, s26  }
0x72: {  	p1 =	sne.s32 s26, $0x3B;
	s23 =	sshrl.u32 s23, $0xA  }
0x73: {  	s23 =	sand.u32 $0x3F, s23  }
0x74: {  	s23 =	smul.u32 $0x6, s23  }
0x75: {  	v0 =	vadd.f32 v1, v0  }
0x76: {  	s20 =	ssub.s32 s20, s23  }
0x77: {  	s23 =	smul.u32 $0xAB, s18;
	s18 =	smov.u32 s16;
	s20 =	sand.u32 $0xFF, s20;
	v0 =	vadd.f32 v2, v0  }
0x78: {  	s26 =	sshll.u32 s20, $0x7  }
0x79: {  	s16 =	sshrl.u32 s23, $0x4;
	s20 =	sor.u32 $0x400, s26;
	[tilespmem:s17+$0x30] =	vst v0;
	s17 =	smov.u32 s15  }
0x7a: {  	s23 =	sand.u32 $0xF80, s16;
	v0 =	vld [tilespmem:s20+$0x0]  }
0x7b: {  	s16 =	sand.u32 $0x80, s14;
	v1 =	vld [tilespmem:s23+$0x0]  }
0x7c: {  	v2 =	vld [tilespmem:s16+$0x800];
	_ =	sdelay $0x3  }
0x7d: {  	v0 =	vadd.f32 v0, v1;
	_ =	sdelay $0x1  }
0x7e: {  	v0 =	vadd.f32 v2, v0;
	_ =	sdelay $0x1  }
0x7f: {  	[tilespmem:s15+$0xFFFFFFC0] =	vst v0  }
0x80: {  	s20 =	sor.u32 $0x410, s26;
	v0 =	vld [tilespmem:s23+$0x10]  }
0x81: {  	v1 =	vld [tilespmem:s20+$0x0];
	_ =	sdelay $0x1  }
0x82: {  	v2 =	vld [tilespmem:s16+$0x810];
	_ =	sdelay $0x2  }
0x83: {  	v0 =	vadd.f32 v1, v0;
	_ =	sdelay $0x1  }
0x84: {  	v0 =	vadd.f32 v2, v0;
	_ =	sdelay $0x1  }
0x85: {  	[tilespmem:s15+$0xFFFFFFD0] =	vst v0  }
0x86: {  	s20 =	sor.u32 $0x420, s26;
	v0 =	vld [tilespmem:s23+$0x20]  }
0x87: {  	v1 =	vld [tilespmem:s20+$0x0];
	_ =	sdelay $0x1  }
0x88: {  	v2 =	vld [tilespmem:s16+$0x820];
	_ =	sdelay $0x2  }
0x89: {  	v0 =	vadd.f32 v1, v0;
	_ =	sdelay $0x1  }
0x8a: {  	v0 =	vadd.f32 v2, v0;
	_ =	sdelay $0x1  }
0x8b: {  	[tilespmem:s15+$0xFFFFFFE0] =	vst v0  }
0x8c: {  	s20 =	sor.u32 $0x430, s26;
	v0 =	vld [tilespmem:s23+$0x30]  }
0x8d: {  	v1 =	vld [tilespmem:s20+$0x0];
	_ =	sdelay $0x1  }
0x8e: {  	v2 =	vld [tilespmem:s16+$0x830];
	_ =	sdelay $0x2  }
0x8f: {  	v0 =	vadd.f32 v1, v0;
	_ =	sdelay $0x1  }
0x90: {  	v0 =	vadd.f32 v2, v0;
	_ =	sdelay $0x1  }
0x91: {  	[tilespmem:s15+$0xFFFFFFF0] =	vst v0  }
0x92: {  	s20 =	sor.u32 $0x440, s26;
	v0 =	vld [tilespmem:s23+$0x40]  }
0x93: {  	v1 =	vld [tilespmem:s20+$0x0];
	_ =	sdelay $0x1  }
0x94: {  	v2 =	vld [tilespmem:s16+$0x840];
	_ =	sdelay $0x2  }
0x95: {  	v0 =	vadd.f32 v1, v0;
	_ =	sdelay $0x1  }
0x96: {  	v0 =	vadd.f32 v2, v0;
	_ =	sdelay $0x1  }
0x97: {  	[tilespmem:s15+$0x0] =	vst v0  }
0x98: {  	s20 =	sor.u32 $0x450, s26;
	v0 =	vld [tilespmem:s23+$0x50]  }
0x99: {  	v1 =	vld [tilespmem:s20+$0x0]  }
0x9a: {  	v2 =	vld [tilespmem:s16+$0x850];
	_ =	sdelay $0x3  }
0x9b: {  	v0 =	vadd.f32 v1, v0;
	_ =	sdelay $0x1  }
0x9c: {  	v0 =	vadd.f32 v2, v0;
	_ =	sdelay $0x1  }
0x9d: {  	[tilespmem:s15+$0x10] =	vst v0  }
0x9e: {  	s20 =	sor.u32 $0x460, s26;
	v0 =	vld [tilespmem:s23+$0x60]  }
0x9f: {  	v1 =	vld [tilespmem:s20+$0x0]  }
0xa0: {  	v2 =	vld [tilespmem:s16+$0x860];
	_ =	sdelay $0x3  }
0xa1: {  	v0 =	vadd.f32 v1, v0;
	_ =	sdelay $0x1  }
.Ltmp1:
0xa2: {  	v0 =	vadd.f32 v2, v0;
	(pc) =	sbr.rel @p1 .LBB2_3-.Ltmp1, $4  }
0xa3: {  	_ = 	snop  }
0xa4: {  	[tilespmem:s15+$0x20] =	vst v0  }
0xa5: {  	s26 =	sor.u32 $0x470, s26;
	s20 =	sshrl.u32 s18, $0x1;
	v0 =	vld [tilespmem:s23+$0x70]  }
0xa6: {  	s23 =	smul.u32 $0xAB, s20;
	v1 =	vld [tilespmem:s26+$0x0];
	s26 =	smov.u32 s19  }
0xa7: {  	_ = 	snop  }
0xa8: {  	v2 =	vld [tilespmem:s16+$0x870];
	s23 =	sshrl.u32 s23, $0xA  }
0xa9: {  	s16 =	sand.u32 $0x3F, s23  }
0xaa: {  	s16 =	smul.u32 $0x6, s16  }
0xab: {  	v0 =	vadd.f32 v1, v0  }
0xac: {  	s16 =	ssub.s32 s20, s16  }
0xad: {  	s18 =	smul.u32 $0xAB, s18;
	s16 =	sand.u32 $0xFF, s16;
	v0 =	vadd.f32 v2, v0  }
0xae: {  	s16 =	sshll.u32 s16, $0x7  }
0xaf: {  	s18 =	sshrl.u32 s18, $0x4;
	s19 =	sor.u32 $0x400, s16;
	[tilespmem:s17+$0x30] =	vst v0  }
0xb0: {  	s17 =	sand.u32 $0xF80, s18;
	v0 =	vld [tilespmem:s19+$0x0]  }
0xb1: {  	s14 =	sadd.s32 $0x80, s14;
	v48 =	vld [tilespmem:s17+$0x0]  }
0xb2: {  	s14 =	sand.u32 $0x80, s14  }
0xb3: {  	v49 =	vld [tilespmem:s14+$0x800];
	_ =	sdelay $0x2  }
0xb4: {  	v0 =	vadd.f32 v0, v48;
	_ =	sdelay $0x1  }
0xb5: {  	v0 =	vadd.f32 v49, v0  }
0xb6: {  	s15 =	sadd.s32 $0x80, s15  }
0xb7: {  	[tilespmem:s15+$0xFFFFFFC0] =	vst v0  }
0xb8: {  	s26 =	sor.u32 $0x410, s16;
	v0 =	vld [tilespmem:s17+$0x10]  }
0xb9: {  	v50 =	vld [tilespmem:s26+$0x0];
	_ =	sdelay $0x1  }
0xba: {  	v51 =	vld [tilespmem:s14+$0x810];
	_ =	sdelay $0x2  }
0xbb: {  	v0 =	vadd.f32 v50, v0;
	_ =	sdelay $0x1  }
0xbc: {  	v0 =	vadd.f32 v51, v0;
	_ =	sdelay $0x1  }
0xbd: {  	[tilespmem:s15+$0xFFFFFFD0] =	vst v0  }
0xbe: {  	s30 =	sor.u32 $0x420, s16;
	v0 =	vld [tilespmem:s17+$0x20]  }
0xbf: {  	v52 =	vld [tilespmem:s30+$0x0];
	_ =	sdelay $0x1  }
0xc0: {  	v53 =	vld [tilespmem:s14+$0x820];
	_ =	sdelay $0x2  }
0xc1: {  	v0 =	vadd.f32 v52, v0;
	_ =	sdelay $0x1  }
0xc2: {  	v0 =	vadd.f32 v53, v0;
	_ =	sdelay $0x1  }
0xc3: {  	[tilespmem:s15+$0xFFFFFFE0] =	vst v0  }
0xc4: {  	s2 =	sor.u32 $0x430, s16;
	v0 =	vld [tilespmem:s17+$0x30]  }
0xc5: {  	v54 =	vld [tilespmem:s2+$0x0];
	_ =	sdelay $0x1  }
0xc6: {  	v55 =	vld [tilespmem:s14+$0x830];
	_ =	sdelay $0x2  }
0xc7: {  	v0 =	vadd.f32 v54, v0;
	_ =	sdelay $0x1  }
0xc8: {  	v0 =	vadd.f32 v55, v0;
	_ =	sdelay $0x1  }
0xc9: {  	[tilespmem:s15+$0xFFFFFFF0] =	vst v0  }
0xca: {  	s19 =	sor.u32 $0x440, s16;
	v0 =	vld [tilespmem:s17+$0x40]  }
0xcb: {  	v56 =	vld [tilespmem:s19+$0x0];
	_ =	sdelay $0x1  }
0xcc: {  	v57 =	vld [tilespmem:s14+$0x840];
	_ =	sdelay $0x2  }
0xcd: {  	v0 =	vadd.f32 v56, v0;
	_ =	sdelay $0x1  }
0xce: {  	v0 =	vadd.f32 v57, v0;
	_ =	sdelay $0x1  }
0xcf: {  	[tilespmem:s15+$0x0] =	vst v0  }
0xd0: {  	s20 =	sor.u32 $0x450, s16;
	v0 =	vld [tilespmem:s17+$0x50]  }
0xd1: {  	v58 =	vld [tilespmem:s20+$0x0];
	_ =	sdelay $0x1  }
0xd2: {  	v59 =	vld [tilespmem:s14+$0x850];
	_ =	sdelay $0x2  }
0xd3: {  	v0 =	vadd.f32 v58, v0;
	_ =	sdelay $0x1  }
0xd4: {  	v0 =	vadd.f32 v59, v0;
	_ =	sdelay $0x1  }
0xd5: {  	[tilespmem:s15+$0x10] =	vst v0  }
0xd6: {  	s23 =	sor.u32 $0x460, s16;
	v0 =	vld [tilespmem:s17+$0x60]  }
0xd7: {  	v60 =	vld [tilespmem:s23+$0x0];
	_ =	sdelay $0x1  }
0xd8: {  	v61 =	vld [tilespmem:s14+$0x860];
	_ =	sdelay $0x2  }
0xd9: {  	v0 =	vadd.f32 v60, v0;
	_ =	sdelay $0x1  }
0xda: {  	v0 =	vadd.f32 v61, v0;
	_ =	sdelay $0x1  }
0xdb: {  	[tilespmem:s15+$0x20] =	vst v0  }
0xdc: {  	s16 =	sor.u32 $0x470, s16;
	v0 =	vld [tilespmem:s17+$0x70]  }
0xdd: {  	v62 =	vld [tilespmem:s16+$0x0];
	_ =	sdelay $0x1  }
0xde: {  	v63 =	vld [tilespmem:s14+$0x870];
	_ =	sdelay $0x2  }
0xdf: {  	v0 =	vadd.f32 v62, v0;
	_ =	sdelay $0x1  }
0xe0: {  	v0 =	vadd.f32 v63, v0;
	_ =	sdelay $0x1  }
0xe1: {  	s18 =	simm.s32 $0x3AE0;
	s26 =	simm.s32 $0x900;
	s30 =	simm.s32 $0x7;
	[tilespmem:s15+$0x30] =	vst v0  }
0xe2: {  	[spmem:s4] =	stream.linear.scatter [tilespmem:s26], [sflag:$0x7], $0x1E00, $0x38;
	[tilespmem:$0x1CEE0] =	vst v63  }
0xe3: {  	s2 =	simm.s32 $0x106E0;
	s19 =	simm.s32 $0x3B60;
	_ =	swait.ge [sflag:s30], $0x1E00  }
0xe4: {  	s20 =	simm.s32 $0x3EE0;
	s23 =	simm.s32 $0x3BE0;
	[sflag:s30] =	ssyncset.done $0x0  }
0xe5: {  	s16 =	simm.s32 $0x2AE0;
	s26 =	simm.s32 $0x156E0;
	[sflag:s30] =	ssyncadd.s32 $0xFFFFE200  }
.LBB2_5:
0xe6: {  	_ =	swait.ge [sflag:s31], $0x190  }
0xe7: {  	[sflag:s31] =	ssyncset.done $0x0  }
0xe8: {  	[sflag:s31] =	ssyncadd.s32 $0xFFFFFE70  }
0xe9: {  	_ =	swait.ge [sflag:s31], $0x190  }
0xea: {  	[sflag:s31] =	ssyncset.done $0x0  }
0xeb: {  	[sflag:s31] =	ssyncadd.s32 $0xFFFFFE70  }
0xec: {  	_ =	swait.ge [sflag:s31], $0x190  }
0xed: {  	[sflag:s31] =	ssyncset.done $0x0  }
0xee: {  	[sflag:s31] =	ssyncadd.s32 $0xFFFFFE70  }
0xef: {  	v0 =	vld [tilespmem:$0x2AE0]  }
0xf0: {  	v1 =	vld [tilespmem:$0x2CE0]  }
0xf1: {  	v2 =	vld [tilespmem:$0x2EE0]  }
0xf2: {  	v3 =	vld [tilespmem:$0x2AF0]  }
0xf3: {  	v4 =	vld [tilespmem:$0x2CF0]  }
0xf4: {  	v5 =	vld [tilespmem:$0x2EF0]  }
0xf5: {  	v6 =	vld [tilespmem:$0x2B00]  }
0xf6: {  	v7 =	vld [tilespmem:$0x2D00]  }
0xf7: {  	v8 =	vld [tilespmem:$0x2F00]  }
0xf8: {  	v9 =	vld [tilespmem:$0x2B10]  }
0xf9: {  	v10 =	vld [tilespmem:$0x2D10]  }
0xfa: {  	v11 =	vld [tilespmem:$0x2F10]  }
0xfb: {  	v12 =	vld [tilespmem:$0x2B20]  }
0xfc: {  	v13 =	vld [tilespmem:$0x2D20]  }
0xfd: {  	v14 =	vld [tilespmem:$0x2F20]  }
0xfe: {  	v15 =	vld [tilespmem:$0x2B30]  }
0xff: {  	v16 =	vld [tilespmem:$0x2D30]  }
0x100: {  	v17 =	vld [tilespmem:$0x2F30]  }
0x101: {  	v18 =	vld [tilespmem:$0x2B40]  }
0x102: {  	v19 =	vld [tilespmem:$0x2D40]  }
0x103: {  	v20 =	vld [tilespmem:$0x2F40]  }
0x104: {  	v21 =	vld [tilespmem:$0x2B50]  }
0x105: {  	v22 =	vld [tilespmem:$0x2D50]  }
0x106: {  	v23 =	vld [tilespmem:$0x2F50]  }
0x107: {  	v24 =	vld [tilespmem:$0x2B60]  }
0x108: {  	v25 =	vld [tilespmem:$0x2D60]  }
0x109: {  	v26 =	vld [tilespmem:$0x2F60]  }
0x10a: {  	v27 =	vld [tilespmem:$0x2B70]  }
0x10b: {  	v28 =	vld [tilespmem:$0x2D70]  }
0x10c: {  	v29 =	vld [tilespmem:$0x2F70]  }
0x10d: {  	v30 =	vld [tilespmem:$0x2B80]  }
0x10e: {  	v31 =	vld [tilespmem:$0x2D80]  }
0x10f: {  	v32 =	vld [tilespmem:$0x2F80]  }
0x110: {  	v33 =	vld [tilespmem:$0x2B90]  }
0x111: {  	v34 =	vld [tilespmem:$0x2D90]  }
0x112: {  	v35 =	vld [tilespmem:$0x2F90]  }
0x113: {  	v36 =	vld [tilespmem:$0x2BA0]  }
0x114: {  	v37 =	vld [tilespmem:$0x2DA0]  }
0x115: {  	v38 =	vld [tilespmem:$0x2FA0]  }
0x116: {  	v39 =	vld [tilespmem:$0x2BB0]  }
0x117: {  	v40 =	vld [tilespmem:$0x2DB0]  }
0x118: {  	v41 =	vld [tilespmem:$0x2FB0]  }
0x119: {  	v42 =	vld [tilespmem:$0x2BC0]  }
0x11a: {  	v46 =	vld [tilespmem:$0x2BE0]  }
0x11b: {  	v53 =	vld [tilespmem:$0x2C00]  }
0x11c: {  	v43 =	vld [tilespmem:$0x2DC0];
	v0 =	vmul.u32 $0x6, v0;
	v60 =	vmul.u32 $0x6, v3  }
0x11d: {  	v44 =	vld [tilespmem:$0x2FC0];
	v61 =	vmul.u32 $0x6, v6;
	v62 =	vmul.u32 $0x6, v9;
	v63 =	vmul.u32 $0x6, v12  }
0x11e: {  	v45 =	vld [tilespmem:$0x2DD0];
	v48 =	vmul.u32 $0x6, v15;
	v49 =	vmul.u32 $0x6, v18;
	v51 =	vmul.u32 $0x6, v21  }
0x11f: {  	v3 =	vld [tilespmem:$0x2BD0];
	v52 =	vmul.u32 $0x6, v24;
	v56 =	vmul.u32 $0x6, v27;
	v58 =	vmul.u32 $0x6, v30  }
0x120: {  	v9 =	vld [tilespmem:$0x2FD0];
	v46 =	vmul.u32 $0x6, v46;
	v53 =	vmul.u32 $0x6, v53;
	v0 =	vadd.s32 v1, v0  }
0x121: {  	v6 =	vld [tilespmem:$0x2DE0];
	v1 =	vadd.s32 v4, v60;
	v4 =	vadd.s32 v7, v61;
	v47 =	vadd.s32 v10, v62  }
0x122: {  	v15 =	vld [tilespmem:$0x2BF0];
	v10 =	vadd.s32 v16, v48;
	v50 =	vadd.s32 v19, v49;
	v55 =	vadd.s32 v25, v52  }
0x123: {  	v21 =	vld [tilespmem:$0x2E10];
	v59 =	vadd.s32 v28, v56;
	v60 =	vmul.u32 $0x6, v33;
	v61 =	vadd.s32 v31, v58  }
0x124: {  	v30 =	vld [tilespmem:$0x2C20];
	v62 =	vmul.u32 $0x6, v36;
	v33 =	vmul.u32 $0x6, v39;
	v39 =	vmul.u32 $0x6, v42  }
0x125: {  	v18 =	vld [tilespmem:$0x2C60];
	v0 =	vshll.u32 v0, $0x1;
	v1 =	vshll.u32 v1, $0x1;
	v4 =	vshll.u32 v4, $0x1  }
0x126: {  	v27 =	vld [tilespmem:$0x2E60];
	v10 =	vshll.u32 v10, $0x1;
	v57 =	vshll.u32 v55, $0x1;
	v0 =	vadd.s32 v2, v0  }
0x127: {  	v7 =	vld [tilespmem:$0x2FE0];
	v28 =	vshll.u32 v61, $0x1;
	v1 =	vadd.s32 v5, v1;
	v5 =	vshll.u32 v47, $0x1;
	[tilespmem:$0x36E0] =	vst v0  }
0x128: {  	v19 =	vld [tilespmem:$0x3000];
	v2 =	vadd.s32 v13, v63;
	v4 =	vadd.s32 v8, v4;
	v10 =	vadd.s32 v17, v10;
	[tilespmem:$0x36F0] =	vst v1  }
0x129: {  	v36 =	vld [tilespmem:$0x3020];
	v13 =	vadd.s32 v22, v51;
	v31 =	vadd.s32 v37, v62;
	v37 =	vadd.s32 v40, v33;
	[tilespmem:$0x3700] =	vst v4  }
0x12a: {  	v49 =	vld [tilespmem:$0x3030];
	v48 =	vadd.s32 v43, v39;
	v2 =	vshll.u32 v2, $0x1;
	v5 =	vadd.s32 v11, v5;
	[tilespmem:$0x3760] =	vst v10  }
0x12b: {  	v58 =	vld [tilespmem:$0x3040];
	v11 =	vshll.u32 v50, $0x1;
	v54 =	vshll.u32 v13, $0x1;
	v1 =	vadd.s32 v26, v57;
	[tilespmem:$0x3710] =	vst v5  }
0x12c: {  	v8 =	vld [tilespmem:$0x2DF0];
	v4 =	vshll.u32 v59, $0x1;
	v10 =	vshll.u32 v31, $0x1;
	v2 =	vadd.s32 v14, v2;
	[tilespmem:$0x3790] =	vst v1  }
0x12d: {  	v17 =	vld [tilespmem:$0x2E00];
	v3 =	vmul.u32 $0x6, v3;
	v50 =	vadd.s32 v6, v46;
	v11 =	vadd.s32 v20, v11;
	[tilespmem:$0x3720] =	vst v2  }
0x12e: {  	v40 =	vld [tilespmem:$0x2C30];
	v52 =	vmul.u32 $0x6, v15;
	v0 =	vadd.s32 v23, v54;
	v63 =	vadd.s32 v29, v4;
	[tilespmem:$0x3770] =	vst v11  }
0x12f: {  	v51 =	vld [tilespmem:$0x2C40];
	v29 =	vadd.s32 v34, v60;
	v4 =	vadd.s32 v32, v28;
	v42 =	vadd.s32 v38, v10;
	[tilespmem:$0x3780] =	vst v0  }
0x130: {  	v20 =	vld [tilespmem:$0x2C10];
	v38 =	vmul.u32 $0x6, v18;
	v5 =	vshll.u32 v29, $0x1;
	v0 =	vshll.u32 v37, $0x1;
	[tilespmem:$0x37A0] =	vst v63  }
0x131: {  	v14 =	vld [tilespmem:$0x2FF0];
	v3 =	vadd.s32 v45, v3;
	[tilespmem:$0x37E0] =	vst v4;
	v2 =	vshll.u32 v48, $0x1;
	v4 =	vshll.u32 v50, $0x1  }
0x132: {  	v34 =	vld [tilespmem:$0x2E20];
	[tilespmem:$0x3800] =	vst v42;
	v5 =	vadd.s32 v35, v5;
	v0 =	vadd.s32 v41, v0;
	v3 =	vshll.u32 v3, $0x1  }
0x133: {  	v54 =	vld [tilespmem:$0x2E40];
	v55 =	vadd.s32 v44, v2;
	v57 =	vadd.s32 v7, v4;
	v43 =	vadd.s32 v27, v38;
	[tilespmem:$0x37F0] =	vst v5  }
0x134: {  	v47 =	vld [tilespmem:$0x2E30];
	v56 =	vadd.s32 v9, v3;
	[tilespmem:$0x3810] =	vst v0;
	v59 =	vadd.s32 v8, v52;
	v60 =	vadd.s32 v17, v53  }
0x135: {  	v62 =	vld [tilespmem:$0x2C50];
	[tilespmem:$0x3820] =	vst v55;
	v17 =	vmul.u32 $0x6, v30;
	v26 =	vmul.u32 $0x6, v40;
	v61 =	vmul.u32 $0x6, v20  }
0x136: {  	v35 =	vld [tilespmem:$0x3060];
	[tilespmem:$0x3870] =	vst v57;
	v30 =	vmul.u32 $0x6, v51;
	v0 =	vshll.u32 v59, $0x1;
	v63 =	vshll.u32 v60, $0x1  }
0x137: {  	[tilespmem:$0x3860] =	vst v56;
	v0 =	vadd.s32 v14, v0;
	v25 =	vadd.s32 v34, v17;
	v20 =	vadd.s32 v21, v61;
	v21 =	vld [tilespmem:$0x2E50]  }
0x138: {  	v22 =	vld [tilespmem:$0x3010];
	v1 =	vadd.s32 v19, v63;
	v37 =	vadd.s32 v54, v30;
	[tilespmem:$0x3880] =	vst v0;
	v29 =	vshll.u32 v25, $0x1  }
0x139: {  	v31 =	vld [tilespmem:$0x3050];
	v45 =	vshll.u32 v43, $0x1;
	[tilespmem:$0x3890] =	vst v1;
	v39 =	vshll.u32 v37, $0x1;
	v32 =	vadd.s32 v36, v29  }
0x13a: {  	v33 =	vadd.s32 v47, v26;
	v34 =	vmul.u32 $0x6, v62;
	v41 =	vadd.s32 v58, v39;
	[tilespmem:$0x38E0] =	vst v32  }
0x13b: {  	v36 =	vshll.u32 v33, $0x1;
	v46 =	vadd.s32 v35, v45;
	[tilespmem:$0x3900] =	vst v41  }
0x13c: {  	v2 =	vshll.u32 v20, $0x1;
	v0 =	vadd.s32 v49, v36;
	[tilespmem:$0x3920] =	vst v46;
	v40 =	vadd.s32 v21, v34  }
0x13d: {  	v28 =	vadd.s32 v22, v2;
	[tilespmem:$0x38F0] =	vst v0;
	v42 =	vshll.u32 v40, $0x1  }
0x13e: {  	[tilespmem:$0x38A0] =	vst v28;
	v44 =	vadd.s32 v31, v42  }
0x13f: {  	[tilespmem:$0x3910] =	vst v44  }
0x140: {  	[bflag:$0x0] =	sbarrier.arrive $0xFFFF  }
0x141: {  	[tilespmem:s20], [sflag:$0x3] =	stream.indirect.gather [spmem:s4], $0x80, s0, s1, $0xb8;
	[tilespmem:$0x1CEE0] =	vst v63  }
0x142: {  	_ = 	snop  }
0x143: {  	[tilespmem:s28], [sflag:$0x3] =	stream.indirect.gather [spmem:s4], $0x80, s3, s1, $0xb8;
	[tilespmem:$0x1CEE0] =	vst v63  }
0x144: {  	_ = 	snop  }
0x145: {  	[tilespmem:s6], [sflag:$0x3] =	stream.indirect.gather [spmem:s4], $0x80, s29, s1, $0xb8;
	[tilespmem:$0x1CEE0] =	vst v63  }
0x146: {  	_ = 	snop  }
0x147: {  	[tilespmem:s8], [sflag:$0x3] =	stream.indirect.gather [spmem:s4], $0x80, s7, s1, $0xb8;
	[tilespmem:$0x1CEE0] =	vst v63  }
0x148: {  	_ = 	snop  }
0x149: {  	[tilespmem:s13], [sflag:$0x3] =	stream.indirect.gather [spmem:s4], $0x80, s9, s1, $0xb8;
	[tilespmem:$0x1CEE0] =	vst v63  }
0x14a: {  	_ =	swait.ge [sflag:s10], $0x2800  }
0x14b: {  	[sflag:s10] =	ssyncset.done $0x0  }
0x14c: {  	[sflag:s10] =	ssyncadd.s32 $0xFFFFD800  }
0x14d: {  	_ =	swait.ge [sflag:s10], $0x2800  }
0x14e: {  	[sflag:s10] =	ssyncset.done $0x0  }
0x14f: {  	[sflag:s10] =	ssyncadd.s32 $0xFFFFD800  }
0x150: {  	_ =	swait.ge [sflag:s10], $0x2800  }
0x151: {  	[sflag:s10] =	ssyncset.done $0x0  }
0x152: {  	[sflag:s10] =	ssyncadd.s32 $0xFFFFD800  }
0x153: {  	_ =	swait.ge [sflag:s10], $0x2800  }
0x154: {  	[sflag:s10] =	ssyncset.done $0x0  }
0x155: {  	[sflag:s10] =	ssyncadd.s32 $0xFFFFD800  }
0x156: {  	_ =	swait.ge [sflag:s10], $0x2800  }
0x157: {  	[sflag:s10] =	ssyncset.done $0x0  }
0x158: {  	s14 =	simm.s32 $0x0;
	s15 =	rddreg [dreg:$0x13];
	[sflag:s10] =	ssyncadd.s32 $0xFFFFD800  }
0x159: {  	[hbm4b:s15+s14] =	stream.linear.scatter [tilespmem:s20], [sflag:$0x5], $0xC800, $0x38;
	[tilespmem:$0x1CEE0] =	vst v63  }
0x15a: {  	s17 =	rddreg [dreg:$0x14]  }
0x15b: {  	[tilespmem:s16], [sflag:$0x1] =	stream.linear.gather [hbm4b:s17+s14], $0x190, $0x38;
	[tilespmem:$0x1CEE0] =	vst v63  }
0x15c: {  	s20 =	rddreg [dreg:$0x15]  }
0x15d: {  	[tilespmem:s21], [sflag:$0x1] =	stream.linear.gather [hbm4b:s20+s14], $0x190, $0x38;
	[tilespmem:$0x1CEE0] =	vst v63  }
0x15e: {  	s21 =	rddreg [dreg:$0x16]  }
0x15f: {  	[tilespmem:s22], [sflag:$0x1] =	stream.linear.gather [hbm4b:s21+s14], $0x190, $0x38;
	[tilespmem:$0x1CEE0] =	vst v63  }
0x160: {  	_ =	swait.ge [sflag:s11], $0x190  }
0x161: {  	[sflag:s11] =	ssyncset.done $0x0  }
0x162: {  	[sflag:s11] =	ssyncadd.s32 $0xFFFFFE70  }
0x163: {  	_ =	swait.ge [sflag:s11], $0x190  }
0x164: {  	[sflag:s11] =	ssyncset.done $0x0  }
0x165: {  	[sflag:s11] =	ssyncadd.s32 $0xFFFFFE70  }
0x166: {  	_ =	swait.ge [sflag:s11], $0x190  }
0x167: {  	[sflag:s11] =	ssyncset.done $0x0  }
0x168: {  	[sflag:s11] =	ssyncadd.s32 $0xFFFFFE70  }
0x169: {  	v47 =	vld [tilespmem:$0x30E0]  }
0x16a: {  	v1 =	vld [tilespmem:$0x32E0]  }
0x16b: {  	v2 =	vld [tilespmem:$0x34E0]  }
0x16c: {  	v54 =	vld [tilespmem:$0x30F0]  }
0x16d: {  	v55 =	vld [tilespmem:$0x32F0]  }
0x16e: {  	v5 =	vld [tilespmem:$0x34F0]  }
0x16f: {  	v56 =	vld [tilespmem:$0x3100]  }
0x170: {  	v7 =	vld [tilespmem:$0x3300]  }
0x171: {  	v8 =	vld [tilespmem:$0x3500]  }
0x172: {  	v57 =	vld [tilespmem:$0x3110]  }
0x173: {  	v10 =	vld [tilespmem:$0x3310]  }
0x174: {  	v11 =	vld [tilespmem:$0x3510]  }
0x175: {  	v58 =	vld [tilespmem:$0x3120]  }
0x176: {  	v13 =	vld [tilespmem:$0x3320]  }
0x177: {  	v14 =	vld [tilespmem:$0x3520]  }
0x178: {  	v59 =	vld [tilespmem:$0x3130]  }
0x179: {  	v16 =	vld [tilespmem:$0x3330]  }
0x17a: {  	v17 =	vld [tilespmem:$0x3530]  }
0x17b: {  	v60 =	vld [tilespmem:$0x3140]  }
0x17c: {  	v61 =	vld [tilespmem:$0x3340]  }
0x17d: {  	v20 =	vld [tilespmem:$0x3540]  }
0x17e: {  	v62 =	vld [tilespmem:$0x3150]  }
0x17f: {  	v22 =	vld [tilespmem:$0x3350]  }
0x180: {  	v23 =	vld [tilespmem:$0x3550]  }
0x181: {  	v63 =	vld [tilespmem:$0x3160]  }
0x182: {  	v25 =	vld [tilespmem:$0x3360]  }
0x183: {  	v26 =	vld [tilespmem:$0x3560]  }
0x184: {  	v48 =	vld [tilespmem:$0x3170]  }
0x185: {  	v49 =	vld [tilespmem:$0x3370]  }
0x186: {  	v29 =	vld [tilespmem:$0x3570]  }
0x187: {  	v50 =	vld [tilespmem:$0x3180]  }
0x188: {  	v51 =	vld [tilespmem:$0x3380]  }
0x189: {  	v32 =	vld [tilespmem:$0x3580]  }
0x18a: {  	v52 =	vld [tilespmem:$0x3190]  }
0x18b: {  	v34 =	vld [tilespmem:$0x3390]  }
0x18c: {  	v35 =	vld [tilespmem:$0x3590]  }
0x18d: {  	v53 =	vld [tilespmem:$0x31A0]  }
0x18e: {  	v37 =	vld [tilespmem:$0x33A0]  }
0x18f: {  	v38 =	vld [tilespmem:$0x35A0]  }
0x190: {  	v39 =	vld [tilespmem:$0x31B0]  }
0x191: {  	v40 =	vld [tilespmem:$0x33B0]  }
0x192: {  	v41 =	vld [tilespmem:$0x35B0]  }
0x193: {  	v42 =	vld [tilespmem:$0x31C0]  }
0x194: {  	v3 =	vld [tilespmem:$0x31D0]  }
0x195: {  	v18 =	vld [tilespmem:$0x3200]  }
0x196: {  	v43 =	vld [tilespmem:$0x33C0];
	v0 =	vmul.u32 $0x6, v47  }
0x197: {  	v44 =	vld [tilespmem:$0x35C0];
	v54 =	vmul.u32 $0x6, v54;
	v59 =	vmul.u32 $0x6, v59;
	v60 =	vmul.u32 $0x6, v60  }
0x198: {  	v45 =	vld [tilespmem:$0x33D0];
	v62 =	vmul.u32 $0x6, v62;
	v63 =	vmul.u32 $0x6, v63;
	v24 =	vmul.u32 $0x6, v48  }
0x199: {  	v9 =	vld [tilespmem:$0x35D0];
	v27 =	vmul.u32 $0x6, v50;
	v46 =	vmul.u32 $0x6, v52;
	v3 =	vmul.u32 $0x6, v3  }
0x19a: {  	v12 =	vld [tilespmem:$0x31E0];
	v31 =	vmul.u32 $0x6, v18;
	v0 =	vadd.s32 v1, v0;
	v1 =	vadd.s32 v55, v54  }
0x19b: {  	v6 =	vld [tilespmem:$0x33E0];
	v55 =	vmul.u32 $0x6, v56;
	v56 =	vmul.u32 $0x6, v57;
	v57 =	vmul.u32 $0x6, v58  }
0x19c: {  	v15 =	vld [tilespmem:$0x31F0];
	v61 =	vadd.s32 v61, v60;
	v30 =	vadd.s32 v49, v24;
	v48 =	vadd.s32 v51, v27  }
0x19d: {  	v19 =	vld [tilespmem:$0x3600];
	v49 =	vmul.u32 $0x6, v53;
	v53 =	vadd.s32 v34, v46;
	v60 =	vmul.u32 $0x6, v42  }
0x19e: {  	v36 =	vld [tilespmem:$0x3640];
	v3 =	vadd.s32 v45, v3;
	v0 =	vshll.u32 v0, $0x1;
	v1 =	vshll.u32 v1, $0x1  }
0x19f: {  	v47 =	vld [tilespmem:$0x3410];
	v52 =	vshll.u32 v48, $0x1;
	v3 =	vshll.u32 v3, $0x1;
	v0 =	vadd.s32 v2, v0  }
0x1a0: {  	v50 =	vld [tilespmem:$0x3610];
	v1 =	vadd.s32 v5, v1;
	v4 =	vadd.s32 v7, v55;
	v58 =	vadd.s32 v10, v56  }
0x1a1: {  	v54 =	vld [tilespmem:$0x3220];
	v2 =	vadd.s32 v13, v57;
	v10 =	vadd.s32 v16, v59;
	v13 =	vadd.s32 v22, v62;
	[tilespmem:$0x3AE0] =	vst v0  }
0x1a2: {  	v27 =	vld [tilespmem:$0x3630];
	v22 =	vadd.s32 v25, v63;
	v34 =	vadd.s32 v9, v3;
	v4 =	vshll.u32 v4, $0x1;
	[tilespmem:$0x3AF0] =	vst v1  }
0x1a3: {  	v7 =	vld [tilespmem:$0x35E0];
	v55 =	vadd.s32 v37, v49;
	v5 =	vshll.u32 v58, $0x1;
	[tilespmem:$0x3C60] =	vst v34;
	v4 =	vadd.s32 v8, v4  }
0x1a4: {  	v56 =	vmul.u32 $0x6, v39;
	v57 =	vld [tilespmem:$0x3420];
	v2 =	vshll.u32 v2, $0x1;
	v5 =	vadd.s32 v11, v5;
	[tilespmem:$0x3B00] =	vst v4  }
0x1a5: {  	v63 =	vmul.u32 $0x6, v12;
	v10 =	vshll.u32 v10, $0x1;
	v58 =	vld [tilespmem:$0x3620];
	v2 =	vadd.s32 v14, v2;
	[tilespmem:$0x3B10] =	vst v5  }
0x1a6: {  	v21 =	vshll.u32 v13, $0x1;
	v25 =	vshll.u32 v22, $0x1;
	v8 =	vld [tilespmem:$0x33F0];
	v10 =	vadd.s32 v17, v10;
	[tilespmem:$0x3B20] =	vst v2  }
0x1a7: {  	v14 =	vld [tilespmem:$0x35F0];
	v11 =	vshll.u32 v61, $0x1;
	v0 =	vadd.s32 v23, v21;
	v1 =	vadd.s32 v26, v25;
	[tilespmem:$0x3B60] =	vst v10  }
0x1a8: {  	v17 =	vld [tilespmem:$0x3400];
	v59 =	vadd.s32 v40, v56;
	v26 =	vadd.s32 v43, v60;
	v28 =	vadd.s32 v6, v63;
	[tilespmem:$0x3B80] =	vst v0  }
0x1a9: {  	v40 =	vld [tilespmem:$0x3250];
	v11 =	vadd.s32 v20, v11;
	v4 =	vshll.u32 v30, $0x1;
	v5 =	vshll.u32 v53, $0x1;
	[tilespmem:$0x3B90] =	vst v1  }
0x1aa: {  	v20 =	vld [tilespmem:$0x3210];
	v10 =	vshll.u32 v55, $0x1;
	v0 =	vshll.u32 v59, $0x1;
	v51 =	vadd.s32 v29, v4;
	[tilespmem:$0x3B70] =	vst v11  }
0x1ab: {  	v2 =	vshll.u32 v26, $0x1;
	v30 =	vmul.u32 $0x6, v15;
	v4 =	vadd.s32 v32, v52;
	v29 =	vld [tilespmem:$0x3240];
	[tilespmem:$0x3BA0] =	vst v51  }
0x1ac: {  	v61 =	vld [tilespmem:$0x3230];
	v42 =	vmul.u32 $0x6, v54;
	v5 =	vadd.s32 v35, v5;
	v62 =	vadd.s32 v38, v10;
	[tilespmem:$0x3BE0] =	vst v4  }
0x1ad: {  	v0 =	vadd.s32 v41, v0;
	v32 =	vld [tilespmem:$0x3440];
	v33 =	vadd.s32 v44, v2;
	[tilespmem:$0x3BF0] =	vst v5;
	v4 =	vshll.u32 v28, $0x1  }
0x1ae: {  	v25 =	vld [tilespmem:$0x3430];
	[tilespmem:$0x3C00] =	vst v62;
	v46 =	vadd.s32 v57, v42;
	v35 =	vadd.s32 v7, v4;
	v37 =	vadd.s32 v8, v30  }
0x1af: {  	v43 =	vld [tilespmem:$0x3260];
	[tilespmem:$0x3C10] =	vst v0;
	v38 =	vadd.s32 v17, v31;
	v55 =	vmul.u32 $0x6, v40;
	v39 =	vmul.u32 $0x6, v20  }
0x1b0: {  	v45 =	vld [tilespmem:$0x3450];
	[tilespmem:$0x3C20] =	vst v33;
	v0 =	vshll.u32 v37, $0x1;
	v41 =	vshll.u32 v38, $0x1;
	v51 =	vmul.u32 $0x6, v29  }
0x1b1: {  	v48 =	vld [tilespmem:$0x3460];
	[tilespmem:$0x3C70] =	vst v35;
	v0 =	vadd.s32 v14, v0;
	v44 =	vadd.s32 v47, v39;
	v47 =	vmul.u32 $0x6, v61  }
0x1b2: {  	v52 =	vld [tilespmem:$0x3650];
	v1 =	vadd.s32 v19, v41;
	[tilespmem:$0x3C80] =	vst v0;
	v2 =	vshll.u32 v44, $0x1;
	v57 =	vadd.s32 v32, v51  }
0x1b3: {  	v56 =	vld [tilespmem:$0x3660];
	[tilespmem:$0x3C90] =	vst v1;
	v49 =	vadd.s32 v50, v2;
	v50 =	vshll.u32 v46, $0x1;
	v54 =	vadd.s32 v25, v47  }
0x1b4: {  	v0 =	vshll.u32 v57, $0x1;
	v53 =	vadd.s32 v58, v50;
	[tilespmem:$0x3CA0] =	vst v49;
	v58 =	vmul.u32 $0x6, v43  }
0x1b5: {  	v60 =	vadd.s32 v45, v55;
	v2 =	vshll.u32 v54, $0x1;
	v0 =	vadd.s32 v36, v0;
	[tilespmem:$0x3CE0] =	vst v53  }
0x1b6: {  	v59 =	vadd.s32 v27, v2;
	v2 =	vshll.u32 v60, $0x1;
	[tilespmem:$0x3D00] =	vst v0;
	v61 =	vadd.s32 v48, v58  }
0x1b7: {  	s30 =	simm.s32 $0x17EE0;
	s0 =	simm.s32 $0x2EE0;
	[tilespmem:$0x3CF0] =	vst v59;
	v62 =	vadd.s32 v52, v2;
	v1 =	vshll.u32 v61, $0x1  }
0x1b8: {  	s28 =	simm.s32 $0x1A6E0;
	s3 =	simm.s32 $0x36E0;
	s6 =	simm.s32 $0x3C60;
	[tilespmem:$0x3D10] =	vst v62;
	v63 =	vadd.s32 v56, v1  }
0x1b9: {  	s29 =	simm.s32 $0x3CE0;
	s8 =	simm.s32 $0x156E0;
	s7 =	simm.s32 $0x12EE0;
	[tilespmem:$0x3D20] =	vst v63  }
0x1ba: {  	[tilespmem:s2], [sflag:$0x4] =	stream.indirect.gather [spmem:s4], $0x80, s18, s1, $0xb8;
	[tilespmem:$0x1CEE0] =	vst v63  }
0x1bb: {  	s9 =	simm.s32 $0x3EE0;
	s13 =	simm.s32 $0x3BE0;
	s22 =	simm.s32 $0x12EE0  }
0x1bc: {  	[tilespmem:s22], [sflag:$0x4] =	stream.indirect.gather [spmem:s4], $0x80, s19, s1, $0xb8;
	[tilespmem:$0x1CEE0] =	vst v63  }
0x1bd: {  	s20 =	simm.s32 $0x32E0;
	s21 =	simm.s32 $0x3B60;
	s15 =	rddreg [dreg:$0x1a]  }
0x1be: {  	[tilespmem:s26], [sflag:$0x4] =	stream.indirect.gather [spmem:s4], $0x80, s23, s1, $0xb8;
	[tilespmem:$0x1CEE0] =	vst v63  }
0x1bf: {  	s18 =	simm.s32 $0x2AE0;
	s2 =	simm.s32 $0x106E0;
	s22 =	simm.s32 $0x2CE0  }
0x1c0: {  	[tilespmem:s30], [sflag:$0x4] =	stream.indirect.gather [spmem:s4], $0x80, s6, s1, $0xb8;
	[tilespmem:$0x1CEE0] =	vst v63  }
0x1c1: {  	s19 =	simm.s32 $0x30E0;
	s26 =	simm.s32 $0x3AE0;
	s23 =	simm.s32 $0x34E0  }
0x1c2: {  	[tilespmem:s28], [sflag:$0x4] =	stream.indirect.gather [spmem:s4], $0x80, s29, s1, $0xb8;
	[tilespmem:$0x1CEE0] =	vst v63  }
.LBB2_6:
0x1c3: {  	_ =	swait.ge [sflag:s24], $0x2800  }
0x1c4: {  	[sflag:s24] =	ssyncset.done $0x0  }
0x1c5: {  	[sflag:s24] =	ssyncadd.s32 $0xFFFFD800  }
0x1c6: {  	_ =	swait.ge [sflag:s24], $0x2800  }
0x1c7: {  	[sflag:s24] =	ssyncset.done $0x0  }
0x1c8: {  	[sflag:s24] =	ssyncadd.s32 $0xFFFFD800  }
0x1c9: {  	_ =	swait.ge [sflag:s24], $0x2800  }
0x1ca: {  	[sflag:s24] =	ssyncset.done $0x0  }
0x1cb: {  	[sflag:s24] =	ssyncadd.s32 $0xFFFFD800  }
0x1cc: {  	_ =	swait.ge [sflag:s24], $0x2800  }
0x1cd: {  	[sflag:s24] =	ssyncset.done $0x0  }
0x1ce: {  	[sflag:s24] =	ssyncadd.s32 $0xFFFFD800  }
0x1cf: {  	_ =	swait.ge [sflag:s24], $0x2800  }
0x1d0: {  	[sflag:s24] =	ssyncset.done $0x0  }
0x1d1: {  	s17 =	sadd.s32 $0xFFFFE700, s15;
	s16 =	rddreg [dreg:$0xc];
	[sflag:s24] =	ssyncadd.s32 $0xFFFFD800  }
0x1d2: {  	[hbm4b:s17+s5] =	stream.linear.scatter [tilespmem:s2], [sflag:$0x6], $0xC800, $0x38;
	[tilespmem:$0x1CEE0] =	vst v63  }
0x1d3: {  	s16 =	sadd.s32 s14, s16;
	s17 =	rddreg [dreg:$0xb]  }
0x1d4: {  	[tilespmem:s19], [sflag:$0x2] =	stream.linear.gather [hbm4b:s16+s5], $0x190, $0x38;
	[tilespmem:$0x1CEE0] =	vst v63  }
0x1d5: {  	s17 =	sadd.s32 s14, s17;
	s16 =	rddreg [dreg:$0xa]  }
0x1d6: {  	[tilespmem:s20], [sflag:$0x2] =	stream.linear.gather [hbm4b:s17+s5], $0x190, $0x38;
	[tilespmem:$0x1CEE0] =	vst v63  }
0x1d7: {  	s16 =	sadd.s32 s14, s16  }
0x1d8: {  	[tilespmem:s23], [sflag:$0x2] =	stream.linear.gather [hbm4b:s16+s5], $0x190, $0x38;
	[tilespmem:$0x1CEE0] =	vst v63  }
0x1d9: {  	_ =	swait.ge [sflag:s31], $0x190  }
0x1da: {  	[sflag:s31] =	ssyncset.done $0x0  }
0x1db: {  	[sflag:s31] =	ssyncadd.s32 $0xFFFFFE70  }
0x1dc: {  	_ =	swait.ge [sflag:s31], $0x190  }
0x1dd: {  	[sflag:s31] =	ssyncset.done $0x0  }
0x1de: {  	[sflag:s31] =	ssyncadd.s32 $0xFFFFFE70  }
0x1df: {  	_ =	swait.ge [sflag:s31], $0x190  }
0x1e0: {  	[sflag:s31] =	ssyncset.done $0x0  }
0x1e1: {  	[sflag:s31] =	ssyncadd.s32 $0xFFFFFE70  }
0x1e2: {  	v0 =	vld [tilespmem:$0x2AE0]  }
0x1e3: {  	v1 =	vld [tilespmem:$0x2CE0]  }
0x1e4: {  	v2 =	vld [tilespmem:$0x2EE0]  }
0x1e5: {  	v3 =	vld [tilespmem:$0x2AF0]  }
0x1e6: {  	v4 =	vld [tilespmem:$0x2CF0]  }
0x1e7: {  	v5 =	vld [tilespmem:$0x2EF0]  }
0x1e8: {  	v6 =	vld [tilespmem:$0x2B00]  }
0x1e9: {  	v7 =	vld [tilespmem:$0x2D00]  }
0x1ea: {  	v8 =	vld [tilespmem:$0x2F00]  }
0x1eb: {  	v9 =	vld [tilespmem:$0x2B10]  }
0x1ec: {  	v10 =	vld [tilespmem:$0x2D10]  }
0x1ed: {  	v11 =	vld [tilespmem:$0x2F10]  }
0x1ee: {  	v12 =	vld [tilespmem:$0x2B20]  }
0x1ef: {  	v13 =	vld [tilespmem:$0x2D20]  }
0x1f0: {  	v14 =	vld [tilespmem:$0x2F20]  }
0x1f1: {  	v15 =	vld [tilespmem:$0x2B30]  }
0x1f2: {  	v16 =	vld [tilespmem:$0x2D30]  }
0x1f3: {  	v17 =	vld [tilespmem:$0x2F30]  }
0x1f4: {  	v18 =	vld [tilespmem:$0x2B40]  }
0x1f5: {  	v19 =	vld [tilespmem:$0x2D40]  }
0x1f6: {  	v20 =	vld [tilespmem:$0x2F40]  }
0x1f7: {  	v21 =	vld [tilespmem:$0x2B50]  }
0x1f8: {  	v22 =	vld [tilespmem:$0x2D50]  }
0x1f9: {  	v23 =	vld [tilespmem:$0x2F50]  }
0x1fa: {  	v24 =	vld [tilespmem:$0x2B60]  }
0x1fb: {  	v25 =	vld [tilespmem:$0x2D60]  }
0x1fc: {  	v26 =	vld [tilespmem:$0x2F60]  }
0x1fd: {  	v27 =	vld [tilespmem:$0x2B70]  }
0x1fe: {  	v28 =	vld [tilespmem:$0x2D70]  }
0x1ff: {  	v29 =	vld [tilespmem:$0x2F70]  }
0x200: {  	v30 =	vld [tilespmem:$0x2B80]  }
0x201: {  	v31 =	vld [tilespmem:$0x2D80]  }
0x202: {  	v32 =	vld [tilespmem:$0x2F80]  }
0x203: {  	v33 =	vld [tilespmem:$0x2B90]  }
0x204: {  	v34 =	vld [tilespmem:$0x2D90]  }
0x205: {  	v35 =	vld [tilespmem:$0x2F90]  }
0x206: {  	v36 =	vld [tilespmem:$0x2BA0]  }
0x207: {  	v37 =	vld [tilespmem:$0x2DA0]  }
0x208: {  	v38 =	vld [tilespmem:$0x2FA0]  }
0x209: {  	v39 =	vld [tilespmem:$0x2BB0]  }
0x20a: {  	v40 =	vld [tilespmem:$0x2DB0]  }
0x20b: {  	v41 =	vld [tilespmem:$0x2FB0]  }
0x20c: {  	v42 =	vld [tilespmem:$0x2BC0]  }
0x20d: {  	v46 =	vld [tilespmem:$0x2BE0]  }
0x20e: {  	v53 =	vld [tilespmem:$0x2C00]  }
0x20f: {  	v43 =	vld [tilespmem:$0x2DC0];
	v0 =	vmul.u32 $0x6, v0;
	v60 =	vmul.u32 $0x6, v3  }
0x210: {  	v44 =	vld [tilespmem:$0x2FC0];
	v61 =	vmul.u32 $0x6, v6;
	v62 =	vmul.u32 $0x6, v9;
	v63 =	vmul.u32 $0x6, v12  }
0x211: {  	v45 =	vld [tilespmem:$0x2DD0];
	v48 =	vmul.u32 $0x6, v15;
	v49 =	vmul.u32 $0x6, v18;
	v51 =	vmul.u32 $0x6, v21  }
0x212: {  	v3 =	vld [tilespmem:$0x2BD0];
	v52 =	vmul.u32 $0x6, v24;
	v56 =	vmul.u32 $0x6, v27;
	v58 =	vmul.u32 $0x6, v30  }
0x213: {  	v9 =	vld [tilespmem:$0x2FD0];
	v46 =	vmul.u32 $0x6, v46;
	v53 =	vmul.u32 $0x6, v53;
	v0 =	vadd.s32 v1, v0  }
0x214: {  	v6 =	vld [tilespmem:$0x2DE0];
	v1 =	vadd.s32 v4, v60;
	v4 =	vadd.s32 v7, v61;
	v47 =	vadd.s32 v10, v62  }
0x215: {  	v15 =	vld [tilespmem:$0x2BF0];
	v10 =	vadd.s32 v16, v48;
	v50 =	vadd.s32 v19, v49;
	v55 =	vadd.s32 v25, v52  }
0x216: {  	v21 =	vld [tilespmem:$0x2E10];
	v59 =	vadd.s32 v28, v56;
	v60 =	vmul.u32 $0x6, v33;
	v61 =	vadd.s32 v31, v58  }
0x217: {  	v30 =	vld [tilespmem:$0x2C20];
	v62 =	vmul.u32 $0x6, v36;
	v33 =	vmul.u32 $0x6, v39;
	v39 =	vmul.u32 $0x6, v42  }
0x218: {  	v18 =	vld [tilespmem:$0x2C60];
	v0 =	vshll.u32 v0, $0x1;
	v1 =	vshll.u32 v1, $0x1;
	v4 =	vshll.u32 v4, $0x1  }
0x219: {  	v27 =	vld [tilespmem:$0x2E60];
	v10 =	vshll.u32 v10, $0x1;
	v57 =	vshll.u32 v55, $0x1;
	v0 =	vadd.s32 v2, v0  }
0x21a: {  	v7 =	vld [tilespmem:$0x2FE0];
	v28 =	vshll.u32 v61, $0x1;
	v1 =	vadd.s32 v5, v1;
	v5 =	vshll.u32 v47, $0x1;
	[tilespmem:$0x36E0] =	vst v0  }
0x21b: {  	v19 =	vld [tilespmem:$0x3000];
	v2 =	vadd.s32 v13, v63;
	v4 =	vadd.s32 v8, v4;
	v10 =	vadd.s32 v17, v10;
	[tilespmem:$0x36F0] =	vst v1  }
0x21c: {  	v36 =	vld [tilespmem:$0x3020];
	v13 =	vadd.s32 v22, v51;
	v31 =	vadd.s32 v37, v62;
	v37 =	vadd.s32 v40, v33;
	[tilespmem:$0x3700] =	vst v4  }
0x21d: {  	v49 =	vld [tilespmem:$0x3030];
	v48 =	vadd.s32 v43, v39;
	v2 =	vshll.u32 v2, $0x1;
	v5 =	vadd.s32 v11, v5;
	[tilespmem:$0x3760] =	vst v10  }
0x21e: {  	v58 =	vld [tilespmem:$0x3040];
	v11 =	vshll.u32 v50, $0x1;
	v54 =	vshll.u32 v13, $0x1;
	v1 =	vadd.s32 v26, v57;
	[tilespmem:$0x3710] =	vst v5  }
0x21f: {  	v8 =	vld [tilespmem:$0x2DF0];
	v4 =	vshll.u32 v59, $0x1;
	v10 =	vshll.u32 v31, $0x1;
	v2 =	vadd.s32 v14, v2;
	[tilespmem:$0x3790] =	vst v1  }
0x220: {  	v17 =	vld [tilespmem:$0x2E00];
	v3 =	vmul.u32 $0x6, v3;
	v50 =	vadd.s32 v6, v46;
	v11 =	vadd.s32 v20, v11;
	[tilespmem:$0x3720] =	vst v2  }
0x221: {  	v40 =	vld [tilespmem:$0x2C30];
	v52 =	vmul.u32 $0x6, v15;
	v0 =	vadd.s32 v23, v54;
	v63 =	vadd.s32 v29, v4;
	[tilespmem:$0x3770] =	vst v11  }
0x222: {  	v51 =	vld [tilespmem:$0x2C40];
	v29 =	vadd.s32 v34, v60;
	v4 =	vadd.s32 v32, v28;
	v42 =	vadd.s32 v38, v10;
	[tilespmem:$0x3780] =	vst v0  }
0x223: {  	v20 =	vld [tilespmem:$0x2C10];
	v38 =	vmul.u32 $0x6, v18;
	v5 =	vshll.u32 v29, $0x1;
	v0 =	vshll.u32 v37, $0x1;
	[tilespmem:$0x37A0] =	vst v63  }
0x224: {  	v14 =	vld [tilespmem:$0x2FF0];
	v3 =	vadd.s32 v45, v3;
	[tilespmem:$0x37E0] =	vst v4;
	v2 =	vshll.u32 v48, $0x1;
	v4 =	vshll.u32 v50, $0x1  }
0x225: {  	v34 =	vld [tilespmem:$0x2E20];
	[tilespmem:$0x3800] =	vst v42;
	v5 =	vadd.s32 v35, v5;
	v0 =	vadd.s32 v41, v0;
	v3 =	vshll.u32 v3, $0x1  }
0x226: {  	v54 =	vld [tilespmem:$0x2E40];
	v55 =	vadd.s32 v44, v2;
	v57 =	vadd.s32 v7, v4;
	v43 =	vadd.s32 v27, v38;
	[tilespmem:$0x37F0] =	vst v5  }
0x227: {  	v47 =	vld [tilespmem:$0x2E30];
	v56 =	vadd.s32 v9, v3;
	[tilespmem:$0x3810] =	vst v0;
	v59 =	vadd.s32 v8, v52;
	v60 =	vadd.s32 v17, v53  }
0x228: {  	v62 =	vld [tilespmem:$0x2C50];
	[tilespmem:$0x3820] =	vst v55;
	v17 =	vmul.u32 $0x6, v30;
	v26 =	vmul.u32 $0x6, v40;
	v61 =	vmul.u32 $0x6, v20  }
0x229: {  	v35 =	vld [tilespmem:$0x3060];
	[tilespmem:$0x3870] =	vst v57;
	v30 =	vmul.u32 $0x6, v51;
	v0 =	vshll.u32 v59, $0x1;
	v63 =	vshll.u32 v60, $0x1  }
0x22a: {  	[tilespmem:$0x3860] =	vst v56;
	v0 =	vadd.s32 v14, v0;
	v25 =	vadd.s32 v34, v17;
	v20 =	vadd.s32 v21, v61;
	v21 =	vld [tilespmem:$0x2E50]  }
0x22b: {  	v22 =	vld [tilespmem:$0x3010];
	v1 =	vadd.s32 v19, v63;
	v37 =	vadd.s32 v54, v30;
	[tilespmem:$0x3880] =	vst v0;
	v29 =	vshll.u32 v25, $0x1  }
0x22c: {  	v31 =	vld [tilespmem:$0x3050];
	v45 =	vshll.u32 v43, $0x1;
	[tilespmem:$0x3890] =	vst v1;
	v39 =	vshll.u32 v37, $0x1;
	v32 =	vadd.s32 v36, v29  }
0x22d: {  	v33 =	vadd.s32 v47, v26;
	v34 =	vmul.u32 $0x6, v62;
	v41 =	vadd.s32 v58, v39;
	[tilespmem:$0x38E0] =	vst v32  }
0x22e: {  	v36 =	vshll.u32 v33, $0x1;
	v46 =	vadd.s32 v35, v45;
	[tilespmem:$0x3900] =	vst v41  }
0x22f: {  	v2 =	vshll.u32 v20, $0x1;
	v0 =	vadd.s32 v49, v36;
	[tilespmem:$0x3920] =	vst v46;
	v40 =	vadd.s32 v21, v34  }
0x230: {  	v28 =	vadd.s32 v22, v2;
	[tilespmem:$0x38F0] =	vst v0;
	v42 =	vshll.u32 v40, $0x1  }
0x231: {  	[tilespmem:$0x38A0] =	vst v28;
	v44 =	vadd.s32 v31, v42  }
0x232: {  	[tilespmem:$0x3910] =	vst v44  }
0x233: {  	_ =	swait.ge [sflag:s25], $0xC800  }
0x234: {  	[sflag:s25] =	ssyncset.done $0x0  }
0x235: {  	[sflag:s25] =	ssyncadd.s32 $0xFFFF3800  }
0x236: {  	[tilespmem:s9], [sflag:$0x3] =	stream.indirect.gather [spmem:s4], $0x80, s3, s1, $0xb8;
	[tilespmem:$0x1CEE0] =	vst v63  }
0x237: {  	s17 =	simm.s32 $0x3760;
	s16 =	simm.s32 $0x66E0  }
0x238: {  	[tilespmem:s16], [sflag:$0x3] =	stream.indirect.gather [spmem:s4], $0x80, s17, s1, $0xb8;
	[tilespmem:$0x1CEE0] =	vst v63  }
0x239: {  	s16 =	simm.s32 $0x8EE0;
	s17 =	simm.s32 $0x37E0  }
0x23a: {  	[tilespmem:s16], [sflag:$0x3] =	stream.indirect.gather [spmem:s4], $0x80, s17, s1, $0xb8;
	[tilespmem:$0x1CEE0] =	vst v63  }
0x23b: {  	s16 =	simm.s32 $0x3860;
	s17 =	simm.s32 $0xB6E0  }
0x23c: {  	[tilespmem:s17], [sflag:$0x3] =	stream.indirect.gather [spmem:s4], $0x80, s16, s1, $0xb8;
	[tilespmem:$0x1CEE0] =	vst v63  }
0x23d: {  	s16 =	simm.s32 $0x38E0;
	s17 =	simm.s32 $0xDEE0  }
0x23e: {  	[tilespmem:s17], [sflag:$0x3] =	stream.indirect.gather [spmem:s4], $0x80, s16, s1, $0xb8;
	[tilespmem:$0x1CEE0] =	vst v63  }
0x23f: {  	_ =	swait.ge [sflag:s10], $0x2800  }
0x240: {  	[sflag:s10] =	ssyncset.done $0x0  }
0x241: {  	[sflag:s10] =	ssyncadd.s32 $0xFFFFD800  }
0x242: {  	_ =	swait.ge [sflag:s10], $0x2800  }
0x243: {  	[sflag:s10] =	ssyncset.done $0x0  }
0x244: {  	[sflag:s10] =	ssyncadd.s32 $0xFFFFD800  }
0x245: {  	_ =	swait.ge [sflag:s10], $0x2800  }
0x246: {  	[sflag:s10] =	ssyncset.done $0x0  }
0x247: {  	[sflag:s10] =	ssyncadd.s32 $0xFFFFD800  }
0x248: {  	_ =	swait.ge [sflag:s10], $0x2800  }
0x249: {  	[sflag:s10] =	ssyncset.done $0x0  }
0x24a: {  	[sflag:s10] =	ssyncadd.s32 $0xFFFFD800  }
0x24b: {  	_ =	swait.ge [sflag:s10], $0x2800  }
0x24c: {  	[sflag:s10] =	ssyncset.done $0x0  }
0x24d: {  	s17 =	rddreg [dreg:$0x9];
	[sflag:s10] =	ssyncadd.s32 $0xFFFFD800  }
0x24e: {  	[hbm4b:s15+s5] =	stream.linear.scatter [tilespmem:s9], [sflag:$0x5], $0xC800, $0x38;
	[tilespmem:$0x1CEE0] =	vst v63  }
0x24f: {  	s16 =	sadd.s32 s14, s17;
	s17 =	rddreg [dreg:$0x8]  }
0x250: {  	[tilespmem:s18], [sflag:$0x1] =	stream.linear.gather [hbm4b:s16+s5], $0x190, $0x38;
	[tilespmem:$0x1CEE0] =	vst v63  }
0x251: {  	s17 =	sadd.s32 s14, s17;
	s16 =	rddreg [dreg:$0x7]  }
0x252: {  	[tilespmem:s22], [sflag:$0x1] =	stream.linear.gather [hbm4b:s17+s5], $0x190, $0x38;
	[tilespmem:$0x1CEE0] =	vst v63  }
0x253: {  	s16 =	sadd.s32 s14, s16  }
0x254: {  	[tilespmem:s0], [sflag:$0x1] =	stream.linear.gather [hbm4b:s16+s5], $0x190, $0x38;
	[tilespmem:$0x1CEE0] =	vst v63  }
0x255: {  	_ =	swait.ge [sflag:s11], $0x190  }
0x256: {  	[sflag:s11] =	ssyncset.done $0x0  }
0x257: {  	[sflag:s11] =	ssyncadd.s32 $0xFFFFFE70  }
0x258: {  	_ =	swait.ge [sflag:s11], $0x190  }
0x259: {  	[sflag:s11] =	ssyncset.done $0x0  }
0x25a: {  	[sflag:s11] =	ssyncadd.s32 $0xFFFFFE70  }
0x25b: {  	_ =	swait.ge [sflag:s11], $0x190  }
0x25c: {  	[sflag:s11] =	ssyncset.done $0x0  }
0x25d: {  	[sflag:s11] =	ssyncadd.s32 $0xFFFFFE70  }
0x25e: {  	v47 =	vld [tilespmem:$0x30E0]  }
0x25f: {  	v1 =	vld [tilespmem:$0x32E0]  }
0x260: {  	v2 =	vld [tilespmem:$0x34E0]  }
0x261: {  	v54 =	vld [tilespmem:$0x30F0]  }
0x262: {  	v55 =	vld [tilespmem:$0x32F0]  }
0x263: {  	v5 =	vld [tilespmem:$0x34F0]  }
0x264: {  	v56 =	vld [tilespmem:$0x3100]  }
0x265: {  	v7 =	vld [tilespmem:$0x3300]  }
0x266: {  	v8 =	vld [tilespmem:$0x3500]  }
0x267: {  	v57 =	vld [tilespmem:$0x3110]  }
0x268: {  	v10 =	vld [tilespmem:$0x3310]  }
0x269: {  	v11 =	vld [tilespmem:$0x3510]  }
0x26a: {  	v58 =	vld [tilespmem:$0x3120]  }
0x26b: {  	v13 =	vld [tilespmem:$0x3320]  }
0x26c: {  	v14 =	vld [tilespmem:$0x3520]  }
0x26d: {  	v59 =	vld [tilespmem:$0x3130]  }
0x26e: {  	v16 =	vld [tilespmem:$0x3330]  }
0x26f: {  	v17 =	vld [tilespmem:$0x3530]  }
0x270: {  	v60 =	vld [tilespmem:$0x3140]  }
0x271: {  	v61 =	vld [tilespmem:$0x3340]  }
0x272: {  	v20 =	vld [tilespmem:$0x3540]  }
0x273: {  	v62 =	vld [tilespmem:$0x3150]  }
0x274: {  	v22 =	vld [tilespmem:$0x3350]  }
0x275: {  	v23 =	vld [tilespmem:$0x3550]  }
0x276: {  	v63 =	vld [tilespmem:$0x3160]  }
0x277: {  	v25 =	vld [tilespmem:$0x3360]  }
0x278: {  	v26 =	vld [tilespmem:$0x3560]  }
0x279: {  	v48 =	vld [tilespmem:$0x3170]  }
0x27a: {  	v49 =	vld [tilespmem:$0x3370]  }
0x27b: {  	v29 =	vld [tilespmem:$0x3570]  }
0x27c: {  	v50 =	vld [tilespmem:$0x3180]  }
0x27d: {  	v51 =	vld [tilespmem:$0x3380]  }
0x27e: {  	v32 =	vld [tilespmem:$0x3580]  }
0x27f: {  	v52 =	vld [tilespmem:$0x3190]  }
0x280: {  	v34 =	vld [tilespmem:$0x3390]  }
0x281: {  	v35 =	vld [tilespmem:$0x3590]  }
0x282: {  	v53 =	vld [tilespmem:$0x31A0]  }
0x283: {  	v37 =	vld [tilespmem:$0x33A0]  }
0x284: {  	v38 =	vld [tilespmem:$0x35A0]  }
0x285: {  	v39 =	vld [tilespmem:$0x31B0]  }
0x286: {  	v40 =	vld [tilespmem:$0x33B0]  }
0x287: {  	v41 =	vld [tilespmem:$0x35B0]  }
0x288: {  	v42 =	vld [tilespmem:$0x31C0]  }
0x289: {  	v3 =	vld [tilespmem:$0x31D0]  }
0x28a: {  	v18 =	vld [tilespmem:$0x3200]  }
0x28b: {  	v43 =	vld [tilespmem:$0x33C0];
	v0 =	vmul.u32 $0x6, v47  }
0x28c: {  	v44 =	vld [tilespmem:$0x35C0];
	v54 =	vmul.u32 $0x6, v54;
	v59 =	vmul.u32 $0x6, v59;
	v60 =	vmul.u32 $0x6, v60  }
0x28d: {  	v45 =	vld [tilespmem:$0x33D0];
	v62 =	vmul.u32 $0x6, v62;
	v63 =	vmul.u32 $0x6, v63;
	v24 =	vmul.u32 $0x6, v48  }
0x28e: {  	v9 =	vld [tilespmem:$0x35D0];
	v27 =	vmul.u32 $0x6, v50;
	v46 =	vmul.u32 $0x6, v52;
	v3 =	vmul.u32 $0x6, v3  }
0x28f: {  	v12 =	vld [tilespmem:$0x31E0];
	v31 =	vmul.u32 $0x6, v18;
	v0 =	vadd.s32 v1, v0;
	v1 =	vadd.s32 v55, v54  }
0x290: {  	v6 =	vld [tilespmem:$0x33E0];
	v55 =	vmul.u32 $0x6, v56;
	v56 =	vmul.u32 $0x6, v57;
	v57 =	vmul.u32 $0x6, v58  }
0x291: {  	v15 =	vld [tilespmem:$0x31F0];
	v61 =	vadd.s32 v61, v60;
	v30 =	vadd.s32 v49, v24;
	v48 =	vadd.s32 v51, v27  }
0x292: {  	v19 =	vld [tilespmem:$0x3600];
	v49 =	vmul.u32 $0x6, v53;
	v53 =	vadd.s32 v34, v46;
	v60 =	vmul.u32 $0x6, v42  }
0x293: {  	v36 =	vld [tilespmem:$0x3640];
	v3 =	vadd.s32 v45, v3;
	v0 =	vshll.u32 v0, $0x1;
	v1 =	vshll.u32 v1, $0x1  }
0x294: {  	v47 =	vld [tilespmem:$0x3410];
	v52 =	vshll.u32 v48, $0x1;
	v3 =	vshll.u32 v3, $0x1;
	v0 =	vadd.s32 v2, v0  }
0x295: {  	v50 =	vld [tilespmem:$0x3610];
	v1 =	vadd.s32 v5, v1;
	v4 =	vadd.s32 v7, v55;
	v58 =	vadd.s32 v10, v56  }
0x296: {  	v54 =	vld [tilespmem:$0x3220];
	v2 =	vadd.s32 v13, v57;
	v10 =	vadd.s32 v16, v59;
	v13 =	vadd.s32 v22, v62;
	[tilespmem:$0x3AE0] =	vst v0  }
0x297: {  	v27 =	vld [tilespmem:$0x3630];
	v22 =	vadd.s32 v25, v63;
	v34 =	vadd.s32 v9, v3;
	v4 =	vshll.u32 v4, $0x1;
	[tilespmem:$0x3AF0] =	vst v1  }
0x298: {  	v7 =	vld [tilespmem:$0x35E0];
	v55 =	vadd.s32 v37, v49;
	v5 =	vshll.u32 v58, $0x1;
	[tilespmem:$0x3C60] =	vst v34;
	v4 =	vadd.s32 v8, v4  }
0x299: {  	v56 =	vmul.u32 $0x6, v39;
	v57 =	vld [tilespmem:$0x3420];
	v2 =	vshll.u32 v2, $0x1;
	v5 =	vadd.s32 v11, v5;
	[tilespmem:$0x3B00] =	vst v4  }
0x29a: {  	v63 =	vmul.u32 $0x6, v12;
	v10 =	vshll.u32 v10, $0x1;
	v58 =	vld [tilespmem:$0x3620];
	v2 =	vadd.s32 v14, v2;
	[tilespmem:$0x3B10] =	vst v5  }
0x29b: {  	v21 =	vshll.u32 v13, $0x1;
	v25 =	vshll.u32 v22, $0x1;
	v8 =	vld [tilespmem:$0x33F0];
	v10 =	vadd.s32 v17, v10;
	[tilespmem:$0x3B20] =	vst v2  }
0x29c: {  	v14 =	vld [tilespmem:$0x35F0];
	v11 =	vshll.u32 v61, $0x1;
	v0 =	vadd.s32 v23, v21;
	v1 =	vadd.s32 v26, v25;
	[tilespmem:$0x3B60] =	vst v10  }
0x29d: {  	v17 =	vld [tilespmem:$0x3400];
	v59 =	vadd.s32 v40, v56;
	v26 =	vadd.s32 v43, v60;
	v28 =	vadd.s32 v6, v63;
	[tilespmem:$0x3B80] =	vst v0  }
0x29e: {  	v40 =	vld [tilespmem:$0x3250];
	v11 =	vadd.s32 v20, v11;
	v4 =	vshll.u32 v30, $0x1;
	v5 =	vshll.u32 v53, $0x1;
	[tilespmem:$0x3B90] =	vst v1  }
0x29f: {  	v20 =	vld [tilespmem:$0x3210];
	v10 =	vshll.u32 v55, $0x1;
	v0 =	vshll.u32 v59, $0x1;
	v51 =	vadd.s32 v29, v4;
	[tilespmem:$0x3B70] =	vst v11  }
0x2a0: {  	v2 =	vshll.u32 v26, $0x1;
	v30 =	vmul.u32 $0x6, v15;
	v4 =	vadd.s32 v32, v52;
	v29 =	vld [tilespmem:$0x3240];
	[tilespmem:$0x3BA0] =	vst v51  }
0x2a1: {  	v61 =	vld [tilespmem:$0x3230];
	v42 =	vmul.u32 $0x6, v54;
	v5 =	vadd.s32 v35, v5;
	v62 =	vadd.s32 v38, v10;
	[tilespmem:$0x3BE0] =	vst v4  }
0x2a2: {  	v0 =	vadd.s32 v41, v0;
	v32 =	vld [tilespmem:$0x3440];
	v33 =	vadd.s32 v44, v2;
	[tilespmem:$0x3BF0] =	vst v5;
	v4 =	vshll.u32 v28, $0x1  }
0x2a3: {  	v25 =	vld [tilespmem:$0x3430];
	[tilespmem:$0x3C00] =	vst v62;
	v46 =	vadd.s32 v57, v42;
	v35 =	vadd.s32 v7, v4;
	v37 =	vadd.s32 v8, v30  }
0x2a4: {  	v43 =	vld [tilespmem:$0x3260];
	[tilespmem:$0x3C10] =	vst v0;
	v38 =	vadd.s32 v17, v31;
	v55 =	vmul.u32 $0x6, v40;
	v39 =	vmul.u32 $0x6, v20  }
0x2a5: {  	v45 =	vld [tilespmem:$0x3450];
	[tilespmem:$0x3C20] =	vst v33;
	v0 =	vshll.u32 v37, $0x1;
	v41 =	vshll.u32 v38, $0x1;
	v51 =	vmul.u32 $0x6, v29  }
0x2a6: {  	v48 =	vld [tilespmem:$0x3460];
	[tilespmem:$0x3C70] =	vst v35;
	v0 =	vadd.s32 v14, v0;
	v44 =	vadd.s32 v47, v39;
	v47 =	vmul.u32 $0x6, v61  }
0x2a7: {  	v52 =	vld [tilespmem:$0x3650];
	v1 =	vadd.s32 v19, v41;
	[tilespmem:$0x3C80] =	vst v0;
	v2 =	vshll.u32 v44, $0x1;
	v57 =	vadd.s32 v32, v51  }
0x2a8: {  	v56 =	vld [tilespmem:$0x3660];
	[tilespmem:$0x3C90] =	vst v1;
	v49 =	vadd.s32 v50, v2;
	v50 =	vshll.u32 v46, $0x1;
	v54 =	vadd.s32 v25, v47  }
0x2a9: {  	v0 =	vshll.u32 v57, $0x1;
	v53 =	vadd.s32 v58, v50;
	[tilespmem:$0x3CA0] =	vst v49;
	v58 =	vmul.u32 $0x6, v43  }
0x2aa: {  	v60 =	vadd.s32 v45, v55;
	v2 =	vshll.u32 v54, $0x1;
	v0 =	vadd.s32 v36, v0;
	[tilespmem:$0x3CE0] =	vst v53  }
0x2ab: {  	v59 =	vadd.s32 v27, v2;
	v2 =	vshll.u32 v60, $0x1;
	[tilespmem:$0x3D00] =	vst v0;
	v61 =	vadd.s32 v48, v58  }
0x2ac: {  	[tilespmem:$0x3CF0] =	vst v59;
	v62 =	vadd.s32 v52, v2;
	v1 =	vshll.u32 v61, $0x1  }
0x2ad: {  	[tilespmem:$0x3D10] =	vst v62;
	v63 =	vadd.s32 v56, v1  }
0x2ae: {  	[tilespmem:$0x3D20] =	vst v63  }
0x2af: {  	_ =	swait.ge [sflag:s12], $0xC800  }
0x2b0: {  	[sflag:s12] =	ssyncset.done $0x0  }
0x2b1: {  	[sflag:s12] =	ssyncadd.s32 $0xFFFF3800  }
0x2b2: {  	[tilespmem:s2], [sflag:$0x4] =	stream.indirect.gather [spmem:s4], $0x80, s26, s1, $0xb8;
	[tilespmem:$0x1CEE0] =	vst v63  }
0x2b3: {  	_ = 	snop  }
0x2b4: {  	[tilespmem:s7], [sflag:$0x4] =	stream.indirect.gather [spmem:s4], $0x80, s21, s1, $0xb8;
	[tilespmem:$0x1CEE0] =	vst v63  }
0x2b5: {  	p1 =	sne.s32 s14, $0x3E8  }
0x2b6: {  	[tilespmem:s8], [sflag:$0x4] =	stream.indirect.gather [spmem:s4], $0x80, s13, s1, $0xb8;
	[tilespmem:$0x1CEE0] =	vst v63  }
.Ltmp2:
0x2b7: {  	_ = 	snop;
	(pc) =	sbr.rel @p1 .LBB2_6-.Ltmp2, $4  }
0x2b8: {  	_ = 	snop  }
0x2b9: {  	[tilespmem:s30], [sflag:$0x4] =	stream.indirect.gather [spmem:s4], $0x80, s6, s1, $0xb8;
	[tilespmem:$0x1CEE0] =	vst v63  }
0x2ba: {  	s15 =	sadd.s32 $0x3200, s15;
	s14 =	sadd.s32 $0x64, s14  }
0x2bb: {  	[tilespmem:s28], [sflag:$0x4] =	stream.indirect.gather [spmem:s4], $0x80, s29, s1, $0xb8;
	[tilespmem:$0x1CEE0] =	vst v63  }
0x2bc: {  	_ =	swait.ge [sflag:s24], $0x2800  }
0x2bd: {  	[sflag:s24] =	ssyncset.done $0x0  }
0x2be: {  	[sflag:s24] =	ssyncadd.s32 $0xFFFFD800  }
0x2bf: {  	_ =	swait.ge [sflag:s24], $0x2800  }
0x2c0: {  	[sflag:s24] =	ssyncset.done $0x0  }
0x2c1: {  	[sflag:s24] =	ssyncadd.s32 $0xFFFFD800  }
0x2c2: {  	_ =	swait.ge [sflag:s24], $0x2800  }
0x2c3: {  	[sflag:s24] =	ssyncset.done $0x0  }
0x2c4: {  	[sflag:s24] =	ssyncadd.s32 $0xFFFFD800  }
0x2c5: {  	_ =	swait.ge [sflag:s24], $0x2800  }
0x2c6: {  	[sflag:s24] =	ssyncset.done $0x0  }
0x2c7: {  	[sflag:s24] =	ssyncadd.s32 $0xFFFFD800  }
0x2c8: {  	_ =	swait.ge [sflag:s24], $0x2800  }
0x2c9: {  	[sflag:s24] =	ssyncset.done $0x0  }
0x2ca: {  	s14 =	rddreg [dreg:$0x17];
	[sflag:s24] =	ssyncadd.s32 $0xFFFFD800  }
0x2cb: {  	[hbm4b:s14+s5] =	stream.linear.scatter [tilespmem:s2], [sflag:$0x6], $0xC800, $0x38;
	[tilespmem:$0x1CEE0] =	vst v63  }
0x2cc: {  	_ =	swait.ge [sflag:s31], $0x190  }
0x2cd: {  	[sflag:s31] =	ssyncset.done $0x0  }
0x2ce: {  	[sflag:s31] =	ssyncadd.s32 $0xFFFFFE70  }
0x2cf: {  	_ =	swait.ge [sflag:s31], $0x190  }
0x2d0: {  	[sflag:s31] =	ssyncset.done $0x0  }
0x2d1: {  	[sflag:s31] =	ssyncadd.s32 $0xFFFFFE70  }
0x2d2: {  	_ =	swait.ge [sflag:s31], $0x190  }
0x2d3: {  	[sflag:s31] =	ssyncset.done $0x0  }
0x2d4: {  	[sflag:s31] =	ssyncadd.s32 $0xFFFFFE70  }
0x2d5: {  	v0 =	vld [tilespmem:$0x2AE0]  }
0x2d6: {  	v1 =	vld [tilespmem:$0x2CE0]  }
0x2d7: {  	v2 =	vld [tilespmem:$0x2EE0]  }
0x2d8: {  	v3 =	vld [tilespmem:$0x2AF0]  }
0x2d9: {  	v4 =	vld [tilespmem:$0x2CF0]  }
0x2da: {  	v5 =	vld [tilespmem:$0x2EF0]  }
0x2db: {  	v6 =	vld [tilespmem:$0x2B00]  }
0x2dc: {  	v7 =	vld [tilespmem:$0x2D00]  }
0x2dd: {  	v8 =	vld [tilespmem:$0x2F00]  }
0x2de: {  	v9 =	vld [tilespmem:$0x2B10]  }
0x2df: {  	v10 =	vld [tilespmem:$0x2D10]  }
0x2e0: {  	v11 =	vld [tilespmem:$0x2F10]  }
0x2e1: {  	v12 =	vld [tilespmem:$0x2B20]  }
0x2e2: {  	v13 =	vld [tilespmem:$0x2D20]  }
0x2e3: {  	v14 =	vld [tilespmem:$0x2F20]  }
0x2e4: {  	v15 =	vld [tilespmem:$0x2B30]  }
0x2e5: {  	v16 =	vld [tilespmem:$0x2D30]  }
0x2e6: {  	v17 =	vld [tilespmem:$0x2F30]  }
0x2e7: {  	v18 =	vld [tilespmem:$0x2B40]  }
0x2e8: {  	v19 =	vld [tilespmem:$0x2D40]  }
0x2e9: {  	v20 =	vld [tilespmem:$0x2F40]  }
0x2ea: {  	v21 =	vld [tilespmem:$0x2B50]  }
0x2eb: {  	v22 =	vld [tilespmem:$0x2D50]  }
0x2ec: {  	v23 =	vld [tilespmem:$0x2F50]  }
0x2ed: {  	v24 =	vld [tilespmem:$0x2B60]  }
0x2ee: {  	v25 =	vld [tilespmem:$0x2D60]  }
0x2ef: {  	v26 =	vld [tilespmem:$0x2F60]  }
0x2f0: {  	v27 =	vld [tilespmem:$0x2B70]  }
0x2f1: {  	v28 =	vld [tilespmem:$0x2D70]  }
0x2f2: {  	v29 =	vld [tilespmem:$0x2F70]  }
0x2f3: {  	v30 =	vld [tilespmem:$0x2B80]  }
0x2f4: {  	v31 =	vld [tilespmem:$0x2D80]  }
0x2f5: {  	v32 =	vld [tilespmem:$0x2F80]  }
0x2f6: {  	v33 =	vld [tilespmem:$0x2B90]  }
0x2f7: {  	v34 =	vld [tilespmem:$0x2D90]  }
0x2f8: {  	v35 =	vld [tilespmem:$0x2F90]  }
0x2f9: {  	v36 =	vld [tilespmem:$0x2BA0]  }
0x2fa: {  	v37 =	vld [tilespmem:$0x2DA0]  }
0x2fb: {  	v38 =	vld [tilespmem:$0x2FA0]  }
0x2fc: {  	v39 =	vld [tilespmem:$0x2BB0]  }
0x2fd: {  	v40 =	vld [tilespmem:$0x2DB0]  }
0x2fe: {  	v41 =	vld [tilespmem:$0x2FB0]  }
0x2ff: {  	v42 =	vld [tilespmem:$0x2BC0]  }
0x300: {  	v43 =	vld [tilespmem:$0x2DC0]  }
0x301: {  	v44 =	vld [tilespmem:$0x2FC0]  }
0x302: {  	v45 =	vld [tilespmem:$0x2DD0];
	v0 =	vmul.u32 $0x6, v0;
	v54 =	vmul.u32 $0x6, v3  }
0x303: {  	v47 =	vld [tilespmem:$0x2E10];
	v55 =	vmul.u32 $0x6, v6;
	v56 =	vmul.u32 $0x6, v9;
	v57 =	vmul.u32 $0x6, v12  }
0x304: {  	v50 =	vld [tilespmem:$0x3010];
	v59 =	vmul.u32 $0x6, v15;
	v60 =	vmul.u32 $0x6, v18;
	v62 =	vmul.u32 $0x6, v21  }
0x305: {  	v3 =	vld [tilespmem:$0x2BD0];
	v63 =	vmul.u32 $0x6, v24;
	v24 =	vmul.u32 $0x6, v27;
	v27 =	vmul.u32 $0x6, v30  }
0x306: {  	v9 =	vld [tilespmem:$0x2FD0];
	v46 =	vmul.u32 $0x6, v33;
	v49 =	vmul.u32 $0x6, v36;
	v0 =	vadd.s32 v1, v0  }
0x307: {  	v12 =	vld [tilespmem:$0x2BE0];
	v1 =	vadd.s32 v4, v54;
	v4 =	vadd.s32 v7, v55;
	v58 =	vadd.s32 v10, v56  }
0x308: {  	v6 =	vld [tilespmem:$0x2DE0];
	v10 =	vadd.s32 v16, v59;
	v61 =	vadd.s32 v19, v60;
	v30 =	vadd.s32 v28, v24  }
0x309: {  	v15 =	vld [tilespmem:$0x2BF0];
	v48 =	vadd.s32 v31, v27;
	v53 =	vadd.s32 v34, v46;
	v55 =	vadd.s32 v37, v49  }
0x30a: {  	v18 =	vld [tilespmem:$0x2C00];
	v56 =	vmul.u32 $0x6, v39;
	v60 =	vmul.u32 $0x6, v42;
	v0 =	vshll.u32 v0, $0x1  }
0x30b: {  	v36 =	vld [tilespmem:$0x3040];
	v1 =	vshll.u32 v1, $0x1;
	v4 =	vshll.u32 v4, $0x1;
	v10 =	vshll.u32 v10, $0x1  }
0x30c: {  	v7 =	vld [tilespmem:$0x2FE0];
	v52 =	vshll.u32 v48, $0x1;
	v0 =	vadd.s32 v2, v0;
	v1 =	vadd.s32 v5, v1  }
0x30d: {  	v19 =	vld [tilespmem:$0x3000];
	v5 =	vshll.u32 v58, $0x1;
	v2 =	vadd.s32 v13, v57;
	v4 =	vadd.s32 v8, v4;
	[tilespmem:$0x36E0] =	vst v0  }
0x30e: {  	v54 =	vld [tilespmem:$0x2C20];
	v10 =	vadd.s32 v17, v10;
	v13 =	vadd.s32 v22, v62;
	v22 =	vadd.s32 v25, v63;
	[tilespmem:$0x36F0] =	vst v1  }
0x30f: {  	v27 =	vld [tilespmem:$0x3030];
	v59 =	vadd.s32 v40, v56;
	v2 =	vshll.u32 v2, $0x1;
	v5 =	vadd.s32 v11, v5;
	[tilespmem:$0x3700] =	vst v4  }
0x310: {  	v8 =	vld [tilespmem:$0x2DF0];
	v11 =	vshll.u32 v61, $0x1;
	v21 =	vshll.u32 v13, $0x1;
	v25 =	vshll.u32 v22, $0x1;
	[tilespmem:$0x3760] =	vst v10  }
0x311: {  	v17 =	vld [tilespmem:$0x2E00];
	v4 =	vshll.u32 v30, $0x1;
	v10 =	vshll.u32 v55, $0x1;
	v2 =	vadd.s32 v14, v2;
	[tilespmem:$0x3710] =	vst v5  }
0x312: {  	v57 =	vld [tilespmem:$0x2E20];
	v3 =	vmul.u32 $0x6, v3;
	v63 =	vmul.u32 $0x6, v12;
	v11 =	vadd.s32 v20, v11;
	[tilespmem:$0x3720] =	vst v2  }
0x313: {  	v40 =	vld [tilespmem:$0x2C50];
	v30 =	vmul.u32 $0x6, v15;
	v31 =	vmul.u32 $0x6, v18;
	v0 =	vadd.s32 v23, v21;
	[tilespmem:$0x3770] =	vst v11  }
0x314: {  	v61 =	vld [tilespmem:$0x2C30];
	v1 =	vadd.s32 v26, v25;
	v51 =	vadd.s32 v29, v4;
	v5 =	vshll.u32 v53, $0x1;
	[tilespmem:$0x3780] =	vst v0  }
0x315: {  	v20 =	vld [tilespmem:$0x2C10];
	v4 =	vadd.s32 v32, v52;
	v62 =	vadd.s32 v38, v10;
	v26 =	vadd.s32 v43, v60;
	[tilespmem:$0x3790] =	vst v1  }
0x316: {  	v29 =	vld [tilespmem:$0x2C40];
	v5 =	vadd.s32 v35, v5;
	v0 =	vshll.u32 v59, $0x1;
	[tilespmem:$0x37A0] =	vst v51;
	v3 =	vadd.s32 v45, v3  }
0x317: {  	v14 =	vld [tilespmem:$0x2FF0];
	[tilespmem:$0x37E0] =	vst v4;
	v2 =	vshll.u32 v26, $0x1;
	v28 =	vadd.s32 v6, v63;
	v42 =	vmul.u32 $0x6, v54  }
0x318: {  	v32 =	vld [tilespmem:$0x2E40];
	[tilespmem:$0x3800] =	vst v62;
	v0 =	vadd.s32 v41, v0;
	v3 =	vshll.u32 v3, $0x1;
	v4 =	vshll.u32 v28, $0x1  }
0x319: {  	v58 =	vld [tilespmem:$0x3020];
	[tilespmem:$0x37F0] =	vst v5;
	v33 =	vadd.s32 v44, v2;
	v34 =	vadd.s32 v9, v3;
	v35 =	vadd.s32 v7, v4  }
0x31a: {  	v25 =	vld [tilespmem:$0x2E30];
	[tilespmem:$0x3810] =	vst v0;
	v37 =	vadd.s32 v8, v30;
	v38 =	vadd.s32 v17, v31;
	v46 =	vadd.s32 v57, v42  }
0x31b: {  	v43 =	vld [tilespmem:$0x2C60];
	[tilespmem:$0x3820] =	vst v33;
	v0 =	vshll.u32 v37, $0x1;
	v39 =	vmul.u32 $0x6, v20;
	v51 =	vmul.u32 $0x6, v29  }
0x31c: {  	v45 =	vld [tilespmem:$0x2E50];
	v55 =	vmul.u32 $0x6, v40;
	v41 =	vshll.u32 v38, $0x1;
	[tilespmem:$0x3860] =	vst v34;
	v0 =	vadd.s32 v14, v0  }
0x31d: {  	v48 =	vld [tilespmem:$0x2E60];
	[tilespmem:$0x3870] =	vst v35;
	v44 =	vadd.s32 v47, v39;
	v47 =	vmul.u32 $0x6, v61;
	v57 =	vadd.s32 v32, v51  }
0x31e: {  	v52 =	vld [tilespmem:$0x3050];
	v1 =	vadd.s32 v19, v41;
	[tilespmem:$0x3880] =	vst v0;
	v2 =	vshll.u32 v44, $0x1;
	v0 =	vshll.u32 v57, $0x1  }
0x31f: {  	v56 =	vld [tilespmem:$0x3060];
	[tilespmem:$0x3890] =	vst v1;
	v49 =	vadd.s32 v50, v2;
	v50 =	vshll.u32 v46, $0x1;
	v54 =	vadd.s32 v25, v47  }
0x320: {  	v0 =	vadd.s32 v36, v0;
	v53 =	vadd.s32 v58, v50;
	[tilespmem:$0x38A0] =	vst v49;
	v58 =	vmul.u32 $0x6, v43  }
0x321: {  	v60 =	vadd.s32 v45, v55;
	v2 =	vshll.u32 v54, $0x1;
	[tilespmem:$0x3900] =	vst v0  }
0x322: {  	[tilespmem:$0x38E0] =	vst v53;
	v59 =	vadd.s32 v27, v2;
	v2 =	vshll.u32 v60, $0x1;
	v61 =	vadd.s32 v48, v58  }
0x323: {  	[tilespmem:$0x38F0] =	vst v59;
	v62 =	vadd.s32 v52, v2;
	v1 =	vshll.u32 v61, $0x1  }
0x324: {  	[tilespmem:$0x3910] =	vst v62;
	v63 =	vadd.s32 v56, v1  }
0x325: {  	[tilespmem:$0x3920] =	vst v63  }
0x326: {  	_ =	swait.ge [sflag:s25], $0xC800  }
0x327: {  	[sflag:s25] =	ssyncset.done $0x0  }
0x328: {  	[sflag:s25] =	ssyncadd.s32 $0xFFFF3800  }
0x329: {  	[tilespmem:s9], [sflag:$0x3] =	stream.indirect.gather [spmem:s4], $0x80, s3, s1, $0xb8;
	[tilespmem:$0x1CEE0] =	vst v63  }
0x32a: {  	s0 =	simm.s32 $0x66E0;
	s16 =	simm.s32 $0x3760  }
0x32b: {  	[tilespmem:s0], [sflag:$0x3] =	stream.indirect.gather [spmem:s4], $0x80, s16, s1, $0xb8;
	[tilespmem:$0x1CEE0] =	vst v63  }
0x32c: {  	s17 =	simm.s32 $0x8EE0;
	s18 =	simm.s32 $0x37E0  }
0x32d: {  	[tilespmem:s17], [sflag:$0x3] =	stream.indirect.gather [spmem:s4], $0x80, s18, s1, $0xb8;
	[tilespmem:$0x1CEE0] =	vst v63  }
0x32e: {  	s19 =	simm.s32 $0x3860;
	s20 =	simm.s32 $0xB6E0  }
0x32f: {  	[tilespmem:s20], [sflag:$0x3] =	stream.indirect.gather [spmem:s4], $0x80, s19, s1, $0xb8;
	[tilespmem:$0x1CEE0] =	vst v63  }
0x330: {  	s21 =	simm.s32 $0x38E0;
	s22 =	simm.s32 $0xDEE0  }
0x331: {  	[tilespmem:s22], [sflag:$0x3] =	stream.indirect.gather [spmem:s4], $0x80, s21, s1, $0xb8;
	[tilespmem:$0x1CEE0] =	vst v63  }
0x332: {  	_ =	swait.ge [sflag:s10], $0x2800  }
0x333: {  	[sflag:s10] =	ssyncset.done $0x0  }
0x334: {  	[sflag:s10] =	ssyncadd.s32 $0xFFFFD800  }
0x335: {  	_ =	swait.ge [sflag:s10], $0x2800  }
0x336: {  	[sflag:s10] =	ssyncset.done $0x0  }
0x337: {  	[sflag:s10] =	ssyncadd.s32 $0xFFFFD800  }
0x338: {  	_ =	swait.ge [sflag:s10], $0x2800  }
0x339: {  	[sflag:s10] =	ssyncset.done $0x0  }
0x33a: {  	[sflag:s10] =	ssyncadd.s32 $0xFFFFD800  }
0x33b: {  	_ =	swait.ge [sflag:s10], $0x2800  }
0x33c: {  	[sflag:s10] =	ssyncset.done $0x0  }
0x33d: {  	[sflag:s10] =	ssyncadd.s32 $0xFFFFD800  }
0x33e: {  	_ =	swait.ge [sflag:s10], $0x2800  }
0x33f: {  	[sflag:s10] =	ssyncset.done $0x0  }
0x340: {  	s23 =	rddreg [dreg:$0x18];
	[sflag:s10] =	ssyncadd.s32 $0xFFFFD800  }
0x341: {  	[hbm4b:s23+s5] =	stream.linear.scatter [tilespmem:s9], [sflag:$0x5], $0xC800, $0x38;
	[tilespmem:$0x1CEE0] =	vst v63  }
0x342: {  	_ =	swait.ge [sflag:s12], $0xC800  }
0x343: {  	s15 =	simm.s32 $0x32E0;
	[sflag:s12] =	ssyncset.done $0x0  }
0x344: {  	s28 =	simm.s32 $0x66E0;
	s29 =	simm.s32 $0x37E0;
	[sflag:s12] =	ssyncadd.s32 $0xFFFF3800  }
0x345: {  	s6 =	simm.s32 $0x8EE0;
	s7 =	simm.s32 $0x3860;
	_ =	swait.ge [sflag:s25], $0xC800  }
0x346: {  	s8 =	simm.s32 $0xB6E0;
	s13 =	simm.s32 $0xDEE0;
	s26 =	rddreg [dreg:$0x1b]  }
0x347: {  	s14 =	simm.s32 $0x30E0;
	s30 =	rddreg [dreg:$0x19];
	s0 =	sadd.s32 $0x1, s26  }
0x348: {  	s2 =	simm.s32 $0x106E0;
	s3 =	simm.s32 $0x3760;
	p1 =	sne.s32 s0, s30  }
.Ltmp3:
0x349: {  	s16 =	simm.s32 $0x2AE0;
	s17 =	simm.s32 $0x34E0;
	(pc) =	sbr.rel @p1 .LBB2_1-.Ltmp3, $4  }
0x34a: {  	s18 =	simm.s32 $0x3AE0;
	s19 =	simm.s32 $0x3B60;
	s20 =	simm.s32 $0x3EE0  }
0x34b: {  	s21 =	simm.s32 $0x2CE0;
	s22 =	simm.s32 $0x2EE0;
	[sflag:s25] =	ssyncset.done $0x0  }
0x34c: {  	s9 =	simm.s32 $0x38E0;
	s23 =	simm.s32 $0x3BE0;
	[sflag:s25] =	ssyncadd.s32 $0xFFFF3800  }
0x34d: {  	s26 =	simm.s32 $0x156E0;
	[dreg:$0x1b] =	wrdreg s0;
	s0 =	simm.s32 $0x36E0  }
0x34e: {  	_ =	sfence.sel $0x180000  }
0x34f: {  	[bflag:$0x0] =	sbarrier.arrive $0xFFFF  }
0x350: {  	_ =	strace $0x90000047  }
0x351: {  	[bflag:$0x2] =	sbarrier.arrive $0xFFFF  }
0x352: {  	s0 =	rddreg [dreg:$0x6]  }
0x353: {  	s0 =	sadd.s32 @!p0 $0x100000, s0  }
0x354: {  	[sflag:s0] =	ssyncadd.tile.s32 @!p0 $0x1;
	_ =	shalt  }
.Lfunc_end2:
_tile_overlayer_lowered:
.L_overlay_start_2:
0x355: {  	(tag) =	ssettag $0x2  }
0x356: {  	s0 =	rddreg [dreg:$0x0];
	s2 =	stileid.u32  }
0x357: {  	s1 =	rddreg [dreg:$0x1];
	p0 =	sne.s32 s2, $0x0  }
0x358: {  	s3 =	rddreg [dreg:$0x2];
	[bflag:$0x3] =	sbarrier.arrive $0xFFFF;
	s2 =	simm.s32 @!p0 $0x1C07  }
0x359: {  	[timem:s3], [sflag:s2] =	dma.local @!p0 [hbm:s0], s1  }
0x35a: {  	s0 =	simm.s32 @!p0 $0x7  }
0x35b: {  	_ =	swait.ge @!p0 [sflag:s0], s1  }
0x35c: {  	s1 =	ssub.s32 @!p0 $0x0, s1;
	[sflag:s0] =	ssyncset.done @!p0 $0x0  }
0x35d: {  	[sflag:s0] =	ssyncadd.s32 @!p0 s1  }
0x35e: {  	[bflag:$0x3] =	sbarrier.arrive $0xFFFF  }
0x35f: {  	_ =	shalt  }

</sc_bundles>
